<compile_context>
chip_gen: v7x
topology: tpu7x:2x2x1
jax: 0.10.2.dev20260603
libtpu: 0.0.44.dev20260713+nightly
codegen_flags: <defaults>
</compile_context>

<pallas_src>
import functools

import jax
import jax.numpy as jnp
from jax import lax
from jax.experimental import pallas as pl
from jax.experimental.pallas import tpu as pltpu
from jax.experimental.pallas import tpu_sc as plsc

N = 10000
NPAD = 10240
E = 320000
D = 128
NW = 32
EPW = E // NW
CHUNK = 80
NCHUNK = EPW // CHUNK
IBLK = 25
NBLK = NCHUNK // IBLK

_mesh = plsc.VectorSubcoreMesh(core_axis_name="c", subcore_axis_name="s")


def _zero_fill_2d(buf, rows, cols):
    z16 = jnp.zeros((16,), jnp.float32)

    def row(i, _):
        def col(k, __):
            buf[i, pl.ds(k * 16, 16)] = z16
            return 0

        return lax.fori_loop(0, cols // 16, col, 0)

    lax.fori_loop(0, rows, row, 0)


@functools.partial(
    pl.kernel,
    out_type=jax.ShapeDtypeStruct((2 * NPAD,), jnp.float32),
    mesh=_mesh,
    scratch_types=[
        pltpu.VMEM((2 * IBLK, CHUNK), jnp.int32),
        pltpu.VMEM((CHUNK,), jnp.float32),
        pltpu.VMEM((640,), jnp.float32),
        pltpu.VMEM_SHARED((NPAD,), jnp.float32),
        pltpu.SemaphoreType.DMA,
        pltpu.SemaphoreType.DMA,
    ],
)
def _sc_deg(dst_hbm, out_hbm, dst_v, ones_v, zbuf, deg_sp, dsem0, dsem1):
    c = lax.axis_index("c")
    s = lax.axis_index("s")
    w = c * 16 + s
    dsems = (dsem0, dsem1)

    one16 = jnp.ones((16,), jnp.float32)
    z16 = jnp.zeros((16,), jnp.float32)

    def fill1(i, _):
        ones_v[pl.ds(i * 16, 16)] = one16
        return 0

    lax.fori_loop(0, CHUNK // 16, fill1, 0)

    def fill0(i, _):
        zbuf[pl.ds(i * 16, 16)] = z16
        return 0

    lax.fori_loop(0, 640 // 16, fill0, 0)

    pltpu.sync_copy(zbuf, deg_sp.at[pl.ds(s * 640, 640)])
    plsc.subcore_barrier()

    def drain(h):
        def one(j, _):
            pltpu.make_async_copy(
                ones_v, deg_sp.at[dst_v.at[h * IBLK]], dsems[h]).wait()
            return 0

        return lax.fori_loop(0, IBLK, one, 0)

    for bi in range(NBLK):
        h = bi % 2
        if bi >= 2:
            drain(h)
        pltpu.sync_copy(dst_hbm.at[w, bi],
                        dst_v.at[pl.ds(h * IBLK, IBLK)])

        def fire(j, _, bi=bi, h=h):
            pltpu.async_copy(ones_v, deg_sp.at[dst_v.at[h * IBLK + j]],
                             dsems[h], add=True)
            return 0

        lax.fori_loop(0, IBLK, fire, 0)

    drain((NBLK - 2) % 2)
    drain((NBLK - 1) % 2)
    plsc.subcore_barrier()

    pltpu.sync_copy(deg_sp.at[pl.ds(s * 640, 640)], zbuf)
    pltpu.sync_copy(zbuf, out_hbm.at[pl.ds(c * NPAD + s * 640, 640)])


@functools.partial(
    pl.kernel,
    out_type=jax.ShapeDtypeStruct((2 * NPAD, D), jnp.float32),
    mesh=_mesh,
    scratch_types=[
        pltpu.VMEM((2 * IBLK, CHUNK), jnp.int32),
        pltpu.VMEM((2 * IBLK, CHUNK), jnp.int32),
        pltpu.VMEM((CHUNK, D), jnp.float32),
        pltpu.VMEM((CHUNK, D), jnp.float32),
        pltpu.VMEM((CHUNK, D), jnp.float32),
        pltpu.VMEM((32, D), jnp.float32),
        pltpu.VMEM_SHARED((NPAD, D), jnp.float32),
        pltpu.SemaphoreType.DMA,
        pltpu.SemaphoreType.DMA,
        pltpu.SemaphoreType.DMA,
        pltpu.SemaphoreType.DMA,
        pltpu.SemaphoreType.DMA,
        pltpu.SemaphoreType.DMA,
    ],
)
def _sc_scatter(g_hbm, src_hbm, dst_hbm, out_hbm, src_v, dst_v, rows0,
                rows1, rows2, zbuf, acc_sp, gsem0, gsem1, gsem2, ssem0,
                ssem1, ssem2):
    c = lax.axis_index("c")
    s = lax.axis_index("s")
    w = c * 16 + s
    bufs = (rows0, rows1, rows2)
    gsems = (gsem0, gsem1, gsem2)
    ssems = (ssem0, ssem1, ssem2)

    pltpu.sync_copy(src_hbm.at[w, 0], src_v.at[pl.ds(0, IBLK)])
    pltpu.async_copy(g_hbm.at[src_v.at[0]], rows0, gsem0)
    pltpu.async_copy(g_hbm.at[src_v.at[1]], rows1, gsem1)

    _zero_fill_2d(zbuf, 32, D)
    for k in range(20):
        pltpu.sync_copy(zbuf, acc_sp.at[pl.ds(s * 640 + k * 32, 32)])
    plsc.subcore_barrier()

    def gwait(p):
        pltpu.make_async_copy(g_hbm.at[pl.ds(0, CHUNK)], bufs[p],
                              gsems[p]).wait()

    def swait(p):
        pltpu.make_async_copy(bufs[p], acc_sp.at[pl.ds(0, CHUNK)],
                              ssems[p]).wait()

    def step(j, p):
        @pl.when(j % IBLK == 0)
        def _():
            half = (j // IBLK) % 2
            pltpu.sync_copy(dst_hbm.at[w, j // IBLK],
                            dst_v.at[pl.ds(half * IBLK, IBLK)])

        gwait(p)
        pltpu.async_copy(bufs[p], acc_sp.at[dst_v.at[j % (2 * IBLK)]],
                         ssems[p], add=True)
        nj = j + 2

        @pl.when(nj < NCHUNK)
        def _():
            @pl.when(nj % IBLK == 0)
            def __():
                half = (nj // IBLK) % 2
                pltpu.sync_copy(src_hbm.at[w, nj // IBLK],
                                src_v.at[pl.ds(half * IBLK, IBLK)])

            @pl.when(j >= 1)
            def ___():
                swait((p + 2) % 3)

            q = (p + 2) % 3
            pltpu.async_copy(g_hbm.at[src_v.at[nj % (2 * IBLK)]],
                             bufs[q], gsems[q])

    def triple(jj, _):
        step(3 * jj, 0)

        @pl.when(3 * jj + 1 < NCHUNK)
        def _():
            step(3 * jj + 1, 1)

        @pl.when(3 * jj + 2 < NCHUNK)
        def _():
            step(3 * jj + 2, 2)

        return 0

    lax.fori_loop(0, (NCHUNK + 2) // 3, triple, 0)
    swait((NCHUNK - 3) % 3)
    swait((NCHUNK - 2) % 3)
    swait((NCHUNK - 1) % 3)
    plsc.subcore_barrier()

    pltpu.sync_copy(acc_sp.at[pl.ds(s * 640, 640)],
                    out_hbm.at[pl.ds(c * NPAD + s * 640, 640)])


BR = 1024
GRID = NPAD // BR


def _tc_lin_body(deg_ref, x_ref, w_ref, g_ref):
    dc = deg_ref[...]
    dis = lax.rsqrt(1.0 + dc[:, 0:1] + dc[:, 1:2])
    h = jnp.dot(x_ref[...], w_ref[...], preferred_element_type=jnp.float32)
    g_ref[...] = h * dis


def _tc_lin(degcol, xp, W):
    return pl.pallas_call(
        _tc_lin_body,
        grid=(GRID,),
        in_specs=[
            pl.BlockSpec((BR, 2), lambda i: (i, 0)),
            pl.BlockSpec((BR, D), lambda i: (i, 0)),
            pl.BlockSpec((D, D), lambda i: (0, 0)),
        ],
        out_specs=pl.BlockSpec((BR, D), lambda i: (i, 0)),
        out_shape=jax.ShapeDtypeStruct((NPAD, D), jnp.float32),
    )(degcol, xp, W)


def _tc_mid_body(s_ref, g1_ref, deg_ref, b_ref, w_ref, g2_ref):
    dc = deg_ref[...]
    dis = lax.rsqrt(1.0 + dc[:, 0:1] + dc[:, 1:2])
    ssum = s_ref[0] + s_ref[1] + g1_ref[...]
    y = jnp.maximum(dis * ssum + b_ref[...], 0.0)
    g2_ref[...] = jnp.dot(y, w_ref[...],
                          preferred_element_type=jnp.float32) * dis


def _tc_mid(s_parts, g1, degcol, b, W):
    return pl.pallas_call(
        _tc_mid_body,
        grid=(GRID,),
        in_specs=[
            pl.BlockSpec((2, BR, D), lambda i: (0, i, 0)),
            pl.BlockSpec((BR, D), lambda i: (i, 0)),
            pl.BlockSpec((BR, 2), lambda i: (i, 0)),
            pl.BlockSpec((1, D), lambda i: (0, 0)),
            pl.BlockSpec((D, D), lambda i: (0, 0)),
        ],
        out_specs=pl.BlockSpec((BR, D), lambda i: (i, 0)),
        out_shape=jax.ShapeDtypeStruct((NPAD, D), jnp.float32),
    )(s_parts, g1, degcol, b, W)


def _tc_out_body(s_ref, g2_ref, deg_ref, b_ref, o_ref):
    dc = deg_ref[...]
    dis = lax.rsqrt(1.0 + dc[:, 0:1] + dc[:, 1:2])
    ssum = s_ref[0] + s_ref[1] + g2_ref[...]
    o_ref[...] = dis * ssum + b_ref[...]


def _tc_out(s_parts, g2, degcol, b):
    return pl.pallas_call(
        _tc_out_body,
        grid=(GRID,),
        in_specs=[
            pl.BlockSpec((2, BR, D), lambda i: (0, i, 0)),
            pl.BlockSpec((BR, D), lambda i: (i, 0)),
            pl.BlockSpec((BR, 2), lambda i: (i, 0)),
            pl.BlockSpec((1, D), lambda i: (0, 0)),
        ],
        out_specs=pl.BlockSpec((BR, D), lambda i: (i, 0)),
        out_shape=jax.ShapeDtypeStruct((N, D), jnp.float32),
    )(s_parts, g2, degcol, b)


def kernel(x, edge_index, W1, b1, W2, b2):
    src = edge_index[0].astype(jnp.int32).reshape(NW, NBLK, IBLK, CHUNK)
    dst = edge_index[1].astype(jnp.int32).reshape(NW, NBLK, IBLK, CHUNK)
    b1r = b1.reshape(1, D)
    b2r = b2.reshape(1, D)

    degcol = _sc_deg(dst).reshape(2, NPAD).T

    g1 = _tc_lin(degcol, x, W1)
    s1 = _sc_scatter(g1, src, dst).reshape(2, NPAD, D)
    g2 = _tc_mid(s1, g1, degcol, b1r, W2)
    s2 = _sc_scatter(g2, src, dst).reshape(2, NPAD, D)
    return _tc_out(s2, g2, degcol, b2r)

# --- scband reference (transcript-rebuilt; emitter-appended) ---
"""Pipeline reference for scband-ap-30270929502484 (READ-ONLY COPY).

The authoritative reference and input builder live on the scoring server;
editing this copy changes nothing except your own understanding.
"""

import jax, jax.numpy as jnp
import numpy as np

N_NODES = 10000
N_EDGES = 320000
D_IN = 128
D_HID = 128
D_OUT = 128


def gcn_conv(x, edge_index, W, b):
    # Faithful PyG GCNConv: linear transform, add self-loops, symmetric norm, scatter-add, bias.
    N = x.shape[0]
    src = edge_index[0]
    dst = edge_index[1]
    loop = jnp.arange(N, dtype=edge_index.dtype)
    src = jnp.concatenate([src, loop])
    dst = jnp.concatenate([dst, loop])
    # gcn_norm: deg over target (col) with edge_weight=1
    deg = jnp.zeros((N,), dtype=x.dtype).at[dst].add(1.0)
    deg_inv_sqrt = jnp.where(deg > 0, 1.0 / jnp.sqrt(deg), 0.0)
    norm = deg_inv_sqrt[src] * deg_inv_sqrt[dst]
    h = x @ W
    msg = h[src] * norm[:, None]
    out = jnp.zeros((N, h.shape[1]), dtype=x.dtype).at[dst].add(msg)
    return out + b


def setup_inputs(seed: int = 0) -> dict:
    key = jax.random.key(seed)
    k1, k2, k3, k4, k5, k6 = jax.random.split(key, 6)
    x = jax.random.normal(k1, (N_NODES, D_IN), dtype=jnp.float32)
    edge_index = jax.random.randint(k2, (2, N_EDGES), 0, N_NODES, dtype=jnp.int64)
    s1 = 1.0 / np.sqrt(D_IN)
    s2 = 1.0 / np.sqrt(D_HID)
    W1 = jax.random.uniform(k3, (D_IN, D_HID), dtype=jnp.float32, minval=-s1, maxval=s1)
    b1 = jnp.zeros((D_HID,), dtype=jnp.float32)
    W2 = jax.random.uniform(k5, (D_HID, D_OUT), dtype=jnp.float32, minval=-s2, maxval=s2)
    b2 = jnp.zeros((D_OUT,), dtype=jnp.float32)
    return {"x": x, "edge_index": edge_index, "W1": W1, "b1": b1, "W2": W2, "b2": b2}


def reference(x, edge_index, W1, b1, W2, b2):
    h = gcn_conv(x, edge_index, W1, b1)
    h = jax.nn.relu(h)
    # dropout is identity in eval mode (training=False)
    out = gcn_conv(h, edge_index, W2, b2)
    return out

if __name__ == "__main__":
    import jax
    _d = setup_inputs()
    print(jax.jit(kernel)(*tuple(_d.values())))

</pallas_src>

<mosaic_0001>
#map = affine_map<(d0, d1) -> (0, 0)>
#map1 = affine_map<(d0, d1) -> (0, 0, 0, 0)>
module attributes {stable_mosaic.version = 14 : i64} {
  func.func @_sc_scatter(%arg0: i32, %arg1: i32, %arg2: memref<10240x128xf32, #tpu.memory_space<hbm>>, %arg3: memref<32x5x25x80xi32, #tpu.memory_space<hbm>>, %arg4: memref<32x5x25x80xi32, #tpu.memory_space<hbm>>, %arg5: memref<20480x128xf32, #tpu.memory_space<hbm>>, %arg6: memref<50x80xi32, #tpu.memory_space<vmem>>, %arg7: memref<50x80xi32, #tpu.memory_space<vmem>>, %arg8: memref<80x128xf32, #tpu.memory_space<vmem>>, %arg9: memref<80x128xf32, #tpu.memory_space<vmem>>, %arg10: memref<80x128xf32, #tpu.memory_space<vmem>>, %arg11: memref<32x128xf32, #tpu.memory_space<vmem>>, %arg12: memref<10240x128xf32, #tpu.memory_space<vmem_shared>>, %arg13: memref<!tpu.dma_semaphore, #tpu.memory_space<semaphore_mem>>, %arg14: memref<!tpu.dma_semaphore, #tpu.memory_space<semaphore_mem>>, %arg15: memref<!tpu.dma_semaphore, #tpu.memory_space<semaphore_mem>>, %arg16: memref<!tpu.dma_semaphore, #tpu.memory_space<semaphore_mem>>, %arg17: memref<!tpu.dma_semaphore, #tpu.memory_space<semaphore_mem>>, %arg18: memref<!tpu.dma_semaphore, #tpu.memory_space<semaphore_mem>>) attributes {dimension_semantics = [#tpu.dimension_semantics<core_parallel>, #tpu.dimension_semantics<subcore_parallel>], iteration_bounds = array<i64: 2, 16>, scalar_prefetch = 0 : i64, scratch_operands = 13 : i64, tpu.core_type = #tpu.core_type<sc_vector_subcore>, window_params = [{transform_indices = #map}, {transform_indices = #map1}, {transform_indices = #map1}, {transform_indices = #map}]} {
    %mul3A = arith.constant 16 : i32
    %mul3A_0 = arith.muli %arg0, %mul3A : i32
    %add3A = arith.addi %mul3A_0, %arg1 : i32
    %run_scoped3A = arith.constant 0 : i32
    "tpu.region"() ({
      %run_scoped3A_133 = tpu.sem_alloc : memref<!tpu.dma_semaphore, #tpu.memory_space<semaphore_mem>>
      %dma_start3A_134 = arith.constant 0 : i32
      %dma_start3A_135 = arith.constant 0 : i32
      %dma_start3A_136 = tpu.memref_slice %arg6[%dma_start3A_134, %dma_start3A_135] : memref<50x80xi32, #tpu.memory_space<vmem>> -> memref<25x80xi32, #tpu.memory_space<vmem>>
      %dma_start3A_137 = arith.constant 0 : i32
      %dma_start3A_138 = arith.constant 0 : i32
      %dma_start3A_139 = tpu.memref_slice %arg3[%add3A, %run_scoped3A, %dma_start3A_137, %dma_start3A_138] : memref<32x5x25x80xi32, #tpu.memory_space<hbm>> -> memref<1x1x25x80xi32, #tpu.memory_space<hbm>>
      %dma_start3A_140 = tpu.memref_squeeze %dma_start3A_139 : memref<1x1x25x80xi32, #tpu.memory_space<hbm>> -> memref<25x80xi32, #tpu.memory_space<hbm>>
      %dma_start3A_141 = arith.constant 0 : i32
      %dma_start3A_142 = arith.constant 0 : i32
      %dma_start3A_143 = tpu.memref_slice %arg6[%dma_start3A_141, %dma_start3A_142] : memref<50x80xi32, #tpu.memory_space<vmem>> -> memref<25x80xi32, #tpu.memory_space<vmem>>
      %dma_start3A_144 = arith.constant 0 : i32
      %dma_start3A_145 = arith.constant 0 : i32
      %dma_start3A_146 = tpu.memref_slice %arg3[%add3A, %run_scoped3A, %dma_start3A_144, %dma_start3A_145] : memref<32x5x25x80xi32, #tpu.memory_space<hbm>> -> memref<1x1x25x80xi32, #tpu.memory_space<hbm>>
      %dma_start3A_147 = tpu.memref_squeeze %dma_start3A_146 : memref<1x1x25x80xi32, #tpu.memory_space<hbm>> -> memref<25x80xi32, #tpu.memory_space<hbm>>
      tpu.enqueue_dma source(%dma_start3A_147 : memref<25x80xi32, #tpu.memory_space<hbm>>) target(%dma_start3A_143 : memref<25x80xi32, #tpu.memory_space<vmem>>) target_semaphore(%run_scoped3A_133 : memref<!tpu.dma_semaphore, #tpu.memory_space<semaphore_mem>>)
      %dma_wait3A_148 = arith.constant 0 : i32
      %dma_wait3A_149 = arith.constant 0 : i32
      %dma_wait3A_150 = tpu.memref_slice %arg6[%dma_wait3A_148, %dma_wait3A_149] : memref<50x80xi32, #tpu.memory_space<vmem>> -> memref<25x80xi32, #tpu.memory_space<vmem>>
      %dma_wait3A_151 = arith.constant 0 : i32
      %dma_wait3A_152 = arith.constant 0 : i32
      %dma_wait3A_153 = tpu.memref_slice %arg3[%add3A, %run_scoped3A, %dma_wait3A_151, %dma_wait3A_152] : memref<32x5x25x80xi32, #tpu.memory_space<hbm>> -> memref<1x1x25x80xi32, #tpu.memory_space<hbm>>
      %dma_wait3A_154 = tpu.memref_squeeze %dma_wait3A_153 : memref<1x1x25x80xi32, #tpu.memory_space<hbm>> -> memref<25x80xi32, #tpu.memory_space<hbm>>
      %dma_wait3A_155 = arith.constant 0 : i32
      %dma_wait3A_156 = arith.constant 0 : i32
      %dma_wait3A_157 = tpu.memref_slice %arg6[%dma_wait3A_155, %dma_wait3A_156] : memref<50x80xi32, #tpu.memory_space<vmem>> -> memref<25x80xi32, #tpu.memory_space<vmem>>
      %dma_wait3A_158 = arith.constant 0 : i32
      %dma_wait3A_159 = arith.constant 0 : i32
      %dma_wait3A_160 = tpu.memref_slice %arg3[%add3A, %run_scoped3A, %dma_wait3A_158, %dma_wait3A_159] : memref<32x5x25x80xi32, #tpu.memory_space<hbm>> -> memref<1x1x25x80xi32, #tpu.memory_space<hbm>>
      %dma_wait3A_161 = tpu.memref_squeeze %dma_wait3A_160 : memref<1x1x25x80xi32, #tpu.memory_space<hbm>> -> memref<25x80xi32, #tpu.memory_space<hbm>>
      tpu.wait_dma2 semaphore(%run_scoped3A_133 : memref<!tpu.dma_semaphore, #tpu.memory_space<semaphore_mem>>) src(%dma_wait3A_161 : memref<25x80xi32, #tpu.memory_space<hbm>>) dst(%dma_wait3A_157 : memref<25x80xi32, #tpu.memory_space<vmem>>)
      tpu.yield
    }) : () -> ()
    %dma_start3A = arith.constant 0 : i32
    %dma_start3A_1 = arith.constant 0 : i32
    %dma_start3A_2 = tpu.memref_slice %arg6[%dma_start3A, %dma_start3A_1] : memref<50x80xi32, #tpu.memory_space<vmem>> -> memref<1x80xi32, #tpu.memory_space<vmem>>
    %dma_start3A_3 = tpu.memref_squeeze %dma_start3A_2 : memref<1x80xi32, #tpu.memory_space<vmem>> -> memref<80xi32, #tpu.memory_space<vmem>>
    %dma_start3A_4 = arith.constant 0 : i32
    %dma_start3A_5 = arith.constant 0 : i32
    %dma_start3A_6 = tpu.memref_slice %arg2[%dma_start3A_4, %dma_start3A_5] : memref<10240x128xf32, #tpu.memory_space<hbm>> -> memref<10240x128xf32, #tpu.memory_space<hbm>>
    tpu.enqueue_indirect_dma source(%dma_start3A_6 : memref<10240x128xf32, #tpu.memory_space<hbm>>) target(%arg8 : memref<80x128xf32, #tpu.memory_space<vmem>>) offsets(%dma_start3A_3 : memref<80xi32, #tpu.memory_space<vmem>>) semaphore(%arg13 : memref<!tpu.dma_semaphore, #tpu.memory_space<semaphore_mem>>)
    %dma_start3A_7 = arith.constant 1 : i32
    %dma_start3A_8 = arith.constant 0 : i32
    %dma_start3A_9 = tpu.memref_slice %arg6[%dma_start3A_7, %dma_start3A_8] : memref<50x80xi32, #tpu.memory_space<vmem>> -> memref<1x80xi32, #tpu.memory_space<vmem>>
    %dma_start3A_10 = tpu.memref_squeeze %dma_start3A_9 : memref<1x80xi32, #tpu.memory_space<vmem>> -> memref<80xi32, #tpu.memory_space<vmem>>
    %dma_start3A_11 = arith.constant 0 : i32
    %dma_start3A_12 = arith.constant 0 : i32
    %dma_start3A_13 = tpu.memref_slice %arg2[%dma_start3A_11, %dma_start3A_12] : memref<10240x128xf32, #tpu.memory_space<hbm>> -> memref<10240x128xf32, #tpu.memory_space<hbm>>
    tpu.enqueue_indirect_dma source(%dma_start3A_13 : memref<10240x128xf32, #tpu.memory_space<hbm>>) target(%arg9 : memref<80x128xf32, #tpu.memory_space<vmem>>) offsets(%dma_start3A_10 : memref<80xi32, #tpu.memory_space<vmem>>) semaphore(%arg14 : memref<!tpu.dma_semaphore, #tpu.memory_space<semaphore_mem>>)
    %broadcast_in_dim3A = arith.constant 0.000000e+00 : f32
    %broadcast_in_dim3A_14 = vector.broadcast %broadcast_in_dim3A : f32 to vector<16xf32>
    %scan3A = arith.constant 0 : i32
    %scan3A_15 = arith.constant 0 : i32
    %scan3A_16 = arith.constant 32 : i32
    %scan3A_17 = arith.addi %scan3A_15, %scan3A_16 : i32
    %scan3A_18 = arith.constant 1 : i32
    %scan3A_19 = scf.for %scan3A_133 = %scan3A_15 to %scan3A_17 step %scan3A_18 iter_args(%scan3A_134 = %scan3A) -> (i32)  : i32 {
      %scan3A_135 = arith.constant 0 : i32
      %scan3A_136 = arith.constant 0 : i32
      %scan3A_137 = arith.constant 8 : i32
      %scan3A_138 = arith.addi %scan3A_136, %scan3A_137 : i32
      %scan3A_139 = arith.constant 1 : i32
      %scan3A_140 = scf.for %scan3A_142 = %scan3A_136 to %scan3A_138 step %scan3A_139 iter_args(%scan3A_143 = %scan3A_135) -> (i32)  : i32 {
        %mul3A_144 = arith.constant 16 : i32
        %mul3A_145 = arith.muli %scan3A_142, %mul3A_144 : i32
        %swap3A = arith.index_cast %scan3A_133 : i32 to index
        %swap3A_146 = arith.index_cast %mul3A_145 : i32 to index
        %swap3A_147 = tpu.vector_load %arg11[%swap3A, %swap3A_146] {strides = array<i32>} : memref<32x128xf32, #tpu.memory_space<vmem>>, vector<1x16xf32>,
        %swap3A_148 = vector.shape_cast %swap3A_147 : vector<1x16xf32> to vector<16xf32>
        %swap3A_149 = vector.shape_cast %broadcast_in_dim3A_14 : vector<16xf32> to vector<1x16xf32>
        tpu.vector_store %arg11[%swap3A, %swap3A_146], %swap3A_149 {strides = array<i32>} : memref<32x128xf32, #tpu.memory_space<vmem>>, vector<1x16xf32>,
        %scan3A_150 = arith.constant 0 : i32
        scf.yield %scan3A_150 : i32
      }
      %scan3A_141 = arith.constant 8 : i32
      scf.yield %scan3A_140 : i32
    }
    %scan3A_20 = arith.constant 32 : i32
    %mul3A_21 = arith.constant 640 : i32
    %mul3A_22 = arith.muli %arg1, %mul3A_21 : i32
    %add3A_23 = arith.constant 0 : i32
    %add3A_24 = arith.addi %mul3A_22, %add3A_23 : i32
    "tpu.region"() ({
      %run_scoped3A_133 = tpu.sem_alloc : memref<!tpu.dma_semaphore, #tpu.memory_space<semaphore_mem>>
      %dma_start3A_134 = arith.constant 0 : i32
      %dma_start3A_135 = tpu.memref_slice %arg12[%add3A_24, %dma_start3A_134] : memref<10240x128xf32, #tpu.memory_space<vmem_shared>> -> memref<32x128xf32, #tpu.memory_space<vmem_shared>>
      %dma_start3A_136 = arith.constant 0 : i32
      %dma_start3A_137 = tpu.memref_slice %arg12[%add3A_24, %dma_start3A_136] : memref<10240x128xf32, #tpu.memory_space<vmem_shared>> -> memref<32x128xf32, #tpu.memory_space<vmem_shared>>
      tpu.enqueue_dma source(%arg11 : memref<32x128xf32, #tpu.memory_space<vmem>>) target(%dma_start3A_137 : memref<32x128xf32, #tpu.memory_space<vmem_shared>>) target_semaphore(%run_scoped3A_133 : memref<!tpu.dma_semaphore, #tpu.memory_space<semaphore_mem>>)
      %dma_wait3A_138 = arith.constant 0 : i32
      %dma_wait3A_139 = tpu.memref_slice %arg12[%add3A_24, %dma_wait3A_138] : memref<10240x128xf32, #tpu.memory_space<vmem_shared>> -> memref<32x128xf32, #tpu.memory_space<vmem_shared>>
      %dma_wait3A_140 = arith.constant 0 : i32
      %dma_wait3A_141 = tpu.memref_slice %arg12[%add3A_24, %dma_wait3A_140] : memref<10240x128xf32, #tpu.memory_space<vmem_shared>> -> memref<32x128xf32, #tpu.memory_space<vmem_shared>>
      tpu.wait_dma2 semaphore(%run_scoped3A_133 : memref<!tpu.dma_semaphore, #tpu.memory_space<semaphore_mem>>) src(%arg11 : memref<32x128xf32, #tpu.memory_space<vmem>>) dst(%dma_wait3A_141 : memref<32x128xf32, #tpu.memory_space<vmem_shared>>)
      tpu.yield
    }) : () -> ()
    %mul3A_25 = arith.constant 640 : i32
    %mul3A_26 = arith.muli %arg1, %mul3A_25 : i32
    %add3A_27 = arith.constant 32 : i32
    %add3A_28 = arith.addi %mul3A_26, %add3A_27 : i32
    "tpu.region"() ({
      %run_scoped3A_133 = tpu.sem_alloc : memref<!tpu.dma_semaphore, #tpu.memory_space<semaphore_mem>>
      %dma_start3A_134 = arith.constant 0 : i32
      %dma_start3A_135 = tpu.memref_slice %arg12[%add3A_28, %dma_start3A_134] : memref<10240x128xf32, #tpu.memory_space<vmem_shared>> -> memref<32x128xf32, #tpu.memory_space<vmem_shared>>
      %dma_start3A_136 = arith.constant 0 : i32
      %dma_start3A_137 = tpu.memref_slice %arg12[%add3A_28, %dma_start3A_136] : memref<10240x128xf32, #tpu.memory_space<vmem_shared>> -> memref<32x128xf32, #tpu.memory_space<vmem_shared>>
      tpu.enqueue_dma source(%arg11 : memref<32x128xf32, #tpu.memory_space<vmem>>) target(%dma_start3A_137 : memref<32x128xf32, #tpu.memory_space<vmem_shared>>) target_semaphore(%run_scoped3A_133 : memref<!tpu.dma_semaphore, #tpu.memory_space<semaphore_mem>>)
      %dma_wait3A_138 = arith.constant 0 : i32
      %dma_wait3A_139 = tpu.memref_slice %arg12[%add3A_28, %dma_wait3A_138] : memref<10240x128xf32, #tpu.memory_space<vmem_shared>> -> memref<32x128xf32, #tpu.memory_space<vmem_shared>>
      %dma_wait3A_140 = arith.constant 0 : i32
      %dma_wait3A_141 = tpu.memref_slice %arg12[%add3A_28, %dma_wait3A_140] : memref<10240x128xf32, #tpu.memory_space<vmem_shared>> -> memref<32x128xf32, #tpu.memory_space<vmem_shared>>
      tpu.wait_dma2 semaphore(%run_scoped3A_133 : memref<!tpu.dma_semaphore, #tpu.memory_space<semaphore_mem>>) src(%arg11 : memref<32x128xf32, #tpu.memory_space<vmem>>) dst(%dma_wait3A_141 : memref<32x128xf32, #tpu.memory_space<vmem_shared>>)
      tpu.yield
    }) : () -> ()
    %mul3A_29 = arith.constant 640 : i32
    %mul3A_30 = arith.muli %arg1, %mul3A_29 : i32
    %add3A_31 = arith.constant 64 : i32
    %add3A_32 = arith.addi %mul3A_30, %add3A_31 : i32
    "tpu.region"() ({
      %run_scoped3A_133 = tpu.sem_alloc : memref<!tpu.dma_semaphore, #tpu.memory_space<semaphore_mem>>
      %dma_start3A_134 = arith.constant 0 : i32
      %dma_start3A_135 = tpu.memref_slice %arg12[%add3A_32, %dma_start3A_134] : memref<10240x128xf32, #tpu.memory_space<vmem_shared>> -> memref<32x128xf32, #tpu.memory_space<vmem_shared>>
      %dma_start3A_136 = arith.constant 0 : i32
      %dma_start3A_137 = tpu.memref_slice %arg12[%add3A_32, %dma_start3A_136] : memref<10240x128xf32, #tpu.memory_space<vmem_shared>> -> memref<32x128xf32, #tpu.memory_space<vmem_shared>>
      tpu.enqueue_dma source(%arg11 : memref<32x128xf32, #tpu.memory_space<vmem>>) target(%dma_start3A_137 : memref<32x128xf32, #tpu.memory_space<vmem_shared>>) target_semaphore(%run_scoped3A_133 : memref<!tpu.dma_semaphore, #tpu.memory_space<semaphore_mem>>)
      %dma_wait3A_138 = arith.constant 0 : i32
      %dma_wait3A_139 = tpu.memref_slice %arg12[%add3A_32, %dma_wait3A_138] : memref<10240x128xf32, #tpu.memory_space<vmem_shared>> -> memref<32x128xf32, #tpu.memory_space<vmem_shared>>
      %dma_wait3A_140 = arith.constant 0 : i32
      %dma_wait3A_141 = tpu.memref_slice %arg12[%add3A_32, %dma_wait3A_140] : memref<10240x128xf32, #tpu.memory_space<vmem_shared>> -> memref<32x128xf32, #tpu.memory_space<vmem_shared>>
      tpu.wait_dma2 semaphore(%run_scoped3A_133 : memref<!tpu.dma_semaphore, #tpu.memory_space<semaphore_mem>>) src(%arg11 : memref<32x128xf32, #tpu.memory_space<vmem>>) dst(%dma_wait3A_141 : memref<32x128xf32, #tpu.memory_space<vmem_shared>>)
      tpu.yield
    }) : () -> ()
    %mul3A_33 = arith.constant 640 : i32
    %mul3A_34 = arith.muli %arg1, %mul3A_33 : i32
    %add3A_35 = arith.constant 96 : i32
    %add3A_36 = arith.addi %mul3A_34, %add3A_35 : i32
    "tpu.region"() ({
      %run_scoped3A_133 = tpu.sem_alloc : memref<!tpu.dma_semaphore, #tpu.memory_space<semaphore_mem>>
      %dma_start3A_134 = arith.constant 0 : i32
      %dma_start3A_135 = tpu.memref_slice %arg12[%add3A_36, %dma_start3A_134] : memref<10240x128xf32, #tpu.memory_space<vmem_shared>> -> memref<32x128xf32, #tpu.memory_space<vmem_shared>>
      %dma_start3A_136 = arith.constant 0 : i32
      %dma_start3A_137 = tpu.memref_slice %arg12[%add3A_36, %dma_start3A_136] : memref<10240x128xf32, #tpu.memory_space<vmem_shared>> -> memref<32x128xf32, #tpu.memory_space<vmem_shared>>
      tpu.enqueue_dma source(%arg11 : memref<32x128xf32, #tpu.memory_space<vmem>>) target(%dma_start3A_137 : memref<32x128xf32, #tpu.memory_space<vmem_shared>>) target_semaphore(%run_scoped3A_133 : memref<!tpu.dma_semaphore, #tpu.memory_space<semaphore_mem>>)
      %dma_wait3A_138 = arith.constant 0 : i32
      %dma_wait3A_139 = tpu.memref_slice %arg12[%add3A_36, %dma_wait3A_138] : memref<10240x128xf32, #tpu.memory_space<vmem_shared>> -> memref<32x128xf32, #tpu.memory_space<vmem_shared>>
      %dma_wait3A_140 = arith.constant 0 : i32
      %dma_wait3A_141 = tpu.memref_slice %arg12[%add3A_36, %dma_wait3A_140] : memref<10240x128xf32, #tpu.memory_space<vmem_shared>> -> memref<32x128xf32, #tpu.memory_space<vmem_shared>>
      tpu.wait_dma2 semaphore(%run_scoped3A_133 : memref<!tpu.dma_semaphore, #tpu.memory_space<semaphore_mem>>) src(%arg11 : memref<32x128xf32, #tpu.memory_space<vmem>>) dst(%dma_wait3A_141 : memref<32x128xf32, #tpu.memory_space<vmem_shared>>)
      tpu.yield
    }) : () -> ()
    %mul3A_37 = arith.constant 640 : i32
    %mul3A_38 = arith.muli %arg1, %mul3A_37 : i32
    %add3A_39 = arith.constant 128 : i32
    %add3A_40 = arith.addi %mul3A_38, %add3A_39 : i32
    "tpu.region"() ({
      %run_scoped3A_133 = tpu.sem_alloc : memref<!tpu.dma_semaphore, #tpu.memory_space<semaphore_mem>>
      %dma_start3A_134 = arith.constant 0 : i32
      %dma_start3A_135 = tpu.memref_slice %arg12[%add3A_40, %dma_start3A_134] : memref<10240x128xf32, #tpu.memory_space<vmem_shared>> -> memref<32x128xf32, #tpu.memory_space<vmem_shared>>
      %dma_start3A_136 = arith.constant 0 : i32
      %dma_start3A_137 = tpu.memref_slice %arg12[%add3A_40, %dma_start3A_136] : memref<10240x128xf32, #tpu.memory_space<vmem_shared>> -> memref<32x128xf32, #tpu.memory_space<vmem_shared>>
      tpu.enqueue_dma source(%arg11 : memref<32x128xf32, #tpu.memory_space<vmem>>) target(%dma_start3A_137 : memref<32x128xf32, #tpu.memory_space<vmem_shared>>) target_semaphore(%run_scoped3A_133 : memref<!tpu.dma_semaphore, #tpu.memory_space<semaphore_mem>>)
      %dma_wait3A_138 = arith.constant 0 : i32
      %dma_wait3A_139 = tpu.memref_slice %arg12[%add3A_40, %dma_wait3A_138] : memref<10240x128xf32, #tpu.memory_space<vmem_shared>> -> memref<32x128xf32, #tpu.memory_space<vmem_shared>>
      %dma_wait3A_140 = arith.constant 0 : i32
      %dma_wait3A_141 = tpu.memref_slice %arg12[%add3A_40, %dma_wait3A_140] : memref<10240x128xf32, #tpu.memory_space<vmem_shared>> -> memref<32x128xf32, #tpu.memory_space<vmem_shared>>
      tpu.wait_dma2 semaphore(%run_scoped3A_133 : memref<!tpu.dma_semaphore, #tpu.memory_space<semaphore_mem>>) src(%arg11 : memref<32x128xf32, #tpu.memory_space<vmem>>) dst(%dma_wait3A_141 : memref<32x128xf32, #tpu.memory_space<vmem_shared>>)
      tpu.yield
    }) : () -> ()
    %mul3A_41 = arith.constant 640 : i32
    %mul3A_42 = arith.muli %arg1, %mul3A_41 : i32
    %add3A_43 = arith.constant 160 : i32
    %add3A_44 = arith.addi %mul3A_42, %add3A_43 : i32
    "tpu.region"() ({
      %run_scoped3A_133 = tpu.sem_alloc : memref<!tpu.dma_semaphore, #tpu.memory_space<semaphore_mem>>
      %dma_start3A_134 = arith.constant 0 : i32
      %dma_start3A_135 = tpu.memref_slice %arg12[%add3A_44, %dma_start3A_134] : memref<10240x128xf32, #tpu.memory_space<vmem_shared>> -> memref<32x128xf32, #tpu.memory_space<vmem_shared>>
      %dma_start3A_136 = arith.constant 0 : i32
      %dma_start3A_137 = tpu.memref_slice %arg12[%add3A_44, %dma_start3A_136] : memref<10240x128xf32, #tpu.memory_space<vmem_shared>> -> memref<32x128xf32, #tpu.memory_space<vmem_shared>>
      tpu.enqueue_dma source(%arg11 : memref<32x128xf32, #tpu.memory_space<vmem>>) target(%dma_start3A_137 : memref<32x128xf32, #tpu.memory_space<vmem_shared>>) target_semaphore(%run_scoped3A_133 : memref<!tpu.dma_semaphore, #tpu.memory_space<semaphore_mem>>)
      %dma_wait3A_138 = arith.constant 0 : i32
      %dma_wait3A_139 = tpu.memref_slice %arg12[%add3A_44, %dma_wait3A_138] : memref<10240x128xf32, #tpu.memory_space<vmem_shared>> -> memref<32x128xf32, #tpu.memory_space<vmem_shared>>
      %dma_wait3A_140 = arith.constant 0 : i32
      %dma_wait3A_141 = tpu.memref_slice %arg12[%add3A_44, %dma_wait3A_140] : memref<10240x128xf32, #tpu.memory_space<vmem_shared>> -> memref<32x128xf32, #tpu.memory_space<vmem_shared>>
      tpu.wait_dma2 semaphore(%run_scoped3A_133 : memref<!tpu.dma_semaphore, #tpu.memory_space<semaphore_mem>>) src(%arg11 : memref<32x128xf32, #tpu.memory_space<vmem>>) dst(%dma_wait3A_141 : memref<32x128xf32, #tpu.memory_space<vmem_shared>>)
      tpu.yield
    }) : () -> ()
    %mul3A_45 = arith.constant 640 : i32
    %mul3A_46 = arith.muli %arg1, %mul3A_45 : i32
    %add3A_47 = arith.constant 192 : i32
    %add3A_48 = arith.addi %mul3A_46, %add3A_47 : i32
    "tpu.region"() ({
      %run_scoped3A_133 = tpu.sem_alloc : memref<!tpu.dma_semaphore, #tpu.memory_space<semaphore_mem>>
      %dma_start3A_134 = arith.constant 0 : i32
      %dma_start3A_135 = tpu.memref_slice %arg12[%add3A_48, %dma_start3A_134] : memref<10240x128xf32, #tpu.memory_space<vmem_shared>> -> memref<32x128xf32, #tpu.memory_space<vmem_shared>>
      %dma_start3A_136 = arith.constant 0 : i32
      %dma_start3A_137 = tpu.memref_slice %arg12[%add3A_48, %dma_start3A_136] : memref<10240x128xf32, #tpu.memory_space<vmem_shared>> -> memref<32x128xf32, #tpu.memory_space<vmem_shared>>
      tpu.enqueue_dma source(%arg11 : memref<32x128xf32, #tpu.memory_space<vmem>>) target(%dma_start3A_137 : memref<32x128xf32, #tpu.memory_space<vmem_shared>>) target_semaphore(%run_scoped3A_133 : memref<!tpu.dma_semaphore, #tpu.memory_space<semaphore_mem>>)
      %dma_wait3A_138 = arith.constant 0 : i32
      %dma_wait3A_139 = tpu.memref_slice %arg12[%add3A_48, %dma_wait3A_138] : memref<10240x128xf32, #tpu.memory_space<vmem_shared>> -> memref<32x128xf32, #tpu.memory_space<vmem_shared>>
      %dma_wait3A_140 = arith.constant 0 : i32
      %dma_wait3A_141 = tpu.memref_slice %arg12[%add3A_48, %dma_wait3A_140] : memref<10240x128xf32, #tpu.memory_space<vmem_shared>> -> memref<32x128xf32, #tpu.memory_space<vmem_shared>>
      tpu.wait_dma2 semaphore(%run_scoped3A_133 : memref<!tpu.dma_semaphore, #tpu.memory_space<semaphore_mem>>) src(%arg11 : memref<32x128xf32, #tpu.memory_space<vmem>>) dst(%dma_wait3A_141 : memref<32x128xf32, #tpu.memory_space<vmem_shared>>)
      tpu.yield
    }) : () -> ()
    %mul3A_49 = arith.constant 640 : i32
    %mul3A_50 = arith.muli %arg1, %mul3A_49 : i32
    %add3A_51 = arith.constant 224 : i32
    %add3A_52 = arith.addi %mul3A_50, %add3A_51 : i32
    "tpu.region"() ({
      %run_scoped3A_133 = tpu.sem_alloc : memref<!tpu.dma_semaphore, #tpu.memory_space<semaphore_mem>>
      %dma_start3A_134 = arith.constant 0 : i32
      %dma_start3A_135 = tpu.memref_slice %arg12[%add3A_52, %dma_start3A_134] : memref<10240x128xf32, #tpu.memory_space<vmem_shared>> -> memref<32x128xf32, #tpu.memory_space<vmem_shared>>
      %dma_start3A_136 = arith.constant 0 : i32
      %dma_start3A_137 = tpu.memref_slice %arg12[%add3A_52, %dma_start3A_136] : memref<10240x128xf32, #tpu.memory_space<vmem_shared>> -> memref<32x128xf32, #tpu.memory_space<vmem_shared>>
      tpu.enqueue_dma source(%arg11 : memref<32x128xf32, #tpu.memory_space<vmem>>) target(%dma_start3A_137 : memref<32x128xf32, #tpu.memory_space<vmem_shared>>) target_semaphore(%run_scoped3A_133 : memref<!tpu.dma_semaphore, #tpu.memory_space<semaphore_mem>>)
      %dma_wait3A_138 = arith.constant 0 : i32
      %dma_wait3A_139 = tpu.memref_slice %arg12[%add3A_52, %dma_wait3A_138] : memref<10240x128xf32, #tpu.memory_space<vmem_shared>> -> memref<32x128xf32, #tpu.memory_space<vmem_shared>>
      %dma_wait3A_140 = arith.constant 0 : i32
      %dma_wait3A_141 = tpu.memref_slice %arg12[%add3A_52, %dma_wait3A_140] : memref<10240x128xf32, #tpu.memory_space<vmem_shared>> -> memref<32x128xf32, #tpu.memory_space<vmem_shared>>
      tpu.wait_dma2 semaphore(%run_scoped3A_133 : memref<!tpu.dma_semaphore, #tpu.memory_space<semaphore_mem>>) src(%arg11 : memref<32x128xf32, #tpu.memory_space<vmem>>) dst(%dma_wait3A_141 : memref<32x128xf32, #tpu.memory_space<vmem_shared>>)
      tpu.yield
    }) : () -> ()
    %mul3A_53 = arith.constant 640 : i32
    %mul3A_54 = arith.muli %arg1, %mul3A_53 : i32
    %add3A_55 = arith.constant 256 : i32
    %add3A_56 = arith.addi %mul3A_54, %add3A_55 : i32
    "tpu.region"() ({
      %run_scoped3A_133 = tpu.sem_alloc : memref<!tpu.dma_semaphore, #tpu.memory_space<semaphore_mem>>
      %dma_start3A_134 = arith.constant 0 : i32
      %dma_start3A_135 = tpu.memref_slice %arg12[%add3A_56, %dma_start3A_134] : memref<10240x128xf32, #tpu.memory_space<vmem_shared>> -> memref<32x128xf32, #tpu.memory_space<vmem_shared>>
      %dma_start3A_136 = arith.constant 0 : i32
      %dma_start3A_137 = tpu.memref_slice %arg12[%add3A_56, %dma_start3A_136] : memref<10240x128xf32, #tpu.memory_space<vmem_shared>> -> memref<32x128xf32, #tpu.memory_space<vmem_shared>>
      tpu.enqueue_dma source(%arg11 : memref<32x128xf32, #tpu.memory_space<vmem>>) target(%dma_start3A_137 : memref<32x128xf32, #tpu.memory_space<vmem_shared>>) target_semaphore(%run_scoped3A_133 : memref<!tpu.dma_semaphore, #tpu.memory_space<semaphore_mem>>)
      %dma_wait3A_138 = arith.constant 0 : i32
      %dma_wait3A_139 = tpu.memref_slice %arg12[%add3A_56, %dma_wait3A_138] : memref<10240x128xf32, #tpu.memory_space<vmem_shared>> -> memref<32x128xf32, #tpu.memory_space<vmem_shared>>
      %dma_wait3A_140 = arith.constant 0 : i32
      %dma_wait3A_141 = tpu.memref_slice %arg12[%add3A_56, %dma_wait3A_140] : memref<10240x128xf32, #tpu.memory_space<vmem_shared>> -> memref<32x128xf32, #tpu.memory_space<vmem_shared>>
      tpu.wait_dma2 semaphore(%run_scoped3A_133 : memref<!tpu.dma_semaphore, #tpu.memory_space<semaphore_mem>>) src(%arg11 : memref<32x128xf32, #tpu.memory_space<vmem>>) dst(%dma_wait3A_141 : memref<32x128xf32, #tpu.memory_space<vmem_shared>>)
      tpu.yield
    }) : () -> ()
    %mul3A_57 = arith.constant 640 : i32
    %mul3A_58 = arith.muli %arg1, %mul3A_57 : i32
    %add3A_59 = arith.constant 288 : i32
    %add3A_60 = arith.addi %mul3A_58, %add3A_59 : i32
    "tpu.region"() ({
      %run_scoped3A_133 = tpu.sem_alloc : memref<!tpu.dma_semaphore, #tpu.memory_space<semaphore_mem>>
      %dma_start3A_134 = arith.constant 0 : i32
      %dma_start3A_135 = tpu.memref_slice %arg12[%add3A_60, %dma_start3A_134] : memref<10240x128xf32, #tpu.memory_space<vmem_shared>> -> memref<32x128xf32, #tpu.memory_space<vmem_shared>>
      %dma_start3A_136 = arith.constant 0 : i32
      %dma_start3A_137 = tpu.memref_slice %arg12[%add3A_60, %dma_start3A_136] : memref<10240x128xf32, #tpu.memory_space<vmem_shared>> -> memref<32x128xf32, #tpu.memory_space<vmem_shared>>
      tpu.enqueue_dma source(%arg11 : memref<32x128xf32, #tpu.memory_space<vmem>>) target(%dma_start3A_137 : memref<32x128xf32, #tpu.memory_space<vmem_shared>>) target_semaphore(%run_scoped3A_133 : memref<!tpu.dma_semaphore, #tpu.memory_space<semaphore_mem>>)
      %dma_wait3A_138 = arith.constant 0 : i32
      %dma_wait3A_139 = tpu.memref_slice %arg12[%add3A_60, %dma_wait3A_138] : memref<10240x128xf32, #tpu.memory_space<vmem_shared>> -> memref<32x128xf32, #tpu.memory_space<vmem_shared>>
      %dma_wait3A_140 = arith.constant 0 : i32
      %dma_wait3A_141 = tpu.memref_slice %arg12[%add3A_60, %dma_wait3A_140] : memref<10240x128xf32, #tpu.memory_space<vmem_shared>> -> memref<32x128xf32, #tpu.memory_space<vmem_shared>>
      tpu.wait_dma2 semaphore(%run_scoped3A_133 : memref<!tpu.dma_semaphore, #tpu.memory_space<semaphore_mem>>) src(%arg11 : memref<32x128xf32, #tpu.memory_space<vmem>>) dst(%dma_wait3A_141 : memref<32x128xf32, #tpu.memory_space<vmem_shared>>)
      tpu.yield
    }) : () -> ()
    %mul3A_61 = arith.constant 640 : i32
    %mul3A_62 = arith.muli %arg1, %mul3A_61 : i32
    %add3A_63 = arith.constant 320 : i32
    %add3A_64 = arith.addi %mul3A_62, %add3A_63 : i32
    "tpu.region"() ({
      %run_scoped3A_133 = tpu.sem_alloc : memref<!tpu.dma_semaphore, #tpu.memory_space<semaphore_mem>>
      %dma_start3A_134 = arith.constant 0 : i32
      %dma_start3A_135 = tpu.memref_slice %arg12[%add3A_64, %dma_start3A_134] : memref<10240x128xf32, #tpu.memory_space<vmem_shared>> -> memref<32x128xf32, #tpu.memory_space<vmem_shared>>
      %dma_start3A_136 = arith.constant 0 : i32
      %dma_start3A_137 = tpu.memref_slice %arg12[%add3A_64, %dma_start3A_136] : memref<10240x128xf32, #tpu.memory_space<vmem_shared>> -> memref<32x128xf32, #tpu.memory_space<vmem_shared>>
      tpu.enqueue_dma source(%arg11 : memref<32x128xf32, #tpu.memory_space<vmem>>) target(%dma_start3A_137 : memref<32x128xf32, #tpu.memory_space<vmem_shared>>) target_semaphore(%run_scoped3A_133 : memref<!tpu.dma_semaphore, #tpu.memory_space<semaphore_mem>>)
      %dma_wait3A_138 = arith.constant 0 : i32
      %dma_wait3A_139 = tpu.memref_slice %arg12[%add3A_64, %dma_wait3A_138] : memref<10240x128xf32, #tpu.memory_space<vmem_shared>> -> memref<32x128xf32, #tpu.memory_space<vmem_shared>>
      %dma_wait3A_140 = arith.constant 0 : i32
      %dma_wait3A_141 = tpu.memref_slice %arg12[%add3A_64, %dma_wait3A_140] : memref<10240x128xf32, #tpu.memory_space<vmem_shared>> -> memref<32x128xf32, #tpu.memory_space<vmem_shared>>
      tpu.wait_dma2 semaphore(%run_scoped3A_133 : memref<!tpu.dma_semaphore, #tpu.memory_space<semaphore_mem>>) src(%arg11 : memref<32x128xf32, #tpu.memory_space<vmem>>) dst(%dma_wait3A_141 : memref<32x128xf32, #tpu.memory_space<vmem_shared>>)
      tpu.yield
    }) : () -> ()
    %mul3A_65 = arith.constant 640 : i32
    %mul3A_66 = arith.muli %arg1, %mul3A_65 : i32
    %add3A_67 = arith.constant 352 : i32
    %add3A_68 = arith.addi %mul3A_66, %add3A_67 : i32
    "tpu.region"() ({
      %run_scoped3A_133 = tpu.sem_alloc : memref<!tpu.dma_semaphore, #tpu.memory_space<semaphore_mem>>
      %dma_start3A_134 = arith.constant 0 : i32
      %dma_start3A_135 = tpu.memref_slice %arg12[%add3A_68, %dma_start3A_134] : memref<10240x128xf32, #tpu.memory_space<vmem_shared>> -> memref<32x128xf32, #tpu.memory_space<vmem_shared>>
      %dma_start3A_136 = arith.constant 0 : i32
      %dma_start3A_137 = tpu.memref_slice %arg12[%add3A_68, %dma_start3A_136] : memref<10240x128xf32, #tpu.memory_space<vmem_shared>> -> memref<32x128xf32, #tpu.memory_space<vmem_shared>>
      tpu.enqueue_dma source(%arg11 : memref<32x128xf32, #tpu.memory_space<vmem>>) target(%dma_start3A_137 : memref<32x128xf32, #tpu.memory_space<vmem_shared>>) target_semaphore(%run_scoped3A_133 : memref<!tpu.dma_semaphore, #tpu.memory_space<semaphore_mem>>)
      %dma_wait3A_138 = arith.constant 0 : i32
      %dma_wait3A_139 = tpu.memref_slice %arg12[%add3A_68, %dma_wait3A_138] : memref<10240x128xf32, #tpu.memory_space<vmem_shared>> -> memref<32x128xf32, #tpu.memory_space<vmem_shared>>
      %dma_wait3A_140 = arith.constant 0 : i32
      %dma_wait3A_141 = tpu.memref_slice %arg12[%add3A_68, %dma_wait3A_140] : memref<10240x128xf32, #tpu.memory_space<vmem_shared>> -> memref<32x128xf32, #tpu.memory_space<vmem_shared>>
      tpu.wait_dma2 semaphore(%run_scoped3A_133 : memref<!tpu.dma_semaphore, #tpu.memory_space<semaphore_mem>>) src(%arg11 : memref<32x128xf32, #tpu.memory_space<vmem>>) dst(%dma_wait3A_141 : memref<32x128xf32, #tpu.memory_space<vmem_shared>>)
      tpu.yield
    }) : () -> ()
    %mul3A_69 = arith.constant 640 : i32
    %mul3A_70 = arith.muli %arg1, %mul3A_69 : i32
    %add3A_71 = arith.constant 384 : i32
    %add3A_72 = arith.addi %mul3A_70, %add3A_71 : i32
    "tpu.region"() ({
      %run_scoped3A_133 = tpu.sem_alloc : memref<!tpu.dma_semaphore, #tpu.memory_space<semaphore_mem>>
      %dma_start3A_134 = arith.constant 0 : i32
      %dma_start3A_135 = tpu.memref_slice %arg12[%add3A_72, %dma_start3A_134] : memref<10240x128xf32, #tpu.memory_space<vmem_shared>> -> memref<32x128xf32, #tpu.memory_space<vmem_shared>>
      %dma_start3A_136 = arith.constant 0 : i32
      %dma_start3A_137 = tpu.memref_slice %arg12[%add3A_72, %dma_start3A_136] : memref<10240x128xf32, #tpu.memory_space<vmem_shared>> -> memref<32x128xf32, #tpu.memory_space<vmem_shared>>
      tpu.enqueue_dma source(%arg11 : memref<32x128xf32, #tpu.memory_space<vmem>>) target(%dma_start3A_137 : memref<32x128xf32, #tpu.memory_space<vmem_shared>>) target_semaphore(%run_scoped3A_133 : memref<!tpu.dma_semaphore, #tpu.memory_space<semaphore_mem>>)
      %dma_wait3A_138 = arith.constant 0 : i32
      %dma_wait3A_139 = tpu.memref_slice %arg12[%add3A_72, %dma_wait3A_138] : memref<10240x128xf32, #tpu.memory_space<vmem_shared>> -> memref<32x128xf32, #tpu.memory_space<vmem_shared>>
      %dma_wait3A_140 = arith.constant 0 : i32
      %dma_wait3A_141 = tpu.memref_slice %arg12[%add3A_72, %dma_wait3A_140] : memref<10240x128xf32, #tpu.memory_space<vmem_shared>> -> memref<32x128xf32, #tpu.memory_space<vmem_shared>>
      tpu.wait_dma2 semaphore(%run_scoped3A_133 : memref<!tpu.dma_semaphore, #tpu.memory_space<semaphore_mem>>) src(%arg11 : memref<32x128xf32, #tpu.memory_space<vmem>>) dst(%dma_wait3A_141 : memref<32x128xf32, #tpu.memory_space<vmem_shared>>)
      tpu.yield
    }) : () -> ()
    %mul3A_73 = arith.constant 640 : i32
    %mul3A_74 = arith.muli %arg1, %mul3A_73 : i32
    %add3A_75 = arith.constant 416 : i32
    %add3A_76 = arith.addi %mul3A_74, %add3A_75 : i32
    "tpu.region"() ({
      %run_scoped3A_133 = tpu.sem_alloc : memref<!tpu.dma_semaphore, #tpu.memory_space<semaphore_mem>>
      %dma_start3A_134 = arith.constant 0 : i32
      %dma_start3A_135 = tpu.memref_slice %arg12[%add3A_76, %dma_start3A_134] : memref<10240x128xf32, #tpu.memory_space<vmem_shared>> -> memref<32x128xf32, #tpu.memory_space<vmem_shared>>
      %dma_start3A_136 = arith.constant 0 : i32
      %dma_start3A_137 = tpu.memref_slice %arg12[%add3A_76, %dma_start3A_136] : memref<10240x128xf32, #tpu.memory_space<vmem_shared>> -> memref<32x128xf32, #tpu.memory_space<vmem_shared>>
      tpu.enqueue_dma source(%arg11 : memref<32x128xf32, #tpu.memory_space<vmem>>) target(%dma_start3A_137 : memref<32x128xf32, #tpu.memory_space<vmem_shared>>) target_semaphore(%run_scoped3A_133 : memref<!tpu.dma_semaphore, #tpu.memory_space<semaphore_mem>>)
      %dma_wait3A_138 = arith.constant 0 : i32
      %dma_wait3A_139 = tpu.memref_slice %arg12[%add3A_76, %dma_wait3A_138] : memref<10240x128xf32, #tpu.memory_space<vmem_shared>> -> memref<32x128xf32, #tpu.memory_space<vmem_shared>>
      %dma_wait3A_140 = arith.constant 0 : i32
      %dma_wait3A_141 = tpu.memref_slice %arg12[%add3A_76, %dma_wait3A_140] : memref<10240x128xf32, #tpu.memory_space<vmem_shared>> -> memref<32x128xf32, #tpu.memory_space<vmem_shared>>
      tpu.wait_dma2 semaphore(%run_scoped3A_133 : memref<!tpu.dma_semaphore, #tpu.memory_space<semaphore_mem>>) src(%arg11 : memref<32x128xf32, #tpu.memory_space<vmem>>) dst(%dma_wait3A_141 : memref<32x128xf32, #tpu.memory_space<vmem_shared>>)
      tpu.yield
    }) : () -> ()
    %mul3A_77 = arith.constant 640 : i32
    %mul3A_78 = arith.muli %arg1, %mul3A_77 : i32
    %add3A_79 = arith.constant 448 : i32
    %add3A_80 = arith.addi %mul3A_78, %add3A_79 : i32
    "tpu.region"() ({
      %run_scoped3A_133 = tpu.sem_alloc : memref<!tpu.dma_semaphore, #tpu.memory_space<semaphore_mem>>
      %dma_start3A_134 = arith.constant 0 : i32
      %dma_start3A_135 = tpu.memref_slice %arg12[%add3A_80, %dma_start3A_134] : memref<10240x128xf32, #tpu.memory_space<vmem_shared>> -> memref<32x128xf32, #tpu.memory_space<vmem_shared>>
      %dma_start3A_136 = arith.constant 0 : i32
      %dma_start3A_137 = tpu.memref_slice %arg12[%add3A_80, %dma_start3A_136] : memref<10240x128xf32, #tpu.memory_space<vmem_shared>> -> memref<32x128xf32, #tpu.memory_space<vmem_shared>>
      tpu.enqueue_dma source(%arg11 : memref<32x128xf32, #tpu.memory_space<vmem>>) target(%dma_start3A_137 : memref<32x128xf32, #tpu.memory_space<vmem_shared>>) target_semaphore(%run_scoped3A_133 : memref<!tpu.dma_semaphore, #tpu.memory_space<semaphore_mem>>)
      %dma_wait3A_138 = arith.constant 0 : i32
      %dma_wait3A_139 = tpu.memref_slice %arg12[%add3A_80, %dma_wait3A_138] : memref<10240x128xf32, #tpu.memory_space<vmem_shared>> -> memref<32x128xf32, #tpu.memory_space<vmem_shared>>
      %dma_wait3A_140 = arith.constant 0 : i32
      %dma_wait3A_141 = tpu.memref_slice %arg12[%add3A_80, %dma_wait3A_140] : memref<10240x128xf32, #tpu.memory_space<vmem_shared>> -> memref<32x128xf32, #tpu.memory_space<vmem_shared>>
      tpu.wait_dma2 semaphore(%run_scoped3A_133 : memref<!tpu.dma_semaphore, #tpu.memory_space<semaphore_mem>>) src(%arg11 : memref<32x128xf32, #tpu.memory_space<vmem>>) dst(%dma_wait3A_141 : memref<32x128xf32, #tpu.memory_space<vmem_shared>>)
      tpu.yield
    }) : () -> ()
    %mul3A_81 = arith.constant 640 : i32
    %mul3A_82 = arith.muli %arg1, %mul3A_81 : i32
    %add3A_83 = arith.constant 480 : i32
    %add3A_84 = arith.addi %mul3A_82, %add3A_83 : i32
    "tpu.region"() ({
      %run_scoped3A_133 = tpu.sem_alloc : memref<!tpu.dma_semaphore, #tpu.memory_space<semaphore_mem>>
      %dma_start3A_134 = arith.constant 0 : i32
      %dma_start3A_135 = tpu.memref_slice %arg12[%add3A_84, %dma_start3A_134] : memref<10240x128xf32, #tpu.memory_space<vmem_shared>> -> memref<32x128xf32, #tpu.memory_space<vmem_shared>>
      %dma_start3A_136 = arith.constant 0 : i32
      %dma_start3A_137 = tpu.memref_slice %arg12[%add3A_84, %dma_start3A_136] : memref<10240x128xf32, #tpu.memory_space<vmem_shared>> -> memref<32x128xf32, #tpu.memory_space<vmem_shared>>
      tpu.enqueue_dma source(%arg11 : memref<32x128xf32, #tpu.memory_space<vmem>>) target(%dma_start3A_137 : memref<32x128xf32, #tpu.memory_space<vmem_shared>>) target_semaphore(%run_scoped3A_133 : memref<!tpu.dma_semaphore, #tpu.memory_space<semaphore_mem>>)
      %dma_wait3A_138 = arith.constant 0 : i32
      %dma_wait3A_139 = tpu.memref_slice %arg12[%add3A_84, %dma_wait3A_138] : memref<10240x128xf32, #tpu.memory_space<vmem_shared>> -> memref<32x128xf32, #tpu.memory_space<vmem_shared>>
      %dma_wait3A_140 = arith.constant 0 : i32
      %dma_wait3A_141 = tpu.memref_slice %arg12[%add3A_84, %dma_wait3A_140] : memref<10240x128xf32, #tpu.memory_space<vmem_shared>> -> memref<32x128xf32, #tpu.memory_space<vmem_shared>>
      tpu.wait_dma2 semaphore(%run_scoped3A_133 : memref<!tpu.dma_semaphore, #tpu.memory_space<semaphore_mem>>) src(%arg11 : memref<32x128xf32, #tpu.memory_space<vmem>>) dst(%dma_wait3A_141 : memref<32x128xf32, #tpu.memory_space<vmem_shared>>)
      tpu.yield
    }) : () -> ()
    %mul3A_85 = arith.constant 640 : i32
    %mul3A_86 = arith.muli %arg1, %mul3A_85 : i32
    %add3A_87 = arith.constant 512 : i32
    %add3A_88 = arith.addi %mul3A_86, %add3A_87 : i32
    "tpu.region"() ({
      %run_scoped3A_133 = tpu.sem_alloc : memref<!tpu.dma_semaphore, #tpu.memory_space<semaphore_mem>>
      %dma_start3A_134 = arith.constant 0 : i32
      %dma_start3A_135 = tpu.memref_slice %arg12[%add3A_88, %dma_start3A_134] : memref<10240x128xf32, #tpu.memory_space<vmem_shared>> -> memref<32x128xf32, #tpu.memory_space<vmem_shared>>
      %dma_start3A_136 = arith.constant 0 : i32
      %dma_start3A_137 = tpu.memref_slice %arg12[%add3A_88, %dma_start3A_136] : memref<10240x128xf32, #tpu.memory_space<vmem_shared>> -> memref<32x128xf32, #tpu.memory_space<vmem_shared>>
      tpu.enqueue_dma source(%arg11 : memref<32x128xf32, #tpu.memory_space<vmem>>) target(%dma_start3A_137 : memref<32x128xf32, #tpu.memory_space<vmem_shared>>) target_semaphore(%run_scoped3A_133 : memref<!tpu.dma_semaphore, #tpu.memory_space<semaphore_mem>>)
      %dma_wait3A_138 = arith.constant 0 : i32
      %dma_wait3A_139 = tpu.memref_slice %arg12[%add3A_88, %dma_wait3A_138] : memref<10240x128xf32, #tpu.memory_space<vmem_shared>> -> memref<32x128xf32, #tpu.memory_space<vmem_shared>>
      %dma_wait3A_140 = arith.constant 0 : i32
      %dma_wait3A_141 = tpu.memref_slice %arg12[%add3A_88, %dma_wait3A_140] : memref<10240x128xf32, #tpu.memory_space<vmem_shared>> -> memref<32x128xf32, #tpu.memory_space<vmem_shared>>
      tpu.wait_dma2 semaphore(%run_scoped3A_133 : memref<!tpu.dma_semaphore, #tpu.memory_space<semaphore_mem>>) src(%arg11 : memref<32x128xf32, #tpu.memory_space<vmem>>) dst(%dma_wait3A_141 : memref<32x128xf32, #tpu.memory_space<vmem_shared>>)
      tpu.yield
    }) : () -> ()
    %mul3A_89 = arith.constant 640 : i32
    %mul3A_90 = arith.muli %arg1, %mul3A_89 : i32
    %add3A_91 = arith.constant 544 : i32
    %add3A_92 = arith.addi %mul3A_90, %add3A_91 : i32
    "tpu.region"() ({
      %run_scoped3A_133 = tpu.sem_alloc : memref<!tpu.dma_semaphore, #tpu.memory_space<semaphore_mem>>
      %dma_start3A_134 = arith.constant 0 : i32
      %dma_start3A_135 = tpu.memref_slice %arg12[%add3A_92, %dma_start3A_134] : memref<10240x128xf32, #tpu.memory_space<vmem_shared>> -> memref<32x128xf32, #tpu.memory_space<vmem_shared>>
      %dma_start3A_136 = arith.constant 0 : i32
      %dma_start3A_137 = tpu.memref_slice %arg12[%add3A_92, %dma_start3A_136] : memref<10240x128xf32, #tpu.memory_space<vmem_shared>> -> memref<32x128xf32, #tpu.memory_space<vmem_shared>>
      tpu.enqueue_dma source(%arg11 : memref<32x128xf32, #tpu.memory_space<vmem>>) target(%dma_start3A_137 : memref<32x128xf32, #tpu.memory_space<vmem_shared>>) target_semaphore(%run_scoped3A_133 : memref<!tpu.dma_semaphore, #tpu.memory_space<semaphore_mem>>)
      %dma_wait3A_138 = arith.constant 0 : i32
      %dma_wait3A_139 = tpu.memref_slice %arg12[%add3A_92, %dma_wait3A_138] : memref<10240x128xf32, #tpu.memory_space<vmem_shared>> -> memref<32x128xf32, #tpu.memory_space<vmem_shared>>
      %dma_wait3A_140 = arith.constant 0 : i32
      %dma_wait3A_141 = tpu.memref_slice %arg12[%add3A_92, %dma_wait3A_140] : memref<10240x128xf32, #tpu.memory_space<vmem_shared>> -> memref<32x128xf32, #tpu.memory_space<vmem_shared>>
      tpu.wait_dma2 semaphore(%run_scoped3A_133 : memref<!tpu.dma_semaphore, #tpu.memory_space<semaphore_mem>>) src(%arg11 : memref<32x128xf32, #tpu.memory_space<vmem>>) dst(%dma_wait3A_141 : memref<32x128xf32, #tpu.memory_space<vmem_shared>>)
      tpu.yield
    }) : () -> ()
    %mul3A_93 = arith.constant 640 : i32
    %mul3A_94 = arith.muli %arg1, %mul3A_93 : i32
    %add3A_95 = arith.constant 576 : i32
    %add3A_96 = arith.addi %mul3A_94, %add3A_95 : i32
    "tpu.region"() ({
      %run_scoped3A_133 = tpu.sem_alloc : memref<!tpu.dma_semaphore, #tpu.memory_space<semaphore_mem>>
      %dma_start3A_134 = arith.constant 0 : i32
      %dma_start3A_135 = tpu.memref_slice %arg12[%add3A_96, %dma_start3A_134] : memref<10240x128xf32, #tpu.memory_space<vmem_shared>> -> memref<32x128xf32, #tpu.memory_space<vmem_shared>>
      %dma_start3A_136 = arith.constant 0 : i32
      %dma_start3A_137 = tpu.memref_slice %arg12[%add3A_96, %dma_start3A_136] : memref<10240x128xf32, #tpu.memory_space<vmem_shared>> -> memref<32x128xf32, #tpu.memory_space<vmem_shared>>
      tpu.enqueue_dma source(%arg11 : memref<32x128xf32, #tpu.memory_space<vmem>>) target(%dma_start3A_137 : memref<32x128xf32, #tpu.memory_space<vmem_shared>>) target_semaphore(%run_scoped3A_133 : memref<!tpu.dma_semaphore, #tpu.memory_space<semaphore_mem>>)
      %dma_wait3A_138 = arith.constant 0 : i32
      %dma_wait3A_139 = tpu.memref_slice %arg12[%add3A_96, %dma_wait3A_138] : memref<10240x128xf32, #tpu.memory_space<vmem_shared>> -> memref<32x128xf32, #tpu.memory_space<vmem_shared>>
      %dma_wait3A_140 = arith.constant 0 : i32
      %dma_wait3A_141 = tpu.memref_slice %arg12[%add3A_96, %dma_wait3A_140] : memref<10240x128xf32, #tpu.memory_space<vmem_shared>> -> memref<32x128xf32, #tpu.memory_space<vmem_shared>>
      tpu.wait_dma2 semaphore(%run_scoped3A_133 : memref<!tpu.dma_semaphore, #tpu.memory_space<semaphore_mem>>) src(%arg11 : memref<32x128xf32, #tpu.memory_space<vmem>>) dst(%dma_wait3A_141 : memref<32x128xf32, #tpu.memory_space<vmem_shared>>)
      tpu.yield
    }) : () -> ()
    %mul3A_97 = arith.constant 640 : i32
    %mul3A_98 = arith.muli %arg1, %mul3A_97 : i32
    %add3A_99 = arith.constant 608 : i32
    %add3A_100 = arith.addi %mul3A_98, %add3A_99 : i32
    "tpu.region"() ({
      %run_scoped3A_133 = tpu.sem_alloc : memref<!tpu.dma_semaphore, #tpu.memory_space<semaphore_mem>>
      %dma_start3A_134 = arith.constant 0 : i32
      %dma_start3A_135 = tpu.memref_slice %arg12[%add3A_100, %dma_start3A_134] : memref<10240x128xf32, #tpu.memory_space<vmem_shared>> -> memref<32x128xf32, #tpu.memory_space<vmem_shared>>
      %dma_start3A_136 = arith.constant 0 : i32
      %dma_start3A_137 = tpu.memref_slice %arg12[%add3A_100, %dma_start3A_136] : memref<10240x128xf32, #tpu.memory_space<vmem_shared>> -> memref<32x128xf32, #tpu.memory_space<vmem_shared>>
      tpu.enqueue_dma source(%arg11 : memref<32x128xf32, #tpu.memory_space<vmem>>) target(%dma_start3A_137 : memref<32x128xf32, #tpu.memory_space<vmem_shared>>) target_semaphore(%run_scoped3A_133 : memref<!tpu.dma_semaphore, #tpu.memory_space<semaphore_mem>>)
      %dma_wait3A_138 = arith.constant 0 : i32
      %dma_wait3A_139 = tpu.memref_slice %arg12[%add3A_100, %dma_wait3A_138] : memref<10240x128xf32, #tpu.memory_space<vmem_shared>> -> memref<32x128xf32, #tpu.memory_space<vmem_shared>>
      %dma_wait3A_140 = arith.constant 0 : i32
      %dma_wait3A_141 = tpu.memref_slice %arg12[%add3A_100, %dma_wait3A_140] : memref<10240x128xf32, #tpu.memory_space<vmem_shared>> -> memref<32x128xf32, #tpu.memory_space<vmem_shared>>
      tpu.wait_dma2 semaphore(%run_scoped3A_133 : memref<!tpu.dma_semaphore, #tpu.memory_space<semaphore_mem>>) src(%arg11 : memref<32x128xf32, #tpu.memory_space<vmem>>) dst(%dma_wait3A_141 : memref<32x128xf32, #tpu.memory_space<vmem_shared>>)
      tpu.yield
    }) : () -> ()
    %barrier3A = arith.constant 0 : index
    tpu.barrier barrier_id(%barrier3A)
    %scan3A_101 = arith.constant 0 : i32
    %scan3A_102 = arith.constant 0 : i32
    %scan3A_103 = arith.constant 42 : i32
    %scan3A_104 = arith.addi %scan3A_102, %scan3A_103 : i32
    %scan3A_105 = arith.constant 1 : i32
    %scan3A_106 = scf.for %scan3A_133 = %scan3A_102 to %scan3A_104 step %scan3A_105 iter_args(%scan3A_134 = %scan3A_101) -> (i32)  : i32 {
      %mul3A_135 = arith.constant 3 : i32
      %mul3A_136 = arith.muli %mul3A_135, %scan3A_133 : i32
      %jit3A = arith.constant 25 : i32
      %eq3A = arith.constant 0 : i32
      %eq3A_137 = arith.cmpi eq, %jit3A, %eq3A : i32
      %jit3A_138 = arith.constant 1 : i32
      %select_n3A = arith.select %eq3A_137, %jit3A_138, %jit3A : i32
      %rem3A = arith.remsi %mul3A_136, %select_n3A : i32
      %ne3A = arith.constant 0 : i32
      %ne3A_139 = arith.cmpi ne, %rem3A, %ne3A : i32
      %lt3A = arith.constant 0 : i32
      %lt3A_140 = arith.cmpi slt, %rem3A, %lt3A : i32
      %lt3A_141 = arith.constant 0 : i32
      %lt3A_142 = arith.cmpi slt, %select_n3A, %lt3A_141 : i32
      %ne3A_143 = arith.xori %lt3A_140, %lt3A_142 : i1
      %and3A = arith.andi %ne3A_143, %ne3A_139 : i1
      %add3A_144 = arith.addi %rem3A, %select_n3A : i32
      %select_n3A_145 = arith.select %and3A, %add3A_144, %rem3A : i32
      %eq3A_146 = arith.constant 0 : i32
      %eq3A_147 = arith.cmpi eq, %select_n3A_145, %eq3A_146 : i32
      %convert_element_type3A = arith.extui %eq3A_147 : i1 to i32
      %cond3A = arith.constant 0 : i32
      %cond3A_148 = arith.cmpi ne, %convert_element_type3A, %cond3A : i32
      scf.if %cond3A_148 {
        %jit3A_203 = arith.constant 25 : i32
        %div3A = arith.divsi %mul3A_136, %jit3A_203 : i32
        %sign3A = arith.constant 0 : i32
        %sign3A_204 = arith.cmpi sgt, %mul3A_136, %sign3A : i32
        %sign3A_205 = arith.extui %sign3A_204 : i1 to i32
        %sign3A_206 = arith.constant 0 : i32
        %sign3A_207 = arith.cmpi slt, %mul3A_136, %sign3A_206 : i32
        %sign3A_208 = arith.extui %sign3A_207 : i1 to i32
        %sign3A_209 = arith.subi %sign3A_205, %sign3A_208 : i32
        %sign3A_210 = arith.constant 0 : i32
        %sign3A_211 = arith.cmpi sgt, %jit3A_203, %sign3A_210 : i32
        %sign3A_212 = arith.extui %sign3A_211 : i1 to i32
        %sign3A_213 = arith.constant 0 : i32
        %sign3A_214 = arith.cmpi slt, %jit3A_203, %sign3A_213 : i32
        %sign3A_215 = arith.extui %sign3A_214 : i1 to i32
        %sign3A_216 = arith.subi %sign3A_212, %sign3A_215 : i32
        %ne3A_217 = arith.cmpi ne, %sign3A_209, %sign3A_216 : i32
        %rem3A_218 = arith.remsi %mul3A_136, %jit3A_203 : i32
        %ne3A_219 = arith.constant 0 : i32
        %ne3A_220 = arith.cmpi ne, %rem3A_218, %ne3A_219 : i32
        %and3A_221 = arith.andi %ne3A_217, %ne3A_220 : i1
        %sub3A = arith.constant 1 : i32
        %sub3A_222 = arith.subi %div3A, %sub3A : i32
        %select_n3A_223 = arith.select %and3A_221, %sub3A_222, %div3A : i32
        %jit3A_224 = arith.constant 2 : i32
        %eq3A_225 = arith.constant 0 : i32
        %eq3A_226 = arith.cmpi eq, %jit3A_224, %eq3A_225 : i32
        %jit3A_227 = arith.constant 1 : i32
        %select_n3A_228 = arith.select %eq3A_226, %jit3A_227, %jit3A_224 : i32
        %rem3A_229 = arith.remsi %select_n3A_223, %select_n3A_228 : i32
        %ne3A_230 = arith.constant 0 : i32
        %ne3A_231 = arith.cmpi ne, %rem3A_229, %ne3A_230 : i32
        %lt3A_232 = arith.constant 0 : i32
        %lt3A_233 = arith.cmpi slt, %rem3A_229, %lt3A_232 : i32
        %lt3A_234 = arith.constant 0 : i32
        %lt3A_235 = arith.cmpi slt, %select_n3A_228, %lt3A_234 : i32
        %ne3A_236 = arith.xori %lt3A_233, %lt3A_235 : i1
        %and3A_237 = arith.andi %ne3A_236, %ne3A_231 : i1
        %add3A_238 = arith.addi %rem3A_229, %select_n3A_228 : i32
        %select_n3A_239 = arith.select %and3A_237, %add3A_238, %rem3A_229 : i32
        %jit3A_240 = arith.constant 25 : i32
        %div3A_241 = arith.divsi %mul3A_136, %jit3A_240 : i32
        %sign3A_242 = arith.constant 0 : i32
        %sign3A_243 = arith.cmpi sgt, %mul3A_136, %sign3A_242 : i32
        %sign3A_244 = arith.extui %sign3A_243 : i1 to i32
        %sign3A_245 = arith.constant 0 : i32
        %sign3A_246 = arith.cmpi slt, %mul3A_136, %sign3A_245 : i32
        %sign3A_247 = arith.extui %sign3A_246 : i1 to i32
        %sign3A_248 = arith.subi %sign3A_244, %sign3A_247 : i32
        %sign3A_249 = arith.constant 0 : i32
        %sign3A_250 = arith.cmpi sgt, %jit3A_240, %sign3A_249 : i32
        %sign3A_251 = arith.extui %sign3A_250 : i1 to i32
        %sign3A_252 = arith.constant 0 : i32
        %sign3A_253 = arith.cmpi slt, %jit3A_240, %sign3A_252 : i32
        %sign3A_254 = arith.extui %sign3A_253 : i1 to i32
        %sign3A_255 = arith.subi %sign3A_251, %sign3A_254 : i32
        %ne3A_256 = arith.cmpi ne, %sign3A_248, %sign3A_255 : i32
        %rem3A_257 = arith.remsi %mul3A_136, %jit3A_240 : i32
        %ne3A_258 = arith.constant 0 : i32
        %ne3A_259 = arith.cmpi ne, %rem3A_257, %ne3A_258 : i32
        %and3A_260 = arith.andi %ne3A_256, %ne3A_259 : i1
        %sub3A_261 = arith.constant 1 : i32
        %sub3A_262 = arith.subi %div3A_241, %sub3A_261 : i32
        %select_n3A_263 = arith.select %and3A_260, %sub3A_262, %div3A_241 : i32
        %mul3A_264 = arith.constant 25 : i32
        %mul3A_265 = arith.muli %select_n3A_239, %mul3A_264 : i32
        "tpu.region"() ({
          %run_scoped3A_266 = tpu.sem_alloc : memref<!tpu.dma_semaphore, #tpu.memory_space<semaphore_mem>>
          %dma_start3A_267 = arith.constant 0 : i32
          %dma_start3A_268 = tpu.memref_slice %arg7[%mul3A_265, %dma_start3A_267] : memref<50x80xi32, #tpu.memory_space<vmem>> -> memref<25x80xi32, #tpu.memory_space<vmem>>
          %dma_start3A_269 = arith.constant 0 : i32
          %dma_start3A_270 = arith.constant 0 : i32
          %dma_start3A_271 = tpu.memref_slice %arg4[%add3A, %select_n3A_263, %dma_start3A_269, %dma_start3A_270] : memref<32x5x25x80xi32, #tpu.memory_space<hbm>> -> memref<1x1x25x80xi32, #tpu.memory_space<hbm>>
          %dma_start3A_272 = tpu.memref_squeeze %dma_start3A_271 : memref<1x1x25x80xi32, #tpu.memory_space<hbm>> -> memref<25x80xi32, #tpu.memory_space<hbm>>
          %dma_start3A_273 = arith.constant 0 : i32
          %dma_start3A_274 = tpu.memref_slice %arg7[%mul3A_265, %dma_start3A_273] : memref<50x80xi32, #tpu.memory_space<vmem>> -> memref<25x80xi32, #tpu.memory_space<vmem>>
          %dma_start3A_275 = arith.constant 0 : i32
          %dma_start3A_276 = arith.constant 0 : i32
          %dma_start3A_277 = tpu.memref_slice %arg4[%add3A, %select_n3A_263, %dma_start3A_275, %dma_start3A_276] : memref<32x5x25x80xi32, #tpu.memory_space<hbm>> -> memref<1x1x25x80xi32, #tpu.memory_space<hbm>>
          %dma_start3A_278 = tpu.memref_squeeze %dma_start3A_277 : memref<1x1x25x80xi32, #tpu.memory_space<hbm>> -> memref<25x80xi32, #tpu.memory_space<hbm>>
          tpu.enqueue_dma source(%dma_start3A_278 : memref<25x80xi32, #tpu.memory_space<hbm>>) target(%dma_start3A_274 : memref<25x80xi32, #tpu.memory_space<vmem>>) target_semaphore(%run_scoped3A_266 : memref<!tpu.dma_semaphore, #tpu.memory_space<semaphore_mem>>)
          %dma_wait3A_279 = arith.constant 0 : i32
          %dma_wait3A_280 = tpu.memref_slice %arg7[%mul3A_265, %dma_wait3A_279] : memref<50x80xi32, #tpu.memory_space<vmem>> -> memref<25x80xi32, #tpu.memory_space<vmem>>
          %dma_wait3A_281 = arith.constant 0 : i32
          %dma_wait3A_282 = arith.constant 0 : i32
          %dma_wait3A_283 = tpu.memref_slice %arg4[%add3A, %select_n3A_263, %dma_wait3A_281, %dma_wait3A_282] : memref<32x5x25x80xi32, #tpu.memory_space<hbm>> -> memref<1x1x25x80xi32, #tpu.memory_space<hbm>>
          %dma_wait3A_284 = tpu.memref_squeeze %dma_wait3A_283 : memref<1x1x25x80xi32, #tpu.memory_space<hbm>> -> memref<25x80xi32, #tpu.memory_space<hbm>>
          %dma_wait3A_285 = arith.constant 0 : i32
          %dma_wait3A_286 = tpu.memref_slice %arg7[%mul3A_265, %dma_wait3A_285] : memref<50x80xi32, #tpu.memory_space<vmem>> -> memref<25x80xi32, #tpu.memory_space<vmem>>
          %dma_wait3A_287 = arith.constant 0 : i32
          %dma_wait3A_288 = arith.constant 0 : i32
          %dma_wait3A_289 = tpu.memref_slice %arg4[%add3A, %select_n3A_263, %dma_wait3A_287, %dma_wait3A_288] : memref<32x5x25x80xi32, #tpu.memory_space<hbm>> -> memref<1x1x25x80xi32, #tpu.memory_space<hbm>>
          %dma_wait3A_290 = tpu.memref_squeeze %dma_wait3A_289 : memref<1x1x25x80xi32, #tpu.memory_space<hbm>> -> memref<25x80xi32, #tpu.memory_space<hbm>>
          tpu.wait_dma2 semaphore(%run_scoped3A_266 : memref<!tpu.dma_semaphore, #tpu.memory_space<semaphore_mem>>) src(%dma_wait3A_290 : memref<25x80xi32, #tpu.memory_space<hbm>>) dst(%dma_wait3A_286 : memref<25x80xi32, #tpu.memory_space<vmem>>)
          tpu.yield
        }) : () -> ()
      } else {
      }
      %dma_wait3A_149 = arith.constant 0 : i32
      %dma_wait3A_150 = arith.constant 0 : i32
      %dma_wait3A_151 = tpu.memref_slice %arg2[%dma_wait3A_149, %dma_wait3A_150] : memref<10240x128xf32, #tpu.memory_space<hbm>> -> memref<80x128xf32, #tpu.memory_space<hbm>>
      %dma_wait3A_152 = arith.constant 0 : i32
      %dma_wait3A_153 = arith.constant 0 : i32
      %dma_wait3A_154 = tpu.memref_slice %arg2[%dma_wait3A_152, %dma_wait3A_153] : memref<10240x128xf32, #tpu.memory_space<hbm>> -> memref<80x128xf32, #tpu.memory_space<hbm>>
      tpu.wait_dma2 semaphore(%arg13 : memref<!tpu.dma_semaphore, #tpu.memory_space<semaphore_mem>>) src(%dma_wait3A_154 : memref<80x128xf32, #tpu.memory_space<hbm>>) dst(%arg8 : memref<80x128xf32, #tpu.memory_space<vmem>>)
      %jit3A_155 = arith.constant 50 : i32
      %eq3A_156 = arith.constant 0 : i32
      %eq3A_157 = arith.cmpi eq, %jit3A_155, %eq3A_156 : i32
      %jit3A_158 = arith.constant 1 : i32
      %select_n3A_159 = arith.select %eq3A_157, %jit3A_158, %jit3A_155 : i32
      %rem3A_160 = arith.remsi %mul3A_136, %select_n3A_159 : i32
      %ne3A_161 = arith.constant 0 : i32
      %ne3A_162 = arith.cmpi ne, %rem3A_160, %ne3A_161 : i32
      %lt3A_163 = arith.constant 0 : i32
      %lt3A_164 = arith.cmpi slt, %rem3A_160, %lt3A_163 : i32
      %lt3A_165 = arith.constant 0 : i32
      %lt3A_166 = arith.cmpi slt, %select_n3A_159, %lt3A_165 : i32
      %ne3A_167 = arith.xori %lt3A_164, %lt3A_166 : i1
      %and3A_168 = arith.andi %ne3A_167, %ne3A_162 : i1
      %add3A_169 = arith.addi %rem3A_160, %select_n3A_159 : i32
      %select_n3A_170 = arith.select %and3A_168, %add3A_169, %rem3A_160 : i32
      %dma_start3A_171 = arith.constant 0 : i32
      %dma_start3A_172 = tpu.memref_slice %arg7[%select_n3A_170, %dma_start3A_171] : memref<50x80xi32, #tpu.memory_space<vmem>> -> memref<1x80xi32, #tpu.memory_space<vmem>>
      %dma_start3A_173 = tpu.memref_squeeze %dma_start3A_172 : memref<1x80xi32, #tpu.memory_space<vmem>> -> memref<80xi32, #tpu.memory_space<vmem>>
      %dma_start3A_174 = arith.constant 0 : i32
      %dma_start3A_175 = arith.constant 0 : i32
      %dma_start3A_176 = tpu.memref_slice %arg12[%dma_start3A_174, %dma_start3A_175] : memref<10240x128xf32, #tpu.memory_space<vmem_shared>> -> memref<10240x128xf32, #tpu.memory_space<vmem_shared>>
      tpu.enqueue_indirect_dma source(%arg8 : memref<80x128xf32, #tpu.memory_space<vmem>>) target(%dma_start3A_176 : memref<10240x128xf32, #tpu.memory_space<vmem_shared>>) offsets(%dma_start3A_173 : memref<80xi32, #tpu.memory_space<vmem>>) semaphore(%arg16 : memref<!tpu.dma_semaphore, #tpu.memory_space<semaphore_mem>>) {add = true}
      %add3A_177 = arith.constant 2 : i32
      %add3A_178 = arith.addi %mul3A_136, %add3A_177 : i32
      %lt3A_179 = arith.constant 125 : i32
      %lt3A_180 = arith.cmpi slt, %add3A_178, %lt3A_179 : i32
      %convert_element_type3A_181 = arith.extui %lt3A_180 : i1 to i32
      %cond3A_182 = arith.constant 0 : i32
      %cond3A_183 = arith.cmpi ne, %convert_element_type3A_181, %cond3A_182 : i32
      scf.if %cond3A_183 {
        %jit3A_203 = arith.constant 25 : i32
        %eq3A_204 = arith.constant 0 : i32
        %eq3A_205 = arith.cmpi eq, %jit3A_203, %eq3A_204 : i32
        %jit3A_206 = arith.constant 1 : i32
        %select_n3A_207 = arith.select %eq3A_205, %jit3A_206, %jit3A_203 : i32
        %rem3A_208 = arith.remsi %add3A_178, %select_n3A_207 : i32
        %ne3A_209 = arith.constant 0 : i32
        %ne3A_210 = arith.cmpi ne, %rem3A_208, %ne3A_209 : i32
        %lt3A_211 = arith.constant 0 : i32
        %lt3A_212 = arith.cmpi slt, %rem3A_208, %lt3A_211 : i32
        %lt3A_213 = arith.constant 0 : i32
        %lt3A_214 = arith.cmpi slt, %select_n3A_207, %lt3A_213 : i32
        %ne3A_215 = arith.xori %lt3A_212, %lt3A_214 : i1
        %and3A_216 = arith.andi %ne3A_215, %ne3A_210 : i1
        %add3A_217 = arith.addi %rem3A_208, %select_n3A_207 : i32
        %select_n3A_218 = arith.select %and3A_216, %add3A_217, %rem3A_208 : i32
        %eq3A_219 = arith.constant 0 : i32
        %eq3A_220 = arith.cmpi eq, %select_n3A_218, %eq3A_219 : i32
        %convert_element_type3A_221 = arith.extui %eq3A_220 : i1 to i32
        %cond3A_222 = arith.constant 0 : i32
        %cond3A_223 = arith.cmpi ne, %convert_element_type3A_221, %cond3A_222 : i32
        scf.if %cond3A_223 {
          %jit3A_250 = arith.constant 25 : i32
          %div3A = arith.divsi %add3A_178, %jit3A_250 : i32
          %sign3A = arith.constant 0 : i32
          %sign3A_251 = arith.cmpi sgt, %add3A_178, %sign3A : i32
          %sign3A_252 = arith.extui %sign3A_251 : i1 to i32
          %sign3A_253 = arith.constant 0 : i32
          %sign3A_254 = arith.cmpi slt, %add3A_178, %sign3A_253 : i32
          %sign3A_255 = arith.extui %sign3A_254 : i1 to i32
          %sign3A_256 = arith.subi %sign3A_252, %sign3A_255 : i32
          %sign3A_257 = arith.constant 0 : i32
          %sign3A_258 = arith.cmpi sgt, %jit3A_250, %sign3A_257 : i32
          %sign3A_259 = arith.extui %sign3A_258 : i1 to i32
          %sign3A_260 = arith.constant 0 : i32
          %sign3A_261 = arith.cmpi slt, %jit3A_250, %sign3A_260 : i32
          %sign3A_262 = arith.extui %sign3A_261 : i1 to i32
          %sign3A_263 = arith.subi %sign3A_259, %sign3A_262 : i32
          %ne3A_264 = arith.cmpi ne, %sign3A_256, %sign3A_263 : i32
          %rem3A_265 = arith.remsi %add3A_178, %jit3A_250 : i32
          %ne3A_266 = arith.constant 0 : i32
          %ne3A_267 = arith.cmpi ne, %rem3A_265, %ne3A_266 : i32
          %and3A_268 = arith.andi %ne3A_264, %ne3A_267 : i1
          %sub3A = arith.constant 1 : i32
          %sub3A_269 = arith.subi %div3A, %sub3A : i32
          %select_n3A_270 = arith.select %and3A_268, %sub3A_269, %div3A : i32
          %jit3A_271 = arith.constant 2 : i32
          %eq3A_272 = arith.constant 0 : i32
          %eq3A_273 = arith.cmpi eq, %jit3A_271, %eq3A_272 : i32
          %jit3A_274 = arith.constant 1 : i32
          %select_n3A_275 = arith.select %eq3A_273, %jit3A_274, %jit3A_271 : i32
          %rem3A_276 = arith.remsi %select_n3A_270, %select_n3A_275 : i32
          %ne3A_277 = arith.constant 0 : i32
          %ne3A_278 = arith.cmpi ne, %rem3A_276, %ne3A_277 : i32
          %lt3A_279 = arith.constant 0 : i32
          %lt3A_280 = arith.cmpi slt, %rem3A_276, %lt3A_279 : i32
          %lt3A_281 = arith.constant 0 : i32
          %lt3A_282 = arith.cmpi slt, %select_n3A_275, %lt3A_281 : i32
          %ne3A_283 = arith.xori %lt3A_280, %lt3A_282 : i1
          %and3A_284 = arith.andi %ne3A_283, %ne3A_278 : i1
          %add3A_285 = arith.addi %rem3A_276, %select_n3A_275 : i32
          %select_n3A_286 = arith.select %and3A_284, %add3A_285, %rem3A_276 : i32
          %jit3A_287 = arith.constant 25 : i32
          %div3A_288 = arith.divsi %add3A_178, %jit3A_287 : i32
          %sign3A_289 = arith.constant 0 : i32
          %sign3A_290 = arith.cmpi sgt, %add3A_178, %sign3A_289 : i32
          %sign3A_291 = arith.extui %sign3A_290 : i1 to i32
          %sign3A_292 = arith.constant 0 : i32
          %sign3A_293 = arith.cmpi slt, %add3A_178, %sign3A_292 : i32
          %sign3A_294 = arith.extui %sign3A_293 : i1 to i32
          %sign3A_295 = arith.subi %sign3A_291, %sign3A_294 : i32
          %sign3A_296 = arith.constant 0 : i32
          %sign3A_297 = arith.cmpi sgt, %jit3A_287, %sign3A_296 : i32
          %sign3A_298 = arith.extui %sign3A_297 : i1 to i32
          %sign3A_299 = arith.constant 0 : i32
          %sign3A_300 = arith.cmpi slt, %jit3A_287, %sign3A_299 : i32
          %sign3A_301 = arith.extui %sign3A_300 : i1 to i32
          %sign3A_302 = arith.subi %sign3A_298, %sign3A_301 : i32
          %ne3A_303 = arith.cmpi ne, %sign3A_295, %sign3A_302 : i32
          %rem3A_304 = arith.remsi %add3A_178, %jit3A_287 : i32
          %ne3A_305 = arith.constant 0 : i32
          %ne3A_306 = arith.cmpi ne, %rem3A_304, %ne3A_305 : i32
          %and3A_307 = arith.andi %ne3A_303, %ne3A_306 : i1
          %sub3A_308 = arith.constant 1 : i32
          %sub3A_309 = arith.subi %div3A_288, %sub3A_308 : i32
          %select_n3A_310 = arith.select %and3A_307, %sub3A_309, %div3A_288 : i32
          %mul3A_311 = arith.constant 25 : i32
          %mul3A_312 = arith.muli %select_n3A_286, %mul3A_311 : i32
          "tpu.region"() ({
            %run_scoped3A_313 = tpu.sem_alloc : memref<!tpu.dma_semaphore, #tpu.memory_space<semaphore_mem>>
            %dma_start3A_314 = arith.constant 0 : i32
            %dma_start3A_315 = tpu.memref_slice %arg6[%mul3A_312, %dma_start3A_314] : memref<50x80xi32, #tpu.memory_space<vmem>> -> memref<25x80xi32, #tpu.memory_space<vmem>>
            %dma_start3A_316 = arith.constant 0 : i32
            %dma_start3A_317 = arith.constant 0 : i32
            %dma_start3A_318 = tpu.memref_slice %arg3[%add3A, %select_n3A_310, %dma_start3A_316, %dma_start3A_317] : memref<32x5x25x80xi32, #tpu.memory_space<hbm>> -> memref<1x1x25x80xi32, #tpu.memory_space<hbm>>
            %dma_start3A_319 = tpu.memref_squeeze %dma_start3A_318 : memref<1x1x25x80xi32, #tpu.memory_space<hbm>> -> memref<25x80xi32, #tpu.memory_space<hbm>>
            %dma_start3A_320 = arith.constant 0 : i32
            %dma_start3A_321 = tpu.memref_slice %arg6[%mul3A_312, %dma_start3A_320] : memref<50x80xi32, #tpu.memory_space<vmem>> -> memref<25x80xi32, #tpu.memory_space<vmem>>
            %dma_start3A_322 = arith.constant 0 : i32
            %dma_start3A_323 = arith.constant 0 : i32
            %dma_start3A_324 = tpu.memref_slice %arg3[%add3A, %select_n3A_310, %dma_start3A_322, %dma_start3A_323] : memref<32x5x25x80xi32, #tpu.memory_space<hbm>> -> memref<1x1x25x80xi32, #tpu.memory_space<hbm>>
            %dma_start3A_325 = tpu.memref_squeeze %dma_start3A_324 : memref<1x1x25x80xi32, #tpu.memory_space<hbm>> -> memref<25x80xi32, #tpu.memory_space<hbm>>
            tpu.enqueue_dma source(%dma_start3A_325 : memref<25x80xi32, #tpu.memory_space<hbm>>) target(%dma_start3A_321 : memref<25x80xi32, #tpu.memory_space<vmem>>) target_semaphore(%run_scoped3A_313 : memref<!tpu.dma_semaphore, #tpu.memory_space<semaphore_mem>>)
            %dma_wait3A_326 = arith.constant 0 : i32
            %dma_wait3A_327 = tpu.memref_slice %arg6[%mul3A_312, %dma_wait3A_326] : memref<50x80xi32, #tpu.memory_space<vmem>> -> memref<25x80xi32, #tpu.memory_space<vmem>>
            %dma_wait3A_328 = arith.constant 0 : i32
            %dma_wait3A_329 = arith.constant 0 : i32
            %dma_wait3A_330 = tpu.memref_slice %arg3[%add3A, %select_n3A_310, %dma_wait3A_328, %dma_wait3A_329] : memref<32x5x25x80xi32, #tpu.memory_space<hbm>> -> memref<1x1x25x80xi32, #tpu.memory_space<hbm>>
            %dma_wait3A_331 = tpu.memref_squeeze %dma_wait3A_330 : memref<1x1x25x80xi32, #tpu.memory_space<hbm>> -> memref<25x80xi32, #tpu.memory_space<hbm>>
            %dma_wait3A_332 = arith.constant 0 : i32
            %dma_wait3A_333 = tpu.memref_slice %arg6[%mul3A_312, %dma_wait3A_332] : memref<50x80xi32, #tpu.memory_space<vmem>> -> memref<25x80xi32, #tpu.memory_space<vmem>>
            %dma_wait3A_334 = arith.constant 0 : i32
            %dma_wait3A_335 = arith.constant 0 : i32
            %dma_wait3A_336 = tpu.memref_slice %arg3[%add3A, %select_n3A_310, %dma_wait3A_334, %dma_wait3A_335] : memref<32x5x25x80xi32, #tpu.memory_space<hbm>> -> memref<1x1x25x80xi32, #tpu.memory_space<hbm>>
            %dma_wait3A_337 = tpu.memref_squeeze %dma_wait3A_336 : memref<1x1x25x80xi32, #tpu.memory_space<hbm>> -> memref<25x80xi32, #tpu.memory_space<hbm>>
            tpu.wait_dma2 semaphore(%run_scoped3A_313 : memref<!tpu.dma_semaphore, #tpu.memory_space<semaphore_mem>>) src(%dma_wait3A_337 : memref<25x80xi32, #tpu.memory_space<hbm>>) dst(%dma_wait3A_333 : memref<25x80xi32, #tpu.memory_space<vmem>>)
            tpu.yield
          }) : () -> ()
        } else {
        }
        %ge3A = arith.constant 1 : i32
        %ge3A_224 = arith.cmpi sge, %mul3A_136, %ge3A : i32
        %convert_element_type3A_225 = arith.extui %ge3A_224 : i1 to i32
        %cond3A_226 = arith.constant 0 : i32
        %cond3A_227 = arith.cmpi ne, %convert_element_type3A_225, %cond3A_226 : i32
        scf.if %cond3A_227 {
          %dma_wait3A_250 = arith.constant 0 : i32
          %dma_wait3A_251 = arith.constant 0 : i32
          %dma_wait3A_252 = tpu.memref_slice %arg12[%dma_wait3A_250, %dma_wait3A_251] : memref<10240x128xf32, #tpu.memory_space<vmem_shared>> -> memref<80x128xf32, #tpu.memory_space<vmem_shared>>
          %dma_wait3A_253 = arith.constant 0 : i32
          %dma_wait3A_254 = arith.constant 0 : i32
          %dma_wait3A_255 = tpu.memref_slice %arg12[%dma_wait3A_253, %dma_wait3A_254] : memref<10240x128xf32, #tpu.memory_space<vmem_shared>> -> memref<80x128xf32, #tpu.memory_space<vmem_shared>>
          tpu.wait_dma2 semaphore(%arg18 : memref<!tpu.dma_semaphore, #tpu.memory_space<semaphore_mem>>) src(%arg10 : memref<80x128xf32, #tpu.memory_space<vmem>>) dst(%dma_wait3A_255 : memref<80x128xf32, #tpu.memory_space<vmem_shared>>)
        } else {
        }
        %jit3A_228 = arith.constant 50 : i32
        %eq3A_229 = arith.constant 0 : i32
        %eq3A_230 = arith.cmpi eq, %jit3A_228, %eq3A_229 : i32
        %jit3A_231 = arith.constant 1 : i32
        %select_n3A_232 = arith.select %eq3A_230, %jit3A_231, %jit3A_228 : i32
        %rem3A_233 = arith.remsi %add3A_178, %select_n3A_232 : i32
        %ne3A_234 = arith.constant 0 : i32
        %ne3A_235 = arith.cmpi ne, %rem3A_233, %ne3A_234 : i32
        %lt3A_236 = arith.constant 0 : i32
        %lt3A_237 = arith.cmpi slt, %rem3A_233, %lt3A_236 : i32
        %lt3A_238 = arith.constant 0 : i32
        %lt3A_239 = arith.cmpi slt, %select_n3A_232, %lt3A_238 : i32
        %ne3A_240 = arith.xori %lt3A_237, %lt3A_239 : i1
        %and3A_241 = arith.andi %ne3A_240, %ne3A_235 : i1
        %add3A_242 = arith.addi %rem3A_233, %select_n3A_232 : i32
        %select_n3A_243 = arith.select %and3A_241, %add3A_242, %rem3A_233 : i32
        %dma_start3A_244 = arith.constant 0 : i32
        %dma_start3A_245 = tpu.memref_slice %arg6[%select_n3A_243, %dma_start3A_244] : memref<50x80xi32, #tpu.memory_space<vmem>> -> memref<1x80xi32, #tpu.memory_space<vmem>>
        %dma_start3A_246 = tpu.memref_squeeze %dma_start3A_245 : memref<1x80xi32, #tpu.memory_space<vmem>> -> memref<80xi32, #tpu.memory_space<vmem>>
        %dma_start3A_247 = arith.constant 0 : i32
        %dma_start3A_248 = arith.constant 0 : i32
        %dma_start3A_249 = tpu.memref_slice %arg2[%dma_start3A_247, %dma_start3A_248] : memref<10240x128xf32, #tpu.memory_space<hbm>> -> memref<10240x128xf32, #tpu.memory_space<hbm>>
        tpu.enqueue_indirect_dma source(%dma_start3A_249 : memref<10240x128xf32, #tpu.memory_space<hbm>>) target(%arg10 : memref<80x128xf32, #tpu.memory_space<vmem>>) offsets(%dma_start3A_246 : memref<80xi32, #tpu.memory_space<vmem>>) semaphore(%arg15 : memref<!tpu.dma_semaphore, #tpu.memory_space<semaphore_mem>>)
      } else {
      }
      %mul3A_184 = arith.constant 3 : i32
      %mul3A_185 = arith.muli %mul3A_184, %scan3A_133 : i32
      %add3A_186 = arith.constant 1 : i32
      %add3A_187 = arith.addi %mul3A_185, %add3A_186 : i32
      %lt3A_188 = arith.constant 125 : i32
      %lt3A_189 = arith.cmpi slt, %add3A_187, %lt3A_188 : i32
      %convert_element_type3A_190 = arith.extui %lt3A_189 : i1 to i32
      %cond3A_191 = arith.constant 0 : i32
      %cond3A_192 = arith.cmpi ne, %convert_element_type3A_190, %cond3A_191 : i32
      scf.if %cond3A_192 {
        %mul3A_203 = arith.constant 3 : i32
        %mul3A_204 = arith.muli %mul3A_203, %scan3A_133 : i32
        %add3A_205 = arith.constant 1 : i32
        %add3A_206 = arith.addi %mul3A_204, %add3A_205 : i32
        %jit3A_207 = arith.constant 25 : i32
        %eq3A_208 = arith.constant 0 : i32
        %eq3A_209 = arith.cmpi eq, %jit3A_207, %eq3A_208 : i32
        %jit3A_210 = arith.constant 1 : i32
        %select_n3A_211 = arith.select %eq3A_209, %jit3A_210, %jit3A_207 : i32
        %rem3A_212 = arith.remsi %add3A_206, %select_n3A_211 : i32
        %ne3A_213 = arith.constant 0 : i32
        %ne3A_214 = arith.cmpi ne, %rem3A_212, %ne3A_213 : i32
        %lt3A_215 = arith.constant 0 : i32
        %lt3A_216 = arith.cmpi slt, %rem3A_212, %lt3A_215 : i32
        %lt3A_217 = arith.constant 0 : i32
        %lt3A_218 = arith.cmpi slt, %select_n3A_211, %lt3A_217 : i32
        %ne3A_219 = arith.xori %lt3A_216, %lt3A_218 : i1
        %and3A_220 = arith.andi %ne3A_219, %ne3A_214 : i1
        %add3A_221 = arith.addi %rem3A_212, %select_n3A_211 : i32
        %select_n3A_222 = arith.select %and3A_220, %add3A_221, %rem3A_212 : i32
        %eq3A_223 = arith.constant 0 : i32
        %eq3A_224 = arith.cmpi eq, %select_n3A_222, %eq3A_223 : i32
        %convert_element_type3A_225 = arith.extui %eq3A_224 : i1 to i32
        %cond3A_226 = arith.constant 0 : i32
        %cond3A_227 = arith.cmpi ne, %convert_element_type3A_225, %cond3A_226 : i32
        scf.if %cond3A_227 {
          %jit3A_263 = arith.constant 25 : i32
          %div3A = arith.divsi %add3A_206, %jit3A_263 : i32
          %sign3A = arith.constant 0 : i32
          %sign3A_264 = arith.cmpi sgt, %add3A_206, %sign3A : i32
          %sign3A_265 = arith.extui %sign3A_264 : i1 to i32
          %sign3A_266 = arith.constant 0 : i32
          %sign3A_267 = arith.cmpi slt, %add3A_206, %sign3A_266 : i32
          %sign3A_268 = arith.extui %sign3A_267 : i1 to i32
          %sign3A_269 = arith.subi %sign3A_265, %sign3A_268 : i32
          %sign3A_270 = arith.constant 0 : i32
          %sign3A_271 = arith.cmpi sgt, %jit3A_263, %sign3A_270 : i32
          %sign3A_272 = arith.extui %sign3A_271 : i1 to i32
          %sign3A_273 = arith.constant 0 : i32
          %sign3A_274 = arith.cmpi slt, %jit3A_263, %sign3A_273 : i32
          %sign3A_275 = arith.extui %sign3A_274 : i1 to i32
          %sign3A_276 = arith.subi %sign3A_272, %sign3A_275 : i32
          %ne3A_277 = arith.cmpi ne, %sign3A_269, %sign3A_276 : i32
          %rem3A_278 = arith.remsi %add3A_206, %jit3A_263 : i32
          %ne3A_279 = arith.constant 0 : i32
          %ne3A_280 = arith.cmpi ne, %rem3A_278, %ne3A_279 : i32
          %and3A_281 = arith.andi %ne3A_277, %ne3A_280 : i1
          %sub3A = arith.constant 1 : i32
          %sub3A_282 = arith.subi %div3A, %sub3A : i32
          %select_n3A_283 = arith.select %and3A_281, %sub3A_282, %div3A : i32
          %jit3A_284 = arith.constant 2 : i32
          %eq3A_285 = arith.constant 0 : i32
          %eq3A_286 = arith.cmpi eq, %jit3A_284, %eq3A_285 : i32
          %jit3A_287 = arith.constant 1 : i32
          %select_n3A_288 = arith.select %eq3A_286, %jit3A_287, %jit3A_284 : i32
          %rem3A_289 = arith.remsi %select_n3A_283, %select_n3A_288 : i32
          %ne3A_290 = arith.constant 0 : i32
          %ne3A_291 = arith.cmpi ne, %rem3A_289, %ne3A_290 : i32
          %lt3A_292 = arith.constant 0 : i32
          %lt3A_293 = arith.cmpi slt, %rem3A_289, %lt3A_292 : i32
          %lt3A_294 = arith.constant 0 : i32
          %lt3A_295 = arith.cmpi slt, %select_n3A_288, %lt3A_294 : i32
          %ne3A_296 = arith.xori %lt3A_293, %lt3A_295 : i1
          %and3A_297 = arith.andi %ne3A_296, %ne3A_291 : i1
          %add3A_298 = arith.addi %rem3A_289, %select_n3A_288 : i32
          %select_n3A_299 = arith.select %and3A_297, %add3A_298, %rem3A_289 : i32
          %jit3A_300 = arith.constant 25 : i32
          %div3A_301 = arith.divsi %add3A_206, %jit3A_300 : i32
          %sign3A_302 = arith.constant 0 : i32
          %sign3A_303 = arith.cmpi sgt, %add3A_206, %sign3A_302 : i32
          %sign3A_304 = arith.extui %sign3A_303 : i1 to i32
          %sign3A_305 = arith.constant 0 : i32
          %sign3A_306 = arith.cmpi slt, %add3A_206, %sign3A_305 : i32
          %sign3A_307 = arith.extui %sign3A_306 : i1 to i32
          %sign3A_308 = arith.subi %sign3A_304, %sign3A_307 : i32
          %sign3A_309 = arith.constant 0 : i32
          %sign3A_310 = arith.cmpi sgt, %jit3A_300, %sign3A_309 : i32
          %sign3A_311 = arith.extui %sign3A_310 : i1 to i32
          %sign3A_312 = arith.constant 0 : i32
          %sign3A_313 = arith.cmpi slt, %jit3A_300, %sign3A_312 : i32
          %sign3A_314 = arith.extui %sign3A_313 : i1 to i32
          %sign3A_315 = arith.subi %sign3A_311, %sign3A_314 : i32
          %ne3A_316 = arith.cmpi ne, %sign3A_308, %sign3A_315 : i32
          %rem3A_317 = arith.remsi %add3A_206, %jit3A_300 : i32
          %ne3A_318 = arith.constant 0 : i32
          %ne3A_319 = arith.cmpi ne, %rem3A_317, %ne3A_318 : i32
          %and3A_320 = arith.andi %ne3A_316, %ne3A_319 : i1
          %sub3A_321 = arith.constant 1 : i32
          %sub3A_322 = arith.subi %div3A_301, %sub3A_321 : i32
          %select_n3A_323 = arith.select %and3A_320, %sub3A_322, %div3A_301 : i32
          %mul3A_324 = arith.constant 25 : i32
          %mul3A_325 = arith.muli %select_n3A_299, %mul3A_324 : i32
          "tpu.region"() ({
            %run_scoped3A_326 = tpu.sem_alloc : memref<!tpu.dma_semaphore, #tpu.memory_space<semaphore_mem>>
            %dma_start3A_327 = arith.constant 0 : i32
            %dma_start3A_328 = tpu.memref_slice %arg7[%mul3A_325, %dma_start3A_327] : memref<50x80xi32, #tpu.memory_space<vmem>> -> memref<25x80xi32, #tpu.memory_space<vmem>>
            %dma_start3A_329 = arith.constant 0 : i32
            %dma_start3A_330 = arith.constant 0 : i32
            %dma_start3A_331 = tpu.memref_slice %arg4[%add3A, %select_n3A_323, %dma_start3A_329, %dma_start3A_330] : memref<32x5x25x80xi32, #tpu.memory_space<hbm>> -> memref<1x1x25x80xi32, #tpu.memory_space<hbm>>
            %dma_start3A_332 = tpu.memref_squeeze %dma_start3A_331 : memref<1x1x25x80xi32, #tpu.memory_space<hbm>> -> memref<25x80xi32, #tpu.memory_space<hbm>>
            %dma_start3A_333 = arith.constant 0 : i32
            %dma_start3A_334 = tpu.memref_slice %arg7[%mul3A_325, %dma_start3A_333] : memref<50x80xi32, #tpu.memory_space<vmem>> -> memref<25x80xi32, #tpu.memory_space<vmem>>
            %dma_start3A_335 = arith.constant 0 : i32
            %dma_start3A_336 = arith.constant 0 : i32
            %dma_start3A_337 = tpu.memref_slice %arg4[%add3A, %select_n3A_323, %dma_start3A_335, %dma_start3A_336] : memref<32x5x25x80xi32, #tpu.memory_space<hbm>> -> memref<1x1x25x80xi32, #tpu.memory_space<hbm>>
            %dma_start3A_338 = tpu.memref_squeeze %dma_start3A_337 : memref<1x1x25x80xi32, #tpu.memory_space<hbm>> -> memref<25x80xi32, #tpu.memory_space<hbm>>
            tpu.enqueue_dma source(%dma_start3A_338 : memref<25x80xi32, #tpu.memory_space<hbm>>) target(%dma_start3A_334 : memref<25x80xi32, #tpu.memory_space<vmem>>) target_semaphore(%run_scoped3A_326 : memref<!tpu.dma_semaphore, #tpu.memory_space<semaphore_mem>>)
            %dma_wait3A_339 = arith.constant 0 : i32
            %dma_wait3A_340 = tpu.memref_slice %arg7[%mul3A_325, %dma_wait3A_339] : memref<50x80xi32, #tpu.memory_space<vmem>> -> memref<25x80xi32, #tpu.memory_space<vmem>>
            %dma_wait3A_341 = arith.constant 0 : i32
            %dma_wait3A_342 = arith.constant 0 : i32
            %dma_wait3A_343 = tpu.memref_slice %arg4[%add3A, %select_n3A_323, %dma_wait3A_341, %dma_wait3A_342] : memref<32x5x25x80xi32, #tpu.memory_space<hbm>> -> memref<1x1x25x80xi32, #tpu.memory_space<hbm>>
            %dma_wait3A_344 = tpu.memref_squeeze %dma_wait3A_343 : memref<1x1x25x80xi32, #tpu.memory_space<hbm>> -> memref<25x80xi32, #tpu.memory_space<hbm>>
            %dma_wait3A_345 = arith.constant 0 : i32
            %dma_wait3A_346 = tpu.memref_slice %arg7[%mul3A_325, %dma_wait3A_345] : memref<50x80xi32, #tpu.memory_space<vmem>> -> memref<25x80xi32, #tpu.memory_space<vmem>>
            %dma_wait3A_347 = arith.constant 0 : i32
            %dma_wait3A_348 = arith.constant 0 : i32
            %dma_wait3A_349 = tpu.memref_slice %arg4[%add3A, %select_n3A_323, %dma_wait3A_347, %dma_wait3A_348] : memref<32x5x25x80xi32, #tpu.memory_space<hbm>> -> memref<1x1x25x80xi32, #tpu.memory_space<hbm>>
            %dma_wait3A_350 = tpu.memref_squeeze %dma_wait3A_349 : memref<1x1x25x80xi32, #tpu.memory_space<hbm>> -> memref<25x80xi32, #tpu.memory_space<hbm>>
            tpu.wait_dma2 semaphore(%run_scoped3A_326 : memref<!tpu.dma_semaphore, #tpu.memory_space<semaphore_mem>>) src(%dma_wait3A_350 : memref<25x80xi32, #tpu.memory_space<hbm>>) dst(%dma_wait3A_346 : memref<25x80xi32, #tpu.memory_space<vmem>>)
            tpu.yield
          }) : () -> ()
        } else {
        }
        %dma_wait3A_228 = arith.constant 0 : i32
        %dma_wait3A_229 = arith.constant 0 : i32
        %dma_wait3A_230 = tpu.memref_slice %arg2[%dma_wait3A_228, %dma_wait3A_229] : memref<10240x128xf32, #tpu.memory_space<hbm>> -> memref<80x128xf32, #tpu.memory_space<hbm>>
        %dma_wait3A_231 = arith.constant 0 : i32
        %dma_wait3A_232 = arith.constant 0 : i32
        %dma_wait3A_233 = tpu.memref_slice %arg2[%dma_wait3A_231, %dma_wait3A_232] : memref<10240x128xf32, #tpu.memory_space<hbm>> -> memref<80x128xf32, #tpu.memory_space<hbm>>
        tpu.wait_dma2 semaphore(%arg14 : memref<!tpu.dma_semaphore, #tpu.memory_space<semaphore_mem>>) src(%dma_wait3A_233 : memref<80x128xf32, #tpu.memory_space<hbm>>) dst(%arg9 : memref<80x128xf32, #tpu.memory_space<vmem>>)
        %jit3A_234 = arith.constant 50 : i32
        %eq3A_235 = arith.constant 0 : i32
        %eq3A_236 = arith.cmpi eq, %jit3A_234, %eq3A_235 : i32
        %jit3A_237 = arith.constant 1 : i32
        %select_n3A_238 = arith.select %eq3A_236, %jit3A_237, %jit3A_234 : i32
        %rem3A_239 = arith.remsi %add3A_206, %select_n3A_238 : i32
        %ne3A_240 = arith.constant 0 : i32
        %ne3A_241 = arith.cmpi ne, %rem3A_239, %ne3A_240 : i32
        %lt3A_242 = arith.constant 0 : i32
        %lt3A_243 = arith.cmpi slt, %rem3A_239, %lt3A_242 : i32
        %lt3A_244 = arith.constant 0 : i32
        %lt3A_245 = arith.cmpi slt, %select_n3A_238, %lt3A_244 : i32
        %ne3A_246 = arith.xori %lt3A_243, %lt3A_245 : i1
        %and3A_247 = arith.andi %ne3A_246, %ne3A_241 : i1
        %add3A_248 = arith.addi %rem3A_239, %select_n3A_238 : i32
        %select_n3A_249 = arith.select %and3A_247, %add3A_248, %rem3A_239 : i32
        %dma_start3A_250 = arith.constant 0 : i32
        %dma_start3A_251 = tpu.memref_slice %arg7[%select_n3A_249, %dma_start3A_250] : memref<50x80xi32, #tpu.memory_space<vmem>> -> memref<1x80xi32, #tpu.memory_space<vmem>>
        %dma_start3A_252 = tpu.memref_squeeze %dma_start3A_251 : memref<1x80xi32, #tpu.memory_space<vmem>> -> memref<80xi32, #tpu.memory_space<vmem>>
        %dma_start3A_253 = arith.constant 0 : i32
        %dma_start3A_254 = arith.constant 0 : i32
        %dma_start3A_255 = tpu.memref_slice %arg12[%dma_start3A_253, %dma_start3A_254] : memref<10240x128xf32, #tpu.memory_space<vmem_shared>> -> memref<10240x128xf32, #tpu.memory_space<vmem_shared>>
        tpu.enqueue_indirect_dma source(%arg9 : memref<80x128xf32, #tpu.memory_space<vmem>>) target(%dma_start3A_255 : memref<10240x128xf32, #tpu.memory_space<vmem_shared>>) offsets(%dma_start3A_252 : memref<80xi32, #tpu.memory_space<vmem>>) semaphore(%arg17 : memref<!tpu.dma_semaphore, #tpu.memory_space<semaphore_mem>>) {add = true}
        %add3A_256 = arith.constant 2 : i32
        %add3A_257 = arith.addi %add3A_206, %add3A_256 : i32
        %lt3A_258 = arith.constant 125 : i32
        %lt3A_259 = arith.cmpi slt, %add3A_257, %lt3A_258 : i32
        %convert_element_type3A_260 = arith.extui %lt3A_259 : i1 to i32
        %cond3A_261 = arith.constant 0 : i32
        %cond3A_262 = arith.cmpi ne, %convert_element_type3A_260, %cond3A_261 : i32
        scf.if %cond3A_262 {
          %jit3A_263 = arith.constant 25 : i32
          %eq3A_264 = arith.constant 0 : i32
          %eq3A_265 = arith.cmpi eq, %jit3A_263, %eq3A_264 : i32
          %jit3A_266 = arith.constant 1 : i32
          %select_n3A_267 = arith.select %eq3A_265, %jit3A_266, %jit3A_263 : i32
          %rem3A_268 = arith.remsi %add3A_257, %select_n3A_267 : i32
          %ne3A_269 = arith.constant 0 : i32
          %ne3A_270 = arith.cmpi ne, %rem3A_268, %ne3A_269 : i32
          %lt3A_271 = arith.constant 0 : i32
          %lt3A_272 = arith.cmpi slt, %rem3A_268, %lt3A_271 : i32
          %lt3A_273 = arith.constant 0 : i32
          %lt3A_274 = arith.cmpi slt, %select_n3A_267, %lt3A_273 : i32
          %ne3A_275 = arith.xori %lt3A_272, %lt3A_274 : i1
          %and3A_276 = arith.andi %ne3A_275, %ne3A_270 : i1
          %add3A_277 = arith.addi %rem3A_268, %select_n3A_267 : i32
          %select_n3A_278 = arith.select %and3A_276, %add3A_277, %rem3A_268 : i32
          %eq3A_279 = arith.constant 0 : i32
          %eq3A_280 = arith.cmpi eq, %select_n3A_278, %eq3A_279 : i32
          %convert_element_type3A_281 = arith.extui %eq3A_280 : i1 to i32
          %cond3A_282 = arith.constant 0 : i32
          %cond3A_283 = arith.cmpi ne, %convert_element_type3A_281, %cond3A_282 : i32
          scf.if %cond3A_283 {
            %jit3A_310 = arith.constant 25 : i32
            %div3A = arith.divsi %add3A_257, %jit3A_310 : i32
            %sign3A = arith.constant 0 : i32
            %sign3A_311 = arith.cmpi sgt, %add3A_257, %sign3A : i32
            %sign3A_312 = arith.extui %sign3A_311 : i1 to i32
            %sign3A_313 = arith.constant 0 : i32
            %sign3A_314 = arith.cmpi slt, %add3A_257, %sign3A_313 : i32
            %sign3A_315 = arith.extui %sign3A_314 : i1 to i32
            %sign3A_316 = arith.subi %sign3A_312, %sign3A_315 : i32
            %sign3A_317 = arith.constant 0 : i32
            %sign3A_318 = arith.cmpi sgt, %jit3A_310, %sign3A_317 : i32
            %sign3A_319 = arith.extui %sign3A_318 : i1 to i32
            %sign3A_320 = arith.constant 0 : i32
            %sign3A_321 = arith.cmpi slt, %jit3A_310, %sign3A_320 : i32
            %sign3A_322 = arith.extui %sign3A_321 : i1 to i32
            %sign3A_323 = arith.subi %sign3A_319, %sign3A_322 : i32
            %ne3A_324 = arith.cmpi ne, %sign3A_316, %sign3A_323 : i32
            %rem3A_325 = arith.remsi %add3A_257, %jit3A_310 : i32
            %ne3A_326 = arith.constant 0 : i32
            %ne3A_327 = arith.cmpi ne, %rem3A_325, %ne3A_326 : i32
            %and3A_328 = arith.andi %ne3A_324, %ne3A_327 : i1
            %sub3A = arith.constant 1 : i32
            %sub3A_329 = arith.subi %div3A, %sub3A : i32
            %select_n3A_330 = arith.select %and3A_328, %sub3A_329, %div3A : i32
            %jit3A_331 = arith.constant 2 : i32
            %eq3A_332 = arith.constant 0 : i32
            %eq3A_333 = arith.cmpi eq, %jit3A_331, %eq3A_332 : i32
            %jit3A_334 = arith.constant 1 : i32
            %select_n3A_335 = arith.select %eq3A_333, %jit3A_334, %jit3A_331 : i32
            %rem3A_336 = arith.remsi %select_n3A_330, %select_n3A_335 : i32
            %ne3A_337 = arith.constant 0 : i32
            %ne3A_338 = arith.cmpi ne, %rem3A_336, %ne3A_337 : i32
            %lt3A_339 = arith.constant 0 : i32
            %lt3A_340 = arith.cmpi slt, %rem3A_336, %lt3A_339 : i32
            %lt3A_341 = arith.constant 0 : i32
            %lt3A_342 = arith.cmpi slt, %select_n3A_335, %lt3A_341 : i32
            %ne3A_343 = arith.xori %lt3A_340, %lt3A_342 : i1
            %and3A_344 = arith.andi %ne3A_343, %ne3A_338 : i1
            %add3A_345 = arith.addi %rem3A_336, %select_n3A_335 : i32
            %select_n3A_346 = arith.select %and3A_344, %add3A_345, %rem3A_336 : i32
            %jit3A_347 = arith.constant 25 : i32
            %div3A_348 = arith.divsi %add3A_257, %jit3A_347 : i32
            %sign3A_349 = arith.constant 0 : i32
            %sign3A_350 = arith.cmpi sgt, %add3A_257, %sign3A_349 : i32
            %sign3A_351 = arith.extui %sign3A_350 : i1 to i32
            %sign3A_352 = arith.constant 0 : i32
            %sign3A_353 = arith.cmpi slt, %add3A_257, %sign3A_352 : i32
            %sign3A_354 = arith.extui %sign3A_353 : i1 to i32
            %sign3A_355 = arith.subi %sign3A_351, %sign3A_354 : i32
            %sign3A_356 = arith.constant 0 : i32
            %sign3A_357 = arith.cmpi sgt, %jit3A_347, %sign3A_356 : i32
            %sign3A_358 = arith.extui %sign3A_357 : i1 to i32
            %sign3A_359 = arith.constant 0 : i32
            %sign3A_360 = arith.cmpi slt, %jit3A_347, %sign3A_359 : i32
            %sign3A_361 = arith.extui %sign3A_360 : i1 to i32
            %sign3A_362 = arith.subi %sign3A_358, %sign3A_361 : i32
            %ne3A_363 = arith.cmpi ne, %sign3A_355, %sign3A_362 : i32
            %rem3A_364 = arith.remsi %add3A_257, %jit3A_347 : i32
            %ne3A_365 = arith.constant 0 : i32
            %ne3A_366 = arith.cmpi ne, %rem3A_364, %ne3A_365 : i32
            %and3A_367 = arith.andi %ne3A_363, %ne3A_366 : i1
            %sub3A_368 = arith.constant 1 : i32
            %sub3A_369 = arith.subi %div3A_348, %sub3A_368 : i32
            %select_n3A_370 = arith.select %and3A_367, %sub3A_369, %div3A_348 : i32
            %mul3A_371 = arith.constant 25 : i32
            %mul3A_372 = arith.muli %select_n3A_346, %mul3A_371 : i32
            "tpu.region"() ({
              %run_scoped3A_373 = tpu.sem_alloc : memref<!tpu.dma_semaphore, #tpu.memory_space<semaphore_mem>>
              %dma_start3A_374 = arith.constant 0 : i32
              %dma_start3A_375 = tpu.memref_slice %arg6[%mul3A_372, %dma_start3A_374] : memref<50x80xi32, #tpu.memory_space<vmem>> -> memref<25x80xi32, #tpu.memory_space<vmem>>
              %dma_start3A_376 = arith.constant 0 : i32
              %dma_start3A_377 = arith.constant 0 : i32
              %dma_start3A_378 = tpu.memref_slice %arg3[%add3A, %select_n3A_370, %dma_start3A_376, %dma_start3A_377] : memref<32x5x25x80xi32, #tpu.memory_space<hbm>> -> memref<1x1x25x80xi32, #tpu.memory_space<hbm>>
              %dma_start3A_379 = tpu.memref_squeeze %dma_start3A_378 : memref<1x1x25x80xi32, #tpu.memory_space<hbm>> -> memref<25x80xi32, #tpu.memory_space<hbm>>
              %dma_start3A_380 = arith.constant 0 : i32
              %dma_start3A_381 = tpu.memref_slice %arg6[%mul3A_372, %dma_start3A_380] : memref<50x80xi32, #tpu.memory_space<vmem>> -> memref<25x80xi32, #tpu.memory_space<vmem>>
              %dma_start3A_382 = arith.constant 0 : i32
              %dma_start3A_383 = arith.constant 0 : i32
              %dma_start3A_384 = tpu.memref_slice %arg3[%add3A, %select_n3A_370, %dma_start3A_382, %dma_start3A_383] : memref<32x5x25x80xi32, #tpu.memory_space<hbm>> -> memref<1x1x25x80xi32, #tpu.memory_space<hbm>>
              %dma_start3A_385 = tpu.memref_squeeze %dma_start3A_384 : memref<1x1x25x80xi32, #tpu.memory_space<hbm>> -> memref<25x80xi32, #tpu.memory_space<hbm>>
              tpu.enqueue_dma source(%dma_start3A_385 : memref<25x80xi32, #tpu.memory_space<hbm>>) target(%dma_start3A_381 : memref<25x80xi32, #tpu.memory_space<vmem>>) target_semaphore(%run_scoped3A_373 : memref<!tpu.dma_semaphore, #tpu.memory_space<semaphore_mem>>)
              %dma_wait3A_386 = arith.constant 0 : i32
              %dma_wait3A_387 = tpu.memref_slice %arg6[%mul3A_372, %dma_wait3A_386] : memref<50x80xi32, #tpu.memory_space<vmem>> -> memref<25x80xi32, #tpu.memory_space<vmem>>
              %dma_wait3A_388 = arith.constant 0 : i32
              %dma_wait3A_389 = arith.constant 0 : i32
              %dma_wait3A_390 = tpu.memref_slice %arg3[%add3A, %select_n3A_370, %dma_wait3A_388, %dma_wait3A_389] : memref<32x5x25x80xi32, #tpu.memory_space<hbm>> -> memref<1x1x25x80xi32, #tpu.memory_space<hbm>>
              %dma_wait3A_391 = tpu.memref_squeeze %dma_wait3A_390 : memref<1x1x25x80xi32, #tpu.memory_space<hbm>> -> memref<25x80xi32, #tpu.memory_space<hbm>>
              %dma_wait3A_392 = arith.constant 0 : i32
              %dma_wait3A_393 = tpu.memref_slice %arg6[%mul3A_372, %dma_wait3A_392] : memref<50x80xi32, #tpu.memory_space<vmem>> -> memref<25x80xi32, #tpu.memory_space<vmem>>
              %dma_wait3A_394 = arith.constant 0 : i32
              %dma_wait3A_395 = arith.constant 0 : i32
              %dma_wait3A_396 = tpu.memref_slice %arg3[%add3A, %select_n3A_370, %dma_wait3A_394, %dma_wait3A_395] : memref<32x5x25x80xi32, #tpu.memory_space<hbm>> -> memref<1x1x25x80xi32, #tpu.memory_space<hbm>>
              %dma_wait3A_397 = tpu.memref_squeeze %dma_wait3A_396 : memref<1x1x25x80xi32, #tpu.memory_space<hbm>> -> memref<25x80xi32, #tpu.memory_space<hbm>>
              tpu.wait_dma2 semaphore(%run_scoped3A_373 : memref<!tpu.dma_semaphore, #tpu.memory_space<semaphore_mem>>) src(%dma_wait3A_397 : memref<25x80xi32, #tpu.memory_space<hbm>>) dst(%dma_wait3A_393 : memref<25x80xi32, #tpu.memory_space<vmem>>)
              tpu.yield
            }) : () -> ()
          } else {
          }
          %ge3A = arith.constant 1 : i32
          %ge3A_284 = arith.cmpi sge, %add3A_206, %ge3A : i32
          %convert_element_type3A_285 = arith.extui %ge3A_284 : i1 to i32
          %cond3A_286 = arith.constant 0 : i32
          %cond3A_287 = arith.cmpi ne, %convert_element_type3A_285, %cond3A_286 : i32
          scf.if %cond3A_287 {
            %dma_wait3A_310 = arith.constant 0 : i32
            %dma_wait3A_311 = arith.constant 0 : i32
            %dma_wait3A_312 = tpu.memref_slice %arg12[%dma_wait3A_310, %dma_wait3A_311] : memref<10240x128xf32, #tpu.memory_space<vmem_shared>> -> memref<80x128xf32, #tpu.memory_space<vmem_shared>>
            %dma_wait3A_313 = arith.constant 0 : i32
            %dma_wait3A_314 = arith.constant 0 : i32
            %dma_wait3A_315 = tpu.memref_slice %arg12[%dma_wait3A_313, %dma_wait3A_314] : memref<10240x128xf32, #tpu.memory_space<vmem_shared>> -> memref<80x128xf32, #tpu.memory_space<vmem_shared>>
            tpu.wait_dma2 semaphore(%arg16 : memref<!tpu.dma_semaphore, #tpu.memory_space<semaphore_mem>>) src(%arg8 : memref<80x128xf32, #tpu.memory_space<vmem>>) dst(%dma_wait3A_315 : memref<80x128xf32, #tpu.memory_space<vmem_shared>>)
          } else {
          }
          %jit3A_288 = arith.constant 50 : i32
          %eq3A_289 = arith.constant 0 : i32
          %eq3A_290 = arith.cmpi eq, %jit3A_288, %eq3A_289 : i32
          %jit3A_291 = arith.constant 1 : i32
          %select_n3A_292 = arith.select %eq3A_290, %jit3A_291, %jit3A_288 : i32
          %rem3A_293 = arith.remsi %add3A_257, %select_n3A_292 : i32
          %ne3A_294 = arith.constant 0 : i32
          %ne3A_295 = arith.cmpi ne, %rem3A_293, %ne3A_294 : i32
          %lt3A_296 = arith.constant 0 : i32
          %lt3A_297 = arith.cmpi slt, %rem3A_293, %lt3A_296 : i32
          %lt3A_298 = arith.constant 0 : i32
          %lt3A_299 = arith.cmpi slt, %select_n3A_292, %lt3A_298 : i32
          %ne3A_300 = arith.xori %lt3A_297, %lt3A_299 : i1
          %and3A_301 = arith.andi %ne3A_300, %ne3A_295 : i1
          %add3A_302 = arith.addi %rem3A_293, %select_n3A_292 : i32
          %select_n3A_303 = arith.select %and3A_301, %add3A_302, %rem3A_293 : i32
          %dma_start3A_304 = arith.constant 0 : i32
          %dma_start3A_305 = tpu.memref_slice %arg6[%select_n3A_303, %dma_start3A_304] : memref<50x80xi32, #tpu.memory_space<vmem>> -> memref<1x80xi32, #tpu.memory_space<vmem>>
          %dma_start3A_306 = tpu.memref_squeeze %dma_start3A_305 : memref<1x80xi32, #tpu.memory_space<vmem>> -> memref<80xi32, #tpu.memory_space<vmem>>
          %dma_start3A_307 = arith.constant 0 : i32
          %dma_start3A_308 = arith.constant 0 : i32
          %dma_start3A_309 = tpu.memref_slice %arg2[%dma_start3A_307, %dma_start3A_308] : memref<10240x128xf32, #tpu.memory_space<hbm>> -> memref<10240x128xf32, #tpu.memory_space<hbm>>
          tpu.enqueue_indirect_dma source(%dma_start3A_309 : memref<10240x128xf32, #tpu.memory_space<hbm>>) target(%arg8 : memref<80x128xf32, #tpu.memory_space<vmem>>) offsets(%dma_start3A_306 : memref<80xi32, #tpu.memory_space<vmem>>) semaphore(%arg13 : memref<!tpu.dma_semaphore, #tpu.memory_space<semaphore_mem>>)
        } else {
        }
      } else {
      }
      %mul3A_193 = arith.constant 3 : i32
      %mul3A_194 = arith.muli %mul3A_193, %scan3A_133 : i32
      %add3A_195 = arith.constant 2 : i32
      %add3A_196 = arith.addi %mul3A_194, %add3A_195 : i32
      %lt3A_197 = arith.constant 125 : i32
      %lt3A_198 = arith.cmpi slt, %add3A_196, %lt3A_197 : i32
      %convert_element_type3A_199 = arith.extui %lt3A_198 : i1 to i32
      %cond3A_200 = arith.constant 0 : i32
      %cond3A_201 = arith.cmpi ne, %convert_element_type3A_199, %cond3A_200 : i32
      scf.if %cond3A_201 {
        %mul3A_203 = arith.constant 3 : i32
        %mul3A_204 = arith.muli %mul3A_203, %scan3A_133 : i32
        %add3A_205 = arith.constant 2 : i32
        %add3A_206 = arith.addi %mul3A_204, %add3A_205 : i32
        %jit3A_207 = arith.constant 25 : i32
        %eq3A_208 = arith.constant 0 : i32
        %eq3A_209 = arith.cmpi eq, %jit3A_207, %eq3A_208 : i32
        %jit3A_210 = arith.constant 1 : i32
        %select_n3A_211 = arith.select %eq3A_209, %jit3A_210, %jit3A_207 : i32
        %rem3A_212 = arith.remsi %add3A_206, %select_n3A_211 : i32
        %ne3A_213 = arith.constant 0 : i32
        %ne3A_214 = arith.cmpi ne, %rem3A_212, %ne3A_213 : i32
        %lt3A_215 = arith.constant 0 : i32
        %lt3A_216 = arith.cmpi slt, %rem3A_212, %lt3A_215 : i32
        %lt3A_217 = arith.constant 0 : i32
        %lt3A_218 = arith.cmpi slt, %select_n3A_211, %lt3A_217 : i32
        %ne3A_219 = arith.xori %lt3A_216, %lt3A_218 : i1
        %and3A_220 = arith.andi %ne3A_219, %ne3A_214 : i1
        %add3A_221 = arith.addi %rem3A_212, %select_n3A_211 : i32
        %select_n3A_222 = arith.select %and3A_220, %add3A_221, %rem3A_212 : i32
        %eq3A_223 = arith.constant 0 : i32
        %eq3A_224 = arith.cmpi eq, %select_n3A_222, %eq3A_223 : i32
        %convert_element_type3A_225 = arith.extui %eq3A_224 : i1 to i32
        %cond3A_226 = arith.constant 0 : i32
        %cond3A_227 = arith.cmpi ne, %convert_element_type3A_225, %cond3A_226 : i32
        scf.if %cond3A_227 {
          %jit3A_263 = arith.constant 25 : i32
          %div3A = arith.divsi %add3A_206, %jit3A_263 : i32
          %sign3A = arith.constant 0 : i32
          %sign3A_264 = arith.cmpi sgt, %add3A_206, %sign3A : i32
          %sign3A_265 = arith.extui %sign3A_264 : i1 to i32
          %sign3A_266 = arith.constant 0 : i32
          %sign3A_267 = arith.cmpi slt, %add3A_206, %sign3A_266 : i32
          %sign3A_268 = arith.extui %sign3A_267 : i1 to i32
          %sign3A_269 = arith.subi %sign3A_265, %sign3A_268 : i32
          %sign3A_270 = arith.constant 0 : i32
          %sign3A_271 = arith.cmpi sgt, %jit3A_263, %sign3A_270 : i32
          %sign3A_272 = arith.extui %sign3A_271 : i1 to i32
          %sign3A_273 = arith.constant 0 : i32
          %sign3A_274 = arith.cmpi slt, %jit3A_263, %sign3A_273 : i32
          %sign3A_275 = arith.extui %sign3A_274 : i1 to i32
          %sign3A_276 = arith.subi %sign3A_272, %sign3A_275 : i32
          %ne3A_277 = arith.cmpi ne, %sign3A_269, %sign3A_276 : i32
          %rem3A_278 = arith.remsi %add3A_206, %jit3A_263 : i32
          %ne3A_279 = arith.constant 0 : i32
          %ne3A_280 = arith.cmpi ne, %rem3A_278, %ne3A_279 : i32
          %and3A_281 = arith.andi %ne3A_277, %ne3A_280 : i1
          %sub3A = arith.constant 1 : i32
          %sub3A_282 = arith.subi %div3A, %sub3A : i32
          %select_n3A_283 = arith.select %and3A_281, %sub3A_282, %div3A : i32
          %jit3A_284 = arith.constant 2 : i32
          %eq3A_285 = arith.constant 0 : i32
          %eq3A_286 = arith.cmpi eq, %jit3A_284, %eq3A_285 : i32
          %jit3A_287 = arith.constant 1 : i32
          %select_n3A_288 = arith.select %eq3A_286, %jit3A_287, %jit3A_284 : i32
          %rem3A_289 = arith.remsi %select_n3A_283, %select_n3A_288 : i32
          %ne3A_290 = arith.constant 0 : i32
          %ne3A_291 = arith.cmpi ne, %rem3A_289, %ne3A_290 : i32
          %lt3A_292 = arith.constant 0 : i32
          %lt3A_293 = arith.cmpi slt, %rem3A_289, %lt3A_292 : i32
          %lt3A_294 = arith.constant 0 : i32
          %lt3A_295 = arith.cmpi slt, %select_n3A_288, %lt3A_294 : i32
          %ne3A_296 = arith.xori %lt3A_293, %lt3A_295 : i1
          %and3A_297 = arith.andi %ne3A_296, %ne3A_291 : i1
          %add3A_298 = arith.addi %rem3A_289, %select_n3A_288 : i32
          %select_n3A_299 = arith.select %and3A_297, %add3A_298, %rem3A_289 : i32
          %jit3A_300 = arith.constant 25 : i32
          %div3A_301 = arith.divsi %add3A_206, %jit3A_300 : i32
          %sign3A_302 = arith.constant 0 : i32
          %sign3A_303 = arith.cmpi sgt, %add3A_206, %sign3A_302 : i32
          %sign3A_304 = arith.extui %sign3A_303 : i1 to i32
          %sign3A_305 = arith.constant 0 : i32
          %sign3A_306 = arith.cmpi slt, %add3A_206, %sign3A_305 : i32
          %sign3A_307 = arith.extui %sign3A_306 : i1 to i32
          %sign3A_308 = arith.subi %sign3A_304, %sign3A_307 : i32
          %sign3A_309 = arith.constant 0 : i32
          %sign3A_310 = arith.cmpi sgt, %jit3A_300, %sign3A_309 : i32
          %sign3A_311 = arith.extui %sign3A_310 : i1 to i32
          %sign3A_312 = arith.constant 0 : i32
          %sign3A_313 = arith.cmpi slt, %jit3A_300, %sign3A_312 : i32
          %sign3A_314 = arith.extui %sign3A_313 : i1 to i32
          %sign3A_315 = arith.subi %sign3A_311, %sign3A_314 : i32
          %ne3A_316 = arith.cmpi ne, %sign3A_308, %sign3A_315 : i32
          %rem3A_317 = arith.remsi %add3A_206, %jit3A_300 : i32
          %ne3A_318 = arith.constant 0 : i32
          %ne3A_319 = arith.cmpi ne, %rem3A_317, %ne3A_318 : i32
          %and3A_320 = arith.andi %ne3A_316, %ne3A_319 : i1
          %sub3A_321 = arith.constant 1 : i32
          %sub3A_322 = arith.subi %div3A_301, %sub3A_321 : i32
          %select_n3A_323 = arith.select %and3A_320, %sub3A_322, %div3A_301 : i32
          %mul3A_324 = arith.constant 25 : i32
          %mul3A_325 = arith.muli %select_n3A_299, %mul3A_324 : i32
          "tpu.region"() ({
            %run_scoped3A_326 = tpu.sem_alloc : memref<!tpu.dma_semaphore, #tpu.memory_space<semaphore_mem>>
            %dma_start3A_327 = arith.constant 0 : i32
            %dma_start3A_328 = tpu.memref_slice %arg7[%mul3A_325, %dma_start3A_327] : memref<50x80xi32, #tpu.memory_space<vmem>> -> memref<25x80xi32, #tpu.memory_space<vmem>>
            %dma_start3A_329 = arith.constant 0 : i32
            %dma_start3A_330 = arith.constant 0 : i32
            %dma_start3A_331 = tpu.memref_slice %arg4[%add3A, %select_n3A_323, %dma_start3A_329, %dma_start3A_330] : memref<32x5x25x80xi32, #tpu.memory_space<hbm>> -> memref<1x1x25x80xi32, #tpu.memory_space<hbm>>
            %dma_start3A_332 = tpu.memref_squeeze %dma_start3A_331 : memref<1x1x25x80xi32, #tpu.memory_space<hbm>> -> memref<25x80xi32, #tpu.memory_space<hbm>>
            %dma_start3A_333 = arith.constant 0 : i32
            %dma_start3A_334 = tpu.memref_slice %arg7[%mul3A_325, %dma_start3A_333] : memref<50x80xi32, #tpu.memory_space<vmem>> -> memref<25x80xi32, #tpu.memory_space<vmem>>
            %dma_start3A_335 = arith.constant 0 : i32
            %dma_start3A_336 = arith.constant 0 : i32
            %dma_start3A_337 = tpu.memref_slice %arg4[%add3A, %select_n3A_323, %dma_start3A_335, %dma_start3A_336] : memref<32x5x25x80xi32, #tpu.memory_space<hbm>> -> memref<1x1x25x80xi32, #tpu.memory_space<hbm>>
            %dma_start3A_338 = tpu.memref_squeeze %dma_start3A_337 : memref<1x1x25x80xi32, #tpu.memory_space<hbm>> -> memref<25x80xi32, #tpu.memory_space<hbm>>
            tpu.enqueue_dma source(%dma_start3A_338 : memref<25x80xi32, #tpu.memory_space<hbm>>) target(%dma_start3A_334 : memref<25x80xi32, #tpu.memory_space<vmem>>) target_semaphore(%run_scoped3A_326 : memref<!tpu.dma_semaphore, #tpu.memory_space<semaphore_mem>>)
            %dma_wait3A_339 = arith.constant 0 : i32
            %dma_wait3A_340 = tpu.memref_slice %arg7[%mul3A_325, %dma_wait3A_339] : memref<50x80xi32, #tpu.memory_space<vmem>> -> memref<25x80xi32, #tpu.memory_space<vmem>>
            %dma_wait3A_341 = arith.constant 0 : i32
            %dma_wait3A_342 = arith.constant 0 : i32
            %dma_wait3A_343 = tpu.memref_slice %arg4[%add3A, %select_n3A_323, %dma_wait3A_341, %dma_wait3A_342] : memref<32x5x25x80xi32, #tpu.memory_space<hbm>> -> memref<1x1x25x80xi32, #tpu.memory_space<hbm>>
            %dma_wait3A_344 = tpu.memref_squeeze %dma_wait3A_343 : memref<1x1x25x80xi32, #tpu.memory_space<hbm>> -> memref<25x80xi32, #tpu.memory_space<hbm>>
            %dma_wait3A_345 = arith.constant 0 : i32
            %dma_wait3A_346 = tpu.memref_slice %arg7[%mul3A_325, %dma_wait3A_345] : memref<50x80xi32, #tpu.memory_space<vmem>> -> memref<25x80xi32, #tpu.memory_space<vmem>>
            %dma_wait3A_347 = arith.constant 0 : i32
            %dma_wait3A_348 = arith.constant 0 : i32
            %dma_wait3A_349 = tpu.memref_slice %arg4[%add3A, %select_n3A_323, %dma_wait3A_347, %dma_wait3A_348] : memref<32x5x25x80xi32, #tpu.memory_space<hbm>> -> memref<1x1x25x80xi32, #tpu.memory_space<hbm>>
            %dma_wait3A_350 = tpu.memref_squeeze %dma_wait3A_349 : memref<1x1x25x80xi32, #tpu.memory_space<hbm>> -> memref<25x80xi32, #tpu.memory_space<hbm>>
            tpu.wait_dma2 semaphore(%run_scoped3A_326 : memref<!tpu.dma_semaphore, #tpu.memory_space<semaphore_mem>>) src(%dma_wait3A_350 : memref<25x80xi32, #tpu.memory_space<hbm>>) dst(%dma_wait3A_346 : memref<25x80xi32, #tpu.memory_space<vmem>>)
            tpu.yield
          }) : () -> ()
        } else {
        }
        %dma_wait3A_228 = arith.constant 0 : i32
        %dma_wait3A_229 = arith.constant 0 : i32
        %dma_wait3A_230 = tpu.memref_slice %arg2[%dma_wait3A_228, %dma_wait3A_229] : memref<10240x128xf32, #tpu.memory_space<hbm>> -> memref<80x128xf32, #tpu.memory_space<hbm>>
        %dma_wait3A_231 = arith.constant 0 : i32
        %dma_wait3A_232 = arith.constant 0 : i32
        %dma_wait3A_233 = tpu.memref_slice %arg2[%dma_wait3A_231, %dma_wait3A_232] : memref<10240x128xf32, #tpu.memory_space<hbm>> -> memref<80x128xf32, #tpu.memory_space<hbm>>
        tpu.wait_dma2 semaphore(%arg15 : memref<!tpu.dma_semaphore, #tpu.memory_space<semaphore_mem>>) src(%dma_wait3A_233 : memref<80x128xf32, #tpu.memory_space<hbm>>) dst(%arg10 : memref<80x128xf32, #tpu.memory_space<vmem>>)
        %jit3A_234 = arith.constant 50 : i32
        %eq3A_235 = arith.constant 0 : i32
        %eq3A_236 = arith.cmpi eq, %jit3A_234, %eq3A_235 : i32
        %jit3A_237 = arith.constant 1 : i32
        %select_n3A_238 = arith.select %eq3A_236, %jit3A_237, %jit3A_234 : i32
        %rem3A_239 = arith.remsi %add3A_206, %select_n3A_238 : i32
        %ne3A_240 = arith.constant 0 : i32
        %ne3A_241 = arith.cmpi ne, %rem3A_239, %ne3A_240 : i32
        %lt3A_242 = arith.constant 0 : i32
        %lt3A_243 = arith.cmpi slt, %rem3A_239, %lt3A_242 : i32
        %lt3A_244 = arith.constant 0 : i32
        %lt3A_245 = arith.cmpi slt, %select_n3A_238, %lt3A_244 : i32
        %ne3A_246 = arith.xori %lt3A_243, %lt3A_245 : i1
        %and3A_247 = arith.andi %ne3A_246, %ne3A_241 : i1
        %add3A_248 = arith.addi %rem3A_239, %select_n3A_238 : i32
        %select_n3A_249 = arith.select %and3A_247, %add3A_248, %rem3A_239 : i32
        %dma_start3A_250 = arith.constant 0 : i32
        %dma_start3A_251 = tpu.memref_slice %arg7[%select_n3A_249, %dma_start3A_250] : memref<50x80xi32, #tpu.memory_space<vmem>> -> memref<1x80xi32, #tpu.memory_space<vmem>>
        %dma_start3A_252 = tpu.memref_squeeze %dma_start3A_251 : memref<1x80xi32, #tpu.memory_space<vmem>> -> memref<80xi32, #tpu.memory_space<vmem>>
        %dma_start3A_253 = arith.constant 0 : i32
        %dma_start3A_254 = arith.constant 0 : i32
        %dma_start3A_255 = tpu.memref_slice %arg12[%dma_start3A_253, %dma_start3A_254] : memref<10240x128xf32, #tpu.memory_space<vmem_shared>> -> memref<10240x128xf32, #tpu.memory_space<vmem_shared>>
        tpu.enqueue_indirect_dma source(%arg10 : memref<80x128xf32, #tpu.memory_space<vmem>>) target(%dma_start3A_255 : memref<10240x128xf32, #tpu.memory_space<vmem_shared>>) offsets(%dma_start3A_252 : memref<80xi32, #tpu.memory_space<vmem>>) semaphore(%arg18 : memref<!tpu.dma_semaphore, #tpu.memory_space<semaphore_mem>>) {add = true}
        %add3A_256 = arith.constant 2 : i32
        %add3A_257 = arith.addi %add3A_206, %add3A_256 : i32
        %lt3A_258 = arith.constant 125 : i32
        %lt3A_259 = arith.cmpi slt, %add3A_257, %lt3A_258 : i32
        %convert_element_type3A_260 = arith.extui %lt3A_259 : i1 to i32
        %cond3A_261 = arith.constant 0 : i32
        %cond3A_262 = arith.cmpi ne, %convert_element_type3A_260, %cond3A_261 : i32
        scf.if %cond3A_262 {
          %jit3A_263 = arith.constant 25 : i32
          %eq3A_264 = arith.constant 0 : i32
          %eq3A_265 = arith.cmpi eq, %jit3A_263, %eq3A_264 : i32
          %jit3A_266 = arith.constant 1 : i32
          %select_n3A_267 = arith.select %eq3A_265, %jit3A_266, %jit3A_263 : i32
          %rem3A_268 = arith.remsi %add3A_257, %select_n3A_267 : i32
          %ne3A_269 = arith.constant 0 : i32
          %ne3A_270 = arith.cmpi ne, %rem3A_268, %ne3A_269 : i32
          %lt3A_271 = arith.constant 0 : i32
          %lt3A_272 = arith.cmpi slt, %rem3A_268, %lt3A_271 : i32
          %lt3A_273 = arith.constant 0 : i32
          %lt3A_274 = arith.cmpi slt, %select_n3A_267, %lt3A_273 : i32
          %ne3A_275 = arith.xori %lt3A_272, %lt3A_274 : i1
          %and3A_276 = arith.andi %ne3A_275, %ne3A_270 : i1
          %add3A_277 = arith.addi %rem3A_268, %select_n3A_267 : i32
          %select_n3A_278 = arith.select %and3A_276, %add3A_277, %rem3A_268 : i32
          %eq3A_279 = arith.constant 0 : i32
          %eq3A_280 = arith.cmpi eq, %select_n3A_278, %eq3A_279 : i32
          %convert_element_type3A_281 = arith.extui %eq3A_280 : i1 to i32
          %cond3A_282 = arith.constant 0 : i32
          %cond3A_283 = arith.cmpi ne, %convert_element_type3A_281, %cond3A_282 : i32
          scf.if %cond3A_283 {
            %jit3A_310 = arith.constant 25 : i32
            %div3A = arith.divsi %add3A_257, %jit3A_310 : i32
            %sign3A = arith.constant 0 : i32
            %sign3A_311 = arith.cmpi sgt, %add3A_257, %sign3A : i32
            %sign3A_312 = arith.extui %sign3A_311 : i1 to i32
            %sign3A_313 = arith.constant 0 : i32
            %sign3A_314 = arith.cmpi slt, %add3A_257, %sign3A_313 : i32
            %sign3A_315 = arith.extui %sign3A_314 : i1 to i32
            %sign3A_316 = arith.subi %sign3A_312, %sign3A_315 : i32
            %sign3A_317 = arith.constant 0 : i32
            %sign3A_318 = arith.cmpi sgt, %jit3A_310, %sign3A_317 : i32
            %sign3A_319 = arith.extui %sign3A_318 : i1 to i32
            %sign3A_320 = arith.constant 0 : i32
            %sign3A_321 = arith.cmpi slt, %jit3A_310, %sign3A_320 : i32
            %sign3A_322 = arith.extui %sign3A_321 : i1 to i32
            %sign3A_323 = arith.subi %sign3A_319, %sign3A_322 : i32
            %ne3A_324 = arith.cmpi ne, %sign3A_316, %sign3A_323 : i32
            %rem3A_325 = arith.remsi %add3A_257, %jit3A_310 : i32
            %ne3A_326 = arith.constant 0 : i32
            %ne3A_327 = arith.cmpi ne, %rem3A_325, %ne3A_326 : i32
            %and3A_328 = arith.andi %ne3A_324, %ne3A_327 : i1
            %sub3A = arith.constant 1 : i32
            %sub3A_329 = arith.subi %div3A, %sub3A : i32
            %select_n3A_330 = arith.select %and3A_328, %sub3A_329, %div3A : i32
            %jit3A_331 = arith.constant 2 : i32
            %eq3A_332 = arith.constant 0 : i32
            %eq3A_333 = arith.cmpi eq, %jit3A_331, %eq3A_332 : i32
            %jit3A_334 = arith.constant 1 : i32
            %select_n3A_335 = arith.select %eq3A_333, %jit3A_334, %jit3A_331 : i32
            %rem3A_336 = arith.remsi %select_n3A_330, %select_n3A_335 : i32
            %ne3A_337 = arith.constant 0 : i32
            %ne3A_338 = arith.cmpi ne, %rem3A_336, %ne3A_337 : i32
            %lt3A_339 = arith.constant 0 : i32
            %lt3A_340 = arith.cmpi slt, %rem3A_336, %lt3A_339 : i32
            %lt3A_341 = arith.constant 0 : i32
            %lt3A_342 = arith.cmpi slt, %select_n3A_335, %lt3A_341 : i32
            %ne3A_343 = arith.xori %lt3A_340, %lt3A_342 : i1
            %and3A_344 = arith.andi %ne3A_343, %ne3A_338 : i1
            %add3A_345 = arith.addi %rem3A_336, %select_n3A_335 : i32
            %select_n3A_346 = arith.select %and3A_344, %add3A_345, %rem3A_336 : i32
            %jit3A_347 = arith.constant 25 : i32
            %div3A_348 = arith.divsi %add3A_257, %jit3A_347 : i32
            %sign3A_349 = arith.constant 0 : i32
            %sign3A_350 = arith.cmpi sgt, %add3A_257, %sign3A_349 : i32
            %sign3A_351 = arith.extui %sign3A_350 : i1 to i32
            %sign3A_352 = arith.constant 0 : i32
            %sign3A_353 = arith.cmpi slt, %add3A_257, %sign3A_352 : i32
            %sign3A_354 = arith.extui %sign3A_353 : i1 to i32
            %sign3A_355 = arith.subi %sign3A_351, %sign3A_354 : i32
            %sign3A_356 = arith.constant 0 : i32
            %sign3A_357 = arith.cmpi sgt, %jit3A_347, %sign3A_356 : i32
            %sign3A_358 = arith.extui %sign3A_357 : i1 to i32
            %sign3A_359 = arith.constant 0 : i32
            %sign3A_360 = arith.cmpi slt, %jit3A_347, %sign3A_359 : i32
            %sign3A_361 = arith.extui %sign3A_360 : i1 to i32
            %sign3A_362 = arith.subi %sign3A_358, %sign3A_361 : i32
            %ne3A_363 = arith.cmpi ne, %sign3A_355, %sign3A_362 : i32
            %rem3A_364 = arith.remsi %add3A_257, %jit3A_347 : i32
            %ne3A_365 = arith.constant 0 : i32
            %ne3A_366 = arith.cmpi ne, %rem3A_364, %ne3A_365 : i32
            %and3A_367 = arith.andi %ne3A_363, %ne3A_366 : i1
            %sub3A_368 = arith.constant 1 : i32
            %sub3A_369 = arith.subi %div3A_348, %sub3A_368 : i32
            %select_n3A_370 = arith.select %and3A_367, %sub3A_369, %div3A_348 : i32
            %mul3A_371 = arith.constant 25 : i32
            %mul3A_372 = arith.muli %select_n3A_346, %mul3A_371 : i32
            "tpu.region"() ({
              %run_scoped3A_373 = tpu.sem_alloc : memref<!tpu.dma_semaphore, #tpu.memory_space<semaphore_mem>>
              %dma_start3A_374 = arith.constant 0 : i32
              %dma_start3A_375 = tpu.memref_slice %arg6[%mul3A_372, %dma_start3A_374] : memref<50x80xi32, #tpu.memory_space<vmem>> -> memref<25x80xi32, #tpu.memory_space<vmem>>
              %dma_start3A_376 = arith.constant 0 : i32
              %dma_start3A_377 = arith.constant 0 : i32
              %dma_start3A_378 = tpu.memref_slice %arg3[%add3A, %select_n3A_370, %dma_start3A_376, %dma_start3A_377] : memref<32x5x25x80xi32, #tpu.memory_space<hbm>> -> memref<1x1x25x80xi32, #tpu.memory_space<hbm>>
              %dma_start3A_379 = tpu.memref_squeeze %dma_start3A_378 : memref<1x1x25x80xi32, #tpu.memory_space<hbm>> -> memref<25x80xi32, #tpu.memory_space<hbm>>
              %dma_start3A_380 = arith.constant 0 : i32
              %dma_start3A_381 = tpu.memref_slice %arg6[%mul3A_372, %dma_start3A_380] : memref<50x80xi32, #tpu.memory_space<vmem>> -> memref<25x80xi32, #tpu.memory_space<vmem>>
              %dma_start3A_382 = arith.constant 0 : i32
              %dma_start3A_383 = arith.constant 0 : i32
              %dma_start3A_384 = tpu.memref_slice %arg3[%add3A, %select_n3A_370, %dma_start3A_382, %dma_start3A_383] : memref<32x5x25x80xi32, #tpu.memory_space<hbm>> -> memref<1x1x25x80xi32, #tpu.memory_space<hbm>>
              %dma_start3A_385 = tpu.memref_squeeze %dma_start3A_384 : memref<1x1x25x80xi32, #tpu.memory_space<hbm>> -> memref<25x80xi32, #tpu.memory_space<hbm>>
              tpu.enqueue_dma source(%dma_start3A_385 : memref<25x80xi32, #tpu.memory_space<hbm>>) target(%dma_start3A_381 : memref<25x80xi32, #tpu.memory_space<vmem>>) target_semaphore(%run_scoped3A_373 : memref<!tpu.dma_semaphore, #tpu.memory_space<semaphore_mem>>)
              %dma_wait3A_386 = arith.constant 0 : i32
              %dma_wait3A_387 = tpu.memref_slice %arg6[%mul3A_372, %dma_wait3A_386] : memref<50x80xi32, #tpu.memory_space<vmem>> -> memref<25x80xi32, #tpu.memory_space<vmem>>
              %dma_wait3A_388 = arith.constant 0 : i32
              %dma_wait3A_389 = arith.constant 0 : i32
              %dma_wait3A_390 = tpu.memref_slice %arg3[%add3A, %select_n3A_370, %dma_wait3A_388, %dma_wait3A_389] : memref<32x5x25x80xi32, #tpu.memory_space<hbm>> -> memref<1x1x25x80xi32, #tpu.memory_space<hbm>>
              %dma_wait3A_391 = tpu.memref_squeeze %dma_wait3A_390 : memref<1x1x25x80xi32, #tpu.memory_space<hbm>> -> memref<25x80xi32, #tpu.memory_space<hbm>>
              %dma_wait3A_392 = arith.constant 0 : i32
              %dma_wait3A_393 = tpu.memref_slice %arg6[%mul3A_372, %dma_wait3A_392] : memref<50x80xi32, #tpu.memory_space<vmem>> -> memref<25x80xi32, #tpu.memory_space<vmem>>
              %dma_wait3A_394 = arith.constant 0 : i32
              %dma_wait3A_395 = arith.constant 0 : i32
              %dma_wait3A_396 = tpu.memref_slice %arg3[%add3A, %select_n3A_370, %dma_wait3A_394, %dma_wait3A_395] : memref<32x5x25x80xi32, #tpu.memory_space<hbm>> -> memref<1x1x25x80xi32, #tpu.memory_space<hbm>>
              %dma_wait3A_397 = tpu.memref_squeeze %dma_wait3A_396 : memref<1x1x25x80xi32, #tpu.memory_space<hbm>> -> memref<25x80xi32, #tpu.memory_space<hbm>>
              tpu.wait_dma2 semaphore(%run_scoped3A_373 : memref<!tpu.dma_semaphore, #tpu.memory_space<semaphore_mem>>) src(%dma_wait3A_397 : memref<25x80xi32, #tpu.memory_space<hbm>>) dst(%dma_wait3A_393 : memref<25x80xi32, #tpu.memory_space<vmem>>)
              tpu.yield
            }) : () -> ()
          } else {
          }
          %ge3A = arith.constant 1 : i32
          %ge3A_284 = arith.cmpi sge, %add3A_206, %ge3A : i32
          %convert_element_type3A_285 = arith.extui %ge3A_284 : i1 to i32
          %cond3A_286 = arith.constant 0 : i32
          %cond3A_287 = arith.cmpi ne, %convert_element_type3A_285, %cond3A_286 : i32
          scf.if %cond3A_287 {
            %dma_wait3A_310 = arith.constant 0 : i32
            %dma_wait3A_311 = arith.constant 0 : i32
            %dma_wait3A_312 = tpu.memref_slice %arg12[%dma_wait3A_310, %dma_wait3A_311] : memref<10240x128xf32, #tpu.memory_space<vmem_shared>> -> memref<80x128xf32, #tpu.memory_space<vmem_shared>>
            %dma_wait3A_313 = arith.constant 0 : i32
            %dma_wait3A_314 = arith.constant 0 : i32
            %dma_wait3A_315 = tpu.memref_slice %arg12[%dma_wait3A_313, %dma_wait3A_314] : memref<10240x128xf32, #tpu.memory_space<vmem_shared>> -> memref<80x128xf32, #tpu.memory_space<vmem_shared>>
            tpu.wait_dma2 semaphore(%arg17 : memref<!tpu.dma_semaphore, #tpu.memory_space<semaphore_mem>>) src(%arg9 : memref<80x128xf32, #tpu.memory_space<vmem>>) dst(%dma_wait3A_315 : memref<80x128xf32, #tpu.memory_space<vmem_shared>>)
          } else {
          }
          %jit3A_288 = arith.constant 50 : i32
          %eq3A_289 = arith.constant 0 : i32
          %eq3A_290 = arith.cmpi eq, %jit3A_288, %eq3A_289 : i32
          %jit3A_291 = arith.constant 1 : i32
          %select_n3A_292 = arith.select %eq3A_290, %jit3A_291, %jit3A_288 : i32
          %rem3A_293 = arith.remsi %add3A_257, %select_n3A_292 : i32
          %ne3A_294 = arith.constant 0 : i32
          %ne3A_295 = arith.cmpi ne, %rem3A_293, %ne3A_294 : i32
          %lt3A_296 = arith.constant 0 : i32
          %lt3A_297 = arith.cmpi slt, %rem3A_293, %lt3A_296 : i32
          %lt3A_298 = arith.constant 0 : i32
          %lt3A_299 = arith.cmpi slt, %select_n3A_292, %lt3A_298 : i32
          %ne3A_300 = arith.xori %lt3A_297, %lt3A_299 : i1
          %and3A_301 = arith.andi %ne3A_300, %ne3A_295 : i1
          %add3A_302 = arith.addi %rem3A_293, %select_n3A_292 : i32
          %select_n3A_303 = arith.select %and3A_301, %add3A_302, %rem3A_293 : i32
          %dma_start3A_304 = arith.constant 0 : i32
          %dma_start3A_305 = tpu.memref_slice %arg6[%select_n3A_303, %dma_start3A_304] : memref<50x80xi32, #tpu.memory_space<vmem>> -> memref<1x80xi32, #tpu.memory_space<vmem>>
          %dma_start3A_306 = tpu.memref_squeeze %dma_start3A_305 : memref<1x80xi32, #tpu.memory_space<vmem>> -> memref<80xi32, #tpu.memory_space<vmem>>
          %dma_start3A_307 = arith.constant 0 : i32
          %dma_start3A_308 = arith.constant 0 : i32
          %dma_start3A_309 = tpu.memref_slice %arg2[%dma_start3A_307, %dma_start3A_308] : memref<10240x128xf32, #tpu.memory_space<hbm>> -> memref<10240x128xf32, #tpu.memory_space<hbm>>
          tpu.enqueue_indirect_dma source(%dma_start3A_309 : memref<10240x128xf32, #tpu.memory_space<hbm>>) target(%arg9 : memref<80x128xf32, #tpu.memory_space<vmem>>) offsets(%dma_start3A_306 : memref<80xi32, #tpu.memory_space<vmem>>) semaphore(%arg14 : memref<!tpu.dma_semaphore, #tpu.memory_space<semaphore_mem>>)
        } else {
        }
      } else {
      }
      %scan3A_202 = arith.constant 0 : i32
      scf.yield %scan3A_202 : i32
    }
    %scan3A_107 = arith.constant 42 : i32
    %dma_wait3A = arith.constant 0 : i32
    %dma_wait3A_108 = arith.constant 0 : i32
    %dma_wait3A_109 = tpu.memref_slice %arg12[%dma_wait3A, %dma_wait3A_108] : memref<10240x128xf32, #tpu.memory_space<vmem_shared>> -> memref<80x128xf32, #tpu.memory_space<vmem_shared>>
    %dma_wait3A_110 = arith.constant 0 : i32
    %dma_wait3A_111 = arith.constant 0 : i32
    %dma_wait3A_112 = tpu.memref_slice %arg12[%dma_wait3A_110, %dma_wait3A_111] : memref<10240x128xf32, #tpu.memory_space<vmem_shared>> -> memref<80x128xf32, #tpu.memory_space<vmem_shared>>
    tpu.wait_dma2 semaphore(%arg18 : memref<!tpu.dma_semaphore, #tpu.memory_space<semaphore_mem>>) src(%arg10 : memref<80x128xf32, #tpu.memory_space<vmem>>) dst(%dma_wait3A_112 : memref<80x128xf32, #tpu.memory_space<vmem_shared>>)
    %dma_wait3A_113 = arith.constant 0 : i32
    %dma_wait3A_114 = arith.constant 0 : i32
    %dma_wait3A_115 = tpu.memref_slice %arg12[%dma_wait3A_113, %dma_wait3A_114] : memref<10240x128xf32, #tpu.memory_space<vmem_shared>> -> memref<80x128xf32, #tpu.memory_space<vmem_shared>>
    %dma_wait3A_116 = arith.constant 0 : i32
    %dma_wait3A_117 = arith.constant 0 : i32
    %dma_wait3A_118 = tpu.memref_slice %arg12[%dma_wait3A_116, %dma_wait3A_117] : memref<10240x128xf32, #tpu.memory_space<vmem_shared>> -> memref<80x128xf32, #tpu.memory_space<vmem_shared>>
    tpu.wait_dma2 semaphore(%arg16 : memref<!tpu.dma_semaphore, #tpu.memory_space<semaphore_mem>>) src(%arg8 : memref<80x128xf32, #tpu.memory_space<vmem>>) dst(%dma_wait3A_118 : memref<80x128xf32, #tpu.memory_space<vmem_shared>>)
    %dma_wait3A_119 = arith.constant 0 : i32
    %dma_wait3A_120 = arith.constant 0 : i32
    %dma_wait3A_121 = tpu.memref_slice %arg12[%dma_wait3A_119, %dma_wait3A_120] : memref<10240x128xf32, #tpu.memory_space<vmem_shared>> -> memref<80x128xf32, #tpu.memory_space<vmem_shared>>
    %dma_wait3A_122 = arith.constant 0 : i32
    %dma_wait3A_123 = arith.constant 0 : i32
    %dma_wait3A_124 = tpu.memref_slice %arg12[%dma_wait3A_122, %dma_wait3A_123] : memref<10240x128xf32, #tpu.memory_space<vmem_shared>> -> memref<80x128xf32, #tpu.memory_space<vmem_shared>>
    tpu.wait_dma2 semaphore(%arg17 : memref<!tpu.dma_semaphore, #tpu.memory_space<semaphore_mem>>) src(%arg9 : memref<80x128xf32, #tpu.memory_space<vmem>>) dst(%dma_wait3A_124 : memref<80x128xf32, #tpu.memory_space<vmem_shared>>)
    %barrier3A_125 = arith.constant 0 : index
    tpu.barrier barrier_id(%barrier3A_125)
    %mul3A_126 = arith.constant 640 : i32
    %mul3A_127 = arith.muli %arg1, %mul3A_126 : i32
    %mul3A_128 = arith.constant 10240 : i32
    %mul3A_129 = arith.muli %arg0, %mul3A_128 : i32
    %mul3A_130 = arith.constant 640 : i32
    %mul3A_131 = arith.muli %arg1, %mul3A_130 : i32
    %add3A_132 = arith.addi %mul3A_129, %mul3A_131 : i32
    "tpu.region"() ({
      %run_scoped3A_133 = tpu.sem_alloc : memref<!tpu.dma_semaphore, #tpu.memory_space<semaphore_mem>>
      %dma_start3A_134 = arith.constant 0 : i32
      %dma_start3A_135 = tpu.memref_slice %arg5[%add3A_132, %dma_start3A_134] : memref<20480x128xf32, #tpu.memory_space<hbm>> -> memref<640x128xf32, #tpu.memory_space<hbm>>
      %dma_start3A_136 = arith.constant 0 : i32
      %dma_start3A_137 = tpu.memref_slice %arg12[%mul3A_127, %dma_start3A_136] : memref<10240x128xf32, #tpu.memory_space<vmem_shared>> -> memref<640x128xf32, #tpu.memory_space<vmem_shared>>
      tpu.enqueue_dma source(%dma_start3A_137 : memref<640x128xf32, #tpu.memory_space<vmem_shared>>) target(%dma_start3A_135 : memref<640x128xf32, #tpu.memory_space<hbm>>) target_semaphore(%run_scoped3A_133 : memref<!tpu.dma_semaphore, #tpu.memory_space<semaphore_mem>>)
      %dma_wait3A_138 = arith.constant 0 : i32
      %dma_wait3A_139 = tpu.memref_slice %arg5[%add3A_132, %dma_wait3A_138] : memref<20480x128xf32, #tpu.memory_space<hbm>> -> memref<640x128xf32, #tpu.memory_space<hbm>>
      %dma_wait3A_140 = arith.constant 0 : i32
      %dma_wait3A_141 = tpu.memref_slice %arg12[%mul3A_127, %dma_wait3A_140] : memref<10240x128xf32, #tpu.memory_space<vmem_shared>> -> memref<640x128xf32, #tpu.memory_space<vmem_shared>>
      tpu.wait_dma2 semaphore(%run_scoped3A_133 : memref<!tpu.dma_semaphore, #tpu.memory_space<semaphore_mem>>) src(%dma_wait3A_141 : memref<640x128xf32, #tpu.memory_space<vmem_shared>>) dst(%dma_wait3A_139 : memref<640x128xf32, #tpu.memory_space<hbm>>)
      tpu.yield
    }) : () -> ()
    return
  }
}

#map = affine_map<(d0, d1) -> (0, 0, 0, 0)>
#map1 = affine_map<(d0, d1) -> (0)>
module attributes {stable_mosaic.version = 14 : i64} {
  func.func @_sc_deg(%arg0: i32, %arg1: i32, %arg2: memref<32x5x25x80xi32, #tpu.memory_space<hbm>>, %arg3: memref<20480xf32, #tpu.memory_space<hbm>>, %arg4: memref<50x80xi32, #tpu.memory_space<vmem>>, %arg5: memref<80xf32, #tpu.memory_space<vmem>>, %arg6: memref<640xf32, #tpu.memory_space<vmem>>, %arg7: memref<10240xf32, #tpu.memory_space<vmem_shared>>, %arg8: memref<!tpu.dma_semaphore, #tpu.memory_space<semaphore_mem>>, %arg9: memref<!tpu.dma_semaphore, #tpu.memory_space<semaphore_mem>>) attributes {dimension_semantics = [#tpu.dimension_semantics<core_parallel>, #tpu.dimension_semantics<subcore_parallel>], iteration_bounds = array<i64: 2, 16>, scalar_prefetch = 0 : i64, scratch_operands = 6 : i64, tpu.core_type = #tpu.core_type<sc_vector_subcore>, window_params = [{transform_indices = #map}, {transform_indices = #map1}]} {
    %mul3A = arith.constant 16 : i32
    %mul3A_0 = arith.muli %arg0, %mul3A : i32
    %add3A = arith.addi %mul3A_0, %arg1 : i32
    %broadcast_in_dim3A = arith.constant 1.000000e+00 : f32
    %broadcast_in_dim3A_1 = vector.broadcast %broadcast_in_dim3A : f32 to vector<16xf32>
    %broadcast_in_dim3A_2 = arith.constant 0.000000e+00 : f32
    %broadcast_in_dim3A_3 = vector.broadcast %broadcast_in_dim3A_2 : f32 to vector<16xf32>
    %scan3A = arith.constant 0 : i32
    %scan3A_4 = arith.constant 0 : i32
    %scan3A_5 = arith.constant 5 : i32
    %scan3A_6 = arith.addi %scan3A_4, %scan3A_5 : i32
    %scan3A_7 = arith.constant 1 : i32
    %scan3A_8 = scf.for %scan3A_101 = %scan3A_4 to %scan3A_6 step %scan3A_7 iter_args(%scan3A_102 = %scan3A) -> (i32)  : i32 {
      %mul3A_103 = arith.constant 16 : i32
      %mul3A_104 = arith.muli %scan3A_101, %mul3A_103 : i32
      %swap3A = arith.index_cast %mul3A_104 : i32 to index
      %swap3A_105 = tpu.vector_load %arg5[%swap3A] {strides = array<i32>} : memref<80xf32, #tpu.memory_space<vmem>>, vector<16xf32>,
      %swap3A_106 = vector.shape_cast %swap3A_105 : vector<16xf32> to vector<16xf32>
      %swap3A_107 = vector.shape_cast %broadcast_in_dim3A_1 : vector<16xf32> to vector<16xf32>
      tpu.vector_store %arg5[%swap3A], %swap3A_107 {strides = array<i32>} : memref<80xf32, #tpu.memory_space<vmem>>, vector<16xf32>,
      %scan3A_108 = arith.constant 0 : i32
      scf.yield %scan3A_108 : i32
    }
    %scan3A_9 = arith.constant 5 : i32
    %scan3A_10 = arith.constant 0 : i32
    %scan3A_11 = arith.constant 0 : i32
    %scan3A_12 = arith.constant 40 : i32
    %scan3A_13 = arith.addi %scan3A_11, %scan3A_12 : i32
    %scan3A_14 = arith.constant 1 : i32
    %scan3A_15 = scf.for %scan3A_101 = %scan3A_11 to %scan3A_13 step %scan3A_14 iter_args(%scan3A_102 = %scan3A_10) -> (i32)  : i32 {
      %mul3A_103 = arith.constant 16 : i32
      %mul3A_104 = arith.muli %scan3A_101, %mul3A_103 : i32
      %swap3A = arith.index_cast %mul3A_104 : i32 to index
      %swap3A_105 = tpu.vector_load %arg6[%swap3A] {strides = array<i32>} : memref<640xf32, #tpu.memory_space<vmem>>, vector<16xf32>,
      %swap3A_106 = vector.shape_cast %swap3A_105 : vector<16xf32> to vector<16xf32>
      %swap3A_107 = vector.shape_cast %broadcast_in_dim3A_3 : vector<16xf32> to vector<16xf32>
      tpu.vector_store %arg6[%swap3A], %swap3A_107 {strides = array<i32>} : memref<640xf32, #tpu.memory_space<vmem>>, vector<16xf32>,
      %scan3A_108 = arith.constant 0 : i32
      scf.yield %scan3A_108 : i32
    }
    %scan3A_16 = arith.constant 40 : i32
    %mul3A_17 = arith.constant 640 : i32
    %mul3A_18 = arith.muli %arg1, %mul3A_17 : i32
    "tpu.region"() ({
      %run_scoped3A_101 = tpu.sem_alloc : memref<!tpu.dma_semaphore, #tpu.memory_space<semaphore_mem>>
      %dma_start3A = tpu.memref_slice %arg7[%mul3A_18] : memref<10240xf32, #tpu.memory_space<vmem_shared>> -> memref<640xf32, #tpu.memory_space<vmem_shared>>
      %dma_start3A_102 = tpu.memref_slice %arg7[%mul3A_18] : memref<10240xf32, #tpu.memory_space<vmem_shared>> -> memref<640xf32, #tpu.memory_space<vmem_shared>>
      tpu.enqueue_dma source(%arg6 : memref<640xf32, #tpu.memory_space<vmem>>) target(%dma_start3A_102 : memref<640xf32, #tpu.memory_space<vmem_shared>>) target_semaphore(%run_scoped3A_101 : memref<!tpu.dma_semaphore, #tpu.memory_space<semaphore_mem>>)
      %dma_wait3A = tpu.memref_slice %arg7[%mul3A_18] : memref<10240xf32, #tpu.memory_space<vmem_shared>> -> memref<640xf32, #tpu.memory_space<vmem_shared>>
      %dma_wait3A_103 = tpu.memref_slice %arg7[%mul3A_18] : memref<10240xf32, #tpu.memory_space<vmem_shared>> -> memref<640xf32, #tpu.memory_space<vmem_shared>>
      tpu.wait_dma2 semaphore(%run_scoped3A_101 : memref<!tpu.dma_semaphore, #tpu.memory_space<semaphore_mem>>) src(%arg6 : memref<640xf32, #tpu.memory_space<vmem>>) dst(%dma_wait3A_103 : memref<640xf32, #tpu.memory_space<vmem_shared>>)
      tpu.yield
    }) : () -> ()
    %barrier3A = arith.constant 0 : index
    tpu.barrier barrier_id(%barrier3A)
    %run_scoped3A = arith.constant 0 : i32
    "tpu.region"() ({
      %run_scoped3A_101 = tpu.sem_alloc : memref<!tpu.dma_semaphore, #tpu.memory_space<semaphore_mem>>
      %dma_start3A = arith.constant 0 : i32
      %dma_start3A_102 = arith.constant 0 : i32
      %dma_start3A_103 = tpu.memref_slice %arg4[%dma_start3A, %dma_start3A_102] : memref<50x80xi32, #tpu.memory_space<vmem>> -> memref<25x80xi32, #tpu.memory_space<vmem>>
      %dma_start3A_104 = arith.constant 0 : i32
      %dma_start3A_105 = arith.constant 0 : i32
      %dma_start3A_106 = tpu.memref_slice %arg2[%add3A, %run_scoped3A, %dma_start3A_104, %dma_start3A_105] : memref<32x5x25x80xi32, #tpu.memory_space<hbm>> -> memref<1x1x25x80xi32, #tpu.memory_space<hbm>>
      %dma_start3A_107 = tpu.memref_squeeze %dma_start3A_106 : memref<1x1x25x80xi32, #tpu.memory_space<hbm>> -> memref<25x80xi32, #tpu.memory_space<hbm>>
      %dma_start3A_108 = arith.constant 0 : i32
      %dma_start3A_109 = arith.constant 0 : i32
      %dma_start3A_110 = tpu.memref_slice %arg4[%dma_start3A_108, %dma_start3A_109] : memref<50x80xi32, #tpu.memory_space<vmem>> -> memref<25x80xi32, #tpu.memory_space<vmem>>
      %dma_start3A_111 = arith.constant 0 : i32
      %dma_start3A_112 = arith.constant 0 : i32
      %dma_start3A_113 = tpu.memref_slice %arg2[%add3A, %run_scoped3A, %dma_start3A_111, %dma_start3A_112] : memref<32x5x25x80xi32, #tpu.memory_space<hbm>> -> memref<1x1x25x80xi32, #tpu.memory_space<hbm>>
      %dma_start3A_114 = tpu.memref_squeeze %dma_start3A_113 : memref<1x1x25x80xi32, #tpu.memory_space<hbm>> -> memref<25x80xi32, #tpu.memory_space<hbm>>
      tpu.enqueue_dma source(%dma_start3A_114 : memref<25x80xi32, #tpu.memory_space<hbm>>) target(%dma_start3A_110 : memref<25x80xi32, #tpu.memory_space<vmem>>) target_semaphore(%run_scoped3A_101 : memref<!tpu.dma_semaphore, #tpu.memory_space<semaphore_mem>>)
      %dma_wait3A = arith.constant 0 : i32
      %dma_wait3A_115 = arith.constant 0 : i32
      %dma_wait3A_116 = tpu.memref_slice %arg4[%dma_wait3A, %dma_wait3A_115] : memref<50x80xi32, #tpu.memory_space<vmem>> -> memref<25x80xi32, #tpu.memory_space<vmem>>
      %dma_wait3A_117 = arith.constant 0 : i32
      %dma_wait3A_118 = arith.constant 0 : i32
      %dma_wait3A_119 = tpu.memref_slice %arg2[%add3A, %run_scoped3A, %dma_wait3A_117, %dma_wait3A_118] : memref<32x5x25x80xi32, #tpu.memory_space<hbm>> -> memref<1x1x25x80xi32, #tpu.memory_space<hbm>>
      %dma_wait3A_120 = tpu.memref_squeeze %dma_wait3A_119 : memref<1x1x25x80xi32, #tpu.memory_space<hbm>> -> memref<25x80xi32, #tpu.memory_space<hbm>>
      %dma_wait3A_121 = arith.constant 0 : i32
      %dma_wait3A_122 = arith.constant 0 : i32
      %dma_wait3A_123 = tpu.memref_slice %arg4[%dma_wait3A_121, %dma_wait3A_122] : memref<50x80xi32, #tpu.memory_space<vmem>> -> memref<25x80xi32, #tpu.memory_space<vmem>>
      %dma_wait3A_124 = arith.constant 0 : i32
      %dma_wait3A_125 = arith.constant 0 : i32
      %dma_wait3A_126 = tpu.memref_slice %arg2[%add3A, %run_scoped3A, %dma_wait3A_124, %dma_wait3A_125] : memref<32x5x25x80xi32, #tpu.memory_space<hbm>> -> memref<1x1x25x80xi32, #tpu.memory_space<hbm>>
      %dma_wait3A_127 = tpu.memref_squeeze %dma_wait3A_126 : memref<1x1x25x80xi32, #tpu.memory_space<hbm>> -> memref<25x80xi32, #tpu.memory_space<hbm>>
      tpu.wait_dma2 semaphore(%run_scoped3A_101 : memref<!tpu.dma_semaphore, #tpu.memory_space<semaphore_mem>>) src(%dma_wait3A_127 : memref<25x80xi32, #tpu.memory_space<hbm>>) dst(%dma_wait3A_123 : memref<25x80xi32, #tpu.memory_space<vmem>>)
      tpu.yield
    }) : () -> ()
    %scan3A_19 = arith.constant 0 : i32
    %scan3A_20 = arith.constant 0 : i32
    %scan3A_21 = arith.constant 25 : i32
    %scan3A_22 = arith.addi %scan3A_20, %scan3A_21 : i32
    %scan3A_23 = arith.constant 1 : i32
    %scan3A_24 = scf.for %scan3A_101 = %scan3A_20 to %scan3A_22 step %scan3A_23 iter_args(%scan3A_102 = %scan3A_19) -> (i32)  : i32 {
      %add3A_103 = arith.constant 0 : i32
      %add3A_104 = arith.addi %add3A_103, %scan3A_101 : i32
      %dma_start3A = arith.constant 0 : i32
      %dma_start3A_105 = tpu.memref_slice %arg4[%add3A_104, %dma_start3A] : memref<50x80xi32, #tpu.memory_space<vmem>> -> memref<1x80xi32, #tpu.memory_space<vmem>>
      %dma_start3A_106 = tpu.memref_squeeze %dma_start3A_105 : memref<1x80xi32, #tpu.memory_space<vmem>> -> memref<80xi32, #tpu.memory_space<vmem>>
      %dma_start3A_107 = arith.constant 0 : i32
      %dma_start3A_108 = tpu.memref_slice %arg7[%dma_start3A_107] : memref<10240xf32, #tpu.memory_space<vmem_shared>> -> memref<10240xf32, #tpu.memory_space<vmem_shared>>
      tpu.enqueue_indirect_dma source(%arg5 : memref<80xf32, #tpu.memory_space<vmem>>) target(%dma_start3A_108 : memref<10240xf32, #tpu.memory_space<vmem_shared>>) offsets(%dma_start3A_106 : memref<80xi32, #tpu.memory_space<vmem>>) semaphore(%arg8 : memref<!tpu.dma_semaphore, #tpu.memory_space<semaphore_mem>>) {add = true}
      %scan3A_109 = arith.constant 0 : i32
      scf.yield %scan3A_109 : i32
    }
    %scan3A_25 = arith.constant 25 : i32
    %run_scoped3A_26 = arith.constant 1 : i32
    "tpu.region"() ({
      %run_scoped3A_101 = tpu.sem_alloc : memref<!tpu.dma_semaphore, #tpu.memory_space<semaphore_mem>>
      %dma_start3A = arith.constant 25 : i32
      %dma_start3A_102 = arith.constant 0 : i32
      %dma_start3A_103 = tpu.memref_slice %arg4[%dma_start3A, %dma_start3A_102] : memref<50x80xi32, #tpu.memory_space<vmem>> -> memref<25x80xi32, #tpu.memory_space<vmem>>
      %dma_start3A_104 = arith.constant 0 : i32
      %dma_start3A_105 = arith.constant 0 : i32
      %dma_start3A_106 = tpu.memref_slice %arg2[%add3A, %run_scoped3A_26, %dma_start3A_104, %dma_start3A_105] : memref<32x5x25x80xi32, #tpu.memory_space<hbm>> -> memref<1x1x25x80xi32, #tpu.memory_space<hbm>>
      %dma_start3A_107 = tpu.memref_squeeze %dma_start3A_106 : memref<1x1x25x80xi32, #tpu.memory_space<hbm>> -> memref<25x80xi32, #tpu.memory_space<hbm>>
      %dma_start3A_108 = arith.constant 25 : i32
      %dma_start3A_109 = arith.constant 0 : i32
      %dma_start3A_110 = tpu.memref_slice %arg4[%dma_start3A_108, %dma_start3A_109] : memref<50x80xi32, #tpu.memory_space<vmem>> -> memref<25x80xi32, #tpu.memory_space<vmem>>
      %dma_start3A_111 = arith.constant 0 : i32
      %dma_start3A_112 = arith.constant 0 : i32
      %dma_start3A_113 = tpu.memref_slice %arg2[%add3A, %run_scoped3A_26, %dma_start3A_111, %dma_start3A_112] : memref<32x5x25x80xi32, #tpu.memory_space<hbm>> -> memref<1x1x25x80xi32, #tpu.memory_space<hbm>>
      %dma_start3A_114 = tpu.memref_squeeze %dma_start3A_113 : memref<1x1x25x80xi32, #tpu.memory_space<hbm>> -> memref<25x80xi32, #tpu.memory_space<hbm>>
      tpu.enqueue_dma source(%dma_start3A_114 : memref<25x80xi32, #tpu.memory_space<hbm>>) target(%dma_start3A_110 : memref<25x80xi32, #tpu.memory_space<vmem>>) target_semaphore(%run_scoped3A_101 : memref<!tpu.dma_semaphore, #tpu.memory_space<semaphore_mem>>)
      %dma_wait3A = arith.constant 25 : i32
      %dma_wait3A_115 = arith.constant 0 : i32
      %dma_wait3A_116 = tpu.memref_slice %arg4[%dma_wait3A, %dma_wait3A_115] : memref<50x80xi32, #tpu.memory_space<vmem>> -> memref<25x80xi32, #tpu.memory_space<vmem>>
      %dma_wait3A_117 = arith.constant 0 : i32
      %dma_wait3A_118 = arith.constant 0 : i32
      %dma_wait3A_119 = tpu.memref_slice %arg2[%add3A, %run_scoped3A_26, %dma_wait3A_117, %dma_wait3A_118] : memref<32x5x25x80xi32, #tpu.memory_space<hbm>> -> memref<1x1x25x80xi32, #tpu.memory_space<hbm>>
      %dma_wait3A_120 = tpu.memref_squeeze %dma_wait3A_119 : memref<1x1x25x80xi32, #tpu.memory_space<hbm>> -> memref<25x80xi32, #tpu.memory_space<hbm>>
      %dma_wait3A_121 = arith.constant 25 : i32
      %dma_wait3A_122 = arith.constant 0 : i32
      %dma_wait3A_123 = tpu.memref_slice %arg4[%dma_wait3A_121, %dma_wait3A_122] : memref<50x80xi32, #tpu.memory_space<vmem>> -> memref<25x80xi32, #tpu.memory_space<vmem>>
      %dma_wait3A_124 = arith.constant 0 : i32
      %dma_wait3A_125 = arith.constant 0 : i32
      %dma_wait3A_126 = tpu.memref_slice %arg2[%add3A, %run_scoped3A_26, %dma_wait3A_124, %dma_wait3A_125] : memref<32x5x25x80xi32, #tpu.memory_space<hbm>> -> memref<1x1x25x80xi32, #tpu.memory_space<hbm>>
      %dma_wait3A_127 = tpu.memref_squeeze %dma_wait3A_126 : memref<1x1x25x80xi32, #tpu.memory_space<hbm>> -> memref<25x80xi32, #tpu.memory_space<hbm>>
      tpu.wait_dma2 semaphore(%run_scoped3A_101 : memref<!tpu.dma_semaphore, #tpu.memory_space<semaphore_mem>>) src(%dma_wait3A_127 : memref<25x80xi32, #tpu.memory_space<hbm>>) dst(%dma_wait3A_123 : memref<25x80xi32, #tpu.memory_space<vmem>>)
      tpu.yield
    }) : () -> ()
    %scan3A_27 = arith.constant 0 : i32
    %scan3A_28 = arith.constant 0 : i32
    %scan3A_29 = arith.constant 25 : i32
    %scan3A_30 = arith.addi %scan3A_28, %scan3A_29 : i32
    %scan3A_31 = arith.constant 1 : i32
    %scan3A_32 = scf.for %scan3A_101 = %scan3A_28 to %scan3A_30 step %scan3A_31 iter_args(%scan3A_102 = %scan3A_27) -> (i32)  : i32 {
      %add3A_103 = arith.constant 25 : i32
      %add3A_104 = arith.addi %add3A_103, %scan3A_101 : i32
      %dma_start3A = arith.constant 0 : i32
      %dma_start3A_105 = tpu.memref_slice %arg4[%add3A_104, %dma_start3A] : memref<50x80xi32, #tpu.memory_space<vmem>> -> memref<1x80xi32, #tpu.memory_space<vmem>>
      %dma_start3A_106 = tpu.memref_squeeze %dma_start3A_105 : memref<1x80xi32, #tpu.memory_space<vmem>> -> memref<80xi32, #tpu.memory_space<vmem>>
      %dma_start3A_107 = arith.constant 0 : i32
      %dma_start3A_108 = tpu.memref_slice %arg7[%dma_start3A_107] : memref<10240xf32, #tpu.memory_space<vmem_shared>> -> memref<10240xf32, #tpu.memory_space<vmem_shared>>
      tpu.enqueue_indirect_dma source(%arg5 : memref<80xf32, #tpu.memory_space<vmem>>) target(%dma_start3A_108 : memref<10240xf32, #tpu.memory_space<vmem_shared>>) offsets(%dma_start3A_106 : memref<80xi32, #tpu.memory_space<vmem>>) semaphore(%arg9 : memref<!tpu.dma_semaphore, #tpu.memory_space<semaphore_mem>>) {add = true}
      %scan3A_109 = arith.constant 0 : i32
      scf.yield %scan3A_109 : i32
    }
    %scan3A_33 = arith.constant 25 : i32
    %scan3A_34 = arith.constant 0 : i32
    %scan3A_35 = arith.constant 0 : i32
    %scan3A_36 = arith.constant 25 : i32
    %scan3A_37 = arith.addi %scan3A_35, %scan3A_36 : i32
    %scan3A_38 = arith.constant 1 : i32
    %scan3A_39 = scf.for %scan3A_101 = %scan3A_35 to %scan3A_37 step %scan3A_38 iter_args(%scan3A_102 = %scan3A_34) -> (i32)  : i32 {
      %dma_wait3A = arith.constant 0 : i32
      %dma_wait3A_103 = arith.constant 0 : i32
      %dma_wait3A_104 = tpu.memref_slice %arg4[%dma_wait3A, %dma_wait3A_103] : memref<50x80xi32, #tpu.memory_space<vmem>> -> memref<1x80xi32, #tpu.memory_space<vmem>>
      %dma_wait3A_105 = tpu.memref_squeeze %dma_wait3A_104 : memref<1x80xi32, #tpu.memory_space<vmem>> -> memref<80xi32, #tpu.memory_space<vmem>>
      %dma_wait3A_106 = arith.constant 0 : i32
      %dma_wait3A_107 = tpu.memref_slice %arg7[%dma_wait3A_106] : memref<10240xf32, #tpu.memory_space<vmem_shared>> -> memref<10240xf32, #tpu.memory_space<vmem_shared>>
      tpu.wait_indirect_dma semaphore(%arg8 : memref<!tpu.dma_semaphore, #tpu.memory_space<semaphore_mem>>) src(%arg5 : memref<80xf32, #tpu.memory_space<vmem>>) dst(%dma_wait3A_107 : memref<10240xf32, #tpu.memory_space<vmem_shared>>)
      %scan3A_108 = arith.constant 0 : i32
      scf.yield %scan3A_108 : i32
    }
    %scan3A_40 = arith.constant 25 : i32
    %run_scoped3A_41 = arith.constant 2 : i32
    "tpu.region"() ({
      %run_scoped3A_101 = tpu.sem_alloc : memref<!tpu.dma_semaphore, #tpu.memory_space<semaphore_mem>>
      %dma_start3A = arith.constant 0 : i32
      %dma_start3A_102 = arith.constant 0 : i32
      %dma_start3A_103 = tpu.memref_slice %arg4[%dma_start3A, %dma_start3A_102] : memref<50x80xi32, #tpu.memory_space<vmem>> -> memref<25x80xi32, #tpu.memory_space<vmem>>
      %dma_start3A_104 = arith.constant 0 : i32
      %dma_start3A_105 = arith.constant 0 : i32
      %dma_start3A_106 = tpu.memref_slice %arg2[%add3A, %run_scoped3A_41, %dma_start3A_104, %dma_start3A_105] : memref<32x5x25x80xi32, #tpu.memory_space<hbm>> -> memref<1x1x25x80xi32, #tpu.memory_space<hbm>>
      %dma_start3A_107 = tpu.memref_squeeze %dma_start3A_106 : memref<1x1x25x80xi32, #tpu.memory_space<hbm>> -> memref<25x80xi32, #tpu.memory_space<hbm>>
      %dma_start3A_108 = arith.constant 0 : i32
      %dma_start3A_109 = arith.constant 0 : i32
      %dma_start3A_110 = tpu.memref_slice %arg4[%dma_start3A_108, %dma_start3A_109] : memref<50x80xi32, #tpu.memory_space<vmem>> -> memref<25x80xi32, #tpu.memory_space<vmem>>
      %dma_start3A_111 = arith.constant 0 : i32
      %dma_start3A_112 = arith.constant 0 : i32
      %dma_start3A_113 = tpu.memref_slice %arg2[%add3A, %run_scoped3A_41, %dma_start3A_111, %dma_start3A_112] : memref<32x5x25x80xi32, #tpu.memory_space<hbm>> -> memref<1x1x25x80xi32, #tpu.memory_space<hbm>>
      %dma_start3A_114 = tpu.memref_squeeze %dma_start3A_113 : memref<1x1x25x80xi32, #tpu.memory_space<hbm>> -> memref<25x80xi32, #tpu.memory_space<hbm>>
      tpu.enqueue_dma source(%dma_start3A_114 : memref<25x80xi32, #tpu.memory_space<hbm>>) target(%dma_start3A_110 : memref<25x80xi32, #tpu.memory_space<vmem>>) target_semaphore(%run_scoped3A_101 : memref<!tpu.dma_semaphore, #tpu.memory_space<semaphore_mem>>)
      %dma_wait3A = arith.constant 0 : i32
      %dma_wait3A_115 = arith.constant 0 : i32
      %dma_wait3A_116 = tpu.memref_slice %arg4[%dma_wait3A, %dma_wait3A_115] : memref<50x80xi32, #tpu.memory_space<vmem>> -> memref<25x80xi32, #tpu.memory_space<vmem>>
      %dma_wait3A_117 = arith.constant 0 : i32
      %dma_wait3A_118 = arith.constant 0 : i32
      %dma_wait3A_119 = tpu.memref_slice %arg2[%add3A, %run_scoped3A_41, %dma_wait3A_117, %dma_wait3A_118] : memref<32x5x25x80xi32, #tpu.memory_space<hbm>> -> memref<1x1x25x80xi32, #tpu.memory_space<hbm>>
      %dma_wait3A_120 = tpu.memref_squeeze %dma_wait3A_119 : memref<1x1x25x80xi32, #tpu.memory_space<hbm>> -> memref<25x80xi32, #tpu.memory_space<hbm>>
      %dma_wait3A_121 = arith.constant 0 : i32
      %dma_wait3A_122 = arith.constant 0 : i32
      %dma_wait3A_123 = tpu.memref_slice %arg4[%dma_wait3A_121, %dma_wait3A_122] : memref<50x80xi32, #tpu.memory_space<vmem>> -> memref<25x80xi32, #tpu.memory_space<vmem>>
      %dma_wait3A_124 = arith.constant 0 : i32
      %dma_wait3A_125 = arith.constant 0 : i32
      %dma_wait3A_126 = tpu.memref_slice %arg2[%add3A, %run_scoped3A_41, %dma_wait3A_124, %dma_wait3A_125] : memref<32x5x25x80xi32, #tpu.memory_space<hbm>> -> memref<1x1x25x80xi32, #tpu.memory_space<hbm>>
      %dma_wait3A_127 = tpu.memref_squeeze %dma_wait3A_126 : memref<1x1x25x80xi32, #tpu.memory_space<hbm>> -> memref<25x80xi32, #tpu.memory_space<hbm>>
      tpu.wait_dma2 semaphore(%run_scoped3A_101 : memref<!tpu.dma_semaphore, #tpu.memory_space<semaphore_mem>>) src(%dma_wait3A_127 : memref<25x80xi32, #tpu.memory_space<hbm>>) dst(%dma_wait3A_123 : memref<25x80xi32, #tpu.memory_space<vmem>>)
      tpu.yield
    }) : () -> ()
    %scan3A_42 = arith.constant 0 : i32
    %scan3A_43 = arith.constant 0 : i32
    %scan3A_44 = arith.constant 25 : i32
    %scan3A_45 = arith.addi %scan3A_43, %scan3A_44 : i32
    %scan3A_46 = arith.constant 1 : i32
    %scan3A_47 = scf.for %scan3A_101 = %scan3A_43 to %scan3A_45 step %scan3A_46 iter_args(%scan3A_102 = %scan3A_42) -> (i32)  : i32 {
      %add3A_103 = arith.constant 0 : i32
      %add3A_104 = arith.addi %add3A_103, %scan3A_101 : i32
      %dma_start3A = arith.constant 0 : i32
      %dma_start3A_105 = tpu.memref_slice %arg4[%add3A_104, %dma_start3A] : memref<50x80xi32, #tpu.memory_space<vmem>> -> memref<1x80xi32, #tpu.memory_space<vmem>>
      %dma_start3A_106 = tpu.memref_squeeze %dma_start3A_105 : memref<1x80xi32, #tpu.memory_space<vmem>> -> memref<80xi32, #tpu.memory_space<vmem>>
      %dma_start3A_107 = arith.constant 0 : i32
      %dma_start3A_108 = tpu.memref_slice %arg7[%dma_start3A_107] : memref<10240xf32, #tpu.memory_space<vmem_shared>> -> memref<10240xf32, #tpu.memory_space<vmem_shared>>
      tpu.enqueue_indirect_dma source(%arg5 : memref<80xf32, #tpu.memory_space<vmem>>) target(%dma_start3A_108 : memref<10240xf32, #tpu.memory_space<vmem_shared>>) offsets(%dma_start3A_106 : memref<80xi32, #tpu.memory_space<vmem>>) semaphore(%arg8 : memref<!tpu.dma_semaphore, #tpu.memory_space<semaphore_mem>>) {add = true}
      %scan3A_109 = arith.constant 0 : i32
      scf.yield %scan3A_109 : i32
    }
    %scan3A_48 = arith.constant 25 : i32
    %scan3A_49 = arith.constant 0 : i32
    %scan3A_50 = arith.constant 0 : i32
    %scan3A_51 = arith.constant 25 : i32
    %scan3A_52 = arith.addi %scan3A_50, %scan3A_51 : i32
    %scan3A_53 = arith.constant 1 : i32
    %scan3A_54 = scf.for %scan3A_101 = %scan3A_50 to %scan3A_52 step %scan3A_53 iter_args(%scan3A_102 = %scan3A_49) -> (i32)  : i32 {
      %dma_wait3A = arith.constant 25 : i32
      %dma_wait3A_103 = arith.constant 0 : i32
      %dma_wait3A_104 = tpu.memref_slice %arg4[%dma_wait3A, %dma_wait3A_103] : memref<50x80xi32, #tpu.memory_space<vmem>> -> memref<1x80xi32, #tpu.memory_space<vmem>>
      %dma_wait3A_105 = tpu.memref_squeeze %dma_wait3A_104 : memref<1x80xi32, #tpu.memory_space<vmem>> -> memref<80xi32, #tpu.memory_space<vmem>>
      %dma_wait3A_106 = arith.constant 0 : i32
      %dma_wait3A_107 = tpu.memref_slice %arg7[%dma_wait3A_106] : memref<10240xf32, #tpu.memory_space<vmem_shared>> -> memref<10240xf32, #tpu.memory_space<vmem_shared>>
      tpu.wait_indirect_dma semaphore(%arg9 : memref<!tpu.dma_semaphore, #tpu.memory_space<semaphore_mem>>) src(%arg5 : memref<80xf32, #tpu.memory_space<vmem>>) dst(%dma_wait3A_107 : memref<10240xf32, #tpu.memory_space<vmem_shared>>)
      %scan3A_108 = arith.constant 0 : i32
      scf.yield %scan3A_108 : i32
    }
    %scan3A_55 = arith.constant 25 : i32
    %run_scoped3A_56 = arith.constant 3 : i32
    "tpu.region"() ({
      %run_scoped3A_101 = tpu.sem_alloc : memref<!tpu.dma_semaphore, #tpu.memory_space<semaphore_mem>>
      %dma_start3A = arith.constant 25 : i32
      %dma_start3A_102 = arith.constant 0 : i32
      %dma_start3A_103 = tpu.memref_slice %arg4[%dma_start3A, %dma_start3A_102] : memref<50x80xi32, #tpu.memory_space<vmem>> -> memref<25x80xi32, #tpu.memory_space<vmem>>
      %dma_start3A_104 = arith.constant 0 : i32
      %dma_start3A_105 = arith.constant 0 : i32
      %dma_start3A_106 = tpu.memref_slice %arg2[%add3A, %run_scoped3A_56, %dma_start3A_104, %dma_start3A_105] : memref<32x5x25x80xi32, #tpu.memory_space<hbm>> -> memref<1x1x25x80xi32, #tpu.memory_space<hbm>>
      %dma_start3A_107 = tpu.memref_squeeze %dma_start3A_106 : memref<1x1x25x80xi32, #tpu.memory_space<hbm>> -> memref<25x80xi32, #tpu.memory_space<hbm>>
      %dma_start3A_108 = arith.constant 25 : i32
      %dma_start3A_109 = arith.constant 0 : i32
      %dma_start3A_110 = tpu.memref_slice %arg4[%dma_start3A_108, %dma_start3A_109] : memref<50x80xi32, #tpu.memory_space<vmem>> -> memref<25x80xi32, #tpu.memory_space<vmem>>
      %dma_start3A_111 = arith.constant 0 : i32
      %dma_start3A_112 = arith.constant 0 : i32
      %dma_start3A_113 = tpu.memref_slice %arg2[%add3A, %run_scoped3A_56, %dma_start3A_111, %dma_start3A_112] : memref<32x5x25x80xi32, #tpu.memory_space<hbm>> -> memref<1x1x25x80xi32, #tpu.memory_space<hbm>>
      %dma_start3A_114 = tpu.memref_squeeze %dma_start3A_113 : memref<1x1x25x80xi32, #tpu.memory_space<hbm>> -> memref<25x80xi32, #tpu.memory_space<hbm>>
      tpu.enqueue_dma source(%dma_start3A_114 : memref<25x80xi32, #tpu.memory_space<hbm>>) target(%dma_start3A_110 : memref<25x80xi32, #tpu.memory_space<vmem>>) target_semaphore(%run_scoped3A_101 : memref<!tpu.dma_semaphore, #tpu.memory_space<semaphore_mem>>)
      %dma_wait3A = arith.constant 25 : i32
      %dma_wait3A_115 = arith.constant 0 : i32
      %dma_wait3A_116 = tpu.memref_slice %arg4[%dma_wait3A, %dma_wait3A_115] : memref<50x80xi32, #tpu.memory_space<vmem>> -> memref<25x80xi32, #tpu.memory_space<vmem>>
      %dma_wait3A_117 = arith.constant 0 : i32
      %dma_wait3A_118 = arith.constant 0 : i32
      %dma_wait3A_119 = tpu.memref_slice %arg2[%add3A, %run_scoped3A_56, %dma_wait3A_117, %dma_wait3A_118] : memref<32x5x25x80xi32, #tpu.memory_space<hbm>> -> memref<1x1x25x80xi32, #tpu.memory_space<hbm>>
      %dma_wait3A_120 = tpu.memref_squeeze %dma_wait3A_119 : memref<1x1x25x80xi32, #tpu.memory_space<hbm>> -> memref<25x80xi32, #tpu.memory_space<hbm>>
      %dma_wait3A_121 = arith.constant 25 : i32
      %dma_wait3A_122 = arith.constant 0 : i32
      %dma_wait3A_123 = tpu.memref_slice %arg4[%dma_wait3A_121, %dma_wait3A_122] : memref<50x80xi32, #tpu.memory_space<vmem>> -> memref<25x80xi32, #tpu.memory_space<vmem>>
      %dma_wait3A_124 = arith.constant 0 : i32
      %dma_wait3A_125 = arith.constant 0 : i32
      %dma_wait3A_126 = tpu.memref_slice %arg2[%add3A, %run_scoped3A_56, %dma_wait3A_124, %dma_wait3A_125] : memref<32x5x25x80xi32, #tpu.memory_space<hbm>> -> memref<1x1x25x80xi32, #tpu.memory_space<hbm>>
      %dma_wait3A_127 = tpu.memref_squeeze %dma_wait3A_126 : memref<1x1x25x80xi32, #tpu.memory_space<hbm>> -> memref<25x80xi32, #tpu.memory_space<hbm>>
      tpu.wait_dma2 semaphore(%run_scoped3A_101 : memref<!tpu.dma_semaphore, #tpu.memory_space<semaphore_mem>>) src(%dma_wait3A_127 : memref<25x80xi32, #tpu.memory_space<hbm>>) dst(%dma_wait3A_123 : memref<25x80xi32, #tpu.memory_space<vmem>>)
      tpu.yield
    }) : () -> ()
    %scan3A_57 = arith.constant 0 : i32
    %scan3A_58 = arith.constant 0 : i32
    %scan3A_59 = arith.constant 25 : i32
    %scan3A_60 = arith.addi %scan3A_58, %scan3A_59 : i32
    %scan3A_61 = arith.constant 1 : i32
    %scan3A_62 = scf.for %scan3A_101 = %scan3A_58 to %scan3A_60 step %scan3A_61 iter_args(%scan3A_102 = %scan3A_57) -> (i32)  : i32 {
      %add3A_103 = arith.constant 25 : i32
      %add3A_104 = arith.addi %add3A_103, %scan3A_101 : i32
      %dma_start3A = arith.constant 0 : i32
      %dma_start3A_105 = tpu.memref_slice %arg4[%add3A_104, %dma_start3A] : memref<50x80xi32, #tpu.memory_space<vmem>> -> memref<1x80xi32, #tpu.memory_space<vmem>>
      %dma_start3A_106 = tpu.memref_squeeze %dma_start3A_105 : memref<1x80xi32, #tpu.memory_space<vmem>> -> memref<80xi32, #tpu.memory_space<vmem>>
      %dma_start3A_107 = arith.constant 0 : i32
      %dma_start3A_108 = tpu.memref_slice %arg7[%dma_start3A_107] : memref<10240xf32, #tpu.memory_space<vmem_shared>> -> memref<10240xf32, #tpu.memory_space<vmem_shared>>
      tpu.enqueue_indirect_dma source(%arg5 : memref<80xf32, #tpu.memory_space<vmem>>) target(%dma_start3A_108 : memref<10240xf32, #tpu.memory_space<vmem_shared>>) offsets(%dma_start3A_106 : memref<80xi32, #tpu.memory_space<vmem>>) semaphore(%arg9 : memref<!tpu.dma_semaphore, #tpu.memory_space<semaphore_mem>>) {add = true}
      %scan3A_109 = arith.constant 0 : i32
      scf.yield %scan3A_109 : i32
    }
    %scan3A_63 = arith.constant 25 : i32
    %scan3A_64 = arith.constant 0 : i32
    %scan3A_65 = arith.constant 0 : i32
    %scan3A_66 = arith.constant 25 : i32
    %scan3A_67 = arith.addi %scan3A_65, %scan3A_66 : i32
    %scan3A_68 = arith.constant 1 : i32
    %scan3A_69 = scf.for %scan3A_101 = %scan3A_65 to %scan3A_67 step %scan3A_68 iter_args(%scan3A_102 = %scan3A_64) -> (i32)  : i32 {
      %dma_wait3A = arith.constant 0 : i32
      %dma_wait3A_103 = arith.constant 0 : i32
      %dma_wait3A_104 = tpu.memref_slice %arg4[%dma_wait3A, %dma_wait3A_103] : memref<50x80xi32, #tpu.memory_space<vmem>> -> memref<1x80xi32, #tpu.memory_space<vmem>>
      %dma_wait3A_105 = tpu.memref_squeeze %dma_wait3A_104 : memref<1x80xi32, #tpu.memory_space<vmem>> -> memref<80xi32, #tpu.memory_space<vmem>>
      %dma_wait3A_106 = arith.constant 0 : i32
      %dma_wait3A_107 = tpu.memref_slice %arg7[%dma_wait3A_106] : memref<10240xf32, #tpu.memory_space<vmem_shared>> -> memref<10240xf32, #tpu.memory_space<vmem_shared>>
      tpu.wait_indirect_dma semaphore(%arg8 : memref<!tpu.dma_semaphore, #tpu.memory_space<semaphore_mem>>) src(%arg5 : memref<80xf32, #tpu.memory_space<vmem>>) dst(%dma_wait3A_107 : memref<10240xf32, #tpu.memory_space<vmem_shared>>)
      %scan3A_108 = arith.constant 0 : i32
      scf.yield %scan3A_108 : i32
    }
    %scan3A_70 = arith.constant 25 : i32
    %run_scoped3A_71 = arith.constant 4 : i32
    "tpu.region"() ({
      %run_scoped3A_101 = tpu.sem_alloc : memref<!tpu.dma_semaphore, #tpu.memory_space<semaphore_mem>>
      %dma_start3A = arith.constant 0 : i32
      %dma_start3A_102 = arith.constant 0 : i32
      %dma_start3A_103 = tpu.memref_slice %arg4[%dma_start3A, %dma_start3A_102] : memref<50x80xi32, #tpu.memory_space<vmem>> -> memref<25x80xi32, #tpu.memory_space<vmem>>
      %dma_start3A_104 = arith.constant 0 : i32
      %dma_start3A_105 = arith.constant 0 : i32
      %dma_start3A_106 = tpu.memref_slice %arg2[%add3A, %run_scoped3A_71, %dma_start3A_104, %dma_start3A_105] : memref<32x5x25x80xi32, #tpu.memory_space<hbm>> -> memref<1x1x25x80xi32, #tpu.memory_space<hbm>>
      %dma_start3A_107 = tpu.memref_squeeze %dma_start3A_106 : memref<1x1x25x80xi32, #tpu.memory_space<hbm>> -> memref<25x80xi32, #tpu.memory_space<hbm>>
      %dma_start3A_108 = arith.constant 0 : i32
      %dma_start3A_109 = arith.constant 0 : i32
      %dma_start3A_110 = tpu.memref_slice %arg4[%dma_start3A_108, %dma_start3A_109] : memref<50x80xi32, #tpu.memory_space<vmem>> -> memref<25x80xi32, #tpu.memory_space<vmem>>
      %dma_start3A_111 = arith.constant 0 : i32
      %dma_start3A_112 = arith.constant 0 : i32
      %dma_start3A_113 = tpu.memref_slice %arg2[%add3A, %run_scoped3A_71, %dma_start3A_111, %dma_start3A_112] : memref<32x5x25x80xi32, #tpu.memory_space<hbm>> -> memref<1x1x25x80xi32, #tpu.memory_space<hbm>>
      %dma_start3A_114 = tpu.memref_squeeze %dma_start3A_113 : memref<1x1x25x80xi32, #tpu.memory_space<hbm>> -> memref<25x80xi32, #tpu.memory_space<hbm>>
      tpu.enqueue_dma source(%dma_start3A_114 : memref<25x80xi32, #tpu.memory_space<hbm>>) target(%dma_start3A_110 : memref<25x80xi32, #tpu.memory_space<vmem>>) target_semaphore(%run_scoped3A_101 : memref<!tpu.dma_semaphore, #tpu.memory_space<semaphore_mem>>)
      %dma_wait3A = arith.constant 0 : i32
      %dma_wait3A_115 = arith.constant 0 : i32
      %dma_wait3A_116 = tpu.memref_slice %arg4[%dma_wait3A, %dma_wait3A_115] : memref<50x80xi32, #tpu.memory_space<vmem>> -> memref<25x80xi32, #tpu.memory_space<vmem>>
      %dma_wait3A_117 = arith.constant 0 : i32
      %dma_wait3A_118 = arith.constant 0 : i32
      %dma_wait3A_119 = tpu.memref_slice %arg2[%add3A, %run_scoped3A_71, %dma_wait3A_117, %dma_wait3A_118] : memref<32x5x25x80xi32, #tpu.memory_space<hbm>> -> memref<1x1x25x80xi32, #tpu.memory_space<hbm>>
      %dma_wait3A_120 = tpu.memref_squeeze %dma_wait3A_119 : memref<1x1x25x80xi32, #tpu.memory_space<hbm>> -> memref<25x80xi32, #tpu.memory_space<hbm>>
      %dma_wait3A_121 = arith.constant 0 : i32
      %dma_wait3A_122 = arith.constant 0 : i32
      %dma_wait3A_123 = tpu.memref_slice %arg4[%dma_wait3A_121, %dma_wait3A_122] : memref<50x80xi32, #tpu.memory_space<vmem>> -> memref<25x80xi32, #tpu.memory_space<vmem>>
      %dma_wait3A_124 = arith.constant 0 : i32
      %dma_wait3A_125 = arith.constant 0 : i32
      %dma_wait3A_126 = tpu.memref_slice %arg2[%add3A, %run_scoped3A_71, %dma_wait3A_124, %dma_wait3A_125] : memref<32x5x25x80xi32, #tpu.memory_space<hbm>> -> memref<1x1x25x80xi32, #tpu.memory_space<hbm>>
      %dma_wait3A_127 = tpu.memref_squeeze %dma_wait3A_126 : memref<1x1x25x80xi32, #tpu.memory_space<hbm>> -> memref<25x80xi32, #tpu.memory_space<hbm>>
      tpu.wait_dma2 semaphore(%run_scoped3A_101 : memref<!tpu.dma_semaphore, #tpu.memory_space<semaphore_mem>>) src(%dma_wait3A_127 : memref<25x80xi32, #tpu.memory_space<hbm>>) dst(%dma_wait3A_123 : memref<25x80xi32, #tpu.memory_space<vmem>>)
      tpu.yield
    }) : () -> ()
    %scan3A_72 = arith.constant 0 : i32
    %scan3A_73 = arith.constant 0 : i32
    %scan3A_74 = arith.constant 25 : i32
    %scan3A_75 = arith.addi %scan3A_73, %scan3A_74 : i32
    %scan3A_76 = arith.constant 1 : i32
    %scan3A_77 = scf.for %scan3A_101 = %scan3A_73 to %scan3A_75 step %scan3A_76 iter_args(%scan3A_102 = %scan3A_72) -> (i32)  : i32 {
      %add3A_103 = arith.constant 0 : i32
      %add3A_104 = arith.addi %add3A_103, %scan3A_101 : i32
      %dma_start3A = arith.constant 0 : i32
      %dma_start3A_105 = tpu.memref_slice %arg4[%add3A_104, %dma_start3A] : memref<50x80xi32, #tpu.memory_space<vmem>> -> memref<1x80xi32, #tpu.memory_space<vmem>>
      %dma_start3A_106 = tpu.memref_squeeze %dma_start3A_105 : memref<1x80xi32, #tpu.memory_space<vmem>> -> memref<80xi32, #tpu.memory_space<vmem>>
      %dma_start3A_107 = arith.constant 0 : i32
      %dma_start3A_108 = tpu.memref_slice %arg7[%dma_start3A_107] : memref<10240xf32, #tpu.memory_space<vmem_shared>> -> memref<10240xf32, #tpu.memory_space<vmem_shared>>
      tpu.enqueue_indirect_dma source(%arg5 : memref<80xf32, #tpu.memory_space<vmem>>) target(%dma_start3A_108 : memref<10240xf32, #tpu.memory_space<vmem_shared>>) offsets(%dma_start3A_106 : memref<80xi32, #tpu.memory_space<vmem>>) semaphore(%arg8 : memref<!tpu.dma_semaphore, #tpu.memory_space<semaphore_mem>>) {add = true}
      %scan3A_109 = arith.constant 0 : i32
      scf.yield %scan3A_109 : i32
    }
    %scan3A_78 = arith.constant 25 : i32
    %scan3A_79 = arith.constant 0 : i32
    %scan3A_80 = arith.constant 0 : i32
    %scan3A_81 = arith.constant 25 : i32
    %scan3A_82 = arith.addi %scan3A_80, %scan3A_81 : i32
    %scan3A_83 = arith.constant 1 : i32
    %scan3A_84 = scf.for %scan3A_101 = %scan3A_80 to %scan3A_82 step %scan3A_83 iter_args(%scan3A_102 = %scan3A_79) -> (i32)  : i32 {
      %dma_wait3A = arith.constant 25 : i32
      %dma_wait3A_103 = arith.constant 0 : i32
      %dma_wait3A_104 = tpu.memref_slice %arg4[%dma_wait3A, %dma_wait3A_103] : memref<50x80xi32, #tpu.memory_space<vmem>> -> memref<1x80xi32, #tpu.memory_space<vmem>>
      %dma_wait3A_105 = tpu.memref_squeeze %dma_wait3A_104 : memref<1x80xi32, #tpu.memory_space<vmem>> -> memref<80xi32, #tpu.memory_space<vmem>>
      %dma_wait3A_106 = arith.constant 0 : i32
      %dma_wait3A_107 = tpu.memref_slice %arg7[%dma_wait3A_106] : memref<10240xf32, #tpu.memory_space<vmem_shared>> -> memref<10240xf32, #tpu.memory_space<vmem_shared>>
      tpu.wait_indirect_dma semaphore(%arg9 : memref<!tpu.dma_semaphore, #tpu.memory_space<semaphore_mem>>) src(%arg5 : memref<80xf32, #tpu.memory_space<vmem>>) dst(%dma_wait3A_107 : memref<10240xf32, #tpu.memory_space<vmem_shared>>)
      %scan3A_108 = arith.constant 0 : i32
      scf.yield %scan3A_108 : i32
    }
    %scan3A_85 = arith.constant 25 : i32
    %scan3A_86 = arith.constant 0 : i32
    %scan3A_87 = arith.constant 0 : i32
    %scan3A_88 = arith.constant 25 : i32
    %scan3A_89 = arith.addi %scan3A_87, %scan3A_88 : i32
    %scan3A_90 = arith.constant 1 : i32
    %scan3A_91 = scf.for %scan3A_101 = %scan3A_87 to %scan3A_89 step %scan3A_90 iter_args(%scan3A_102 = %scan3A_86) -> (i32)  : i32 {
      %dma_wait3A = arith.constant 0 : i32
      %dma_wait3A_103 = arith.constant 0 : i32
      %dma_wait3A_104 = tpu.memref_slice %arg4[%dma_wait3A, %dma_wait3A_103] : memref<50x80xi32, #tpu.memory_space<vmem>> -> memref<1x80xi32, #tpu.memory_space<vmem>>
      %dma_wait3A_105 = tpu.memref_squeeze %dma_wait3A_104 : memref<1x80xi32, #tpu.memory_space<vmem>> -> memref<80xi32, #tpu.memory_space<vmem>>
      %dma_wait3A_106 = arith.constant 0 : i32
      %dma_wait3A_107 = tpu.memref_slice %arg7[%dma_wait3A_106] : memref<10240xf32, #tpu.memory_space<vmem_shared>> -> memref<10240xf32, #tpu.memory_space<vmem_shared>>
      tpu.wait_indirect_dma semaphore(%arg8 : memref<!tpu.dma_semaphore, #tpu.memory_space<semaphore_mem>>) src(%arg5 : memref<80xf32, #tpu.memory_space<vmem>>) dst(%dma_wait3A_107 : memref<10240xf32, #tpu.memory_space<vmem_shared>>)
      %scan3A_108 = arith.constant 0 : i32
      scf.yield %scan3A_108 : i32
    }
    %scan3A_92 = arith.constant 25 : i32
    %barrier3A_93 = arith.constant 0 : index
    tpu.barrier barrier_id(%barrier3A_93)
    %mul3A_94 = arith.constant 640 : i32
    %mul3A_95 = arith.muli %arg1, %mul3A_94 : i32
    "tpu.region"() ({
      %run_scoped3A_101 = tpu.sem_alloc : memref<!tpu.dma_semaphore, #tpu.memory_space<semaphore_mem>>
      %dma_start3A = tpu.memref_slice %arg7[%mul3A_95] : memref<10240xf32, #tpu.memory_space<vmem_shared>> -> memref<640xf32, #tpu.memory_space<vmem_shared>>
      %dma_start3A_102 = tpu.memref_slice %arg7[%mul3A_95] : memref<10240xf32, #tpu.memory_space<vmem_shared>> -> memref<640xf32, #tpu.memory_space<vmem_shared>>
      tpu.enqueue_dma source(%dma_start3A_102 : memref<640xf32, #tpu.memory_space<vmem_shared>>) target(%arg6 : memref<640xf32, #tpu.memory_space<vmem>>) target_semaphore(%run_scoped3A_101 : memref<!tpu.dma_semaphore, #tpu.memory_space<semaphore_mem>>)
      %dma_wait3A = tpu.memref_slice %arg7[%mul3A_95] : memref<10240xf32, #tpu.memory_space<vmem_shared>> -> memref<640xf32, #tpu.memory_space<vmem_shared>>
      %dma_wait3A_103 = tpu.memref_slice %arg7[%mul3A_95] : memref<10240xf32, #tpu.memory_space<vmem_shared>> -> memref<640xf32, #tpu.memory_space<vmem_shared>>
      tpu.wait_dma2 semaphore(%run_scoped3A_101 : memref<!tpu.dma_semaphore, #tpu.memory_space<semaphore_mem>>) src(%dma_wait3A_103 : memref<640xf32, #tpu.memory_space<vmem_shared>>) dst(%arg6 : memref<640xf32, #tpu.memory_space<vmem>>)
      tpu.yield
    }) : () -> ()
    %mul3A_96 = arith.constant 10240 : i32
    %mul3A_97 = arith.muli %arg0, %mul3A_96 : i32
    %mul3A_98 = arith.constant 640 : i32
    %mul3A_99 = arith.muli %arg1, %mul3A_98 : i32
    %add3A_100 = arith.addi %mul3A_97, %mul3A_99 : i32
    "tpu.region"() ({
      %run_scoped3A_101 = tpu.sem_alloc : memref<!tpu.dma_semaphore, #tpu.memory_space<semaphore_mem>>
      %dma_start3A = tpu.memref_slice %arg3[%add3A_100] : memref<20480xf32, #tpu.memory_space<hbm>> -> memref<640xf32, #tpu.memory_space<hbm>>
      %dma_start3A_102 = tpu.memref_slice %arg3[%add3A_100] : memref<20480xf32, #tpu.memory_space<hbm>> -> memref<640xf32, #tpu.memory_space<hbm>>
      tpu.enqueue_dma source(%arg6 : memref<640xf32, #tpu.memory_space<vmem>>) target(%dma_start3A_102 : memref<640xf32, #tpu.memory_space<hbm>>) target_semaphore(%run_scoped3A_101 : memref<!tpu.dma_semaphore, #tpu.memory_space<semaphore_mem>>)
      %dma_wait3A = tpu.memref_slice %arg3[%add3A_100] : memref<20480xf32, #tpu.memory_space<hbm>> -> memref<640xf32, #tpu.memory_space<hbm>>
      %dma_wait3A_103 = tpu.memref_slice %arg3[%add3A_100] : memref<20480xf32, #tpu.memory_space<hbm>> -> memref<640xf32, #tpu.memory_space<hbm>>
      tpu.wait_dma2 semaphore(%run_scoped3A_101 : memref<!tpu.dma_semaphore, #tpu.memory_space<semaphore_mem>>) src(%arg6 : memref<640xf32, #tpu.memory_space<vmem>>) dst(%dma_wait3A_103 : memref<640xf32, #tpu.memory_space<hbm>>)
      tpu.yield
    }) : () -> ()
    return
  }
}

#map = affine_map<(d0, d1) -> (0, 0)>
#map1 = affine_map<(d0, d1) -> (0, 0, 0, 0)>
module attributes {stable_mosaic.version = 14 : i64} {
  func.func @_sc_scatter(%arg0: i32, %arg1: i32, %arg2: memref<10240x128xf32, #tpu.memory_space<hbm>>, %arg3: memref<32x5x25x80xi32, #tpu.memory_space<hbm>>, %arg4: memref<32x5x25x80xi32, #tpu.memory_space<hbm>>, %arg5: memref<20480x128xf32, #tpu.memory_space<hbm>>, %arg6: memref<50x80xi32, #tpu.memory_space<vmem>>, %arg7: memref<50x80xi32, #tpu.memory_space<vmem>>, %arg8: memref<80x128xf32, #tpu.memory_space<vmem>>, %arg9: memref<80x128xf32, #tpu.memory_space<vmem>>, %arg10: memref<80x128xf32, #tpu.memory_space<vmem>>, %arg11: memref<32x128xf32, #tpu.memory_space<vmem>>, %arg12: memref<10240x128xf32, #tpu.memory_space<vmem_shared>>, %arg13: memref<!tpu.dma_semaphore, #tpu.memory_space<semaphore_mem>>, %arg14: memref<!tpu.dma_semaphore, #tpu.memory_space<semaphore_mem>>, %arg15: memref<!tpu.dma_semaphore, #tpu.memory_space<semaphore_mem>>, %arg16: memref<!tpu.dma_semaphore, #tpu.memory_space<semaphore_mem>>, %arg17: memref<!tpu.dma_semaphore, #tpu.memory_space<semaphore_mem>>, %arg18: memref<!tpu.dma_semaphore, #tpu.memory_space<semaphore_mem>>) attributes {dimension_semantics = [#tpu.dimension_semantics<core_parallel>, #tpu.dimension_semantics<subcore_parallel>], iteration_bounds = array<i64: 2, 16>, scalar_prefetch = 0 : i64, scratch_operands = 13 : i64, tpu.core_type = #tpu.core_type<sc_vector_subcore>, window_params = [{transform_indices = #map}, {transform_indices = #map1}, {transform_indices = #map1}, {transform_indices = #map}]} {
    %mul3A = arith.constant 16 : i32
    %mul3A_0 = arith.muli %arg0, %mul3A : i32
    %add3A = arith.addi %mul3A_0, %arg1 : i32
    %run_scoped3A = arith.constant 0 : i32
    "tpu.region"() ({
      %run_scoped3A_133 = tpu.sem_alloc : memref<!tpu.dma_semaphore, #tpu.memory_space<semaphore_mem>>
      %dma_start3A_134 = arith.constant 0 : i32
      %dma_start3A_135 = arith.constant 0 : i32
      %dma_start3A_136 = tpu.memref_slice %arg6[%dma_start3A_134, %dma_start3A_135] : memref<50x80xi32, #tpu.memory_space<vmem>> -> memref<25x80xi32, #tpu.memory_space<vmem>>
      %dma_start3A_137 = arith.constant 0 : i32
      %dma_start3A_138 = arith.constant 0 : i32
      %dma_start3A_139 = tpu.memref_slice %arg3[%add3A, %run_scoped3A, %dma_start3A_137, %dma_start3A_138] : memref<32x5x25x80xi32, #tpu.memory_space<hbm>> -> memref<1x1x25x80xi32, #tpu.memory_space<hbm>>
      %dma_start3A_140 = tpu.memref_squeeze %dma_start3A_139 : memref<1x1x25x80xi32, #tpu.memory_space<hbm>> -> memref<25x80xi32, #tpu.memory_space<hbm>>
      %dma_start3A_141 = arith.constant 0 : i32
      %dma_start3A_142 = arith.constant 0 : i32
      %dma_start3A_143 = tpu.memref_slice %arg6[%dma_start3A_141, %dma_start3A_142] : memref<50x80xi32, #tpu.memory_space<vmem>> -> memref<25x80xi32, #tpu.memory_space<vmem>>
      %dma_start3A_144 = arith.constant 0 : i32
      %dma_start3A_145 = arith.constant 0 : i32
      %dma_start3A_146 = tpu.memref_slice %arg3[%add3A, %run_scoped3A, %dma_start3A_144, %dma_start3A_145] : memref<32x5x25x80xi32, #tpu.memory_space<hbm>> -> memref<1x1x25x80xi32, #tpu.memory_space<hbm>>
      %dma_start3A_147 = tpu.memref_squeeze %dma_start3A_146 : memref<1x1x25x80xi32, #tpu.memory_space<hbm>> -> memref<25x80xi32, #tpu.memory_space<hbm>>
      tpu.enqueue_dma source(%dma_start3A_147 : memref<25x80xi32, #tpu.memory_space<hbm>>) target(%dma_start3A_143 : memref<25x80xi32, #tpu.memory_space<vmem>>) target_semaphore(%run_scoped3A_133 : memref<!tpu.dma_semaphore, #tpu.memory_space<semaphore_mem>>)
      %dma_wait3A_148 = arith.constant 0 : i32
      %dma_wait3A_149 = arith.constant 0 : i32
      %dma_wait3A_150 = tpu.memref_slice %arg6[%dma_wait3A_148, %dma_wait3A_149] : memref<50x80xi32, #tpu.memory_space<vmem>> -> memref<25x80xi32, #tpu.memory_space<vmem>>
      %dma_wait3A_151 = arith.constant 0 : i32
      %dma_wait3A_152 = arith.constant 0 : i32
      %dma_wait3A_153 = tpu.memref_slice %arg3[%add3A, %run_scoped3A, %dma_wait3A_151, %dma_wait3A_152] : memref<32x5x25x80xi32, #tpu.memory_space<hbm>> -> memref<1x1x25x80xi32, #tpu.memory_space<hbm>>
      %dma_wait3A_154 = tpu.memref_squeeze %dma_wait3A_153 : memref<1x1x25x80xi32, #tpu.memory_space<hbm>> -> memref<25x80xi32, #tpu.memory_space<hbm>>
      %dma_wait3A_155 = arith.constant 0 : i32
      %dma_wait3A_156 = arith.constant 0 : i32
      %dma_wait3A_157 = tpu.memref_slice %arg6[%dma_wait3A_155, %dma_wait3A_156] : memref<50x80xi32, #tpu.memory_space<vmem>> -> memref<25x80xi32, #tpu.memory_space<vmem>>
      %dma_wait3A_158 = arith.constant 0 : i32
      %dma_wait3A_159 = arith.constant 0 : i32
      %dma_wait3A_160 = tpu.memref_slice %arg3[%add3A, %run_scoped3A, %dma_wait3A_158, %dma_wait3A_159] : memref<32x5x25x80xi32, #tpu.memory_space<hbm>> -> memref<1x1x25x80xi32, #tpu.memory_space<hbm>>
      %dma_wait3A_161 = tpu.memref_squeeze %dma_wait3A_160 : memref<1x1x25x80xi32, #tpu.memory_space<hbm>> -> memref<25x80xi32, #tpu.memory_space<hbm>>
      tpu.wait_dma2 semaphore(%run_scoped3A_133 : memref<!tpu.dma_semaphore, #tpu.memory_space<semaphore_mem>>) src(%dma_wait3A_161 : memref<25x80xi32, #tpu.memory_space<hbm>>) dst(%dma_wait3A_157 : memref<25x80xi32, #tpu.memory_space<vmem>>)
      tpu.yield
    }) : () -> ()
    %dma_start3A = arith.constant 0 : i32
    %dma_start3A_1 = arith.constant 0 : i32
    %dma_start3A_2 = tpu.memref_slice %arg6[%dma_start3A, %dma_start3A_1] : memref<50x80xi32, #tpu.memory_space<vmem>> -> memref<1x80xi32, #tpu.memory_space<vmem>>
    %dma_start3A_3 = tpu.memref_squeeze %dma_start3A_2 : memref<1x80xi32, #tpu.memory_space<vmem>> -> memref<80xi32, #tpu.memory_space<vmem>>
    %dma_start3A_4 = arith.constant 0 : i32
    %dma_start3A_5 = arith.constant 0 : i32
    %dma_start3A_6 = tpu.memref_slice %arg2[%dma_start3A_4, %dma_start3A_5] : memref<10240x128xf32, #tpu.memory_space<hbm>> -> memref<10240x128xf32, #tpu.memory_space<hbm>>
    tpu.enqueue_indirect_dma source(%dma_start3A_6 : memref<10240x128xf32, #tpu.memory_space<hbm>>) target(%arg8 : memref<80x128xf32, #tpu.memory_space<vmem>>) offsets(%dma_start3A_3 : memref<80xi32, #tpu.memory_space<vmem>>) semaphore(%arg13 : memref<!tpu.dma_semaphore, #tpu.memory_space<semaphore_mem>>)
    %dma_start3A_7 = arith.constant 1 : i32
    %dma_start3A_8 = arith.constant 0 : i32
    %dma_start3A_9 = tpu.memref_slice %arg6[%dma_start3A_7, %dma_start3A_8] : memref<50x80xi32, #tpu.memory_space<vmem>> -> memref<1x80xi32, #tpu.memory_space<vmem>>
    %dma_start3A_10 = tpu.memref_squeeze %dma_start3A_9 : memref<1x80xi32, #tpu.memory_space<vmem>> -> memref<80xi32, #tpu.memory_space<vmem>>
    %dma_start3A_11 = arith.constant 0 : i32
    %dma_start3A_12 = arith.constant 0 : i32
    %dma_start3A_13 = tpu.memref_slice %arg2[%dma_start3A_11, %dma_start3A_12] : memref<10240x128xf32, #tpu.memory_space<hbm>> -> memref<10240x128xf32, #tpu.memory_space<hbm>>
    tpu.enqueue_indirect_dma source(%dma_start3A_13 : memref<10240x128xf32, #tpu.memory_space<hbm>>) target(%arg9 : memref<80x128xf32, #tpu.memory_space<vmem>>) offsets(%dma_start3A_10 : memref<80xi32, #tpu.memory_space<vmem>>) semaphore(%arg14 : memref<!tpu.dma_semaphore, #tpu.memory_space<semaphore_mem>>)
    %broadcast_in_dim3A = arith.constant 0.000000e+00 : f32
    %broadcast_in_dim3A_14 = vector.broadcast %broadcast_in_dim3A : f32 to vector<16xf32>
    %scan3A = arith.constant 0 : i32
    %scan3A_15 = arith.constant 0 : i32
    %scan3A_16 = arith.constant 32 : i32
    %scan3A_17 = arith.addi %scan3A_15, %scan3A_16 : i32
    %scan3A_18 = arith.constant 1 : i32
    %scan3A_19 = scf.for %scan3A_133 = %scan3A_15 to %scan3A_17 step %scan3A_18 iter_args(%scan3A_134 = %scan3A) -> (i32)  : i32 {
      %scan3A_135 = arith.constant 0 : i32
      %scan3A_136 = arith.constant 0 : i32
      %scan3A_137 = arith.constant 8 : i32
      %scan3A_138 = arith.addi %scan3A_136, %scan3A_137 : i32
      %scan3A_139 = arith.constant 1 : i32
      %scan3A_140 = scf.for %scan3A_142 = %scan3A_136 to %scan3A_138 step %scan3A_139 iter_args(%scan3A_143 = %scan3A_135) -> (i32)  : i32 {
        %mul3A_144 = arith.constant 16 : i32
        %mul3A_145 = arith.muli %scan3A_142, %mul3A_144 : i32
        %swap3A = arith.index_cast %scan3A_133 : i32 to index
        %swap3A_146 = arith.index_cast %mul3A_145 : i32 to index
        %swap3A_147 = tpu.vector_load %arg11[%swap3A, %swap3A_146] {strides = array<i32>} : memref<32x128xf32, #tpu.memory_space<vmem>>, vector<1x16xf32>,
        %swap3A_148 = vector.shape_cast %swap3A_147 : vector<1x16xf32> to vector<16xf32>
        %swap3A_149 = vector.shape_cast %broadcast_in_dim3A_14 : vector<16xf32> to vector<1x16xf32>
        tpu.vector_store %arg11[%swap3A, %swap3A_146], %swap3A_149 {strides = array<i32>} : memref<32x128xf32, #tpu.memory_space<vmem>>, vector<1x16xf32>,
        %scan3A_150 = arith.constant 0 : i32
        scf.yield %scan3A_150 : i32
      }
      %scan3A_141 = arith.constant 8 : i32
      scf.yield %scan3A_140 : i32
    }
    %scan3A_20 = arith.constant 32 : i32
    %mul3A_21 = arith.constant 640 : i32
    %mul3A_22 = arith.muli %arg1, %mul3A_21 : i32
    %add3A_23 = arith.constant 0 : i32
    %add3A_24 = arith.addi %mul3A_22, %add3A_23 : i32
    "tpu.region"() ({
      %run_scoped3A_133 = tpu.sem_alloc : memref<!tpu.dma_semaphore, #tpu.memory_space<semaphore_mem>>
      %dma_start3A_134 = arith.constant 0 : i32
      %dma_start3A_135 = tpu.memref_slice %arg12[%add3A_24, %dma_start3A_134] : memref<10240x128xf32, #tpu.memory_space<vmem_shared>> -> memref<32x128xf32, #tpu.memory_space<vmem_shared>>
      %dma_start3A_136 = arith.constant 0 : i32
      %dma_start3A_137 = tpu.memref_slice %arg12[%add3A_24, %dma_start3A_136] : memref<10240x128xf32, #tpu.memory_space<vmem_shared>> -> memref<32x128xf32, #tpu.memory_space<vmem_shared>>
      tpu.enqueue_dma source(%arg11 : memref<32x128xf32, #tpu.memory_space<vmem>>) target(%dma_start3A_137 : memref<32x128xf32, #tpu.memory_space<vmem_shared>>) target_semaphore(%run_scoped3A_133 : memref<!tpu.dma_semaphore, #tpu.memory_space<semaphore_mem>>)
      %dma_wait3A_138 = arith.constant 0 : i32
      %dma_wait3A_139 = tpu.memref_slice %arg12[%add3A_24, %dma_wait3A_138] : memref<10240x128xf32, #tpu.memory_space<vmem_shared>> -> memref<32x128xf32, #tpu.memory_space<vmem_shared>>
      %dma_wait3A_140 = arith.constant 0 : i32
      %dma_wait3A_141 = tpu.memref_slice %arg12[%add3A_24, %dma_wait3A_140] : memref<10240x128xf32, #tpu.memory_space<vmem_shared>> -> memref<32x128xf32, #tpu.memory_space<vmem_shared>>
      tpu.wait_dma2 semaphore(%run_scoped3A_133 : memref<!tpu.dma_semaphore, #tpu.memory_space<semaphore_mem>>) src(%arg11 : memref<32x128xf32, #tpu.memory_space<vmem>>) dst(%dma_wait3A_141 : memref<32x128xf32, #tpu.memory_space<vmem_shared>>)
      tpu.yield
    }) : () -> ()
    %mul3A_25 = arith.constant 640 : i32
    %mul3A_26 = arith.muli %arg1, %mul3A_25 : i32
    %add3A_27 = arith.constant 32 : i32
    %add3A_28 = arith.addi %mul3A_26, %add3A_27 : i32
    "tpu.region"() ({
      %run_scoped3A_133 = tpu.sem_alloc : memref<!tpu.dma_semaphore, #tpu.memory_space<semaphore_mem>>
      %dma_start3A_134 = arith.constant 0 : i32
      %dma_start3A_135 = tpu.memref_slice %arg12[%add3A_28, %dma_start3A_134] : memref<10240x128xf32, #tpu.memory_space<vmem_shared>> -> memref<32x128xf32, #tpu.memory_space<vmem_shared>>
      %dma_start3A_136 = arith.constant 0 : i32
      %dma_start3A_137 = tpu.memref_slice %arg12[%add3A_28, %dma_start3A_136] : memref<10240x128xf32, #tpu.memory_space<vmem_shared>> -> memref<32x128xf32, #tpu.memory_space<vmem_shared>>
      tpu.enqueue_dma source(%arg11 : memref<32x128xf32, #tpu.memory_space<vmem>>) target(%dma_start3A_137 : memref<32x128xf32, #tpu.memory_space<vmem_shared>>) target_semaphore(%run_scoped3A_133 : memref<!tpu.dma_semaphore, #tpu.memory_space<semaphore_mem>>)
      %dma_wait3A_138 = arith.constant 0 : i32
      %dma_wait3A_139 = tpu.memref_slice %arg12[%add3A_28, %dma_wait3A_138] : memref<10240x128xf32, #tpu.memory_space<vmem_shared>> -> memref<32x128xf32, #tpu.memory_space<vmem_shared>>
      %dma_wait3A_140 = arith.constant 0 : i32
      %dma_wait3A_141 = tpu.memref_slice %arg12[%add3A_28, %dma_wait3A_140] : memref<10240x128xf32, #tpu.memory_space<vmem_shared>> -> memref<32x128xf32, #tpu.memory_space<vmem_shared>>
      tpu.wait_dma2 semaphore(%run_scoped3A_133 : memref<!tpu.dma_semaphore, #tpu.memory_space<semaphore_mem>>) src(%arg11 : memref<32x128xf32, #tpu.memory_space<vmem>>) dst(%dma_wait3A_141 : memref<32x128xf32, #tpu.memory_space<vmem_shared>>)
      tpu.yield
    }) : () -> ()
    %mul3A_29 = arith.constant 640 : i32
    %mul3A_30 = arith.muli %arg1, %mul3A_29 : i32
    %add3A_31 = arith.constant 64 : i32
    %add3A_32 = arith.addi %mul3A_30, %add3A_31 : i32
    "tpu.region"() ({
      %run_scoped3A_133 = tpu.sem_alloc : memref<!tpu.dma_semaphore, #tpu.memory_space<semaphore_mem>>
      %dma_start3A_134 = arith.constant 0 : i32
      %dma_start3A_135 = tpu.memref_slice %arg12[%add3A_32, %dma_start3A_134] : memref<10240x128xf32, #tpu.memory_space<vmem_shared>> -> memref<32x128xf32, #tpu.memory_space<vmem_shared>>
      %dma_start3A_136 = arith.constant 0 : i32
      %dma_start3A_137 = tpu.memref_slice %arg12[%add3A_32, %dma_start3A_136] : memref<10240x128xf32, #tpu.memory_space<vmem_shared>> -> memref<32x128xf32, #tpu.memory_space<vmem_shared>>
      tpu.enqueue_dma source(%arg11 : memref<32x128xf32, #tpu.memory_space<vmem>>) target(%dma_start3A_137 : memref<32x128xf32, #tpu.memory_space<vmem_shared>>) target_semaphore(%run_scoped3A_133 : memref<!tpu.dma_semaphore, #tpu.memory_space<semaphore_mem>>)
      %dma_wait3A_138 = arith.constant 0 : i32
      %dma_wait3A_139 = tpu.memref_slice %arg12[%add3A_32, %dma_wait3A_138] : memref<10240x128xf32, #tpu.memory_space<vmem_shared>> -> memref<32x128xf32, #tpu.memory_space<vmem_shared>>
      %dma_wait3A_140 = arith.constant 0 : i32
      %dma_wait3A_141 = tpu.memref_slice %arg12[%add3A_32, %dma_wait3A_140] : memref<10240x128xf32, #tpu.memory_space<vmem_shared>> -> memref<32x128xf32, #tpu.memory_space<vmem_shared>>
      tpu.wait_dma2 semaphore(%run_scoped3A_133 : memref<!tpu.dma_semaphore, #tpu.memory_space<semaphore_mem>>) src(%arg11 : memref<32x128xf32, #tpu.memory_space<vmem>>) dst(%dma_wait3A_141 : memref<32x128xf32, #tpu.memory_space<vmem_shared>>)
      tpu.yield
    }) : () -> ()
    %mul3A_33 = arith.constant 640 : i32
    %mul3A_34 = arith.muli %arg1, %mul3A_33 : i32
    %add3A_35 = arith.constant 96 : i32
    %add3A_36 = arith.addi %mul3A_34, %add3A_35 : i32
    "tpu.region"() ({
      %run_scoped3A_133 = tpu.sem_alloc : memref<!tpu.dma_semaphore, #tpu.memory_space<semaphore_mem>>
      %dma_start3A_134 = arith.constant 0 : i32
      %dma_start3A_135 = tpu.memref_slice %arg12[%add3A_36, %dma_start3A_134] : memref<10240x128xf32, #tpu.memory_space<vmem_shared>> -> memref<32x128xf32, #tpu.memory_space<vmem_shared>>
      %dma_start3A_136 = arith.constant 0 : i32
      %dma_start3A_137 = tpu.memref_slice %arg12[%add3A_36, %dma_start3A_136] : memref<10240x128xf32, #tpu.memory_space<vmem_shared>> -> memref<32x128xf32, #tpu.memory_space<vmem_shared>>
      tpu.enqueue_dma source(%arg11 : memref<32x128xf32, #tpu.memory_space<vmem>>) target(%dma_start3A_137 : memref<32x128xf32, #tpu.memory_space<vmem_shared>>) target_semaphore(%run_scoped3A_133 : memref<!tpu.dma_semaphore, #tpu.memory_space<semaphore_mem>>)
      %dma_wait3A_138 = arith.constant 0 : i32
      %dma_wait3A_139 = tpu.memref_slice %arg12[%add3A_36, %dma_wait3A_138] : memref<10240x128xf32, #tpu.memory_space<vmem_shared>> -> memref<32x128xf32, #tpu.memory_space<vmem_shared>>
      %dma_wait3A_140 = arith.constant 0 : i32
      %dma_wait3A_141 = tpu.memref_slice %arg12[%add3A_36, %dma_wait3A_140] : memref<10240x128xf32, #tpu.memory_space<vmem_shared>> -> memref<32x128xf32, #tpu.memory_space<vmem_shared>>
      tpu.wait_dma2 semaphore(%run_scoped3A_133 : memref<!tpu.dma_semaphore, #tpu.memory_space<semaphore_mem>>) src(%arg11 : memref<32x128xf32, #tpu.memory_space<vmem>>) dst(%dma_wait3A_141 : memref<32x128xf32, #tpu.memory_space<vmem_shared>>)
      tpu.yield
    }) : () -> ()
    %mul3A_37 = arith.constant 640 : i32
    %mul3A_38 = arith.muli %arg1, %mul3A_37 : i32
    %add3A_39 = arith.constant 128 : i32
    %add3A_40 = arith.addi %mul3A_38, %add3A_39 : i32
    "tpu.region"() ({
      %run_scoped3A_133 = tpu.sem_alloc : memref<!tpu.dma_semaphore, #tpu.memory_space<semaphore_mem>>
      %dma_start3A_134 = arith.constant 0 : i32
      %dma_start3A_135 = tpu.memref_slice %arg12[%add3A_40, %dma_start3A_134] : memref<10240x128xf32, #tpu.memory_space<vmem_shared>> -> memref<32x128xf32, #tpu.memory_space<vmem_shared>>
      %dma_start3A_136 = arith.constant 0 : i32
      %dma_start3A_137 = tpu.memref_slice %arg12[%add3A_40, %dma_start3A_136] : memref<10240x128xf32, #tpu.memory_space<vmem_shared>> -> memref<32x128xf32, #tpu.memory_space<vmem_shared>>
      tpu.enqueue_dma source(%arg11 : memref<32x128xf32, #tpu.memory_space<vmem>>) target(%dma_start3A_137 : memref<32x128xf32, #tpu.memory_space<vmem_shared>>) target_semaphore(%run_scoped3A_133 : memref<!tpu.dma_semaphore, #tpu.memory_space<semaphore_mem>>)
      %dma_wait3A_138 = arith.constant 0 : i32
      %dma_wait3A_139 = tpu.memref_slice %arg12[%add3A_40, %dma_wait3A_138] : memref<10240x128xf32, #tpu.memory_space<vmem_shared>> -> memref<32x128xf32, #tpu.memory_space<vmem_shared>>
      %dma_wait3A_140 = arith.constant 0 : i32
      %dma_wait3A_141 = tpu.memref_slice %arg12[%add3A_40, %dma_wait3A_140] : memref<10240x128xf32, #tpu.memory_space<vmem_shared>> -> memref<32x128xf32, #tpu.memory_space<vmem_shared>>
      tpu.wait_dma2 semaphore(%run_scoped3A_133 : memref<!tpu.dma_semaphore, #tpu.memory_space<semaphore_mem>>) src(%arg11 : memref<32x128xf32, #tpu.memory_space<vmem>>) dst(%dma_wait3A_141 : memref<32x128xf32, #tpu.memory_space<vmem_shared>>)
      tpu.yield
    }) : () -> ()
    %mul3A_41 = arith.constant 640 : i32
    %mul3A_42 = arith.muli %arg1, %mul3A_41 : i32
    %add3A_43 = arith.constant 160 : i32
    %add3A_44 = arith.addi %mul3A_42, %add3A_43 : i32
    "tpu.region"() ({
      %run_scoped3A_133 = tpu.sem_alloc : memref<!tpu.dma_semaphore, #tpu.memory_space<semaphore_mem>>
      %dma_start3A_134 = arith.constant 0 : i32
      %dma_start3A_135 = tpu.memref_slice %arg12[%add3A_44, %dma_start3A_134] : memref<10240x128xf32, #tpu.memory_space<vmem_shared>> -> memref<32x128xf32, #tpu.memory_space<vmem_shared>>
      %dma_start3A_136 = arith.constant 0 : i32
      %dma_start3A_137 = tpu.memref_slice %arg12[%add3A_44, %dma_start3A_136] : memref<10240x128xf32, #tpu.memory_space<vmem_shared>> -> memref<32x128xf32, #tpu.memory_space<vmem_shared>>
      tpu.enqueue_dma source(%arg11 : memref<32x128xf32, #tpu.memory_space<vmem>>) target(%dma_start3A_137 : memref<32x128xf32, #tpu.memory_space<vmem_shared>>) target_semaphore(%run_scoped3A_133 : memref<!tpu.dma_semaphore, #tpu.memory_space<semaphore_mem>>)
      %dma_wait3A_138 = arith.constant 0 : i32
      %dma_wait3A_139 = tpu.memref_slice %arg12[%add3A_44, %dma_wait3A_138] : memref<10240x128xf32, #tpu.memory_space<vmem_shared>> -> memref<32x128xf32, #tpu.memory_space<vmem_shared>>
      %dma_wait3A_140 = arith.constant 0 : i32
      %dma_wait3A_141 = tpu.memref_slice %arg12[%add3A_44, %dma_wait3A_140] : memref<10240x128xf32, #tpu.memory_space<vmem_shared>> -> memref<32x128xf32, #tpu.memory_space<vmem_shared>>
      tpu.wait_dma2 semaphore(%run_scoped3A_133 : memref<!tpu.dma_semaphore, #tpu.memory_space<semaphore_mem>>) src(%arg11 : memref<32x128xf32, #tpu.memory_space<vmem>>) dst(%dma_wait3A_141 : memref<32x128xf32, #tpu.memory_space<vmem_shared>>)
      tpu.yield
    }) : () -> ()
    %mul3A_45 = arith.constant 640 : i32
    %mul3A_46 = arith.muli %arg1, %mul3A_45 : i32
    %add3A_47 = arith.constant 192 : i32
    %add3A_48 = arith.addi %mul3A_46, %add3A_47 : i32
    "tpu.region"() ({
      %run_scoped3A_133 = tpu.sem_alloc : memref<!tpu.dma_semaphore, #tpu.memory_space<semaphore_mem>>
      %dma_start3A_134 = arith.constant 0 : i32
      %dma_start3A_135 = tpu.memref_slice %arg12[%add3A_48, %dma_start3A_134] : memref<10240x128xf32, #tpu.memory_space<vmem_shared>> -> memref<32x128xf32, #tpu.memory_space<vmem_shared>>
      %dma_start3A_136 = arith.constant 0 : i32
      %dma_start3A_137 = tpu.memref_slice %arg12[%add3A_48, %dma_start3A_136] : memref<10240x128xf32, #tpu.memory_space<vmem_shared>> -> memref<32x128xf32, #tpu.memory_space<vmem_shared>>
      tpu.enqueue_dma source(%arg11 : memref<32x128xf32, #tpu.memory_space<vmem>>) target(%dma_start3A_137 : memref<32x128xf32, #tpu.memory_space<vmem_shared>>) target_semaphore(%run_scoped3A_133 : memref<!tpu.dma_semaphore, #tpu.memory_space<semaphore_mem>>)
      %dma_wait3A_138 = arith.constant 0 : i32
      %dma_wait3A_139 = tpu.memref_slice %arg12[%add3A_48, %dma_wait3A_138] : memref<10240x128xf32, #tpu.memory_space<vmem_shared>> -> memref<32x128xf32, #tpu.memory_space<vmem_shared>>
      %dma_wait3A_140 = arith.constant 0 : i32
      %dma_wait3A_141 = tpu.memref_slice %arg12[%add3A_48, %dma_wait3A_140] : memref<10240x128xf32, #tpu.memory_space<vmem_shared>> -> memref<32x128xf32, #tpu.memory_space<vmem_shared>>
      tpu.wait_dma2 semaphore(%run_scoped3A_133 : memref<!tpu.dma_semaphore, #tpu.memory_space<semaphore_mem>>) src(%arg11 : memref<32x128xf32, #tpu.memory_space<vmem>>) dst(%dma_wait3A_141 : memref<32x128xf32, #tpu.memory_space<vmem_shared>>)
      tpu.yield
    }) : () -> ()
    %mul3A_49 = arith.constant 640 : i32
    %mul3A_50 = arith.muli %arg1, %mul3A_49 : i32
    %add3A_51 = arith.constant 224 : i32
    %add3A_52 = arith.addi %mul3A_50, %add3A_51 : i32
    "tpu.region"() ({
      %run_scoped3A_133 = tpu.sem_alloc : memref<!tpu.dma_semaphore, #tpu.memory_space<semaphore_mem>>
      %dma_start3A_134 = arith.constant 0 : i32
      %dma_start3A_135 = tpu.memref_slice %arg12[%add3A_52, %dma_start3A_134] : memref<10240x128xf32, #tpu.memory_space<vmem_shared>> -> memref<32x128xf32, #tpu.memory_space<vmem_shared>>
      %dma_start3A_136 = arith.constant 0 : i32
      %dma_start3A_137 = tpu.memref_slice %arg12[%add3A_52, %dma_start3A_136] : memref<10240x128xf32, #tpu.memory_space<vmem_shared>> -> memref<32x128xf32, #tpu.memory_space<vmem_shared>>
      tpu.enqueue_dma source(%arg11 : memref<32x128xf32, #tpu.memory_space<vmem>>) target(%dma_start3A_137 : memref<32x128xf32, #tpu.memory_space<vmem_shared>>) target_semaphore(%run_scoped3A_133 : memref<!tpu.dma_semaphore, #tpu.memory_space<semaphore_mem>>)
      %dma_wait3A_138 = arith.constant 0 : i32
      %dma_wait3A_139 = tpu.memref_slice %arg12[%add3A_52, %dma_wait3A_138] : memref<10240x128xf32, #tpu.memory_space<vmem_shared>> -> memref<32x128xf32, #tpu.memory_space<vmem_shared>>
      %dma_wait3A_140 = arith.constant 0 : i32
      %dma_wait3A_141 = tpu.memref_slice %arg12[%add3A_52, %dma_wait3A_140] : memref<10240x128xf32, #tpu.memory_space<vmem_shared>> -> memref<32x128xf32, #tpu.memory_space<vmem_shared>>
      tpu.wait_dma2 semaphore(%run_scoped3A_133 : memref<!tpu.dma_semaphore, #tpu.memory_space<semaphore_mem>>) src(%arg11 : memref<32x128xf32, #tpu.memory_space<vmem>>) dst(%dma_wait3A_141 : memref<32x128xf32, #tpu.memory_space<vmem_shared>>)
      tpu.yield
    }) : () -> ()
    %mul3A_53 = arith.constant 640 : i32
    %mul3A_54 = arith.muli %arg1, %mul3A_53 : i32
    %add3A_55 = arith.constant 256 : i32
    %add3A_56 = arith.addi %mul3A_54, %add3A_55 : i32
    "tpu.region"() ({
      %run_scoped3A_133 = tpu.sem_alloc : memref<!tpu.dma_semaphore, #tpu.memory_space<semaphore_mem>>
      %dma_start3A_134 = arith.constant 0 : i32
      %dma_start3A_135 = tpu.memref_slice %arg12[%add3A_56, %dma_start3A_134] : memref<10240x128xf32, #tpu.memory_space<vmem_shared>> -> memref<32x128xf32, #tpu.memory_space<vmem_shared>>
      %dma_start3A_136 = arith.constant 0 : i32
      %dma_start3A_137 = tpu.memref_slice %arg12[%add3A_56, %dma_start3A_136] : memref<10240x128xf32, #tpu.memory_space<vmem_shared>> -> memref<32x128xf32, #tpu.memory_space<vmem_shared>>
      tpu.enqueue_dma source(%arg11 : memref<32x128xf32, #tpu.memory_space<vmem>>) target(%dma_start3A_137 : memref<32x128xf32, #tpu.memory_space<vmem_shared>>) target_semaphore(%run_scoped3A_133 : memref<!tpu.dma_semaphore, #tpu.memory_space<semaphore_mem>>)
      %dma_wait3A_138 = arith.constant 0 : i32
      %dma_wait3A_139 = tpu.memref_slice %arg12[%add3A_56, %dma_wait3A_138] : memref<10240x128xf32, #tpu.memory_space<vmem_shared>> -> memref<32x128xf32, #tpu.memory_space<vmem_shared>>
      %dma_wait3A_140 = arith.constant 0 : i32
      %dma_wait3A_141 = tpu.memref_slice %arg12[%add3A_56, %dma_wait3A_140] : memref<10240x128xf32, #tpu.memory_space<vmem_shared>> -> memref<32x128xf32, #tpu.memory_space<vmem_shared>>
      tpu.wait_dma2 semaphore(%run_scoped3A_133 : memref<!tpu.dma_semaphore, #tpu.memory_space<semaphore_mem>>) src(%arg11 : memref<32x128xf32, #tpu.memory_space<vmem>>) dst(%dma_wait3A_141 : memref<32x128xf32, #tpu.memory_space<vmem_shared>>)
      tpu.yield
    }) : () -> ()
    %mul3A_57 = arith.constant 640 : i32
    %mul3A_58 = arith.muli %arg1, %mul3A_57 : i32
    %add3A_59 = arith.constant 288 : i32
    %add3A_60 = arith.addi %mul3A_58, %add3A_59 : i32
    "tpu.region"() ({
      %run_scoped3A_133 = tpu.sem_alloc : memref<!tpu.dma_semaphore, #tpu.memory_space<semaphore_mem>>
      %dma_start3A_134 = arith.constant 0 : i32
      %dma_start3A_135 = tpu.memref_slice %arg12[%add3A_60, %dma_start3A_134] : memref<10240x128xf32, #tpu.memory_space<vmem_shared>> -> memref<32x128xf32, #tpu.memory_space<vmem_shared>>
      %dma_start3A_136 = arith.constant 0 : i32
      %dma_start3A_137 = tpu.memref_slice %arg12[%add3A_60, %dma_start3A_136] : memref<10240x128xf32, #tpu.memory_space<vmem_shared>> -> memref<32x128xf32, #tpu.memory_space<vmem_shared>>
      tpu.enqueue_dma source(%arg11 : memref<32x128xf32, #tpu.memory_space<vmem>>) target(%dma_start3A_137 : memref<32x128xf32, #tpu.memory_space<vmem_shared>>) target_semaphore(%run_scoped3A_133 : memref<!tpu.dma_semaphore, #tpu.memory_space<semaphore_mem>>)
      %dma_wait3A_138 = arith.constant 0 : i32
      %dma_wait3A_139 = tpu.memref_slice %arg12[%add3A_60, %dma_wait3A_138] : memref<10240x128xf32, #tpu.memory_space<vmem_shared>> -> memref<32x128xf32, #tpu.memory_space<vmem_shared>>
      %dma_wait3A_140 = arith.constant 0 : i32
      %dma_wait3A_141 = tpu.memref_slice %arg12[%add3A_60, %dma_wait3A_140] : memref<10240x128xf32, #tpu.memory_space<vmem_shared>> -> memref<32x128xf32, #tpu.memory_space<vmem_shared>>
      tpu.wait_dma2 semaphore(%run_scoped3A_133 : memref<!tpu.dma_semaphore, #tpu.memory_space<semaphore_mem>>) src(%arg11 : memref<32x128xf32, #tpu.memory_space<vmem>>) dst(%dma_wait3A_141 : memref<32x128xf32, #tpu.memory_space<vmem_shared>>)
      tpu.yield
    }) : () -> ()
    %mul3A_61 = arith.constant 640 : i32
    %mul3A_62 = arith.muli %arg1, %mul3A_61 : i32
    %add3A_63 = arith.constant 320 : i32
    %add3A_64 = arith.addi %mul3A_62, %add3A_63 : i32
    "tpu.region"() ({
      %run_scoped3A_133 = tpu.sem_alloc : memref<!tpu.dma_semaphore, #tpu.memory_space<semaphore_mem>>
      %dma_start3A_134 = arith.constant 0 : i32
      %dma_start3A_135 = tpu.memref_slice %arg12[%add3A_64, %dma_start3A_134] : memref<10240x128xf32, #tpu.memory_space<vmem_shared>> -> memref<32x128xf32, #tpu.memory_space<vmem_shared>>
      %dma_start3A_136 = arith.constant 0 : i32
      %dma_start3A_137 = tpu.memref_slice %arg12[%add3A_64, %dma_start3A_136] : memref<10240x128xf32, #tpu.memory_space<vmem_shared>> -> memref<32x128xf32, #tpu.memory_space<vmem_shared>>
      tpu.enqueue_dma source(%arg11 : memref<32x128xf32, #tpu.memory_space<vmem>>) target(%dma_start3A_137 : memref<32x128xf32, #tpu.memory_space<vmem_shared>>) target_semaphore(%run_scoped3A_133 : memref<!tpu.dma_semaphore, #tpu.memory_space<semaphore_mem>>)
      %dma_wait3A_138 = arith.constant 0 : i32
      %dma_wait3A_139 = tpu.memref_slice %arg12[%add3A_64, %dma_wait3A_138] : memref<10240x128xf32, #tpu.memory_space<vmem_shared>> -> memref<32x128xf32, #tpu.memory_space<vmem_shared>>
      %dma_wait3A_140 = arith.constant 0 : i32
      %dma_wait3A_141 = tpu.memref_slice %arg12[%add3A_64, %dma_wait3A_140] : memref<10240x128xf32, #tpu.memory_space<vmem_shared>> -> memref<32x128xf32, #tpu.memory_space<vmem_shared>>
      tpu.wait_dma2 semaphore(%run_scoped3A_133 : memref<!tpu.dma_semaphore, #tpu.memory_space<semaphore_mem>>) src(%arg11 : memref<32x128xf32, #tpu.memory_space<vmem>>) dst(%dma_wait3A_141 : memref<32x128xf32, #tpu.memory_space<vmem_shared>>)
      tpu.yield
    }) : () -> ()
    %mul3A_65 = arith.constant 640 : i32
    %mul3A_66 = arith.muli %arg1, %mul3A_65 : i32
    %add3A_67 = arith.constant 352 : i32
    %add3A_68 = arith.addi %mul3A_66, %add3A_67 : i32
    "tpu.region"() ({
      %run_scoped3A_133 = tpu.sem_alloc : memref<!tpu.dma_semaphore, #tpu.memory_space<semaphore_mem>>
      %dma_start3A_134 = arith.constant 0 : i32
      %dma_start3A_135 = tpu.memref_slice %arg12[%add3A_68, %dma_start3A_134] : memref<10240x128xf32, #tpu.memory_space<vmem_shared>> -> memref<32x128xf32, #tpu.memory_space<vmem_shared>>
      %dma_start3A_136 = arith.constant 0 : i32
      %dma_start3A_137 = tpu.memref_slice %arg12[%add3A_68, %dma_start3A_136] : memref<10240x128xf32, #tpu.memory_space<vmem_shared>> -> memref<32x128xf32, #tpu.memory_space<vmem_shared>>
      tpu.enqueue_dma source(%arg11 : memref<32x128xf32, #tpu.memory_space<vmem>>) target(%dma_start3A_137 : memref<32x128xf32, #tpu.memory_space<vmem_shared>>) target_semaphore(%run_scoped3A_133 : memref<!tpu.dma_semaphore, #tpu.memory_space<semaphore_mem>>)
      %dma_wait3A_138 = arith.constant 0 : i32
      %dma_wait3A_139 = tpu.memref_slice %arg12[%add3A_68, %dma_wait3A_138] : memref<10240x128xf32, #tpu.memory_space<vmem_shared>> -> memref<32x128xf32, #tpu.memory_space<vmem_shared>>
      %dma_wait3A_140 = arith.constant 0 : i32
      %dma_wait3A_141 = tpu.memref_slice %arg12[%add3A_68, %dma_wait3A_140] : memref<10240x128xf32, #tpu.memory_space<vmem_shared>> -> memref<32x128xf32, #tpu.memory_space<vmem_shared>>
      tpu.wait_dma2 semaphore(%run_scoped3A_133 : memref<!tpu.dma_semaphore, #tpu.memory_space<semaphore_mem>>) src(%arg11 : memref<32x128xf32, #tpu.memory_space<vmem>>) dst(%dma_wait3A_141 : memref<32x128xf32, #tpu.memory_space<vmem_shared>>)
      tpu.yield
    }) : () -> ()
    %mul3A_69 = arith.constant 640 : i32
    %mul3A_70 = arith.muli %arg1, %mul3A_69 : i32
    %add3A_71 = arith.constant 384 : i32
    %add3A_72 = arith.addi %mul3A_70, %add3A_71 : i32
    "tpu.region"() ({
      %run_scoped3A_133 = tpu.sem_alloc : memref<!tpu.dma_semaphore, #tpu.memory_space<semaphore_mem>>
      %dma_start3A_134 = arith.constant 0 : i32
      %dma_start3A_135 = tpu.memref_slice %arg12[%add3A_72, %dma_start3A_134] : memref<10240x128xf32, #tpu.memory_space<vmem_shared>> -> memref<32x128xf32, #tpu.memory_space<vmem_shared>>
      %dma_start3A_136 = arith.constant 0 : i32
      %dma_start3A_137 = tpu.memref_slice %arg12[%add3A_72, %dma_start3A_136] : memref<10240x128xf32, #tpu.memory_space<vmem_shared>> -> memref<32x128xf32, #tpu.memory_space<vmem_shared>>
      tpu.enqueue_dma source(%arg11 : memref<32x128xf32, #tpu.memory_space<vmem>>) target(%dma_start3A_137 : memref<32x128xf32, #tpu.memory_space<vmem_shared>>) target_semaphore(%run_scoped3A_133 : memref<!tpu.dma_semaphore, #tpu.memory_space<semaphore_mem>>)
      %dma_wait3A_138 = arith.constant 0 : i32
      %dma_wait3A_139 = tpu.memref_slice %arg12[%add3A_72, %dma_wait3A_138] : memref<10240x128xf32, #tpu.memory_space<vmem_shared>> -> memref<32x128xf32, #tpu.memory_space<vmem_shared>>
      %dma_wait3A_140 = arith.constant 0 : i32
      %dma_wait3A_141 = tpu.memref_slice %arg12[%add3A_72, %dma_wait3A_140] : memref<10240x128xf32, #tpu.memory_space<vmem_shared>> -> memref<32x128xf32, #tpu.memory_space<vmem_shared>>
      tpu.wait_dma2 semaphore(%run_scoped3A_133 : memref<!tpu.dma_semaphore, #tpu.memory_space<semaphore_mem>>) src(%arg11 : memref<32x128xf32, #tpu.memory_space<vmem>>) dst(%dma_wait3A_141 : memref<32x128xf32, #tpu.memory_space<vmem_shared>>)
      tpu.yield
    }) : () -> ()
    %mul3A_73 = arith.constant 640 : i32
    %mul3A_74 = arith.muli %arg1, %mul3A_73 : i32
    %add3A_75 = arith.constant 416 : i32
    %add3A_76 = arith.addi %mul3A_74, %add3A_75 : i32
    "tpu.region"() ({
      %run_scoped3A_133 = tpu.sem_alloc : memref<!tpu.dma_semaphore, #tpu.memory_space<semaphore_mem>>
      %dma_start3A_134 = arith.constant 0 : i32
      %dma_start3A_135 = tpu.memref_slice %arg12[%add3A_76, %dma_start3A_134] : memref<10240x128xf32, #tpu.memory_space<vmem_shared>> -> memref<32x128xf32, #tpu.memory_space<vmem_shared>>
      %dma_start3A_136 = arith.constant 0 : i32
      %dma_start3A_137 = tpu.memref_slice %arg12[%add3A_76, %dma_start3A_136] : memref<10240x128xf32, #tpu.memory_space<vmem_shared>> -> memref<32x128xf32, #tpu.memory_space<vmem_shared>>
      tpu.enqueue_dma source(%arg11 : memref<32x128xf32, #tpu.memory_space<vmem>>) target(%dma_start3A_137 : memref<32x128xf32, #tpu.memory_space<vmem_shared>>) target_semaphore(%run_scoped3A_133 : memref<!tpu.dma_semaphore, #tpu.memory_space<semaphore_mem>>)
      %dma_wait3A_138 = arith.constant 0 : i32
      %dma_wait3A_139 = tpu.memref_slice %arg12[%add3A_76, %dma_wait3A_138] : memref<10240x128xf32, #tpu.memory_space<vmem_shared>> -> memref<32x128xf32, #tpu.memory_space<vmem_shared>>
      %dma_wait3A_140 = arith.constant 0 : i32
      %dma_wait3A_141 = tpu.memref_slice %arg12[%add3A_76, %dma_wait3A_140] : memref<10240x128xf32, #tpu.memory_space<vmem_shared>> -> memref<32x128xf32, #tpu.memory_space<vmem_shared>>
      tpu.wait_dma2 semaphore(%run_scoped3A_133 : memref<!tpu.dma_semaphore, #tpu.memory_space<semaphore_mem>>) src(%arg11 : memref<32x128xf32, #tpu.memory_space<vmem>>) dst(%dma_wait3A_141 : memref<32x128xf32, #tpu.memory_space<vmem_shared>>)
      tpu.yield
    }) : () -> ()
    %mul3A_77 = arith.constant 640 : i32
    %mul3A_78 = arith.muli %arg1, %mul3A_77 : i32
    %add3A_79 = arith.constant 448 : i32
    %add3A_80 = arith.addi %mul3A_78, %add3A_79 : i32
    "tpu.region"() ({
      %run_scoped3A_133 = tpu.sem_alloc : memref<!tpu.dma_semaphore, #tpu.memory_space<semaphore_mem>>
      %dma_start3A_134 = arith.constant 0 : i32
      %dma_start3A_135 = tpu.memref_slice %arg12[%add3A_80, %dma_start3A_134] : memref<10240x128xf32, #tpu.memory_space<vmem_shared>> -> memref<32x128xf32, #tpu.memory_space<vmem_shared>>
      %dma_start3A_136 = arith.constant 0 : i32
      %dma_start3A_137 = tpu.memref_slice %arg12[%add3A_80, %dma_start3A_136] : memref<10240x128xf32, #tpu.memory_space<vmem_shared>> -> memref<32x128xf32, #tpu.memory_space<vmem_shared>>
      tpu.enqueue_dma source(%arg11 : memref<32x128xf32, #tpu.memory_space<vmem>>) target(%dma_start3A_137 : memref<32x128xf32, #tpu.memory_space<vmem_shared>>) target_semaphore(%run_scoped3A_133 : memref<!tpu.dma_semaphore, #tpu.memory_space<semaphore_mem>>)
      %dma_wait3A_138 = arith.constant 0 : i32
      %dma_wait3A_139 = tpu.memref_slice %arg12[%add3A_80, %dma_wait3A_138] : memref<10240x128xf32, #tpu.memory_space<vmem_shared>> -> memref<32x128xf32, #tpu.memory_space<vmem_shared>>
      %dma_wait3A_140 = arith.constant 0 : i32
      %dma_wait3A_141 = tpu.memref_slice %arg12[%add3A_80, %dma_wait3A_140] : memref<10240x128xf32, #tpu.memory_space<vmem_shared>> -> memref<32x128xf32, #tpu.memory_space<vmem_shared>>
      tpu.wait_dma2 semaphore(%run_scoped3A_133 : memref<!tpu.dma_semaphore, #tpu.memory_space<semaphore_mem>>) src(%arg11 : memref<32x128xf32, #tpu.memory_space<vmem>>) dst(%dma_wait3A_141 : memref<32x128xf32, #tpu.memory_space<vmem_shared>>)
      tpu.yield
    }) : () -> ()
    %mul3A_81 = arith.constant 640 : i32
    %mul3A_82 = arith.muli %arg1, %mul3A_81 : i32
    %add3A_83 = arith.constant 480 : i32
    %add3A_84 = arith.addi %mul3A_82, %add3A_83 : i32
    "tpu.region"() ({
      %run_scoped3A_133 = tpu.sem_alloc : memref<!tpu.dma_semaphore, #tpu.memory_space<semaphore_mem>>
      %dma_start3A_134 = arith.constant 0 : i32
      %dma_start3A_135 = tpu.memref_slice %arg12[%add3A_84, %dma_start3A_134] : memref<10240x128xf32, #tpu.memory_space<vmem_shared>> -> memref<32x128xf32, #tpu.memory_space<vmem_shared>>
      %dma_start3A_136 = arith.constant 0 : i32
      %dma_start3A_137 = tpu.memref_slice %arg12[%add3A_84, %dma_start3A_136] : memref<10240x128xf32, #tpu.memory_space<vmem_shared>> -> memref<32x128xf32, #tpu.memory_space<vmem_shared>>
      tpu.enqueue_dma source(%arg11 : memref<32x128xf32, #tpu.memory_space<vmem>>) target(%dma_start3A_137 : memref<32x128xf32, #tpu.memory_space<vmem_shared>>) target_semaphore(%run_scoped3A_133 : memref<!tpu.dma_semaphore, #tpu.memory_space<semaphore_mem>>)
      %dma_wait3A_138 = arith.constant 0 : i32
      %dma_wait3A_139 = tpu.memref_slice %arg12[%add3A_84, %dma_wait3A_138] : memref<10240x128xf32, #tpu.memory_space<vmem_shared>> -> memref<32x128xf32, #tpu.memory_space<vmem_shared>>
      %dma_wait3A_140 = arith.constant 0 : i32
      %dma_wait3A_141 = tpu.memref_slice %arg12[%add3A_84, %dma_wait3A_140] : memref<10240x128xf32, #tpu.memory_space<vmem_shared>> -> memref<32x128xf32, #tpu.memory_space<vmem_shared>>
      tpu.wait_dma2 semaphore(%run_scoped3A_133 : memref<!tpu.dma_semaphore, #tpu.memory_space<semaphore_mem>>) src(%arg11 : memref<32x128xf32, #tpu.memory_space<vmem>>) dst(%dma_wait3A_141 : memref<32x128xf32, #tpu.memory_space<vmem_shared>>)
      tpu.yield
    }) : () -> ()
    %mul3A_85 = arith.constant 640 : i32
    %mul3A_86 = arith.muli %arg1, %mul3A_85 : i32
    %add3A_87 = arith.constant 512 : i32
    %add3A_88 = arith.addi %mul3A_86, %add3A_87 : i32
    "tpu.region"() ({
      %run_scoped3A_133 = tpu.sem_alloc : memref<!tpu.dma_semaphore, #tpu.memory_space<semaphore_mem>>
      %dma_start3A_134 = arith.constant 0 : i32
      %dma_start3A_135 = tpu.memref_slice %arg12[%add3A_88, %dma_start3A_134] : memref<10240x128xf32, #tpu.memory_space<vmem_shared>> -> memref<32x128xf32, #tpu.memory_space<vmem_shared>>
      %dma_start3A_136 = arith.constant 0 : i32
      %dma_start3A_137 = tpu.memref_slice %arg12[%add3A_88, %dma_start3A_136] : memref<10240x128xf32, #tpu.memory_space<vmem_shared>> -> memref<32x128xf32, #tpu.memory_space<vmem_shared>>
      tpu.enqueue_dma source(%arg11 : memref<32x128xf32, #tpu.memory_space<vmem>>) target(%dma_start3A_137 : memref<32x128xf32, #tpu.memory_space<vmem_shared>>) target_semaphore(%run_scoped3A_133 : memref<!tpu.dma_semaphore, #tpu.memory_space<semaphore_mem>>)
      %dma_wait3A_138 = arith.constant 0 : i32
      %dma_wait3A_139 = tpu.memref_slice %arg12[%add3A_88, %dma_wait3A_138] : memref<10240x128xf32, #tpu.memory_space<vmem_shared>> -> memref<32x128xf32, #tpu.memory_space<vmem_shared>>
      %dma_wait3A_140 = arith.constant 0 : i32
      %dma_wait3A_141 = tpu.memref_slice %arg12[%add3A_88, %dma_wait3A_140] : memref<10240x128xf32, #tpu.memory_space<vmem_shared>> -> memref<32x128xf32, #tpu.memory_space<vmem_shared>>
      tpu.wait_dma2 semaphore(%run_scoped3A_133 : memref<!tpu.dma_semaphore, #tpu.memory_space<semaphore_mem>>) src(%arg11 : memref<32x128xf32, #tpu.memory_space<vmem>>) dst(%dma_wait3A_141 : memref<32x128xf32, #tpu.memory_space<vmem_shared>>)
      tpu.yield
    }) : () -> ()
    %mul3A_89 = arith.constant 640 : i32
    %mul3A_90 = arith.muli %arg1, %mul3A_89 : i32
    %add3A_91 = arith.constant 544 : i32
    %add3A_92 = arith.addi %mul3A_90, %add3A_91 : i32
    "tpu.region"() ({
      %run_scoped3A_133 = tpu.sem_alloc : memref<!tpu.dma_semaphore, #tpu.memory_space<semaphore_mem>>
      %dma_start3A_134 = arith.constant 0 : i32
      %dma_start3A_135 = tpu.memref_slice %arg12[%add3A_92, %dma_start3A_134] : memref<10240x128xf32, #tpu.memory_space<vmem_shared>> -> memref<32x128xf32, #tpu.memory_space<vmem_shared>>
      %dma_start3A_136 = arith.constant 0 : i32
      %dma_start3A_137 = tpu.memref_slice %arg12[%add3A_92, %dma_start3A_136] : memref<10240x128xf32, #tpu.memory_space<vmem_shared>> -> memref<32x128xf32, #tpu.memory_space<vmem_shared>>
      tpu.enqueue_dma source(%arg11 : memref<32x128xf32, #tpu.memory_space<vmem>>) target(%dma_start3A_137 : memref<32x128xf32, #tpu.memory_space<vmem_shared>>) target_semaphore(%run_scoped3A_133 : memref<!tpu.dma_semaphore, #tpu.memory_space<semaphore_mem>>)
      %dma_wait3A_138 = arith.constant 0 : i32
      %dma_wait3A_139 = tpu.memref_slice %arg12[%add3A_92, %dma_wait3A_138] : memref<10240x128xf32, #tpu.memory_space<vmem_shared>> -> memref<32x128xf32, #tpu.memory_space<vmem_shared>>
      %dma_wait3A_140 = arith.constant 0 : i32
      %dma_wait3A_141 = tpu.memref_slice %arg12[%add3A_92, %dma_wait3A_140] : memref<10240x128xf32, #tpu.memory_space<vmem_shared>> -> memref<32x128xf32, #tpu.memory_space<vmem_shared>>
      tpu.wait_dma2 semaphore(%run_scoped3A_133 : memref<!tpu.dma_semaphore, #tpu.memory_space<semaphore_mem>>) src(%arg11 : memref<32x128xf32, #tpu.memory_space<vmem>>) dst(%dma_wait3A_141 : memref<32x128xf32, #tpu.memory_space<vmem_shared>>)
      tpu.yield
    }) : () -> ()
    %mul3A_93 = arith.constant 640 : i32
    %mul3A_94 = arith.muli %arg1, %mul3A_93 : i32
    %add3A_95 = arith.constant 576 : i32
    %add3A_96 = arith.addi %mul3A_94, %add3A_95 : i32
    "tpu.region"() ({
      %run_scoped3A_133 = tpu.sem_alloc : memref<!tpu.dma_semaphore, #tpu.memory_space<semaphore_mem>>
      %dma_start3A_134 = arith.constant 0 : i32
      %dma_start3A_135 = tpu.memref_slice %arg12[%add3A_96, %dma_start3A_134] : memref<10240x128xf32, #tpu.memory_space<vmem_shared>> -> memref<32x128xf32, #tpu.memory_space<vmem_shared>>
      %dma_start3A_136 = arith.constant 0 : i32
      %dma_start3A_137 = tpu.memref_slice %arg12[%add3A_96, %dma_start3A_136] : memref<10240x128xf32, #tpu.memory_space<vmem_shared>> -> memref<32x128xf32, #tpu.memory_space<vmem_shared>>
      tpu.enqueue_dma source(%arg11 : memref<32x128xf32, #tpu.memory_space<vmem>>) target(%dma_start3A_137 : memref<32x128xf32, #tpu.memory_space<vmem_shared>>) target_semaphore(%run_scoped3A_133 : memref<!tpu.dma_semaphore, #tpu.memory_space<semaphore_mem>>)
      %dma_wait3A_138 = arith.constant 0 : i32
      %dma_wait3A_139 = tpu.memref_slice %arg12[%add3A_96, %dma_wait3A_138] : memref<10240x128xf32, #tpu.memory_space<vmem_shared>> -> memref<32x128xf32, #tpu.memory_space<vmem_shared>>
      %dma_wait3A_140 = arith.constant 0 : i32
      %dma_wait3A_141 = tpu.memref_slice %arg12[%add3A_96, %dma_wait3A_140] : memref<10240x128xf32, #tpu.memory_space<vmem_shared>> -> memref<32x128xf32, #tpu.memory_space<vmem_shared>>
      tpu.wait_dma2 semaphore(%run_scoped3A_133 : memref<!tpu.dma_semaphore, #tpu.memory_space<semaphore_mem>>) src(%arg11 : memref<32x128xf32, #tpu.memory_space<vmem>>) dst(%dma_wait3A_141 : memref<32x128xf32, #tpu.memory_space<vmem_shared>>)
      tpu.yield
    }) : () -> ()
    %mul3A_97 = arith.constant 640 : i32
    %mul3A_98 = arith.muli %arg1, %mul3A_97 : i32
    %add3A_99 = arith.constant 608 : i32
    %add3A_100 = arith.addi %mul3A_98, %add3A_99 : i32
    "tpu.region"() ({
      %run_scoped3A_133 = tpu.sem_alloc : memref<!tpu.dma_semaphore, #tpu.memory_space<semaphore_mem>>
      %dma_start3A_134 = arith.constant 0 : i32
      %dma_start3A_135 = tpu.memref_slice %arg12[%add3A_100, %dma_start3A_134] : memref<10240x128xf32, #tpu.memory_space<vmem_shared>> -> memref<32x128xf32, #tpu.memory_space<vmem_shared>>
      %dma_start3A_136 = arith.constant 0 : i32
      %dma_start3A_137 = tpu.memref_slice %arg12[%add3A_100, %dma_start3A_136] : memref<10240x128xf32, #tpu.memory_space<vmem_shared>> -> memref<32x128xf32, #tpu.memory_space<vmem_shared>>
      tpu.enqueue_dma source(%arg11 : memref<32x128xf32, #tpu.memory_space<vmem>>) target(%dma_start3A_137 : memref<32x128xf32, #tpu.memory_space<vmem_shared>>) target_semaphore(%run_scoped3A_133 : memref<!tpu.dma_semaphore, #tpu.memory_space<semaphore_mem>>)
      %dma_wait3A_138 = arith.constant 0 : i32
      %dma_wait3A_139 = tpu.memref_slice %arg12[%add3A_100, %dma_wait3A_138] : memref<10240x128xf32, #tpu.memory_space<vmem_shared>> -> memref<32x128xf32, #tpu.memory_space<vmem_shared>>
      %dma_wait3A_140 = arith.constant 0 : i32
      %dma_wait3A_141 = tpu.memref_slice %arg12[%add3A_100, %dma_wait3A_140] : memref<10240x128xf32, #tpu.memory_space<vmem_shared>> -> memref<32x128xf32, #tpu.memory_space<vmem_shared>>
      tpu.wait_dma2 semaphore(%run_scoped3A_133 : memref<!tpu.dma_semaphore, #tpu.memory_space<semaphore_mem>>) src(%arg11 : memref<32x128xf32, #tpu.memory_space<vmem>>) dst(%dma_wait3A_141 : memref<32x128xf32, #tpu.memory_space<vmem_shared>>)
      tpu.yield
    }) : () -> ()
    %barrier3A = arith.constant 0 : index
    tpu.barrier barrier_id(%barrier3A)
    %scan3A_101 = arith.constant 0 : i32
    %scan3A_102 = arith.constant 0 : i32
    %scan3A_103 = arith.constant 42 : i32
    %scan3A_104 = arith.addi %scan3A_102, %scan3A_103 : i32
    %scan3A_105 = arith.constant 1 : i32
    %scan3A_106 = scf.for %scan3A_133 = %scan3A_102 to %scan3A_104 step %scan3A_105 iter_args(%scan3A_134 = %scan3A_101) -> (i32)  : i32 {
      %mul3A_135 = arith.constant 3 : i32
      %mul3A_136 = arith.muli %mul3A_135, %scan3A_133 : i32
      %jit3A = arith.constant 25 : i32
      %eq3A = arith.constant 0 : i32
      %eq3A_137 = arith.cmpi eq, %jit3A, %eq3A : i32
      %jit3A_138 = arith.constant 1 : i32
      %select_n3A = arith.select %eq3A_137, %jit3A_138, %jit3A : i32
      %rem3A = arith.remsi %mul3A_136, %select_n3A : i32
      %ne3A = arith.constant 0 : i32
      %ne3A_139 = arith.cmpi ne, %rem3A, %ne3A : i32
      %lt3A = arith.constant 0 : i32
      %lt3A_140 = arith.cmpi slt, %rem3A, %lt3A : i32
      %lt3A_141 = arith.constant 0 : i32
      %lt3A_142 = arith.cmpi slt, %select_n3A, %lt3A_141 : i32
      %ne3A_143 = arith.xori %lt3A_140, %lt3A_142 : i1
      %and3A = arith.andi %ne3A_143, %ne3A_139 : i1
      %add3A_144 = arith.addi %rem3A, %select_n3A : i32
      %select_n3A_145 = arith.select %and3A, %add3A_144, %rem3A : i32
      %eq3A_146 = arith.constant 0 : i32
      %eq3A_147 = arith.cmpi eq, %select_n3A_145, %eq3A_146 : i32
      %convert_element_type3A = arith.extui %eq3A_147 : i1 to i32
      %cond3A = arith.constant 0 : i32
      %cond3A_148 = arith.cmpi ne, %convert_element_type3A, %cond3A : i32
      scf.if %cond3A_148 {
        %jit3A_203 = arith.constant 25 : i32
        %div3A = arith.divsi %mul3A_136, %jit3A_203 : i32
        %sign3A = arith.constant 0 : i32
        %sign3A_204 = arith.cmpi sgt, %mul3A_136, %sign3A : i32
        %sign3A_205 = arith.extui %sign3A_204 : i1 to i32
        %sign3A_206 = arith.constant 0 : i32
        %sign3A_207 = arith.cmpi slt, %mul3A_136, %sign3A_206 : i32
        %sign3A_208 = arith.extui %sign3A_207 : i1 to i32
        %sign3A_209 = arith.subi %sign3A_205, %sign3A_208 : i32
        %sign3A_210 = arith.constant 0 : i32
        %sign3A_211 = arith.cmpi sgt, %jit3A_203, %sign3A_210 : i32
        %sign3A_212 = arith.extui %sign3A_211 : i1 to i32
        %sign3A_213 = arith.constant 0 : i32
        %sign3A_214 = arith.cmpi slt, %jit3A_203, %sign3A_213 : i32
        %sign3A_215 = arith.extui %sign3A_214 : i1 to i32
        %sign3A_216 = arith.subi %sign3A_212, %sign3A_215 : i32
        %ne3A_217 = arith.cmpi ne, %sign3A_209, %sign3A_216 : i32
        %rem3A_218 = arith.remsi %mul3A_136, %jit3A_203 : i32
        %ne3A_219 = arith.constant 0 : i32
        %ne3A_220 = arith.cmpi ne, %rem3A_218, %ne3A_219 : i32
        %and3A_221 = arith.andi %ne3A_217, %ne3A_220 : i1
        %sub3A = arith.constant 1 : i32
        %sub3A_222 = arith.subi %div3A, %sub3A : i32
        %select_n3A_223 = arith.select %and3A_221, %sub3A_222, %div3A : i32
        %jit3A_224 = arith.constant 2 : i32
        %eq3A_225 = arith.constant 0 : i32
        %eq3A_226 = arith.cmpi eq, %jit3A_224, %eq3A_225 : i32
        %jit3A_227 = arith.constant 1 : i32
        %select_n3A_228 = arith.select %eq3A_226, %jit3A_227, %jit3A_224 : i32
        %rem3A_229 = arith.remsi %select_n3A_223, %select_n3A_228 : i32
        %ne3A_230 = arith.constant 0 : i32
        %ne3A_231 = arith.cmpi ne, %rem3A_229, %ne3A_230 : i32
        %lt3A_232 = arith.constant 0 : i32
        %lt3A_233 = arith.cmpi slt, %rem3A_229, %lt3A_232 : i32
        %lt3A_234 = arith.constant 0 : i32
        %lt3A_235 = arith.cmpi slt, %select_n3A_228, %lt3A_234 : i32
        %ne3A_236 = arith.xori %lt3A_233, %lt3A_235 : i1
        %and3A_237 = arith.andi %ne3A_236, %ne3A_231 : i1
        %add3A_238 = arith.addi %rem3A_229, %select_n3A_228 : i32
        %select_n3A_239 = arith.select %and3A_237, %add3A_238, %rem3A_229 : i32
        %jit3A_240 = arith.constant 25 : i32
        %div3A_241 = arith.divsi %mul3A_136, %jit3A_240 : i32
        %sign3A_242 = arith.constant 0 : i32
        %sign3A_243 = arith.cmpi sgt, %mul3A_136, %sign3A_242 : i32
        %sign3A_244 = arith.extui %sign3A_243 : i1 to i32
        %sign3A_245 = arith.constant 0 : i32
        %sign3A_246 = arith.cmpi slt, %mul3A_136, %sign3A_245 : i32
        %sign3A_247 = arith.extui %sign3A_246 : i1 to i32
        %sign3A_248 = arith.subi %sign3A_244, %sign3A_247 : i32
        %sign3A_249 = arith.constant 0 : i32
        %sign3A_250 = arith.cmpi sgt, %jit3A_240, %sign3A_249 : i32
        %sign3A_251 = arith.extui %sign3A_250 : i1 to i32
        %sign3A_252 = arith.constant 0 : i32
        %sign3A_253 = arith.cmpi slt, %jit3A_240, %sign3A_252 : i32
        %sign3A_254 = arith.extui %sign3A_253 : i1 to i32
        %sign3A_255 = arith.subi %sign3A_251, %sign3A_254 : i32
        %ne3A_256 = arith.cmpi ne, %sign3A_248, %sign3A_255 : i32
        %rem3A_257 = arith.remsi %mul3A_136, %jit3A_240 : i32
        %ne3A_258 = arith.constant 0 : i32
        %ne3A_259 = arith.cmpi ne, %rem3A_257, %ne3A_258 : i32
        %and3A_260 = arith.andi %ne3A_256, %ne3A_259 : i1
        %sub3A_261 = arith.constant 1 : i32
        %sub3A_262 = arith.subi %div3A_241, %sub3A_261 : i32
        %select_n3A_263 = arith.select %and3A_260, %sub3A_262, %div3A_241 : i32
        %mul3A_264 = arith.constant 25 : i32
        %mul3A_265 = arith.muli %select_n3A_239, %mul3A_264 : i32
        "tpu.region"() ({
          %run_scoped3A_266 = tpu.sem_alloc : memref<!tpu.dma_semaphore, #tpu.memory_space<semaphore_mem>>
          %dma_start3A_267 = arith.constant 0 : i32
          %dma_start3A_268 = tpu.memref_slice %arg7[%mul3A_265, %dma_start3A_267] : memref<50x80xi32, #tpu.memory_space<vmem>> -> memref<25x80xi32, #tpu.memory_space<vmem>>
          %dma_start3A_269 = arith.constant 0 : i32
          %dma_start3A_270 = arith.constant 0 : i32
          %dma_start3A_271 = tpu.memref_slice %arg4[%add3A, %select_n3A_263, %dma_start3A_269, %dma_start3A_270] : memref<32x5x25x80xi32, #tpu.memory_space<hbm>> -> memref<1x1x25x80xi32, #tpu.memory_space<hbm>>
          %dma_start3A_272 = tpu.memref_squeeze %dma_start3A_271 : memref<1x1x25x80xi32, #tpu.memory_space<hbm>> -> memref<25x80xi32, #tpu.memory_space<hbm>>
          %dma_start3A_273 = arith.constant 0 : i32
          %dma_start3A_274 = tpu.memref_slice %arg7[%mul3A_265, %dma_start3A_273] : memref<50x80xi32, #tpu.memory_space<vmem>> -> memref<25x80xi32, #tpu.memory_space<vmem>>
          %dma_start3A_275 = arith.constant 0 : i32
          %dma_start3A_276 = arith.constant 0 : i32
          %dma_start3A_277 = tpu.memref_slice %arg4[%add3A, %select_n3A_263, %dma_start3A_275, %dma_start3A_276] : memref<32x5x25x80xi32, #tpu.memory_space<hbm>> -> memref<1x1x25x80xi32, #tpu.memory_space<hbm>>
          %dma_start3A_278 = tpu.memref_squeeze %dma_start3A_277 : memref<1x1x25x80xi32, #tpu.memory_space<hbm>> -> memref<25x80xi32, #tpu.memory_space<hbm>>
          tpu.enqueue_dma source(%dma_start3A_278 : memref<25x80xi32, #tpu.memory_space<hbm>>) target(%dma_start3A_274 : memref<25x80xi32, #tpu.memory_space<vmem>>) target_semaphore(%run_scoped3A_266 : memref<!tpu.dma_semaphore, #tpu.memory_space<semaphore_mem>>)
          %dma_wait3A_279 = arith.constant 0 : i32
          %dma_wait3A_280 = tpu.memref_slice %arg7[%mul3A_265, %dma_wait3A_279] : memref<50x80xi32, #tpu.memory_space<vmem>> -> memref<25x80xi32, #tpu.memory_space<vmem>>
          %dma_wait3A_281 = arith.constant 0 : i32
          %dma_wait3A_282 = arith.constant 0 : i32
          %dma_wait3A_283 = tpu.memref_slice %arg4[%add3A, %select_n3A_263, %dma_wait3A_281, %dma_wait3A_282] : memref<32x5x25x80xi32, #tpu.memory_space<hbm>> -> memref<1x1x25x80xi32, #tpu.memory_space<hbm>>
          %dma_wait3A_284 = tpu.memref_squeeze %dma_wait3A_283 : memref<1x1x25x80xi32, #tpu.memory_space<hbm>> -> memref<25x80xi32, #tpu.memory_space<hbm>>
          %dma_wait3A_285 = arith.constant 0 : i32
          %dma_wait3A_286 = tpu.memref_slice %arg7[%mul3A_265, %dma_wait3A_285] : memref<50x80xi32, #tpu.memory_space<vmem>> -> memref<25x80xi32, #tpu.memory_space<vmem>>
          %dma_wait3A_287 = arith.constant 0 : i32
          %dma_wait3A_288 = arith.constant 0 : i32
          %dma_wait3A_289 = tpu.memref_slice %arg4[%add3A, %select_n3A_263, %dma_wait3A_287, %dma_wait3A_288] : memref<32x5x25x80xi32, #tpu.memory_space<hbm>> -> memref<1x1x25x80xi32, #tpu.memory_space<hbm>>
          %dma_wait3A_290 = tpu.memref_squeeze %dma_wait3A_289 : memref<1x1x25x80xi32, #tpu.memory_space<hbm>> -> memref<25x80xi32, #tpu.memory_space<hbm>>
          tpu.wait_dma2 semaphore(%run_scoped3A_266 : memref<!tpu.dma_semaphore, #tpu.memory_space<semaphore_mem>>) src(%dma_wait3A_290 : memref<25x80xi32, #tpu.memory_space<hbm>>) dst(%dma_wait3A_286 : memref<25x80xi32, #tpu.memory_space<vmem>>)
          tpu.yield
        }) : () -> ()
      } else {
      }
      %dma_wait3A_149 = arith.constant 0 : i32
      %dma_wait3A_150 = arith.constant 0 : i32
      %dma_wait3A_151 = tpu.memref_slice %arg2[%dma_wait3A_149, %dma_wait3A_150] : memref<10240x128xf32, #tpu.memory_space<hbm>> -> memref<80x128xf32, #tpu.memory_space<hbm>>
      %dma_wait3A_152 = arith.constant 0 : i32
      %dma_wait3A_153 = arith.constant 0 : i32
      %dma_wait3A_154 = tpu.memref_slice %arg2[%dma_wait3A_152, %dma_wait3A_153] : memref<10240x128xf32, #tpu.memory_space<hbm>> -> memref<80x128xf32, #tpu.memory_space<hbm>>
      tpu.wait_dma2 semaphore(%arg13 : memref<!tpu.dma_semaphore, #tpu.memory_space<semaphore_mem>>) src(%dma_wait3A_154 : memref<80x128xf32, #tpu.memory_space<hbm>>) dst(%arg8 : memref<80x128xf32, #tpu.memory_space<vmem>>)
      %jit3A_155 = arith.constant 50 : i32
      %eq3A_156 = arith.constant 0 : i32
      %eq3A_157 = arith.cmpi eq, %jit3A_155, %eq3A_156 : i32
      %jit3A_158 = arith.constant 1 : i32
      %select_n3A_159 = arith.select %eq3A_157, %jit3A_158, %jit3A_155 : i32
      %rem3A_160 = arith.remsi %mul3A_136, %select_n3A_159 : i32
      %ne3A_161 = arith.constant 0 : i32
      %ne3A_162 = arith.cmpi ne, %rem3A_160, %ne3A_161 : i32
      %lt3A_163 = arith.constant 0 : i32
      %lt3A_164 = arith.cmpi slt, %rem3A_160, %lt3A_163 : i32
      %lt3A_165 = arith.constant 0 : i32
      %lt3A_166 = arith.cmpi slt, %select_n3A_159, %lt3A_165 : i32
      %ne3A_167 = arith.xori %lt3A_164, %lt3A_166 : i1
      %and3A_168 = arith.andi %ne3A_167, %ne3A_162 : i1
      %add3A_169 = arith.addi %rem3A_160, %select_n3A_159 : i32
      %select_n3A_170 = arith.select %and3A_168, %add3A_169, %rem3A_160 : i32
      %dma_start3A_171 = arith.constant 0 : i32
      %dma_start3A_172 = tpu.memref_slice %arg7[%select_n3A_170, %dma_start3A_171] : memref<50x80xi32, #tpu.memory_space<vmem>> -> memref<1x80xi32, #tpu.memory_space<vmem>>
      %dma_start3A_173 = tpu.memref_squeeze %dma_start3A_172 : memref<1x80xi32, #tpu.memory_space<vmem>> -> memref<80xi32, #tpu.memory_space<vmem>>
      %dma_start3A_174 = arith.constant 0 : i32
      %dma_start3A_175 = arith.constant 0 : i32
      %dma_start3A_176 = tpu.memref_slice %arg12[%dma_start3A_174, %dma_start3A_175] : memref<10240x128xf32, #tpu.memory_space<vmem_shared>> -> memref<10240x128xf32, #tpu.memory_space<vmem_shared>>
      tpu.enqueue_indirect_dma source(%arg8 : memref<80x128xf32, #tpu.memory_space<vmem>>) target(%dma_start3A_176 : memref<10240x128xf32, #tpu.memory_space<vmem_shared>>) offsets(%dma_start3A_173 : memref<80xi32, #tpu.memory_space<vmem>>) semaphore(%arg16 : memref<!tpu.dma_semaphore, #tpu.memory_space<semaphore_mem>>) {add = true}
      %add3A_177 = arith.constant 2 : i32
      %add3A_178 = arith.addi %mul3A_136, %add3A_177 : i32
      %lt3A_179 = arith.constant 125 : i32
      %lt3A_180 = arith.cmpi slt, %add3A_178, %lt3A_179 : i32
      %convert_element_type3A_181 = arith.extui %lt3A_180 : i1 to i32
      %cond3A_182 = arith.constant 0 : i32
      %cond3A_183 = arith.cmpi ne, %convert_element_type3A_181, %cond3A_182 : i32
      scf.if %cond3A_183 {
        %jit3A_203 = arith.constant 25 : i32
        %eq3A_204 = arith.constant 0 : i32
        %eq3A_205 = arith.cmpi eq, %jit3A_203, %eq3A_204 : i32
        %jit3A_206 = arith.constant 1 : i32
        %select_n3A_207 = arith.select %eq3A_205, %jit3A_206, %jit3A_203 : i32
        %rem3A_208 = arith.remsi %add3A_178, %select_n3A_207 : i32
        %ne3A_209 = arith.constant 0 : i32
        %ne3A_210 = arith.cmpi ne, %rem3A_208, %ne3A_209 : i32
        %lt3A_211 = arith.constant 0 : i32
        %lt3A_212 = arith.cmpi slt, %rem3A_208, %lt3A_211 : i32
        %lt3A_213 = arith.constant 0 : i32
        %lt3A_214 = arith.cmpi slt, %select_n3A_207, %lt3A_213 : i32
        %ne3A_215 = arith.xori %lt3A_212, %lt3A_214 : i1
        %and3A_216 = arith.andi %ne3A_215, %ne3A_210 : i1
        %add3A_217 = arith.addi %rem3A_208, %select_n3A_207 : i32
        %select_n3A_218 = arith.select %and3A_216, %add3A_217, %rem3A_208 : i32
        %eq3A_219 = arith.constant 0 : i32
        %eq3A_220 = arith.cmpi eq, %select_n3A_218, %eq3A_219 : i32
        %convert_element_type3A_221 = arith.extui %eq3A_220 : i1 to i32
        %cond3A_222 = arith.constant 0 : i32
        %cond3A_223 = arith.cmpi ne, %convert_element_type3A_221, %cond3A_222 : i32
        scf.if %cond3A_223 {
          %jit3A_250 = arith.constant 25 : i32
          %div3A = arith.divsi %add3A_178, %jit3A_250 : i32
          %sign3A = arith.constant 0 : i32
          %sign3A_251 = arith.cmpi sgt, %add3A_178, %sign3A : i32
          %sign3A_252 = arith.extui %sign3A_251 : i1 to i32
          %sign3A_253 = arith.constant 0 : i32
          %sign3A_254 = arith.cmpi slt, %add3A_178, %sign3A_253 : i32
          %sign3A_255 = arith.extui %sign3A_254 : i1 to i32
          %sign3A_256 = arith.subi %sign3A_252, %sign3A_255 : i32
          %sign3A_257 = arith.constant 0 : i32
          %sign3A_258 = arith.cmpi sgt, %jit3A_250, %sign3A_257 : i32
          %sign3A_259 = arith.extui %sign3A_258 : i1 to i32
          %sign3A_260 = arith.constant 0 : i32
          %sign3A_261 = arith.cmpi slt, %jit3A_250, %sign3A_260 : i32
          %sign3A_262 = arith.extui %sign3A_261 : i1 to i32
          %sign3A_263 = arith.subi %sign3A_259, %sign3A_262 : i32
          %ne3A_264 = arith.cmpi ne, %sign3A_256, %sign3A_263 : i32
          %rem3A_265 = arith.remsi %add3A_178, %jit3A_250 : i32
          %ne3A_266 = arith.constant 0 : i32
          %ne3A_267 = arith.cmpi ne, %rem3A_265, %ne3A_266 : i32
          %and3A_268 = arith.andi %ne3A_264, %ne3A_267 : i1
          %sub3A = arith.constant 1 : i32
          %sub3A_269 = arith.subi %div3A, %sub3A : i32
          %select_n3A_270 = arith.select %and3A_268, %sub3A_269, %div3A : i32
          %jit3A_271 = arith.constant 2 : i32
          %eq3A_272 = arith.constant 0 : i32
          %eq3A_273 = arith.cmpi eq, %jit3A_271, %eq3A_272 : i32
          %jit3A_274 = arith.constant 1 : i32
          %select_n3A_275 = arith.select %eq3A_273, %jit3A_274, %jit3A_271 : i32
          %rem3A_276 = arith.remsi %select_n3A_270, %select_n3A_275 : i32
          %ne3A_277 = arith.constant 0 : i32
          %ne3A_278 = arith.cmpi ne, %rem3A_276, %ne3A_277 : i32
          %lt3A_279 = arith.constant 0 : i32
          %lt3A_280 = arith.cmpi slt, %rem3A_276, %lt3A_279 : i32
          %lt3A_281 = arith.constant 0 : i32
          %lt3A_282 = arith.cmpi slt, %select_n3A_275, %lt3A_281 : i32
          %ne3A_283 = arith.xori %lt3A_280, %lt3A_282 : i1
          %and3A_284 = arith.andi %ne3A_283, %ne3A_278 : i1
          %add3A_285 = arith.addi %rem3A_276, %select_n3A_275 : i32
          %select_n3A_286 = arith.select %and3A_284, %add3A_285, %rem3A_276 : i32
          %jit3A_287 = arith.constant 25 : i32
          %div3A_288 = arith.divsi %add3A_178, %jit3A_287 : i32
          %sign3A_289 = arith.constant 0 : i32
          %sign3A_290 = arith.cmpi sgt, %add3A_178, %sign3A_289 : i32
          %sign3A_291 = arith.extui %sign3A_290 : i1 to i32
          %sign3A_292 = arith.constant 0 : i32
          %sign3A_293 = arith.cmpi slt, %add3A_178, %sign3A_292 : i32
          %sign3A_294 = arith.extui %sign3A_293 : i1 to i32
          %sign3A_295 = arith.subi %sign3A_291, %sign3A_294 : i32
          %sign3A_296 = arith.constant 0 : i32
          %sign3A_297 = arith.cmpi sgt, %jit3A_287, %sign3A_296 : i32
          %sign3A_298 = arith.extui %sign3A_297 : i1 to i32
          %sign3A_299 = arith.constant 0 : i32
          %sign3A_300 = arith.cmpi slt, %jit3A_287, %sign3A_299 : i32
          %sign3A_301 = arith.extui %sign3A_300 : i1 to i32
          %sign3A_302 = arith.subi %sign3A_298, %sign3A_301 : i32
          %ne3A_303 = arith.cmpi ne, %sign3A_295, %sign3A_302 : i32
          %rem3A_304 = arith.remsi %add3A_178, %jit3A_287 : i32
          %ne3A_305 = arith.constant 0 : i32
          %ne3A_306 = arith.cmpi ne, %rem3A_304, %ne3A_305 : i32
          %and3A_307 = arith.andi %ne3A_303, %ne3A_306 : i1
          %sub3A_308 = arith.constant 1 : i32
          %sub3A_309 = arith.subi %div3A_288, %sub3A_308 : i32
          %select_n3A_310 = arith.select %and3A_307, %sub3A_309, %div3A_288 : i32
          %mul3A_311 = arith.constant 25 : i32
          %mul3A_312 = arith.muli %select_n3A_286, %mul3A_311 : i32
          "tpu.region"() ({
            %run_scoped3A_313 = tpu.sem_alloc : memref<!tpu.dma_semaphore, #tpu.memory_space<semaphore_mem>>
            %dma_start3A_314 = arith.constant 0 : i32
            %dma_start3A_315 = tpu.memref_slice %arg6[%mul3A_312, %dma_start3A_314] : memref<50x80xi32, #tpu.memory_space<vmem>> -> memref<25x80xi32, #tpu.memory_space<vmem>>
            %dma_start3A_316 = arith.constant 0 : i32
            %dma_start3A_317 = arith.constant 0 : i32
            %dma_start3A_318 = tpu.memref_slice %arg3[%add3A, %select_n3A_310, %dma_start3A_316, %dma_start3A_317] : memref<32x5x25x80xi32, #tpu.memory_space<hbm>> -> memref<1x1x25x80xi32, #tpu.memory_space<hbm>>
            %dma_start3A_319 = tpu.memref_squeeze %dma_start3A_318 : memref<1x1x25x80xi32, #tpu.memory_space<hbm>> -> memref<25x80xi32, #tpu.memory_space<hbm>>
            %dma_start3A_320 = arith.constant 0 : i32
            %dma_start3A_321 = tpu.memref_slice %arg6[%mul3A_312, %dma_start3A_320] : memref<50x80xi32, #tpu.memory_space<vmem>> -> memref<25x80xi32, #tpu.memory_space<vmem>>
            %dma_start3A_322 = arith.constant 0 : i32
            %dma_start3A_323 = arith.constant 0 : i32
            %dma_start3A_324 = tpu.memref_slice %arg3[%add3A, %select_n3A_310, %dma_start3A_322, %dma_start3A_323] : memref<32x5x25x80xi32, #tpu.memory_space<hbm>> -> memref<1x1x25x80xi32, #tpu.memory_space<hbm>>
            %dma_start3A_325 = tpu.memref_squeeze %dma_start3A_324 : memref<1x1x25x80xi32, #tpu.memory_space<hbm>> -> memref<25x80xi32, #tpu.memory_space<hbm>>
            tpu.enqueue_dma source(%dma_start3A_325 : memref<25x80xi32, #tpu.memory_space<hbm>>) target(%dma_start3A_321 : memref<25x80xi32, #tpu.memory_space<vmem>>) target_semaphore(%run_scoped3A_313 : memref<!tpu.dma_semaphore, #tpu.memory_space<semaphore_mem>>)
            %dma_wait3A_326 = arith.constant 0 : i32
            %dma_wait3A_327 = tpu.memref_slice %arg6[%mul3A_312, %dma_wait3A_326] : memref<50x80xi32, #tpu.memory_space<vmem>> -> memref<25x80xi32, #tpu.memory_space<vmem>>
            %dma_wait3A_328 = arith.constant 0 : i32
            %dma_wait3A_329 = arith.constant 0 : i32
            %dma_wait3A_330 = tpu.memref_slice %arg3[%add3A, %select_n3A_310, %dma_wait3A_328, %dma_wait3A_329] : memref<32x5x25x80xi32, #tpu.memory_space<hbm>> -> memref<1x1x25x80xi32, #tpu.memory_space<hbm>>
            %dma_wait3A_331 = tpu.memref_squeeze %dma_wait3A_330 : memref<1x1x25x80xi32, #tpu.memory_space<hbm>> -> memref<25x80xi32, #tpu.memory_space<hbm>>
            %dma_wait3A_332 = arith.constant 0 : i32
            %dma_wait3A_333 = tpu.memref_slice %arg6[%mul3A_312, %dma_wait3A_332] : memref<50x80xi32, #tpu.memory_space<vmem>> -> memref<25x80xi32, #tpu.memory_space<vmem>>
            %dma_wait3A_334 = arith.constant 0 : i32
            %dma_wait3A_335 = arith.constant 0 : i32
            %dma_wait3A_336 = tpu.memref_slice %arg3[%add3A, %select_n3A_310, %dma_wait3A_334, %dma_wait3A_335] : memref<32x5x25x80xi32, #tpu.memory_space<hbm>> -> memref<1x1x25x80xi32, #tpu.memory_space<hbm>>
            %dma_wait3A_337 = tpu.memref_squeeze %dma_wait3A_336 : memref<1x1x25x80xi32, #tpu.memory_space<hbm>> -> memref<25x80xi32, #tpu.memory_space<hbm>>
            tpu.wait_dma2 semaphore(%run_scoped3A_313 : memref<!tpu.dma_semaphore, #tpu.memory_space<semaphore_mem>>) src(%dma_wait3A_337 : memref<25x80xi32, #tpu.memory_space<hbm>>) dst(%dma_wait3A_333 : memref<25x80xi32, #tpu.memory_space<vmem>>)
            tpu.yield
          }) : () -> ()
        } else {
        }
        %ge3A = arith.constant 1 : i32
        %ge3A_224 = arith.cmpi sge, %mul3A_136, %ge3A : i32
        %convert_element_type3A_225 = arith.extui %ge3A_224 : i1 to i32
        %cond3A_226 = arith.constant 0 : i32
        %cond3A_227 = arith.cmpi ne, %convert_element_type3A_225, %cond3A_226 : i32
        scf.if %cond3A_227 {
          %dma_wait3A_250 = arith.constant 0 : i32
          %dma_wait3A_251 = arith.constant 0 : i32
          %dma_wait3A_252 = tpu.memref_slice %arg12[%dma_wait3A_250, %dma_wait3A_251] : memref<10240x128xf32, #tpu.memory_space<vmem_shared>> -> memref<80x128xf32, #tpu.memory_space<vmem_shared>>
          %dma_wait3A_253 = arith.constant 0 : i32
          %dma_wait3A_254 = arith.constant 0 : i32
          %dma_wait3A_255 = tpu.memref_slice %arg12[%dma_wait3A_253, %dma_wait3A_254] : memref<10240x128xf32, #tpu.memory_space<vmem_shared>> -> memref<80x128xf32, #tpu.memory_space<vmem_shared>>
          tpu.wait_dma2 semaphore(%arg18 : memref<!tpu.dma_semaphore, #tpu.memory_space<semaphore_mem>>) src(%arg10 : memref<80x128xf32, #tpu.memory_space<vmem>>) dst(%dma_wait3A_255 : memref<80x128xf32, #tpu.memory_space<vmem_shared>>)
        } else {
        }
        %jit3A_228 = arith.constant 50 : i32
        %eq3A_229 = arith.constant 0 : i32
        %eq3A_230 = arith.cmpi eq, %jit3A_228, %eq3A_229 : i32
        %jit3A_231 = arith.constant 1 : i32
        %select_n3A_232 = arith.select %eq3A_230, %jit3A_231, %jit3A_228 : i32
        %rem3A_233 = arith.remsi %add3A_178, %select_n3A_232 : i32
        %ne3A_234 = arith.constant 0 : i32
        %ne3A_235 = arith.cmpi ne, %rem3A_233, %ne3A_234 : i32
        %lt3A_236 = arith.constant 0 : i32
        %lt3A_237 = arith.cmpi slt, %rem3A_233, %lt3A_236 : i32
        %lt3A_238 = arith.constant 0 : i32
        %lt3A_239 = arith.cmpi slt, %select_n3A_232, %lt3A_238 : i32
        %ne3A_240 = arith.xori %lt3A_237, %lt3A_239 : i1
        %and3A_241 = arith.andi %ne3A_240, %ne3A_235 : i1
        %add3A_242 = arith.addi %rem3A_233, %select_n3A_232 : i32
        %select_n3A_243 = arith.select %and3A_241, %add3A_242, %rem3A_233 : i32
        %dma_start3A_244 = arith.constant 0 : i32
        %dma_start3A_245 = tpu.memref_slice %arg6[%select_n3A_243, %dma_start3A_244] : memref<50x80xi32, #tpu.memory_space<vmem>> -> memref<1x80xi32, #tpu.memory_space<vmem>>
        %dma_start3A_246 = tpu.memref_squeeze %dma_start3A_245 : memref<1x80xi32, #tpu.memory_space<vmem>> -> memref<80xi32, #tpu.memory_space<vmem>>
        %dma_start3A_247 = arith.constant 0 : i32
        %dma_start3A_248 = arith.constant 0 : i32
        %dma_start3A_249 = tpu.memref_slice %arg2[%dma_start3A_247, %dma_start3A_248] : memref<10240x128xf32, #tpu.memory_space<hbm>> -> memref<10240x128xf32, #tpu.memory_space<hbm>>
        tpu.enqueue_indirect_dma source(%dma_start3A_249 : memref<10240x128xf32, #tpu.memory_space<hbm>>) target(%arg10 : memref<80x128xf32, #tpu.memory_space<vmem>>) offsets(%dma_start3A_246 : memref<80xi32, #tpu.memory_space<vmem>>) semaphore(%arg15 : memref<!tpu.dma_semaphore, #tpu.memory_space<semaphore_mem>>)
      } else {
      }
      %mul3A_184 = arith.constant 3 : i32
      %mul3A_185 = arith.muli %mul3A_184, %scan3A_133 : i32
      %add3A_186 = arith.constant 1 : i32
      %add3A_187 = arith.addi %mul3A_185, %add3A_186 : i32
      %lt3A_188 = arith.constant 125 : i32
      %lt3A_189 = arith.cmpi slt, %add3A_187, %lt3A_188 : i32
      %convert_element_type3A_190 = arith.extui %lt3A_189 : i1 to i32
      %cond3A_191 = arith.constant 0 : i32
      %cond3A_192 = arith.cmpi ne, %convert_element_type3A_190, %cond3A_191 : i32
      scf.if %cond3A_192 {
        %mul3A_203 = arith.constant 3 : i32
        %mul3A_204 = arith.muli %mul3A_203, %scan3A_133 : i32
        %add3A_205 = arith.constant 1 : i32
        %add3A_206 = arith.addi %mul3A_204, %add3A_205 : i32
        %jit3A_207 = arith.constant 25 : i32
        %eq3A_208 = arith.constant 0 : i32
        %eq3A_209 = arith.cmpi eq, %jit3A_207, %eq3A_208 : i32
        %jit3A_210 = arith.constant 1 : i32
        %select_n3A_211 = arith.select %eq3A_209, %jit3A_210, %jit3A_207 : i32
        %rem3A_212 = arith.remsi %add3A_206, %select_n3A_211 : i32
        %ne3A_213 = arith.constant 0 : i32
        %ne3A_214 = arith.cmpi ne, %rem3A_212, %ne3A_213 : i32
        %lt3A_215 = arith.constant 0 : i32
        %lt3A_216 = arith.cmpi slt, %rem3A_212, %lt3A_215 : i32
        %lt3A_217 = arith.constant 0 : i32
        %lt3A_218 = arith.cmpi slt, %select_n3A_211, %lt3A_217 : i32
        %ne3A_219 = arith.xori %lt3A_216, %lt3A_218 : i1
        %and3A_220 = arith.andi %ne3A_219, %ne3A_214 : i1
        %add3A_221 = arith.addi %rem3A_212, %select_n3A_211 : i32
        %select_n3A_222 = arith.select %and3A_220, %add3A_221, %rem3A_212 : i32
        %eq3A_223 = arith.constant 0 : i32
        %eq3A_224 = arith.cmpi eq, %select_n3A_222, %eq3A_223 : i32
        %convert_element_type3A_225 = arith.extui %eq3A_224 : i1 to i32
        %cond3A_226 = arith.constant 0 : i32
        %cond3A_227 = arith.cmpi ne, %convert_element_type3A_225, %cond3A_226 : i32
        scf.if %cond3A_227 {
          %jit3A_263 = arith.constant 25 : i32
          %div3A = arith.divsi %add3A_206, %jit3A_263 : i32
          %sign3A = arith.constant 0 : i32
          %sign3A_264 = arith.cmpi sgt, %add3A_206, %sign3A : i32
          %sign3A_265 = arith.extui %sign3A_264 : i1 to i32
          %sign3A_266 = arith.constant 0 : i32
          %sign3A_267 = arith.cmpi slt, %add3A_206, %sign3A_266 : i32
          %sign3A_268 = arith.extui %sign3A_267 : i1 to i32
          %sign3A_269 = arith.subi %sign3A_265, %sign3A_268 : i32
          %sign3A_270 = arith.constant 0 : i32
          %sign3A_271 = arith.cmpi sgt, %jit3A_263, %sign3A_270 : i32
          %sign3A_272 = arith.extui %sign3A_271 : i1 to i32
          %sign3A_273 = arith.constant 0 : i32
          %sign3A_274 = arith.cmpi slt, %jit3A_263, %sign3A_273 : i32
          %sign3A_275 = arith.extui %sign3A_274 : i1 to i32
          %sign3A_276 = arith.subi %sign3A_272, %sign3A_275 : i32
          %ne3A_277 = arith.cmpi ne, %sign3A_269, %sign3A_276 : i32
          %rem3A_278 = arith.remsi %add3A_206, %jit3A_263 : i32
          %ne3A_279 = arith.constant 0 : i32
          %ne3A_280 = arith.cmpi ne, %rem3A_278, %ne3A_279 : i32
          %and3A_281 = arith.andi %ne3A_277, %ne3A_280 : i1
          %sub3A = arith.constant 1 : i32
          %sub3A_282 = arith.subi %div3A, %sub3A : i32
          %select_n3A_283 = arith.select %and3A_281, %sub3A_282, %div3A : i32
          %jit3A_284 = arith.constant 2 : i32
          %eq3A_285 = arith.constant 0 : i32
          %eq3A_286 = arith.cmpi eq, %jit3A_284, %eq3A_285 : i32
          %jit3A_287 = arith.constant 1 : i32
          %select_n3A_288 = arith.select %eq3A_286, %jit3A_287, %jit3A_284 : i32
          %rem3A_289 = arith.remsi %select_n3A_283, %select_n3A_288 : i32
          %ne3A_290 = arith.constant 0 : i32
          %ne3A_291 = arith.cmpi ne, %rem3A_289, %ne3A_290 : i32
          %lt3A_292 = arith.constant 0 : i32
          %lt3A_293 = arith.cmpi slt, %rem3A_289, %lt3A_292 : i32
          %lt3A_294 = arith.constant 0 : i32
          %lt3A_295 = arith.cmpi slt, %select_n3A_288, %lt3A_294 : i32
          %ne3A_296 = arith.xori %lt3A_293, %lt3A_295 : i1
          %and3A_297 = arith.andi %ne3A_296, %ne3A_291 : i1
          %add3A_298 = arith.addi %rem3A_289, %select_n3A_288 : i32
          %select_n3A_299 = arith.select %and3A_297, %add3A_298, %rem3A_289 : i32
          %jit3A_300 = arith.constant 25 : i32
          %div3A_301 = arith.divsi %add3A_206, %jit3A_300 : i32
          %sign3A_302 = arith.constant 0 : i32
          %sign3A_303 = arith.cmpi sgt, %add3A_206, %sign3A_302 : i32
          %sign3A_304 = arith.extui %sign3A_303 : i1 to i32
          %sign3A_305 = arith.constant 0 : i32
          %sign3A_306 = arith.cmpi slt, %add3A_206, %sign3A_305 : i32
          %sign3A_307 = arith.extui %sign3A_306 : i1 to i32
          %sign3A_308 = arith.subi %sign3A_304, %sign3A_307 : i32
          %sign3A_309 = arith.constant 0 : i32
          %sign3A_310 = arith.cmpi sgt, %jit3A_300, %sign3A_309 : i32
          %sign3A_311 = arith.extui %sign3A_310 : i1 to i32
          %sign3A_312 = arith.constant 0 : i32
          %sign3A_313 = arith.cmpi slt, %jit3A_300, %sign3A_312 : i32
          %sign3A_314 = arith.extui %sign3A_313 : i1 to i32
          %sign3A_315 = arith.subi %sign3A_311, %sign3A_314 : i32
          %ne3A_316 = arith.cmpi ne, %sign3A_308, %sign3A_315 : i32
          %rem3A_317 = arith.remsi %add3A_206, %jit3A_300 : i32
          %ne3A_318 = arith.constant 0 : i32
          %ne3A_319 = arith.cmpi ne, %rem3A_317, %ne3A_318 : i32
          %and3A_320 = arith.andi %ne3A_316, %ne3A_319 : i1
          %sub3A_321 = arith.constant 1 : i32
          %sub3A_322 = arith.subi %div3A_301, %sub3A_321 : i32
          %select_n3A_323 = arith.select %and3A_320, %sub3A_322, %div3A_301 : i32
          %mul3A_324 = arith.constant 25 : i32
          %mul3A_325 = arith.muli %select_n3A_299, %mul3A_324 : i32
          "tpu.region"() ({
            %run_scoped3A_326 = tpu.sem_alloc : memref<!tpu.dma_semaphore, #tpu.memory_space<semaphore_mem>>
            %dma_start3A_327 = arith.constant 0 : i32
            %dma_start3A_328 = tpu.memref_slice %arg7[%mul3A_325, %dma_start3A_327] : memref<50x80xi32, #tpu.memory_space<vmem>> -> memref<25x80xi32, #tpu.memory_space<vmem>>
            %dma_start3A_329 = arith.constant 0 : i32
            %dma_start3A_330 = arith.constant 0 : i32
            %dma_start3A_331 = tpu.memref_slice %arg4[%add3A, %select_n3A_323, %dma_start3A_329, %dma_start3A_330] : memref<32x5x25x80xi32, #tpu.memory_space<hbm>> -> memref<1x1x25x80xi32, #tpu.memory_space<hbm>>
            %dma_start3A_332 = tpu.memref_squeeze %dma_start3A_331 : memref<1x1x25x80xi32, #tpu.memory_space<hbm>> -> memref<25x80xi32, #tpu.memory_space<hbm>>
            %dma_start3A_333 = arith.constant 0 : i32
            %dma_start3A_334 = tpu.memref_slice %arg7[%mul3A_325, %dma_start3A_333] : memref<50x80xi32, #tpu.memory_space<vmem>> -> memref<25x80xi32, #tpu.memory_space<vmem>>
            %dma_start3A_335 = arith.constant 0 : i32
            %dma_start3A_336 = arith.constant 0 : i32
            %dma_start3A_337 = tpu.memref_slice %arg4[%add3A, %select_n3A_323, %dma_start3A_335, %dma_start3A_336] : memref<32x5x25x80xi32, #tpu.memory_space<hbm>> -> memref<1x1x25x80xi32, #tpu.memory_space<hbm>>
            %dma_start3A_338 = tpu.memref_squeeze %dma_start3A_337 : memref<1x1x25x80xi32, #tpu.memory_space<hbm>> -> memref<25x80xi32, #tpu.memory_space<hbm>>
            tpu.enqueue_dma source(%dma_start3A_338 : memref<25x80xi32, #tpu.memory_space<hbm>>) target(%dma_start3A_334 : memref<25x80xi32, #tpu.memory_space<vmem>>) target_semaphore(%run_scoped3A_326 : memref<!tpu.dma_semaphore, #tpu.memory_space<semaphore_mem>>)
            %dma_wait3A_339 = arith.constant 0 : i32
            %dma_wait3A_340 = tpu.memref_slice %arg7[%mul3A_325, %dma_wait3A_339] : memref<50x80xi32, #tpu.memory_space<vmem>> -> memref<25x80xi32, #tpu.memory_space<vmem>>
            %dma_wait3A_341 = arith.constant 0 : i32
            %dma_wait3A_342 = arith.constant 0 : i32
            %dma_wait3A_343 = tpu.memref_slice %arg4[%add3A, %select_n3A_323, %dma_wait3A_341, %dma_wait3A_342] : memref<32x5x25x80xi32, #tpu.memory_space<hbm>> -> memref<1x1x25x80xi32, #tpu.memory_space<hbm>>
            %dma_wait3A_344 = tpu.memref_squeeze %dma_wait3A_343 : memref<1x1x25x80xi32, #tpu.memory_space<hbm>> -> memref<25x80xi32, #tpu.memory_space<hbm>>
            %dma_wait3A_345 = arith.constant 0 : i32
            %dma_wait3A_346 = tpu.memref_slice %arg7[%mul3A_325, %dma_wait3A_345] : memref<50x80xi32, #tpu.memory_space<vmem>> -> memref<25x80xi32, #tpu.memory_space<vmem>>
            %dma_wait3A_347 = arith.constant 0 : i32
            %dma_wait3A_348 = arith.constant 0 : i32
            %dma_wait3A_349 = tpu.memref_slice %arg4[%add3A, %select_n3A_323, %dma_wait3A_347, %dma_wait3A_348] : memref<32x5x25x80xi32, #tpu.memory_space<hbm>> -> memref<1x1x25x80xi32, #tpu.memory_space<hbm>>
            %dma_wait3A_350 = tpu.memref_squeeze %dma_wait3A_349 : memref<1x1x25x80xi32, #tpu.memory_space<hbm>> -> memref<25x80xi32, #tpu.memory_space<hbm>>
            tpu.wait_dma2 semaphore(%run_scoped3A_326 : memref<!tpu.dma_semaphore, #tpu.memory_space<semaphore_mem>>) src(%dma_wait3A_350 : memref<25x80xi32, #tpu.memory_space<hbm>>) dst(%dma_wait3A_346 : memref<25x80xi32, #tpu.memory_space<vmem>>)
            tpu.yield
          }) : () -> ()
        } else {
        }
        %dma_wait3A_228 = arith.constant 0 : i32
        %dma_wait3A_229 = arith.constant 0 : i32
        %dma_wait3A_230 = tpu.memref_slice %arg2[%dma_wait3A_228, %dma_wait3A_229] : memref<10240x128xf32, #tpu.memory_space<hbm>> -> memref<80x128xf32, #tpu.memory_space<hbm>>
        %dma_wait3A_231 = arith.constant 0 : i32
        %dma_wait3A_232 = arith.constant 0 : i32
        %dma_wait3A_233 = tpu.memref_slice %arg2[%dma_wait3A_231, %dma_wait3A_232] : memref<10240x128xf32, #tpu.memory_space<hbm>> -> memref<80x128xf32, #tpu.memory_space<hbm>>
        tpu.wait_dma2 semaphore(%arg14 : memref<!tpu.dma_semaphore, #tpu.memory_space<semaphore_mem>>) src(%dma_wait3A_233 : memref<80x128xf32, #tpu.memory_space<hbm>>) dst(%arg9 : memref<80x128xf32, #tpu.memory_space<vmem>>)
        %jit3A_234 = arith.constant 50 : i32
        %eq3A_235 = arith.constant 0 : i32
        %eq3A_236 = arith.cmpi eq, %jit3A_234, %eq3A_235 : i32
        %jit3A_237 = arith.constant 1 : i32
        %select_n3A_238 = arith.select %eq3A_236, %jit3A_237, %jit3A_234 : i32
        %rem3A_239 = arith.remsi %add3A_206, %select_n3A_238 : i32
        %ne3A_240 = arith.constant 0 : i32
        %ne3A_241 = arith.cmpi ne, %rem3A_239, %ne3A_240 : i32
        %lt3A_242 = arith.constant 0 : i32
        %lt3A_243 = arith.cmpi slt, %rem3A_239, %lt3A_242 : i32
        %lt3A_244 = arith.constant 0 : i32
        %lt3A_245 = arith.cmpi slt, %select_n3A_238, %lt3A_244 : i32
        %ne3A_246 = arith.xori %lt3A_243, %lt3A_245 : i1
        %and3A_247 = arith.andi %ne3A_246, %ne3A_241 : i1
        %add3A_248 = arith.addi %rem3A_239, %select_n3A_238 : i32
        %select_n3A_249 = arith.select %and3A_247, %add3A_248, %rem3A_239 : i32
        %dma_start3A_250 = arith.constant 0 : i32
        %dma_start3A_251 = tpu.memref_slice %arg7[%select_n3A_249, %dma_start3A_250] : memref<50x80xi32, #tpu.memory_space<vmem>> -> memref<1x80xi32, #tpu.memory_space<vmem>>
        %dma_start3A_252 = tpu.memref_squeeze %dma_start3A_251 : memref<1x80xi32, #tpu.memory_space<vmem>> -> memref<80xi32, #tpu.memory_space<vmem>>
        %dma_start3A_253 = arith.constant 0 : i32
        %dma_start3A_254 = arith.constant 0 : i32
        %dma_start3A_255 = tpu.memref_slice %arg12[%dma_start3A_253, %dma_start3A_254] : memref<10240x128xf32, #tpu.memory_space<vmem_shared>> -> memref<10240x128xf32, #tpu.memory_space<vmem_shared>>
        tpu.enqueue_indirect_dma source(%arg9 : memref<80x128xf32, #tpu.memory_space<vmem>>) target(%dma_start3A_255 : memref<10240x128xf32, #tpu.memory_space<vmem_shared>>) offsets(%dma_start3A_252 : memref<80xi32, #tpu.memory_space<vmem>>) semaphore(%arg17 : memref<!tpu.dma_semaphore, #tpu.memory_space<semaphore_mem>>) {add = true}
        %add3A_256 = arith.constant 2 : i32
        %add3A_257 = arith.addi %add3A_206, %add3A_256 : i32
        %lt3A_258 = arith.constant 125 : i32
        %lt3A_259 = arith.cmpi slt, %add3A_257, %lt3A_258 : i32
        %convert_element_type3A_260 = arith.extui %lt3A_259 : i1 to i32
        %cond3A_261 = arith.constant 0 : i32
        %cond3A_262 = arith.cmpi ne, %convert_element_type3A_260, %cond3A_261 : i32
        scf.if %cond3A_262 {
          %jit3A_263 = arith.constant 25 : i32
          %eq3A_264 = arith.constant 0 : i32
          %eq3A_265 = arith.cmpi eq, %jit3A_263, %eq3A_264 : i32
          %jit3A_266 = arith.constant 1 : i32
          %select_n3A_267 = arith.select %eq3A_265, %jit3A_266, %jit3A_263 : i32
          %rem3A_268 = arith.remsi %add3A_257, %select_n3A_267 : i32
          %ne3A_269 = arith.constant 0 : i32
          %ne3A_270 = arith.cmpi ne, %rem3A_268, %ne3A_269 : i32
          %lt3A_271 = arith.constant 0 : i32
          %lt3A_272 = arith.cmpi slt, %rem3A_268, %lt3A_271 : i32
          %lt3A_273 = arith.constant 0 : i32
          %lt3A_274 = arith.cmpi slt, %select_n3A_267, %lt3A_273 : i32
          %ne3A_275 = arith.xori %lt3A_272, %lt3A_274 : i1
          %and3A_276 = arith.andi %ne3A_275, %ne3A_270 : i1
          %add3A_277 = arith.addi %rem3A_268, %select_n3A_267 : i32
          %select_n3A_278 = arith.select %and3A_276, %add3A_277, %rem3A_268 : i32
          %eq3A_279 = arith.constant 0 : i32
          %eq3A_280 = arith.cmpi eq, %select_n3A_278, %eq3A_279 : i32
          %convert_element_type3A_281 = arith.extui %eq3A_280 : i1 to i32
          %cond3A_282 = arith.constant 0 : i32
          %cond3A_283 = arith.cmpi ne, %convert_element_type3A_281, %cond3A_282 : i32
          scf.if %cond3A_283 {
            %jit3A_310 = arith.constant 25 : i32
            %div3A = arith.divsi %add3A_257, %jit3A_310 : i32
            %sign3A = arith.constant 0 : i32
            %sign3A_311 = arith.cmpi sgt, %add3A_257, %sign3A : i32
            %sign3A_312 = arith.extui %sign3A_311 : i1 to i32
            %sign3A_313 = arith.constant 0 : i32
            %sign3A_314 = arith.cmpi slt, %add3A_257, %sign3A_313 : i32
            %sign3A_315 = arith.extui %sign3A_314 : i1 to i32
            %sign3A_316 = arith.subi %sign3A_312, %sign3A_315 : i32
            %sign3A_317 = arith.constant 0 : i32
            %sign3A_318 = arith.cmpi sgt, %jit3A_310, %sign3A_317 : i32
            %sign3A_319 = arith.extui %sign3A_318 : i1 to i32
            %sign3A_320 = arith.constant 0 : i32
            %sign3A_321 = arith.cmpi slt, %jit3A_310, %sign3A_320 : i32
            %sign3A_322 = arith.extui %sign3A_321 : i1 to i32
            %sign3A_323 = arith.subi %sign3A_319, %sign3A_322 : i32
            %ne3A_324 = arith.cmpi ne, %sign3A_316, %sign3A_323 : i32
            %rem3A_325 = arith.remsi %add3A_257, %jit3A_310 : i32
            %ne3A_326 = arith.constant 0 : i32
            %ne3A_327 = arith.cmpi ne, %rem3A_325, %ne3A_326 : i32
            %and3A_328 = arith.andi %ne3A_324, %ne3A_327 : i1
            %sub3A = arith.constant 1 : i32
            %sub3A_329 = arith.subi %div3A, %sub3A : i32
            %select_n3A_330 = arith.select %and3A_328, %sub3A_329, %div3A : i32
            %jit3A_331 = arith.constant 2 : i32
            %eq3A_332 = arith.constant 0 : i32
            %eq3A_333 = arith.cmpi eq, %jit3A_331, %eq3A_332 : i32
            %jit3A_334 = arith.constant 1 : i32
            %select_n3A_335 = arith.select %eq3A_333, %jit3A_334, %jit3A_331 : i32
            %rem3A_336 = arith.remsi %select_n3A_330, %select_n3A_335 : i32
            %ne3A_337 = arith.constant 0 : i32
            %ne3A_338 = arith.cmpi ne, %rem3A_336, %ne3A_337 : i32
            %lt3A_339 = arith.constant 0 : i32
            %lt3A_340 = arith.cmpi slt, %rem3A_336, %lt3A_339 : i32
            %lt3A_341 = arith.constant 0 : i32
            %lt3A_342 = arith.cmpi slt, %select_n3A_335, %lt3A_341 : i32
            %ne3A_343 = arith.xori %lt3A_340, %lt3A_342 : i1
            %and3A_344 = arith.andi %ne3A_343, %ne3A_338 : i1
            %add3A_345 = arith.addi %rem3A_336, %select_n3A_335 : i32
            %select_n3A_346 = arith.select %and3A_344, %add3A_345, %rem3A_336 : i32
            %jit3A_347 = arith.constant 25 : i32
            %div3A_348 = arith.divsi %add3A_257, %jit3A_347 : i32
            %sign3A_349 = arith.constant 0 : i32
            %sign3A_350 = arith.cmpi sgt, %add3A_257, %sign3A_349 : i32
            %sign3A_351 = arith.extui %sign3A_350 : i1 to i32
            %sign3A_352 = arith.constant 0 : i32
            %sign3A_353 = arith.cmpi slt, %add3A_257, %sign3A_352 : i32
            %sign3A_354 = arith.extui %sign3A_353 : i1 to i32
            %sign3A_355 = arith.subi %sign3A_351, %sign3A_354 : i32
            %sign3A_356 = arith.constant 0 : i32
            %sign3A_357 = arith.cmpi sgt, %jit3A_347, %sign3A_356 : i32
            %sign3A_358 = arith.extui %sign3A_357 : i1 to i32
            %sign3A_359 = arith.constant 0 : i32
            %sign3A_360 = arith.cmpi slt, %jit3A_347, %sign3A_359 : i32
            %sign3A_361 = arith.extui %sign3A_360 : i1 to i32
            %sign3A_362 = arith.subi %sign3A_358, %sign3A_361 : i32
            %ne3A_363 = arith.cmpi ne, %sign3A_355, %sign3A_362 : i32
            %rem3A_364 = arith.remsi %add3A_257, %jit3A_347 : i32
            %ne3A_365 = arith.constant 0 : i32
            %ne3A_366 = arith.cmpi ne, %rem3A_364, %ne3A_365 : i32
            %and3A_367 = arith.andi %ne3A_363, %ne3A_366 : i1
            %sub3A_368 = arith.constant 1 : i32
            %sub3A_369 = arith.subi %div3A_348, %sub3A_368 : i32
            %select_n3A_370 = arith.select %and3A_367, %sub3A_369, %div3A_348 : i32
            %mul3A_371 = arith.constant 25 : i32
            %mul3A_372 = arith.muli %select_n3A_346, %mul3A_371 : i32
            "tpu.region"() ({
              %run_scoped3A_373 = tpu.sem_alloc : memref<!tpu.dma_semaphore, #tpu.memory_space<semaphore_mem>>
              %dma_start3A_374 = arith.constant 0 : i32
              %dma_start3A_375 = tpu.memref_slice %arg6[%mul3A_372, %dma_start3A_374] : memref<50x80xi32, #tpu.memory_space<vmem>> -> memref<25x80xi32, #tpu.memory_space<vmem>>
              %dma_start3A_376 = arith.constant 0 : i32
              %dma_start3A_377 = arith.constant 0 : i32
              %dma_start3A_378 = tpu.memref_slice %arg3[%add3A, %select_n3A_370, %dma_start3A_376, %dma_start3A_377] : memref<32x5x25x80xi32, #tpu.memory_space<hbm>> -> memref<1x1x25x80xi32, #tpu.memory_space<hbm>>
              %dma_start3A_379 = tpu.memref_squeeze %dma_start3A_378 : memref<1x1x25x80xi32, #tpu.memory_space<hbm>> -> memref<25x80xi32, #tpu.memory_space<hbm>>
              %dma_start3A_380 = arith.constant 0 : i32
              %dma_start3A_381 = tpu.memref_slice %arg6[%mul3A_372, %dma_start3A_380] : memref<50x80xi32, #tpu.memory_space<vmem>> -> memref<25x80xi32, #tpu.memory_space<vmem>>
              %dma_start3A_382 = arith.constant 0 : i32
              %dma_start3A_383 = arith.constant 0 : i32
              %dma_start3A_384 = tpu.memref_slice %arg3[%add3A, %select_n3A_370, %dma_start3A_382, %dma_start3A_383] : memref<32x5x25x80xi32, #tpu.memory_space<hbm>> -> memref<1x1x25x80xi32, #tpu.memory_space<hbm>>
              %dma_start3A_385 = tpu.memref_squeeze %dma_start3A_384 : memref<1x1x25x80xi32, #tpu.memory_space<hbm>> -> memref<25x80xi32, #tpu.memory_space<hbm>>
              tpu.enqueue_dma source(%dma_start3A_385 : memref<25x80xi32, #tpu.memory_space<hbm>>) target(%dma_start3A_381 : memref<25x80xi32, #tpu.memory_space<vmem>>) target_semaphore(%run_scoped3A_373 : memref<!tpu.dma_semaphore, #tpu.memory_space<semaphore_mem>>)
              %dma_wait3A_386 = arith.constant 0 : i32
              %dma_wait3A_387 = tpu.memref_slice %arg6[%mul3A_372, %dma_wait3A_386] : memref<50x80xi32, #tpu.memory_space<vmem>> -> memref<25x80xi32, #tpu.memory_space<vmem>>
              %dma_wait3A_388 = arith.constant 0 : i32
              %dma_wait3A_389 = arith.constant 0 : i32
              %dma_wait3A_390 = tpu.memref_slice %arg3[%add3A, %select_n3A_370, %dma_wait3A_388, %dma_wait3A_389] : memref<32x5x25x80xi32, #tpu.memory_space<hbm>> -> memref<1x1x25x80xi32, #tpu.memory_space<hbm>>
              %dma_wait3A_391 = tpu.memref_squeeze %dma_wait3A_390 : memref<1x1x25x80xi32, #tpu.memory_space<hbm>> -> memref<25x80xi32, #tpu.memory_space<hbm>>
              %dma_wait3A_392 = arith.constant 0 : i32
              %dma_wait3A_393 = tpu.memref_slice %arg6[%mul3A_372, %dma_wait3A_392] : memref<50x80xi32, #tpu.memory_space<vmem>> -> memref<25x80xi32, #tpu.memory_space<vmem>>
              %dma_wait3A_394 = arith.constant 0 : i32
              %dma_wait3A_395 = arith.constant 0 : i32
              %dma_wait3A_396 = tpu.memref_slice %arg3[%add3A, %select_n3A_370, %dma_wait3A_394, %dma_wait3A_395] : memref<32x5x25x80xi32, #tpu.memory_space<hbm>> -> memref<1x1x25x80xi32, #tpu.memory_space<hbm>>
              %dma_wait3A_397 = tpu.memref_squeeze %dma_wait3A_396 : memref<1x1x25x80xi32, #tpu.memory_space<hbm>> -> memref<25x80xi32, #tpu.memory_space<hbm>>
              tpu.wait_dma2 semaphore(%run_scoped3A_373 : memref<!tpu.dma_semaphore, #tpu.memory_space<semaphore_mem>>) src(%dma_wait3A_397 : memref<25x80xi32, #tpu.memory_space<hbm>>) dst(%dma_wait3A_393 : memref<25x80xi32, #tpu.memory_space<vmem>>)
              tpu.yield
            }) : () -> ()
          } else {
          }
          %ge3A = arith.constant 1 : i32
          %ge3A_284 = arith.cmpi sge, %add3A_206, %ge3A : i32
          %convert_element_type3A_285 = arith.extui %ge3A_284 : i1 to i32
          %cond3A_286 = arith.constant 0 : i32
          %cond3A_287 = arith.cmpi ne, %convert_element_type3A_285, %cond3A_286 : i32
          scf.if %cond3A_287 {
            %dma_wait3A_310 = arith.constant 0 : i32
            %dma_wait3A_311 = arith.constant 0 : i32
            %dma_wait3A_312 = tpu.memref_slice %arg12[%dma_wait3A_310, %dma_wait3A_311] : memref<10240x128xf32, #tpu.memory_space<vmem_shared>> -> memref<80x128xf32, #tpu.memory_space<vmem_shared>>
            %dma_wait3A_313 = arith.constant 0 : i32
            %dma_wait3A_314 = arith.constant 0 : i32
            %dma_wait3A_315 = tpu.memref_slice %arg12[%dma_wait3A_313, %dma_wait3A_314] : memref<10240x128xf32, #tpu.memory_space<vmem_shared>> -> memref<80x128xf32, #tpu.memory_space<vmem_shared>>
            tpu.wait_dma2 semaphore(%arg16 : memref<!tpu.dma_semaphore, #tpu.memory_space<semaphore_mem>>) src(%arg8 : memref<80x128xf32, #tpu.memory_space<vmem>>) dst(%dma_wait3A_315 : memref<80x128xf32, #tpu.memory_space<vmem_shared>>)
          } else {
          }
          %jit3A_288 = arith.constant 50 : i32
          %eq3A_289 = arith.constant 0 : i32
          %eq3A_290 = arith.cmpi eq, %jit3A_288, %eq3A_289 : i32
          %jit3A_291 = arith.constant 1 : i32
          %select_n3A_292 = arith.select %eq3A_290, %jit3A_291, %jit3A_288 : i32
          %rem3A_293 = arith.remsi %add3A_257, %select_n3A_292 : i32
          %ne3A_294 = arith.constant 0 : i32
          %ne3A_295 = arith.cmpi ne, %rem3A_293, %ne3A_294 : i32
          %lt3A_296 = arith.constant 0 : i32
          %lt3A_297 = arith.cmpi slt, %rem3A_293, %lt3A_296 : i32
          %lt3A_298 = arith.constant 0 : i32
          %lt3A_299 = arith.cmpi slt, %select_n3A_292, %lt3A_298 : i32
          %ne3A_300 = arith.xori %lt3A_297, %lt3A_299 : i1
          %and3A_301 = arith.andi %ne3A_300, %ne3A_295 : i1
          %add3A_302 = arith.addi %rem3A_293, %select_n3A_292 : i32
          %select_n3A_303 = arith.select %and3A_301, %add3A_302, %rem3A_293 : i32
          %dma_start3A_304 = arith.constant 0 : i32
          %dma_start3A_305 = tpu.memref_slice %arg6[%select_n3A_303, %dma_start3A_304] : memref<50x80xi32, #tpu.memory_space<vmem>> -> memref<1x80xi32, #tpu.memory_space<vmem>>
          %dma_start3A_306 = tpu.memref_squeeze %dma_start3A_305 : memref<1x80xi32, #tpu.memory_space<vmem>> -> memref<80xi32, #tpu.memory_space<vmem>>
          %dma_start3A_307 = arith.constant 0 : i32
          %dma_start3A_308 = arith.constant 0 : i32
          %dma_start3A_309 = tpu.memref_slice %arg2[%dma_start3A_307, %dma_start3A_308] : memref<10240x128xf32, #tpu.memory_space<hbm>> -> memref<10240x128xf32, #tpu.memory_space<hbm>>
          tpu.enqueue_indirect_dma source(%dma_start3A_309 : memref<10240x128xf32, #tpu.memory_space<hbm>>) target(%arg8 : memref<80x128xf32, #tpu.memory_space<vmem>>) offsets(%dma_start3A_306 : memref<80xi32, #tpu.memory_space<vmem>>) semaphore(%arg13 : memref<!tpu.dma_semaphore, #tpu.memory_space<semaphore_mem>>)
        } else {
        }
      } else {
      }
      %mul3A_193 = arith.constant 3 : i32
      %mul3A_194 = arith.muli %mul3A_193, %scan3A_133 : i32
      %add3A_195 = arith.constant 2 : i32
      %add3A_196 = arith.addi %mul3A_194, %add3A_195 : i32
      %lt3A_197 = arith.constant 125 : i32
      %lt3A_198 = arith.cmpi slt, %add3A_196, %lt3A_197 : i32
      %convert_element_type3A_199 = arith.extui %lt3A_198 : i1 to i32
      %cond3A_200 = arith.constant 0 : i32
      %cond3A_201 = arith.cmpi ne, %convert_element_type3A_199, %cond3A_200 : i32
      scf.if %cond3A_201 {
        %mul3A_203 = arith.constant 3 : i32
        %mul3A_204 = arith.muli %mul3A_203, %scan3A_133 : i32
        %add3A_205 = arith.constant 2 : i32
        %add3A_206 = arith.addi %mul3A_204, %add3A_205 : i32
        %jit3A_207 = arith.constant 25 : i32
        %eq3A_208 = arith.constant 0 : i32
        %eq3A_209 = arith.cmpi eq, %jit3A_207, %eq3A_208 : i32
        %jit3A_210 = arith.constant 1 : i32
        %select_n3A_211 = arith.select %eq3A_209, %jit3A_210, %jit3A_207 : i32
        %rem3A_212 = arith.remsi %add3A_206, %select_n3A_211 : i32
        %ne3A_213 = arith.constant 0 : i32
        %ne3A_214 = arith.cmpi ne, %rem3A_212, %ne3A_213 : i32
        %lt3A_215 = arith.constant 0 : i32
        %lt3A_216 = arith.cmpi slt, %rem3A_212, %lt3A_215 : i32
        %lt3A_217 = arith.constant 0 : i32
        %lt3A_218 = arith.cmpi slt, %select_n3A_211, %lt3A_217 : i32
        %ne3A_219 = arith.xori %lt3A_216, %lt3A_218 : i1
        %and3A_220 = arith.andi %ne3A_219, %ne3A_214 : i1
        %add3A_221 = arith.addi %rem3A_212, %select_n3A_211 : i32
        %select_n3A_222 = arith.select %and3A_220, %add3A_221, %rem3A_212 : i32
        %eq3A_223 = arith.constant 0 : i32
        %eq3A_224 = arith.cmpi eq, %select_n3A_222, %eq3A_223 : i32
        %convert_element_type3A_225 = arith.extui %eq3A_224 : i1 to i32
        %cond3A_226 = arith.constant 0 : i32
        %cond3A_227 = arith.cmpi ne, %convert_element_type3A_225, %cond3A_226 : i32
        scf.if %cond3A_227 {
          %jit3A_263 = arith.constant 25 : i32
          %div3A = arith.divsi %add3A_206, %jit3A_263 : i32
          %sign3A = arith.constant 0 : i32
          %sign3A_264 = arith.cmpi sgt, %add3A_206, %sign3A : i32
          %sign3A_265 = arith.extui %sign3A_264 : i1 to i32
          %sign3A_266 = arith.constant 0 : i32
          %sign3A_267 = arith.cmpi slt, %add3A_206, %sign3A_266 : i32
          %sign3A_268 = arith.extui %sign3A_267 : i1 to i32
          %sign3A_269 = arith.subi %sign3A_265, %sign3A_268 : i32
          %sign3A_270 = arith.constant 0 : i32
          %sign3A_271 = arith.cmpi sgt, %jit3A_263, %sign3A_270 : i32
          %sign3A_272 = arith.extui %sign3A_271 : i1 to i32
          %sign3A_273 = arith.constant 0 : i32
          %sign3A_274 = arith.cmpi slt, %jit3A_263, %sign3A_273 : i32
          %sign3A_275 = arith.extui %sign3A_274 : i1 to i32
          %sign3A_276 = arith.subi %sign3A_272, %sign3A_275 : i32
          %ne3A_277 = arith.cmpi ne, %sign3A_269, %sign3A_276 : i32
          %rem3A_278 = arith.remsi %add3A_206, %jit3A_263 : i32
          %ne3A_279 = arith.constant 0 : i32
          %ne3A_280 = arith.cmpi ne, %rem3A_278, %ne3A_279 : i32
          %and3A_281 = arith.andi %ne3A_277, %ne3A_280 : i1
          %sub3A = arith.constant 1 : i32
          %sub3A_282 = arith.subi %div3A, %sub3A : i32
          %select_n3A_283 = arith.select %and3A_281, %sub3A_282, %div3A : i32
          %jit3A_284 = arith.constant 2 : i32
          %eq3A_285 = arith.constant 0 : i32
          %eq3A_286 = arith.cmpi eq, %jit3A_284, %eq3A_285 : i32
          %jit3A_287 = arith.constant 1 : i32
          %select_n3A_288 = arith.select %eq3A_286, %jit3A_287, %jit3A_284 : i32
          %rem3A_289 = arith.remsi %select_n3A_283, %select_n3A_288 : i32
          %ne3A_290 = arith.constant 0 : i32
          %ne3A_291 = arith.cmpi ne, %rem3A_289, %ne3A_290 : i32
          %lt3A_292 = arith.constant 0 : i32
          %lt3A_293 = arith.cmpi slt, %rem3A_289, %lt3A_292 : i32
          %lt3A_294 = arith.constant 0 : i32
          %lt3A_295 = arith.cmpi slt, %select_n3A_288, %lt3A_294 : i32
          %ne3A_296 = arith.xori %lt3A_293, %lt3A_295 : i1
          %and3A_297 = arith.andi %ne3A_296, %ne3A_291 : i1
          %add3A_298 = arith.addi %rem3A_289, %select_n3A_288 : i32
          %select_n3A_299 = arith.select %and3A_297, %add3A_298, %rem3A_289 : i32
          %jit3A_300 = arith.constant 25 : i32
          %div3A_301 = arith.divsi %add3A_206, %jit3A_300 : i32
          %sign3A_302 = arith.constant 0 : i32
          %sign3A_303 = arith.cmpi sgt, %add3A_206, %sign3A_302 : i32
          %sign3A_304 = arith.extui %sign3A_303 : i1 to i32
          %sign3A_305 = arith.constant 0 : i32
          %sign3A_306 = arith.cmpi slt, %add3A_206, %sign3A_305 : i32
          %sign3A_307 = arith.extui %sign3A_306 : i1 to i32
          %sign3A_308 = arith.subi %sign3A_304, %sign3A_307 : i32
          %sign3A_309 = arith.constant 0 : i32
          %sign3A_310 = arith.cmpi sgt, %jit3A_300, %sign3A_309 : i32
          %sign3A_311 = arith.extui %sign3A_310 : i1 to i32
          %sign3A_312 = arith.constant 0 : i32
          %sign3A_313 = arith.cmpi slt, %jit3A_300, %sign3A_312 : i32
          %sign3A_314 = arith.extui %sign3A_313 : i1 to i32
          %sign3A_315 = arith.subi %sign3A_311, %sign3A_314 : i32
          %ne3A_316 = arith.cmpi ne, %sign3A_308, %sign3A_315 : i32
          %rem3A_317 = arith.remsi %add3A_206, %jit3A_300 : i32
          %ne3A_318 = arith.constant 0 : i32
          %ne3A_319 = arith.cmpi ne, %rem3A_317, %ne3A_318 : i32
          %and3A_320 = arith.andi %ne3A_316, %ne3A_319 : i1
          %sub3A_321 = arith.constant 1 : i32
          %sub3A_322 = arith.subi %div3A_301, %sub3A_321 : i32
          %select_n3A_323 = arith.select %and3A_320, %sub3A_322, %div3A_301 : i32
          %mul3A_324 = arith.constant 25 : i32
          %mul3A_325 = arith.muli %select_n3A_299, %mul3A_324 : i32
          "tpu.region"() ({
            %run_scoped3A_326 = tpu.sem_alloc : memref<!tpu.dma_semaphore, #tpu.memory_space<semaphore_mem>>
            %dma_start3A_327 = arith.constant 0 : i32
            %dma_start3A_328 = tpu.memref_slice %arg7[%mul3A_325, %dma_start3A_327] : memref<50x80xi32, #tpu.memory_space<vmem>> -> memref<25x80xi32, #tpu.memory_space<vmem>>
            %dma_start3A_329 = arith.constant 0 : i32
            %dma_start3A_330 = arith.constant 0 : i32
            %dma_start3A_331 = tpu.memref_slice %arg4[%add3A, %select_n3A_323, %dma_start3A_329, %dma_start3A_330] : memref<32x5x25x80xi32, #tpu.memory_space<hbm>> -> memref<1x1x25x80xi32, #tpu.memory_space<hbm>>
            %dma_start3A_332 = tpu.memref_squeeze %dma_start3A_331 : memref<1x1x25x80xi32, #tpu.memory_space<hbm>> -> memref<25x80xi32, #tpu.memory_space<hbm>>
            %dma_start3A_333 = arith.constant 0 : i32
            %dma_start3A_334 = tpu.memref_slice %arg7[%mul3A_325, %dma_start3A_333] : memref<50x80xi32, #tpu.memory_space<vmem>> -> memref<25x80xi32, #tpu.memory_space<vmem>>
            %dma_start3A_335 = arith.constant 0 : i32
            %dma_start3A_336 = arith.constant 0 : i32
            %dma_start3A_337 = tpu.memref_slice %arg4[%add3A, %select_n3A_323, %dma_start3A_335, %dma_start3A_336] : memref<32x5x25x80xi32, #tpu.memory_space<hbm>> -> memref<1x1x25x80xi32, #tpu.memory_space<hbm>>
            %dma_start3A_338 = tpu.memref_squeeze %dma_start3A_337 : memref<1x1x25x80xi32, #tpu.memory_space<hbm>> -> memref<25x80xi32, #tpu.memory_space<hbm>>
            tpu.enqueue_dma source(%dma_start3A_338 : memref<25x80xi32, #tpu.memory_space<hbm>>) target(%dma_start3A_334 : memref<25x80xi32, #tpu.memory_space<vmem>>) target_semaphore(%run_scoped3A_326 : memref<!tpu.dma_semaphore, #tpu.memory_space<semaphore_mem>>)
            %dma_wait3A_339 = arith.constant 0 : i32
            %dma_wait3A_340 = tpu.memref_slice %arg7[%mul3A_325, %dma_wait3A_339] : memref<50x80xi32, #tpu.memory_space<vmem>> -> memref<25x80xi32, #tpu.memory_space<vmem>>
            %dma_wait3A_341 = arith.constant 0 : i32
            %dma_wait3A_342 = arith.constant 0 : i32
            %dma_wait3A_343 = tpu.memref_slice %arg4[%add3A, %select_n3A_323, %dma_wait3A_341, %dma_wait3A_342] : memref<32x5x25x80xi32, #tpu.memory_space<hbm>> -> memref<1x1x25x80xi32, #tpu.memory_space<hbm>>
            %dma_wait3A_344 = tpu.memref_squeeze %dma_wait3A_343 : memref<1x1x25x80xi32, #tpu.memory_space<hbm>> -> memref<25x80xi32, #tpu.memory_space<hbm>>
            %dma_wait3A_345 = arith.constant 0 : i32
            %dma_wait3A_346 = tpu.memref_slice %arg7[%mul3A_325, %dma_wait3A_345] : memref<50x80xi32, #tpu.memory_space<vmem>> -> memref<25x80xi32, #tpu.memory_space<vmem>>
            %dma_wait3A_347 = arith.constant 0 : i32
            %dma_wait3A_348 = arith.constant 0 : i32
            %dma_wait3A_349 = tpu.memref_slice %arg4[%add3A, %select_n3A_323, %dma_wait3A_347, %dma_wait3A_348] : memref<32x5x25x80xi32, #tpu.memory_space<hbm>> -> memref<1x1x25x80xi32, #tpu.memory_space<hbm>>
            %dma_wait3A_350 = tpu.memref_squeeze %dma_wait3A_349 : memref<1x1x25x80xi32, #tpu.memory_space<hbm>> -> memref<25x80xi32, #tpu.memory_space<hbm>>
            tpu.wait_dma2 semaphore(%run_scoped3A_326 : memref<!tpu.dma_semaphore, #tpu.memory_space<semaphore_mem>>) src(%dma_wait3A_350 : memref<25x80xi32, #tpu.memory_space<hbm>>) dst(%dma_wait3A_346 : memref<25x80xi32, #tpu.memory_space<vmem>>)
            tpu.yield
          }) : () -> ()
        } else {
        }
        %dma_wait3A_228 = arith.constant 0 : i32
        %dma_wait3A_229 = arith.constant 0 : i32
        %dma_wait3A_230 = tpu.memref_slice %arg2[%dma_wait3A_228, %dma_wait3A_229] : memref<10240x128xf32, #tpu.memory_space<hbm>> -> memref<80x128xf32, #tpu.memory_space<hbm>>
        %dma_wait3A_231 = arith.constant 0 : i32
        %dma_wait3A_232 = arith.constant 0 : i32
        %dma_wait3A_233 = tpu.memref_slice %arg2[%dma_wait3A_231, %dma_wait3A_232] : memref<10240x128xf32, #tpu.memory_space<hbm>> -> memref<80x128xf32, #tpu.memory_space<hbm>>
        tpu.wait_dma2 semaphore(%arg15 : memref<!tpu.dma_semaphore, #tpu.memory_space<semaphore_mem>>) src(%dma_wait3A_233 : memref<80x128xf32, #tpu.memory_space<hbm>>) dst(%arg10 : memref<80x128xf32, #tpu.memory_space<vmem>>)
        %jit3A_234 = arith.constant 50 : i32
        %eq3A_235 = arith.constant 0 : i32
        %eq3A_236 = arith.cmpi eq, %jit3A_234, %eq3A_235 : i32
        %jit3A_237 = arith.constant 1 : i32
        %select_n3A_238 = arith.select %eq3A_236, %jit3A_237, %jit3A_234 : i32
        %rem3A_239 = arith.remsi %add3A_206, %select_n3A_238 : i32
        %ne3A_240 = arith.constant 0 : i32
        %ne3A_241 = arith.cmpi ne, %rem3A_239, %ne3A_240 : i32
        %lt3A_242 = arith.constant 0 : i32
        %lt3A_243 = arith.cmpi slt, %rem3A_239, %lt3A_242 : i32
        %lt3A_244 = arith.constant 0 : i32
        %lt3A_245 = arith.cmpi slt, %select_n3A_238, %lt3A_244 : i32
        %ne3A_246 = arith.xori %lt3A_243, %lt3A_245 : i1
        %and3A_247 = arith.andi %ne3A_246, %ne3A_241 : i1
        %add3A_248 = arith.addi %rem3A_239, %select_n3A_238 : i32
        %select_n3A_249 = arith.select %and3A_247, %add3A_248, %rem3A_239 : i32
        %dma_start3A_250 = arith.constant 0 : i32
        %dma_start3A_251 = tpu.memref_slice %arg7[%select_n3A_249, %dma_start3A_250] : memref<50x80xi32, #tpu.memory_space<vmem>> -> memref<1x80xi32, #tpu.memory_space<vmem>>
        %dma_start3A_252 = tpu.memref_squeeze %dma_start3A_251 : memref<1x80xi32, #tpu.memory_space<vmem>> -> memref<80xi32, #tpu.memory_space<vmem>>
        %dma_start3A_253 = arith.constant 0 : i32
        %dma_start3A_254 = arith.constant 0 : i32
        %dma_start3A_255 = tpu.memref_slice %arg12[%dma_start3A_253, %dma_start3A_254] : memref<10240x128xf32, #tpu.memory_space<vmem_shared>> -> memref<10240x128xf32, #tpu.memory_space<vmem_shared>>
        tpu.enqueue_indirect_dma source(%arg10 : memref<80x128xf32, #tpu.memory_space<vmem>>) target(%dma_start3A_255 : memref<10240x128xf32, #tpu.memory_space<vmem_shared>>) offsets(%dma_start3A_252 : memref<80xi32, #tpu.memory_space<vmem>>) semaphore(%arg18 : memref<!tpu.dma_semaphore, #tpu.memory_space<semaphore_mem>>) {add = true}
        %add3A_256 = arith.constant 2 : i32
        %add3A_257 = arith.addi %add3A_206, %add3A_256 : i32
        %lt3A_258 = arith.constant 125 : i32
        %lt3A_259 = arith.cmpi slt, %add3A_257, %lt3A_258 : i32
        %convert_element_type3A_260 = arith.extui %lt3A_259 : i1 to i32
        %cond3A_261 = arith.constant 0 : i32
        %cond3A_262 = arith.cmpi ne, %convert_element_type3A_260, %cond3A_261 : i32
        scf.if %cond3A_262 {
          %jit3A_263 = arith.constant 25 : i32
          %eq3A_264 = arith.constant 0 : i32
          %eq3A_265 = arith.cmpi eq, %jit3A_263, %eq3A_264 : i32
          %jit3A_266 = arith.constant 1 : i32
          %select_n3A_267 = arith.select %eq3A_265, %jit3A_266, %jit3A_263 : i32
          %rem3A_268 = arith.remsi %add3A_257, %select_n3A_267 : i32
          %ne3A_269 = arith.constant 0 : i32
          %ne3A_270 = arith.cmpi ne, %rem3A_268, %ne3A_269 : i32
          %lt3A_271 = arith.constant 0 : i32
          %lt3A_272 = arith.cmpi slt, %rem3A_268, %lt3A_271 : i32
          %lt3A_273 = arith.constant 0 : i32
          %lt3A_274 = arith.cmpi slt, %select_n3A_267, %lt3A_273 : i32
          %ne3A_275 = arith.xori %lt3A_272, %lt3A_274 : i1
          %and3A_276 = arith.andi %ne3A_275, %ne3A_270 : i1
          %add3A_277 = arith.addi %rem3A_268, %select_n3A_267 : i32
          %select_n3A_278 = arith.select %and3A_276, %add3A_277, %rem3A_268 : i32
          %eq3A_279 = arith.constant 0 : i32
          %eq3A_280 = arith.cmpi eq, %select_n3A_278, %eq3A_279 : i32
          %convert_element_type3A_281 = arith.extui %eq3A_280 : i1 to i32
          %cond3A_282 = arith.constant 0 : i32
          %cond3A_283 = arith.cmpi ne, %convert_element_type3A_281, %cond3A_282 : i32
          scf.if %cond3A_283 {
            %jit3A_310 = arith.constant 25 : i32
            %div3A = arith.divsi %add3A_257, %jit3A_310 : i32
            %sign3A = arith.constant 0 : i32
            %sign3A_311 = arith.cmpi sgt, %add3A_257, %sign3A : i32
            %sign3A_312 = arith.extui %sign3A_311 : i1 to i32
            %sign3A_313 = arith.constant 0 : i32
            %sign3A_314 = arith.cmpi slt, %add3A_257, %sign3A_313 : i32
            %sign3A_315 = arith.extui %sign3A_314 : i1 to i32
            %sign3A_316 = arith.subi %sign3A_312, %sign3A_315 : i32
            %sign3A_317 = arith.constant 0 : i32
            %sign3A_318 = arith.cmpi sgt, %jit3A_310, %sign3A_317 : i32
            %sign3A_319 = arith.extui %sign3A_318 : i1 to i32
            %sign3A_320 = arith.constant 0 : i32
            %sign3A_321 = arith.cmpi slt, %jit3A_310, %sign3A_320 : i32
            %sign3A_322 = arith.extui %sign3A_321 : i1 to i32
            %sign3A_323 = arith.subi %sign3A_319, %sign3A_322 : i32
            %ne3A_324 = arith.cmpi ne, %sign3A_316, %sign3A_323 : i32
            %rem3A_325 = arith.remsi %add3A_257, %jit3A_310 : i32
            %ne3A_326 = arith.constant 0 : i32
            %ne3A_327 = arith.cmpi ne, %rem3A_325, %ne3A_326 : i32
            %and3A_328 = arith.andi %ne3A_324, %ne3A_327 : i1
            %sub3A = arith.constant 1 : i32
            %sub3A_329 = arith.subi %div3A, %sub3A : i32
            %select_n3A_330 = arith.select %and3A_328, %sub3A_329, %div3A : i32
            %jit3A_331 = arith.constant 2 : i32
            %eq3A_332 = arith.constant 0 : i32
            %eq3A_333 = arith.cmpi eq, %jit3A_331, %eq3A_332 : i32
            %jit3A_334 = arith.constant 1 : i32
            %select_n3A_335 = arith.select %eq3A_333, %jit3A_334, %jit3A_331 : i32
            %rem3A_336 = arith.remsi %select_n3A_330, %select_n3A_335 : i32
            %ne3A_337 = arith.constant 0 : i32
            %ne3A_338 = arith.cmpi ne, %rem3A_336, %ne3A_337 : i32
            %lt3A_339 = arith.constant 0 : i32
            %lt3A_340 = arith.cmpi slt, %rem3A_336, %lt3A_339 : i32
            %lt3A_341 = arith.constant 0 : i32
            %lt3A_342 = arith.cmpi slt, %select_n3A_335, %lt3A_341 : i32
            %ne3A_343 = arith.xori %lt3A_340, %lt3A_342 : i1
            %and3A_344 = arith.andi %ne3A_343, %ne3A_338 : i1
            %add3A_345 = arith.addi %rem3A_336, %select_n3A_335 : i32
            %select_n3A_346 = arith.select %and3A_344, %add3A_345, %rem3A_336 : i32
            %jit3A_347 = arith.constant 25 : i32
            %div3A_348 = arith.divsi %add3A_257, %jit3A_347 : i32
            %sign3A_349 = arith.constant 0 : i32
            %sign3A_350 = arith.cmpi sgt, %add3A_257, %sign3A_349 : i32
            %sign3A_351 = arith.extui %sign3A_350 : i1 to i32
            %sign3A_352 = arith.constant 0 : i32
            %sign3A_353 = arith.cmpi slt, %add3A_257, %sign3A_352 : i32
            %sign3A_354 = arith.extui %sign3A_353 : i1 to i32
            %sign3A_355 = arith.subi %sign3A_351, %sign3A_354 : i32
            %sign3A_356 = arith.constant 0 : i32
            %sign3A_357 = arith.cmpi sgt, %jit3A_347, %sign3A_356 : i32
            %sign3A_358 = arith.extui %sign3A_357 : i1 to i32
            %sign3A_359 = arith.constant 0 : i32
            %sign3A_360 = arith.cmpi slt, %jit3A_347, %sign3A_359 : i32
            %sign3A_361 = arith.extui %sign3A_360 : i1 to i32
            %sign3A_362 = arith.subi %sign3A_358, %sign3A_361 : i32
            %ne3A_363 = arith.cmpi ne, %sign3A_355, %sign3A_362 : i32
            %rem3A_364 = arith.remsi %add3A_257, %jit3A_347 : i32
            %ne3A_365 = arith.constant 0 : i32
            %ne3A_366 = arith.cmpi ne, %rem3A_364, %ne3A_365 : i32
            %and3A_367 = arith.andi %ne3A_363, %ne3A_366 : i1
            %sub3A_368 = arith.constant 1 : i32
            %sub3A_369 = arith.subi %div3A_348, %sub3A_368 : i32
            %select_n3A_370 = arith.select %and3A_367, %sub3A_369, %div3A_348 : i32
            %mul3A_371 = arith.constant 25 : i32
            %mul3A_372 = arith.muli %select_n3A_346, %mul3A_371 : i32
            "tpu.region"() ({
              %run_scoped3A_373 = tpu.sem_alloc : memref<!tpu.dma_semaphore, #tpu.memory_space<semaphore_mem>>
              %dma_start3A_374 = arith.constant 0 : i32
              %dma_start3A_375 = tpu.memref_slice %arg6[%mul3A_372, %dma_start3A_374] : memref<50x80xi32, #tpu.memory_space<vmem>> -> memref<25x80xi32, #tpu.memory_space<vmem>>
              %dma_start3A_376 = arith.constant 0 : i32
              %dma_start3A_377 = arith.constant 0 : i32
              %dma_start3A_378 = tpu.memref_slice %arg3[%add3A, %select_n3A_370, %dma_start3A_376, %dma_start3A_377] : memref<32x5x25x80xi32, #tpu.memory_space<hbm>> -> memref<1x1x25x80xi32, #tpu.memory_space<hbm>>
              %dma_start3A_379 = tpu.memref_squeeze %dma_start3A_378 : memref<1x1x25x80xi32, #tpu.memory_space<hbm>> -> memref<25x80xi32, #tpu.memory_space<hbm>>
              %dma_start3A_380 = arith.constant 0 : i32
              %dma_start3A_381 = tpu.memref_slice %arg6[%mul3A_372, %dma_start3A_380] : memref<50x80xi32, #tpu.memory_space<vmem>> -> memref<25x80xi32, #tpu.memory_space<vmem>>
              %dma_start3A_382 = arith.constant 0 : i32
              %dma_start3A_383 = arith.constant 0 : i32
              %dma_start3A_384 = tpu.memref_slice %arg3[%add3A, %select_n3A_370, %dma_start3A_382, %dma_start3A_383] : memref<32x5x25x80xi32, #tpu.memory_space<hbm>> -> memref<1x1x25x80xi32, #tpu.memory_space<hbm>>
              %dma_start3A_385 = tpu.memref_squeeze %dma_start3A_384 : memref<1x1x25x80xi32, #tpu.memory_space<hbm>> -> memref<25x80xi32, #tpu.memory_space<hbm>>
              tpu.enqueue_dma source(%dma_start3A_385 : memref<25x80xi32, #tpu.memory_space<hbm>>) target(%dma_start3A_381 : memref<25x80xi32, #tpu.memory_space<vmem>>) target_semaphore(%run_scoped3A_373 : memref<!tpu.dma_semaphore, #tpu.memory_space<semaphore_mem>>)
              %dma_wait3A_386 = arith.constant 0 : i32
              %dma_wait3A_387 = tpu.memref_slice %arg6[%mul3A_372, %dma_wait3A_386] : memref<50x80xi32, #tpu.memory_space<vmem>> -> memref<25x80xi32, #tpu.memory_space<vmem>>
              %dma_wait3A_388 = arith.constant 0 : i32
              %dma_wait3A_389 = arith.constant 0 : i32
              %dma_wait3A_390 = tpu.memref_slice %arg3[%add3A, %select_n3A_370, %dma_wait3A_388, %dma_wait3A_389] : memref<32x5x25x80xi32, #tpu.memory_space<hbm>> -> memref<1x1x25x80xi32, #tpu.memory_space<hbm>>
              %dma_wait3A_391 = tpu.memref_squeeze %dma_wait3A_390 : memref<1x1x25x80xi32, #tpu.memory_space<hbm>> -> memref<25x80xi32, #tpu.memory_space<hbm>>
              %dma_wait3A_392 = arith.constant 0 : i32
              %dma_wait3A_393 = tpu.memref_slice %arg6[%mul3A_372, %dma_wait3A_392] : memref<50x80xi32, #tpu.memory_space<vmem>> -> memref<25x80xi32, #tpu.memory_space<vmem>>
              %dma_wait3A_394 = arith.constant 0 : i32
              %dma_wait3A_395 = arith.constant 0 : i32
              %dma_wait3A_396 = tpu.memref_slice %arg3[%add3A, %select_n3A_370, %dma_wait3A_394, %dma_wait3A_395] : memref<32x5x25x80xi32, #tpu.memory_space<hbm>> -> memref<1x1x25x80xi32, #tpu.memory_space<hbm>>
              %dma_wait3A_397 = tpu.memref_squeeze %dma_wait3A_396 : memref<1x1x25x80xi32, #tpu.memory_space<hbm>> -> memref<25x80xi32, #tpu.memory_space<hbm>>
              tpu.wait_dma2 semaphore(%run_scoped3A_373 : memref<!tpu.dma_semaphore, #tpu.memory_space<semaphore_mem>>) src(%dma_wait3A_397 : memref<25x80xi32, #tpu.memory_space<hbm>>) dst(%dma_wait3A_393 : memref<25x80xi32, #tpu.memory_space<vmem>>)
              tpu.yield
            }) : () -> ()
          } else {
          }
          %ge3A = arith.constant 1 : i32
          %ge3A_284 = arith.cmpi sge, %add3A_206, %ge3A : i32
          %convert_element_type3A_285 = arith.extui %ge3A_284 : i1 to i32
          %cond3A_286 = arith.constant 0 : i32
          %cond3A_287 = arith.cmpi ne, %convert_element_type3A_285, %cond3A_286 : i32
          scf.if %cond3A_287 {
            %dma_wait3A_310 = arith.constant 0 : i32
            %dma_wait3A_311 = arith.constant 0 : i32
            %dma_wait3A_312 = tpu.memref_slice %arg12[%dma_wait3A_310, %dma_wait3A_311] : memref<10240x128xf32, #tpu.memory_space<vmem_shared>> -> memref<80x128xf32, #tpu.memory_space<vmem_shared>>
            %dma_wait3A_313 = arith.constant 0 : i32
            %dma_wait3A_314 = arith.constant 0 : i32
            %dma_wait3A_315 = tpu.memref_slice %arg12[%dma_wait3A_313, %dma_wait3A_314] : memref<10240x128xf32, #tpu.memory_space<vmem_shared>> -> memref<80x128xf32, #tpu.memory_space<vmem_shared>>
            tpu.wait_dma2 semaphore(%arg17 : memref<!tpu.dma_semaphore, #tpu.memory_space<semaphore_mem>>) src(%arg9 : memref<80x128xf32, #tpu.memory_space<vmem>>) dst(%dma_wait3A_315 : memref<80x128xf32, #tpu.memory_space<vmem_shared>>)
          } else {
          }
          %jit3A_288 = arith.constant 50 : i32
          %eq3A_289 = arith.constant 0 : i32
          %eq3A_290 = arith.cmpi eq, %jit3A_288, %eq3A_289 : i32
          %jit3A_291 = arith.constant 1 : i32
          %select_n3A_292 = arith.select %eq3A_290, %jit3A_291, %jit3A_288 : i32
          %rem3A_293 = arith.remsi %add3A_257, %select_n3A_292 : i32
          %ne3A_294 = arith.constant 0 : i32
          %ne3A_295 = arith.cmpi ne, %rem3A_293, %ne3A_294 : i32
          %lt3A_296 = arith.constant 0 : i32
          %lt3A_297 = arith.cmpi slt, %rem3A_293, %lt3A_296 : i32
          %lt3A_298 = arith.constant 0 : i32
          %lt3A_299 = arith.cmpi slt, %select_n3A_292, %lt3A_298 : i32
          %ne3A_300 = arith.xori %lt3A_297, %lt3A_299 : i1
          %and3A_301 = arith.andi %ne3A_300, %ne3A_295 : i1
          %add3A_302 = arith.addi %rem3A_293, %select_n3A_292 : i32
          %select_n3A_303 = arith.select %and3A_301, %add3A_302, %rem3A_293 : i32
          %dma_start3A_304 = arith.constant 0 : i32
          %dma_start3A_305 = tpu.memref_slice %arg6[%select_n3A_303, %dma_start3A_304] : memref<50x80xi32, #tpu.memory_space<vmem>> -> memref<1x80xi32, #tpu.memory_space<vmem>>
          %dma_start3A_306 = tpu.memref_squeeze %dma_start3A_305 : memref<1x80xi32, #tpu.memory_space<vmem>> -> memref<80xi32, #tpu.memory_space<vmem>>
          %dma_start3A_307 = arith.constant 0 : i32
          %dma_start3A_308 = arith.constant 0 : i32
          %dma_start3A_309 = tpu.memref_slice %arg2[%dma_start3A_307, %dma_start3A_308] : memref<10240x128xf32, #tpu.memory_space<hbm>> -> memref<10240x128xf32, #tpu.memory_space<hbm>>
          tpu.enqueue_indirect_dma source(%dma_start3A_309 : memref<10240x128xf32, #tpu.memory_space<hbm>>) target(%arg9 : memref<80x128xf32, #tpu.memory_space<vmem>>) offsets(%dma_start3A_306 : memref<80xi32, #tpu.memory_space<vmem>>) semaphore(%arg14 : memref<!tpu.dma_semaphore, #tpu.memory_space<semaphore_mem>>)
        } else {
        }
      } else {
      }
      %scan3A_202 = arith.constant 0 : i32
      scf.yield %scan3A_202 : i32
    }
    %scan3A_107 = arith.constant 42 : i32
    %dma_wait3A = arith.constant 0 : i32
    %dma_wait3A_108 = arith.constant 0 : i32
    %dma_wait3A_109 = tpu.memref_slice %arg12[%dma_wait3A, %dma_wait3A_108] : memref<10240x128xf32, #tpu.memory_space<vmem_shared>> -> memref<80x128xf32, #tpu.memory_space<vmem_shared>>
    %dma_wait3A_110 = arith.constant 0 : i32
    %dma_wait3A_111 = arith.constant 0 : i32
    %dma_wait3A_112 = tpu.memref_slice %arg12[%dma_wait3A_110, %dma_wait3A_111] : memref<10240x128xf32, #tpu.memory_space<vmem_shared>> -> memref<80x128xf32, #tpu.memory_space<vmem_shared>>
    tpu.wait_dma2 semaphore(%arg18 : memref<!tpu.dma_semaphore, #tpu.memory_space<semaphore_mem>>) src(%arg10 : memref<80x128xf32, #tpu.memory_space<vmem>>) dst(%dma_wait3A_112 : memref<80x128xf32, #tpu.memory_space<vmem_shared>>)
    %dma_wait3A_113 = arith.constant 0 : i32
    %dma_wait3A_114 = arith.constant 0 : i32
    %dma_wait3A_115 = tpu.memref_slice %arg12[%dma_wait3A_113, %dma_wait3A_114] : memref<10240x128xf32, #tpu.memory_space<vmem_shared>> -> memref<80x128xf32, #tpu.memory_space<vmem_shared>>
    %dma_wait3A_116 = arith.constant 0 : i32
    %dma_wait3A_117 = arith.constant 0 : i32
    %dma_wait3A_118 = tpu.memref_slice %arg12[%dma_wait3A_116, %dma_wait3A_117] : memref<10240x128xf32, #tpu.memory_space<vmem_shared>> -> memref<80x128xf32, #tpu.memory_space<vmem_shared>>
    tpu.wait_dma2 semaphore(%arg16 : memref<!tpu.dma_semaphore, #tpu.memory_space<semaphore_mem>>) src(%arg8 : memref<80x128xf32, #tpu.memory_space<vmem>>) dst(%dma_wait3A_118 : memref<80x128xf32, #tpu.memory_space<vmem_shared>>)
    %dma_wait3A_119 = arith.constant 0 : i32
    %dma_wait3A_120 = arith.constant 0 : i32
    %dma_wait3A_121 = tpu.memref_slice %arg12[%dma_wait3A_119, %dma_wait3A_120] : memref<10240x128xf32, #tpu.memory_space<vmem_shared>> -> memref<80x128xf32, #tpu.memory_space<vmem_shared>>
    %dma_wait3A_122 = arith.constant 0 : i32
    %dma_wait3A_123 = arith.constant 0 : i32
    %dma_wait3A_124 = tpu.memref_slice %arg12[%dma_wait3A_122, %dma_wait3A_123] : memref<10240x128xf32, #tpu.memory_space<vmem_shared>> -> memref<80x128xf32, #tpu.memory_space<vmem_shared>>
    tpu.wait_dma2 semaphore(%arg17 : memref<!tpu.dma_semaphore, #tpu.memory_space<semaphore_mem>>) src(%arg9 : memref<80x128xf32, #tpu.memory_space<vmem>>) dst(%dma_wait3A_124 : memref<80x128xf32, #tpu.memory_space<vmem_shared>>)
    %barrier3A_125 = arith.constant 0 : index
    tpu.barrier barrier_id(%barrier3A_125)
    %mul3A_126 = arith.constant 640 : i32
    %mul3A_127 = arith.muli %arg1, %mul3A_126 : i32
    %mul3A_128 = arith.constant 10240 : i32
    %mul3A_129 = arith.muli %arg0, %mul3A_128 : i32
    %mul3A_130 = arith.constant 640 : i32
    %mul3A_131 = arith.muli %arg1, %mul3A_130 : i32
    %add3A_132 = arith.addi %mul3A_129, %mul3A_131 : i32
    "tpu.region"() ({
      %run_scoped3A_133 = tpu.sem_alloc : memref<!tpu.dma_semaphore, #tpu.memory_space<semaphore_mem>>
      %dma_start3A_134 = arith.constant 0 : i32
      %dma_start3A_135 = tpu.memref_slice %arg5[%add3A_132, %dma_start3A_134] : memref<20480x128xf32, #tpu.memory_space<hbm>> -> memref<640x128xf32, #tpu.memory_space<hbm>>
      %dma_start3A_136 = arith.constant 0 : i32
      %dma_start3A_137 = tpu.memref_slice %arg12[%mul3A_127, %dma_start3A_136] : memref<10240x128xf32, #tpu.memory_space<vmem_shared>> -> memref<640x128xf32, #tpu.memory_space<vmem_shared>>
      tpu.enqueue_dma source(%dma_start3A_137 : memref<640x128xf32, #tpu.memory_space<vmem_shared>>) target(%dma_start3A_135 : memref<640x128xf32, #tpu.memory_space<hbm>>) target_semaphore(%run_scoped3A_133 : memref<!tpu.dma_semaphore, #tpu.memory_space<semaphore_mem>>)
      %dma_wait3A_138 = arith.constant 0 : i32
      %dma_wait3A_139 = tpu.memref_slice %arg5[%add3A_132, %dma_wait3A_138] : memref<20480x128xf32, #tpu.memory_space<hbm>> -> memref<640x128xf32, #tpu.memory_space<hbm>>
      %dma_wait3A_140 = arith.constant 0 : i32
      %dma_wait3A_141 = tpu.memref_slice %arg12[%mul3A_127, %dma_wait3A_140] : memref<10240x128xf32, #tpu.memory_space<vmem_shared>> -> memref<640x128xf32, #tpu.memory_space<vmem_shared>>
      tpu.wait_dma2 semaphore(%run_scoped3A_133 : memref<!tpu.dma_semaphore, #tpu.memory_space<semaphore_mem>>) src(%dma_wait3A_141 : memref<640x128xf32, #tpu.memory_space<vmem_shared>>) dst(%dma_wait3A_139 : memref<640x128xf32, #tpu.memory_space<hbm>>)
      tpu.yield
    }) : () -> ()
    return
  }
}

module attributes {stable_mosaic.version = 14 : i64} {
  func.func @_tc_lin_body(%arg0: i32, %arg1: memref<1024x2xf32, #tpu.memory_space<vmem>>, %arg2: memref<1024x128xf32, #tpu.memory_space<vmem>>, %arg3: memref<128x128xf32, #tpu.memory_space<vmem>>, %arg4: memref<1024x128xf32, #tpu.memory_space<vmem>>) attributes {dimension_semantics = [#tpu.dimension_semantics<arbitrary>], iteration_bounds = array<i64: 10>, scalar_prefetch = 0 : i64, scratch_operands = 0 : i64, tpu.core_type = #tpu.core_type<tc>, window_params = [{transform_indices = @transform_0, window_bounds = array<i64: 1024, 2>}, {transform_indices = @transform_1, window_bounds = array<i64: 1024, 128>}, {pipeline_mode = #tpu.pipeline_mode<synchronous>, transform_indices = @transform_2, window_bounds = array<i64: 128, 128>}, {transform_indices = @transform_3, window_bounds = array<i64: 1024, 128>}]} {
    %get3A = arith.constant 0 : index
    %get3A_0 = arith.constant 0 : index
    %get3A_1 = vector.load %arg1[%get3A, %get3A_0] : memref<1024x2xf32, #tpu.memory_space<vmem>>, vector<1024x2xf32>
    %slice3A = vector.extract_strided_slice %get3A_1 {offsets = [0, 0], sizes = [1024, 1], strides = [1, 1]} : vector<1024x2xf32> to vector<1024x1xf32>
    %add3A = arith.constant 1.000000e+00 : f32
    %add3A_2 = vector.broadcast %add3A : f32 to vector<1024x1xf32>
    %add3A_3 = arith.addf %add3A_2, %slice3A : vector<1024x1xf32>
    %slice3A_4 = vector.extract_strided_slice %get3A_1 {offsets = [0, 1], sizes = [1024, 1], strides = [1, 1]} : vector<1024x2xf32> to vector<1024x1xf32>
    %add3A_5 = arith.addf %add3A_3, %slice3A_4 : vector<1024x1xf32>
    %rsqrt3A = math.rsqrt %add3A_5 : vector<1024x1xf32>
    %get3A_6 = arith.constant 0 : index
    %get3A_7 = arith.constant 0 : index
    %get3A_8 = vector.load %arg2[%get3A_6, %get3A_7] : memref<1024x128xf32, #tpu.memory_space<vmem>>, vector<1024x128xf32>
    %get3A_9 = arith.constant 0 : index
    %get3A_10 = arith.constant 0 : index
    %get3A_11 = vector.load %arg3[%get3A_9, %get3A_10] : memref<128x128xf32, #tpu.memory_space<vmem>>, vector<128x128xf32>
    %dot_general3A = arith.constant dense<0.000000e+00> : vector<1024x128xf32>
    %dot_general3A_12 = tpu.matmul %get3A_8, %get3A_11, %dot_general3A {dimension_numbers = #tpu.dot_dimension_numbers<[1], [0], [0], [1], [0, 0, 1, 1], [], []>, transpose_lhs_hint = false} : vector<1024x128xf32>, vector<128x128xf32>, vector<1024x128xf32> -> vector<1024x128xf32>
    %mul3A = vector.broadcast %rsqrt3A : vector<1024x1xf32> to vector<1024x128xf32>
    %mul3A_13 = arith.mulf %dot_general3A_12, %mul3A : vector<1024x128xf32>
    %swap3A = arith.constant 0 : index
    %swap3A_14 = arith.constant 0 : index
    %swap3A_15 = vector.load %arg4[%swap3A, %swap3A_14] : memref<1024x128xf32, #tpu.memory_space<vmem>>, vector<1024x128xf32>
    tpu.vector_store %arg4[%swap3A, %swap3A_14], %mul3A_13 {strides = array<i32>} : memref<1024x128xf32, #tpu.memory_space<vmem>>, vector<1024x128xf32>,
    return
  }
  func.func @transform_0(%arg0: i32) -> (i32, i32) {
    %c0_i32 = arith.constant 0 : i32
    %c0_i32_0 = arith.constant 0 : i32
    return %arg0, %c0_i32 : i32, i32
  }
  func.func @transform_1(%arg0: i32) -> (i32, i32) {
    %c0_i32 = arith.constant 0 : i32
    %c0_i32_0 = arith.constant 0 : i32
    return %arg0, %c0_i32 : i32, i32
  }
  func.func @transform_2(%arg0: i32) -> (i32, i32) {
    %c0_i32 = arith.constant 0 : i32
    %c0_i32_0 = arith.constant 0 : i32
    %c0_i32_1 = arith.constant 0 : i32
    return %c0_i32, %c0_i32_0 : i32, i32
  }
  func.func @transform_3(%arg0: i32) -> (i32, i32) {
    %c0_i32 = arith.constant 0 : i32
    %c0_i32_0 = arith.constant 0 : i32
    return %arg0, %c0_i32 : i32, i32
  }
}

module attributes {stable_mosaic.version = 14 : i64} {
  func.func @_tc_mid_body(%arg0: i32, %arg1: memref<2x1024x128xf32, #tpu.memory_space<vmem>>, %arg2: memref<1024x128xf32, #tpu.memory_space<vmem>>, %arg3: memref<1024x2xf32, #tpu.memory_space<vmem>>, %arg4: memref<1x128xf32, #tpu.memory_space<vmem>>, %arg5: memref<128x128xf32, #tpu.memory_space<vmem>>, %arg6: memref<1024x128xf32, #tpu.memory_space<vmem>>) attributes {dimension_semantics = [#tpu.dimension_semantics<arbitrary>], iteration_bounds = array<i64: 10>, scalar_prefetch = 0 : i64, scratch_operands = 0 : i64, tpu.core_type = #tpu.core_type<tc>, window_params = [{transform_indices = @transform_0, window_bounds = array<i64: 2, 1024, 128>}, {transform_indices = @transform_1, window_bounds = array<i64: 1024, 128>}, {transform_indices = @transform_2, window_bounds = array<i64: 1024, 2>}, {pipeline_mode = #tpu.pipeline_mode<synchronous>, transform_indices = @transform_3, window_bounds = array<i64: 1, 128>}, {pipeline_mode = #tpu.pipeline_mode<synchronous>, transform_indices = @transform_4, window_bounds = array<i64: 128, 128>}, {transform_indices = @transform_5, window_bounds = array<i64: 1024, 128>}]} {
    %get3A = arith.constant 0 : index
    %get3A_0 = arith.constant 0 : index
    %get3A_1 = vector.load %arg3[%get3A, %get3A_0] : memref<1024x2xf32, #tpu.memory_space<vmem>>, vector<1024x2xf32>
    %slice3A = vector.extract_strided_slice %get3A_1 {offsets = [0, 0], sizes = [1024, 1], strides = [1, 1]} : vector<1024x2xf32> to vector<1024x1xf32>
    %add3A = arith.constant 1.000000e+00 : f32
    %add3A_2 = vector.broadcast %add3A : f32 to vector<1024x1xf32>
    %add3A_3 = arith.addf %add3A_2, %slice3A : vector<1024x1xf32>
    %slice3A_4 = vector.extract_strided_slice %get3A_1 {offsets = [0, 1], sizes = [1024, 1], strides = [1, 1]} : vector<1024x2xf32> to vector<1024x1xf32>
    %add3A_5 = arith.addf %add3A_3, %slice3A_4 : vector<1024x1xf32>
    %rsqrt3A = math.rsqrt %add3A_5 : vector<1024x1xf32>
    %get3A_6 = arith.constant 0 : index
    %get3A_7 = arith.constant 0 : index
    %get3A_8 = arith.constant 0 : index
    %get3A_9 = vector.load %arg1[%get3A_6, %get3A_7, %get3A_8] : memref<2x1024x128xf32, #tpu.memory_space<vmem>>, vector<1x1024x128xf32>
    %get3A_10 = vector.shape_cast %get3A_9 : vector<1x1024x128xf32> to vector<1024x128xf32>
    %get3A_11 = arith.constant 1 : index
    %get3A_12 = arith.constant 0 : index
    %get3A_13 = arith.constant 0 : index
    %get3A_14 = vector.load %arg1[%get3A_11, %get3A_12, %get3A_13] : memref<2x1024x128xf32, #tpu.memory_space<vmem>>, vector<1x1024x128xf32>
    %get3A_15 = vector.shape_cast %get3A_14 : vector<1x1024x128xf32> to vector<1024x128xf32>
    %add3A_16 = arith.addf %get3A_10, %get3A_15 : vector<1024x128xf32>
    %get3A_17 = arith.constant 0 : index
    %get3A_18 = arith.constant 0 : index
    %get3A_19 = vector.load %arg2[%get3A_17, %get3A_18] : memref<1024x128xf32, #tpu.memory_space<vmem>>, vector<1024x128xf32>
    %add3A_20 = arith.addf %add3A_16, %get3A_19 : vector<1024x128xf32>
    %mul3A = vector.broadcast %rsqrt3A : vector<1024x1xf32> to vector<1024x128xf32>
    %mul3A_21 = arith.mulf %mul3A, %add3A_20 : vector<1024x128xf32>
    %get3A_22 = arith.constant 0 : index
    %get3A_23 = arith.constant 0 : index
    %get3A_24 = vector.load %arg4[%get3A_22, %get3A_23] : memref<1x128xf32, #tpu.memory_space<vmem>>, vector<1x128xf32>
    %add3A_25 = vector.broadcast %get3A_24 : vector<1x128xf32> to vector<1024x128xf32>
    %add3A_26 = arith.addf %mul3A_21, %add3A_25 : vector<1024x128xf32>
    %max3A = arith.constant 0.000000e+00 : f32
    %max3A_27 = vector.broadcast %max3A : f32 to vector<1024x128xf32>
    %max3A_28 = arith.maximumf %add3A_26, %max3A_27 : vector<1024x128xf32>
    %get3A_29 = arith.constant 0 : index
    %get3A_30 = arith.constant 0 : index
    %get3A_31 = vector.load %arg5[%get3A_29, %get3A_30] : memref<128x128xf32, #tpu.memory_space<vmem>>, vector<128x128xf32>
    %dot_general3A = arith.constant dense<0.000000e+00> : vector<1024x128xf32>
    %dot_general3A_32 = tpu.matmul %max3A_28, %get3A_31, %dot_general3A {dimension_numbers = #tpu.dot_dimension_numbers<[1], [0], [0], [1], [0, 0, 1, 1], [], []>, transpose_lhs_hint = false} : vector<1024x128xf32>, vector<128x128xf32>, vector<1024x128xf32> -> vector<1024x128xf32>
    %mul3A_33 = vector.broadcast %rsqrt3A : vector<1024x1xf32> to vector<1024x128xf32>
    %mul3A_34 = arith.mulf %dot_general3A_32, %mul3A_33 : vector<1024x128xf32>
    %swap3A = arith.constant 0 : index
    %swap3A_35 = arith.constant 0 : index
    %swap3A_36 = vector.load %arg6[%swap3A, %swap3A_35] : memref<1024x128xf32, #tpu.memory_space<vmem>>, vector<1024x128xf32>
    tpu.vector_store %arg6[%swap3A, %swap3A_35], %mul3A_34 {strides = array<i32>} : memref<1024x128xf32, #tpu.memory_space<vmem>>, vector<1024x128xf32>,
    return
  }
  func.func @transform_0(%arg0: i32) -> (i32, i32, i32) {
    %c0_i32 = arith.constant 0 : i32
    %c0_i32_0 = arith.constant 0 : i32
    %c0_i32_1 = arith.constant 0 : i32
    return %c0_i32, %arg0, %c0_i32_0 : i32, i32, i32
  }
  func.func @transform_1(%arg0: i32) -> (i32, i32) {
    %c0_i32 = arith.constant 0 : i32
    %c0_i32_0 = arith.constant 0 : i32
    return %arg0, %c0_i32 : i32, i32
  }
  func.func @transform_2(%arg0: i32) -> (i32, i32) {
    %c0_i32 = arith.constant 0 : i32
    %c0_i32_0 = arith.constant 0 : i32
    return %arg0, %c0_i32 : i32, i32
  }
  func.func @transform_3(%arg0: i32) -> (i32, i32) {
    %c0_i32 = arith.constant 0 : i32
    %c0_i32_0 = arith.constant 0 : i32
    %c0_i32_1 = arith.constant 0 : i32
    return %c0_i32, %c0_i32_0 : i32, i32
  }
  func.func @transform_4(%arg0: i32) -> (i32, i32) {
    %c0_i32 = arith.constant 0 : i32
    %c0_i32_0 = arith.constant 0 : i32
    %c0_i32_1 = arith.constant 0 : i32
    return %c0_i32, %c0_i32_0 : i32, i32
  }
  func.func @transform_5(%arg0: i32) -> (i32, i32) {
    %c0_i32 = arith.constant 0 : i32
    %c0_i32_0 = arith.constant 0 : i32
    return %arg0, %c0_i32 : i32, i32
  }
}

module attributes {stable_mosaic.version = 14 : i64} {
  func.func @_tc_out_body(%arg0: i32, %arg1: memref<2x1024x128xf32, #tpu.memory_space<vmem>>, %arg2: memref<1024x128xf32, #tpu.memory_space<vmem>>, %arg3: memref<1024x2xf32, #tpu.memory_space<vmem>>, %arg4: memref<1x128xf32, #tpu.memory_space<vmem>>, %arg5: memref<1024x128xf32, #tpu.memory_space<vmem>>) attributes {dimension_semantics = [#tpu.dimension_semantics<arbitrary>], iteration_bounds = array<i64: 10>, scalar_prefetch = 0 : i64, scratch_operands = 0 : i64, tpu.core_type = #tpu.core_type<tc>, window_params = [{transform_indices = @transform_0, window_bounds = array<i64: 2, 1024, 128>}, {transform_indices = @transform_1, window_bounds = array<i64: 1024, 128>}, {transform_indices = @transform_2, window_bounds = array<i64: 1024, 2>}, {pipeline_mode = #tpu.pipeline_mode<synchronous>, transform_indices = @transform_3, window_bounds = array<i64: 1, 128>}, {transform_indices = @transform_4, window_bounds = array<i64: 1024, 128>}]} {
    %get3A = arith.constant 0 : index
    %get3A_0 = arith.constant 0 : index
    %get3A_1 = vector.load %arg3[%get3A, %get3A_0] : memref<1024x2xf32, #tpu.memory_space<vmem>>, vector<1024x2xf32>
    %slice3A = vector.extract_strided_slice %get3A_1 {offsets = [0, 0], sizes = [1024, 1], strides = [1, 1]} : vector<1024x2xf32> to vector<1024x1xf32>
    %add3A = arith.constant 1.000000e+00 : f32
    %add3A_2 = vector.broadcast %add3A : f32 to vector<1024x1xf32>
    %add3A_3 = arith.addf %add3A_2, %slice3A : vector<1024x1xf32>
    %slice3A_4 = vector.extract_strided_slice %get3A_1 {offsets = [0, 1], sizes = [1024, 1], strides = [1, 1]} : vector<1024x2xf32> to vector<1024x1xf32>
    %add3A_5 = arith.addf %add3A_3, %slice3A_4 : vector<1024x1xf32>
    %rsqrt3A = math.rsqrt %add3A_5 : vector<1024x1xf32>
    %get3A_6 = arith.constant 0 : index
    %get3A_7 = arith.constant 0 : index
    %get3A_8 = arith.constant 0 : index
    %get3A_9 = vector.load %arg1[%get3A_6, %get3A_7, %get3A_8] : memref<2x1024x128xf32, #tpu.memory_space<vmem>>, vector<1x1024x128xf32>
    %get3A_10 = vector.shape_cast %get3A_9 : vector<1x1024x128xf32> to vector<1024x128xf32>
    %get3A_11 = arith.constant 1 : index
    %get3A_12 = arith.constant 0 : index
    %get3A_13 = arith.constant 0 : index
    %get3A_14 = vector.load %arg1[%get3A_11, %get3A_12, %get3A_13] : memref<2x1024x128xf32, #tpu.memory_space<vmem>>, vector<1x1024x128xf32>
    %get3A_15 = vector.shape_cast %get3A_14 : vector<1x1024x128xf32> to vector<1024x128xf32>
    %add3A_16 = arith.addf %get3A_10, %get3A_15 : vector<1024x128xf32>
    %get3A_17 = arith.constant 0 : index
    %get3A_18 = arith.constant 0 : index
    %get3A_19 = vector.load %arg2[%get3A_17, %get3A_18] : memref<1024x128xf32, #tpu.memory_space<vmem>>, vector<1024x128xf32>
    %add3A_20 = arith.addf %add3A_16, %get3A_19 : vector<1024x128xf32>
    %mul3A = vector.broadcast %rsqrt3A : vector<1024x1xf32> to vector<1024x128xf32>
    %mul3A_21 = arith.mulf %mul3A, %add3A_20 : vector<1024x128xf32>
    %get3A_22 = arith.constant 0 : index
    %get3A_23 = arith.constant 0 : index
    %get3A_24 = vector.load %arg4[%get3A_22, %get3A_23] : memref<1x128xf32, #tpu.memory_space<vmem>>, vector<1x128xf32>
    %add3A_25 = vector.broadcast %get3A_24 : vector<1x128xf32> to vector<1024x128xf32>
    %add3A_26 = arith.addf %mul3A_21, %add3A_25 : vector<1024x128xf32>
    %swap3A = arith.constant 0 : index
    %swap3A_27 = arith.constant 0 : index
    %swap3A_28 = vector.load %arg5[%swap3A, %swap3A_27] : memref<1024x128xf32, #tpu.memory_space<vmem>>, vector<1024x128xf32>
    tpu.vector_store %arg5[%swap3A, %swap3A_27], %add3A_26 {strides = array<i32>} : memref<1024x128xf32, #tpu.memory_space<vmem>>, vector<1024x128xf32>,
    return
  }
  func.func @transform_0(%arg0: i32) -> (i32, i32, i32) {
    %c0_i32 = arith.constant 0 : i32
    %c0_i32_0 = arith.constant 0 : i32
    %c0_i32_1 = arith.constant 0 : i32
    return %c0_i32, %arg0, %c0_i32_0 : i32, i32, i32
  }
  func.func @transform_1(%arg0: i32) -> (i32, i32) {
    %c0_i32 = arith.constant 0 : i32
    %c0_i32_0 = arith.constant 0 : i32
    return %arg0, %c0_i32 : i32, i32
  }
  func.func @transform_2(%arg0: i32) -> (i32, i32) {
    %c0_i32 = arith.constant 0 : i32
    %c0_i32_0 = arith.constant 0 : i32
    return %arg0, %c0_i32 : i32, i32
  }
  func.func @transform_3(%arg0: i32) -> (i32, i32) {
    %c0_i32 = arith.constant 0 : i32
    %c0_i32_0 = arith.constant 0 : i32
    %c0_i32_1 = arith.constant 0 : i32
    return %c0_i32, %c0_i32_0 : i32, i32
  }
  func.func @transform_4(%arg0: i32) -> (i32, i32) {
    %c0_i32 = arith.constant 0 : i32
    %c0_i32_0 = arith.constant 0 : i32
    return %arg0, %c0_i32 : i32, i32
  }
}

</mosaic_0001>

<sc_bundles>
// kernel: kernel.11.cloned.1.call-start
scs
__scs_entry_jumppad:
0x0: {  	(pc) =	sbr.rel $0x88, $3  }
0x1: {  	(tag) =	ssettag $0x0;
	lr =	simm.s32 $0x1  }
0x2: {  	[smem:$0x3F9B] =	sst lr;
	_ =	strace $0xD0000000  }
0x3: {  	_ = 	snop  }
0x4: {  	_ = 	snop  }
0x5: {  	_ = 	snop  }
0x6: {  	_ = 	snop  }
0x7: {  	_ = 	snop  }
__scs_overlays_trampoline_lowered:
0x8: {  	[smem:$0x3FAA] =	sst s0  }
0x9: {  	[smem:$0x3FAB] =	sst s1  }
0xa: {  	[smem:$0x3FAC] =	sst s2  }
0xb: {  	[smem:$0x3FAD] =	sst s3  }
0xc: {  	[smem:$0x3FAE] =	sst s4  }
0xd: {  	[smem:$0x3FAF] =	sst s5  }
0xe: {  	[smem:$0x3FB0] =	sst s6  }
0xf: {  	[smem:$0x3FB1] =	sst s7  }
0x10: {  	[smem:$0x3FB2] =	sst s8  }
0x11: {  	[smem:$0x3FB3] =	sst s9;
	s0 =	simm.s32 @!p0 $0x0  }
0x12: {  	s1 =	sld [smem:$0x3F99];
	s0 =	simm.s32 @p0 $0x1  }
0x13: {  	[smem:$0x3FB4] =	sst s0;
	s0 =	simm.s32 @!p1 $0x0  }
0x14: {  	s2 =	sld [smem:$0x3F98];
	s0 =	simm.s32 @p1 $0x1  }
0x15: {  	[smem:$0x3FB5] =	sst s0;
	s0 =	simm.s32 @!p2 $0x0  }
0x16: {  	s3 =	sld [smem:$0x3FDB];
	s0 =	simm.s32 @p2 $0x1  }
0x17: {  	s4 =	simm.s32 $0x1BF5;
	[smem:$0x3FB7] =	sst s0  }
0x18: {  	s0 =	sld [smem:$0x3F9A];
	_ =	swait.ge [sflag:s4], $0x0  }
0x19: {  	s7 =	sld [smem:$0x3F9B]  }
0x1a: {  	s8 =	sadd.s32 $0xFFFFE003, lr  }
0x1b: {  	s9 =	sadd.s32 $0xFFFFFEF7, lr;
	s5 =	simm.s32 $0xFFFFFFFF;
	p2 =	slt.u32 s8, $0xFFFFF086  }
0x1c: {  	p1 =	slt.u32 s9, $0xF7A;
	s5 =	simm.s32 @!p2 $0x0  }
0x1d: {  	s5 =	simm.s32 @p1 $0x1;
	p0 =	seq.s32 s7, s2  }
0x1e: {  	s7 =	smul.u32 @!p0 $0xF7A, s2;
	p2 =	seq.s32 @!p0 s5, $0x0  }
0x1f: {  	s9 =	smul.u32 $0xF7A, s1;
	s8 =	simm.s32 @!p0 $0x1BF5;
	p2 =	por !p2, p0  }
0x20: {  	[sflag:s8] =	ssyncset.s32 @!p0 $0xFFFFF086;
	s6 =	sadd.s32 @!p0 s3, s7;
	s7 =	simm.s32 @!p0 $0x108  }
0x21: {  	s3 =	sadd.s32 s3, s9;
	s6 =	sadd.s32 @!p0 $0x88, s6;
	s7 =	simm.s32 @p2 $0x1082  }
0x22: {  	[simem:s7], [sflag:s8] =	dma.local @!p0 [hbm:s6], $0xF7A  }
0x23: {  	s9 =	sor.u32 $0xD0000000, s2;
	s6 =	simm.s32 $0x108;
	_ =	swait.ge @!p0 [sflag:s8], $0x0  }
0x24: {  	s3 =	sadd.s32 $0x88, s3;
	s6 =	simm.s32 @!p1 $0x1082;
	[sflag:s4] =	ssyncset.s32 $0xFFFFF086  }
0x25: {  	[simem:s6], [sflag:s4] =	dma.local [hbm:s3], $0xF7A  }
0x26: {  	[smem:$0x3F9B] =	sst s1;
	(tag) =	ssettag s2;
	_ =	strace s9  }
0x27: {  	s1 =	sld [smem:$0x3FAB]  }
0x28: {  	s2 =	sld [smem:$0x3FAC]  }
0x29: {  	s4 =	sld [smem:$0x3FAE]  }
0x2a: {  	p0 =	seq.s32 s5, $0x0;
	s5 =	sld [smem:$0x3FAF]  }
0x2b: {  	s6 =	sld [smem:$0x3FB0]  }
0x2c: {  	s7 =	sld [smem:$0x3FB1]  }
0x2d: {  	s3 =	simm.s32 $0x108;
	s8 =	sld [smem:$0x3FB2]  }
0x2e: {  	s3 =	simm.s32 @!p0 $0x1082;
	s9 =	sld [smem:$0x3FB3]  }
0x2f: {  	lr =	sadd.s32 s0, s3;
	s0 =	sld [smem:$0x3FAA]  }
0x30: {  	s3 =	sld [smem:$0x3FAD]  }
0x31: {  	[smem:$0x3FB6] =	sst s10  }
0x32: {  	s10 =	sld [smem:$0x3FB4];
	_ =	sdelay $0x3  }
0x33: {  	p0 =	seq.s32 s10, $0x1;
	s10 =	sld [smem:$0x3FB6];
	_ =	sdelay $0x3  }
0x34: {  	[smem:$0x3FB6] =	sst s10  }
0x35: {  	s10 =	sld [smem:$0x3FB5];
	_ =	sdelay $0x3  }
0x36: {  	p1 =	seq.s32 s10, $0x1;
	s10 =	sld [smem:$0x3FB6];
	_ =	sdelay $0x3  }
0x37: {  	[smem:$0x3FB6] =	sst s10  }
0x38: {  	s10 =	sld [smem:$0x3FB7]  }
0x39: {  	_ = 	snop;
	(pc) =	sbr.ind lr, $3  }
0x3a: {  	_ = 	snop  }
0x3b: {  	_ = 	snop  }
0x3c: {  	p2 =	seq.s32 s10, $0x1;
	s10 =	sld [smem:$0x3FB6]  }
0x3d: {  	_ =	shalt  }
0x3e: {  	_ =	shalt  }
0x3f: {  	_ =	shalt  }
0x40: {  	_ =	shalt  }
0x41: {  	_ =	shalt  }
0x42: {  	_ =	shalt  }
0x43: {  	_ =	shalt  }
0x44: {  	_ =	shalt  }
0x45: {  	_ =	shalt  }
0x46: {  	_ =	shalt  }
0x47: {  	_ =	shalt  }
0x48: {  	_ =	shalt  }
0x49: {  	_ =	shalt  }
0x4a: {  	_ =	shalt  }
0x4b: {  	_ =	shalt  }
0x4c: {  	_ =	shalt  }
0x4d: {  	_ =	shalt  }
0x4e: {  	_ =	shalt  }
0x4f: {  	_ =	shalt  }
0x50: {  	_ =	shalt  }
0x51: {  	_ =	shalt  }
0x52: {  	_ =	shalt  }
0x53: {  	_ =	shalt  }
0x54: {  	_ =	shalt  }
0x55: {  	_ =	shalt  }
0x56: {  	_ =	shalt  }
0x57: {  	_ =	shalt  }
0x58: {  	_ =	shalt  }
0x59: {  	_ =	shalt  }
0x5a: {  	_ =	shalt  }
0x5b: {  	_ =	shalt  }
0x5c: {  	_ =	shalt  }
0x5d: {  	_ =	shalt  }
0x5e: {  	_ =	shalt  }
0x5f: {  	_ =	shalt  }
0x60: {  	_ =	shalt  }
0x61: {  	_ =	shalt  }
0x62: {  	_ =	shalt  }
0x63: {  	_ =	shalt  }
0x64: {  	_ =	shalt  }
0x65: {  	_ =	shalt  }
0x66: {  	_ =	shalt  }
0x67: {  	_ =	shalt  }
0x68: {  	_ =	shalt  }
0x69: {  	_ =	shalt  }
0x6a: {  	_ =	shalt  }
0x6b: {  	_ =	shalt  }
0x6c: {  	_ =	shalt  }
0x6d: {  	_ =	shalt  }
0x6e: {  	_ =	shalt  }
0x6f: {  	_ =	shalt  }
0x70: {  	_ =	shalt  }
0x71: {  	_ =	shalt  }
0x72: {  	_ =	shalt  }
0x73: {  	_ =	shalt  }
0x74: {  	_ =	shalt  }
0x75: {  	_ =	shalt  }
0x76: {  	_ =	shalt  }
0x77: {  	_ =	shalt  }
0x78: {  	_ =	shalt  }
0x79: {  	_ =	shalt  }
0x7a: {  	_ =	shalt  }
0x7b: {  	_ =	shalt  }
0x7c: {  	_ =	shalt  }
0x7d: {  	_ =	shalt  }
0x7e: {  	_ =	shalt  }
0x7f: {  	_ =	shalt  }
0x80: {  	_ =	shalt  }
0x81: {  	_ =	shalt  }
0x82: {  	_ =	shalt  }
0x83: {  	_ =	shalt  }
0x84: {  	_ =	shalt  }
0x85: {  	_ =	shalt  }
0x86: {  	_ =	shalt  }
0x87: {  	_ =	shalt  }
.Lfunc_end0:
.L_simem_size_0:
called_computation.1_lowered:
.L_overlay_start_0:
0x88: {  	s2 =	sld [smem:$0x3FD9]  }
0x89: {  	s3 =	sld [smem:$0x3FFE];
	_ =	sdelay $0x1  }
0x8a: {  	s1 =	srdreg.scid  }
0x8b: {  	s0 =	sand.u32 $0x1, s1  }
0x8c: {  	s17 =	sshll.u32 s0, $0xA;
	s2 =	sadd.s32 s3, s2  }
0x8d: {  	s2 =	sadd.s32 s2, s17  }
0x8e: {  	[smem:$0x3FC2] =	sst s2  }
0x8f: {  	_ = 	snop  }
0x90: {  	s2 =	sld [smem:$0x3FD0];
	(tm) =	ssettm $0x1  }
0x91: {  	s18 =	sld [smem:$0x3FFB];
	_ =	sdelay $0x3  }
0x92: {  	_ =	strace s18  }
0x93: {  	s3 =	sld [smem:$0x3FFC];
	_ =	sdelay $0x3  }
0x94: {  	_ =	strace s3  }
0x95: {  	s3 =	sld [smem:$0x3FFD];
	_ =	sdelay $0x3  }
0x96: {  	_ =	strace s3  }
0x97: {  	_ =	strace $0x8FFFFFFF  }
0x98: {  	s19 =	sld [smem:$0x3FDB];
	_ =	sdelay $0x1  }
0x99: {  	s4 =	simm.s32 $_scs_section_size  }
0x9a: {  	s5 =	simm.s32 $_size__tile_overlayer_lowered;
	s6 =	simm.s32 $_tile_overlayer_lowered  }
0x9b: {  	s22 =	simm.s32 $0x1BFF;
	s21 =	sshll.u32 s6, $0x1;
	s3 =	sadd.s32 s4, s19  }
0x9c: {  	s7 =	simm.s32 $0x0;
	s20 =	sshll.u32 s5, $0x1;
	s5 =	sadd.s32 s21, s3  }
0x9d: {  	[timem:s7], [sflag:s22] =	dma.local [hbm:s5], s20  }
0x9e: {  	_ =	swait.ge [sflag:s22], s20  }
0x9f: {  	s4 =	ssub.s32 $0x0, s20;
	[sflag:s22] =	ssyncset.done $0x0  }
0xa0: {  	[sflag:s22] =	ssyncadd.s32 s4;
	_ =	sdelay $0x1  }
0xa1: {  	s23 =	simm.s32 $0x1B8B  }
0xa2: {  	_ =	swait.ge [sflag:s23], $0x1  }
0xa3: {  	[sflag:s23] =	ssyncset.done $0x0  }
0xa4: {  	s25 =	simm.s32 $0x1B8E;
	s24 =	sld [smem:$0x3FFE];
	[sflag:s23] =	ssyncadd.s32 $0xFFFFFFFF  }
0xa5: {  	s26 =	simm.s32 $execute0_lowered;
	[smem:$0x3FD2] =	sst s25  }
0xa6: {  	s5 =	sshll.u32 s26, $0x1;
	_ =	strace $0x80000049;
	[dreg:$0x1] =	wrdreg $0xFFFFFFFF  }
0xa7: {  	s28 =	simm.s32 $_size_execute0_lowered;
	s3 =	sadd.s32 s3, s5;
	[dreg:$0x0] =	wrdreg $0x0  }
0xa8: {  	s5 =	sshll.u32 s28, $0x1;
	[dreg:$0x2] =	wrdreg s3  }
0xa9: {  	[dreg:$0x3] =	wrdreg s5  }
0xaa: {  	[dreg:$0x4] =	wrdreg $0xC0  }
0xab: {  	_ =	task [dreg:s7], $0x5FFFF  }
0xac: {  	[dreg:$0x1] =	wrdreg $0xFFFFFFFF  }
0xad: {  	[dreg:$0x0] =	wrdreg $0x60  }
0xae: {  	[dreg:$0x2] =	wrdreg s24  }
0xaf: {  	[dreg:$0x3] =	wrdreg s2  }
0xb0: {  	[dreg:$0x4] =	wrdreg $0xC0000  }
0xb1: {  	[dreg:$0x5] =	wrdreg $0x9  }
0xb2: {  	_ =	task.clear_ibuf [dreg:s7], $0x6FFFF;
	_ =	strace $0x90000049  }
0xb3: {  	s29 =	simm.s32 $0x9;
	_ =	strace $0x8000004B  }
0xb4: {  	_ =	swait.ge [sflag:s29], $0x1  }
0xb5: {  	[sflag:s29] =	ssyncadd.s32 $0xFFFFFFFF  }
0xb6: {  	_ =	strace $0x9000004B  }
0xb7: {  	_ =	sfence  }
0xb8: {  	s30 =	sld [smem:$0x0];
	_ =	sdelay $0x2  }
0xb9: {  	s31 =	sshll.u32 s1, $0xD;
	s1 =	sshrl.u32 s1, $0x2  }
0xba: {  	s3 =	sand.u32 $0x4000, s31;
	s1 =	sadd.s32 s1, s30  }
0xbb: {  	s0 =	sor.u32 s3, s0;
	s1 =	sshll.u32 s1, $0x11  }
0xbc: {  	s0 =	sor.u32 s1, s0  }
0xbd: {  	s0 =	sadd.s32 $0x8F2B, s0  }
0xbe: {  	[sflag:s0] =	ssyncadd.remote.s32 $0x1  }
0xbf: {  	_ =	sfence.sel $0xFFFF  }
0xc0: {  	[dreg:$0x0] =	wrdreg $0xFFFFFFFF;
	(pc) =	sbr.abs _section_cstart, $3  }
0xc1: {  	[dreg:$0x1] =	wrdreg $0xFFFFFFFF  }
0xc2: {  	_ =	task.clear_ibuf [dreg:s7], $0x2FFFF;
	_ =	strace $0x9FFFFFFF  }
0xc3: {  	(tm) =	ssettm $0x7FFFFFFF  }
tec
execute0_lowered:
.L_overlay_start_1:
0x0: {  	(tag) =	ssettag $0x1  }
0x1: {  	s0 =	rddreg [dreg:$0x0]  }
0x2: {  	s2 =	rddreg [dreg:$0x1]  }
0x3: {  	s3 =	rddreg [dreg:$0x2]  }
0x4: {  	s1 =	srdreg.scid;
	s8 =	stileid.u32;
	s6 =	simm.s32 $0x0  }
0x5: {  	s1 =	sand.u32 $0x1, s1;
	s4 =	smul.u32 $0x2800, s8;
	[smem:$0x7FF] =	sst s6  }
0x6: {  	s6 =	sadd.s32 $0x16800, s0;
	s5 =	sshll.u32 s1, $0x4;
	s7 =	smul.u32 $0x28000, s1  }
0x7: {  	s1 =	ssub.s32 $0x2, s1;
	s5 =	sor.u32 s8, s5;
	s8 =	smul.u32 $0x50000, s8  }
0x8: {  	_ =	strace $0x8000004A;
	s30 =	sshrl.u32 s1, $0x1;
	s5 =	smul.u32 $0x5000, s5  }
0x9: {  	s4 =	sadd.s32 s4, s7;
	s7 =	sadd.s32 $0x2800, s0;
	s1 =	ssub.s32 s1, s30  }
0xa: {  	s0 =	sadd.s32 s4, s0;
	s8 =	sshrl.u32 s8, $0x2;
	s25 =	smax.u32 s1, $0x1  }
0xb: {  	s9 =	sshrl.u32 s5, $0x3;
	s0 =	sadd.s32 $0x3E800, s0;
	[dreg:$0x14] =	wrdreg s25  }
0xc: {  	s10 =	sadd.s32 s7, s9;
	s9 =	sadd.s32 s8, s3;
	[dreg:$0x13] =	wrdreg s0  }
0xd: {  	[dreg:$0x4] =	wrdreg s10;
	s11 =	sadd.s32 $0x1000, s9  }
0xe: {  	s12 =	sadd.s32 $0x2000, s9;
	[dreg:$0x5] =	wrdreg s11  }
0xf: {  	s13 =	sadd.s32 $0x3000, s9;
	[dreg:$0x6] =	wrdreg s12  }
0x10: {  	s14 =	sadd.s32 $0x4000, s9;
	[dreg:$0x7] =	wrdreg s13  }
0x11: {  	s15 =	sadd.s32 $0x5000, s9;
	[dreg:$0x8] =	wrdreg s14  }
0x12: {  	s16 =	sadd.s32 $0x6000, s9;
	[dreg:$0x9] =	wrdreg s15  }
0x13: {  	s17 =	sadd.s32 $0x7000, s9;
	[dreg:$0xa] =	wrdreg s16  }
0x14: {  	s18 =	sadd.s32 $0x8000, s9;
	[dreg:$0xb] =	wrdreg s17  }
0x15: {  	s19 =	sadd.s32 $0x9000, s9;
	[dreg:$0xc] =	wrdreg s18  }
0x16: {  	s20 =	sadd.s32 $0xA000, s9;
	[dreg:$0xd] =	wrdreg s19  }
0x17: {  	s21 =	sadd.s32 $0xB000, s9;
	[dreg:$0xe] =	wrdreg s20  }
0x18: {  	s1 =	simm.s32 $0x50;
	s22 =	sadd.s32 $0xC000, s9;
	[dreg:$0xf] =	wrdreg s21  }
0x19: {  	s4 =	simm.s32 $0x3800;
	s23 =	sadd.s32 $0xD000, s9;
	[dreg:$0x10] =	wrdreg s22  }
0x1a: {  	s0 =	simm.s32 $0x7;
	s24 =	sadd.s32 $0xE000, s9;
	[dreg:$0x11] =	wrdreg s23  }
0x1b: {  	s8 =	simm.s32 $0x6000;
	s26 =	sadd.s32 $0xF000, s9;
	[dreg:$0x12] =	wrdreg s24  }
0x1c: {  	s28 =	sadd.s32 $0x10000, s9;
	s29 =	sadd.s32 $0x11000, s9;
	[dreg:$0x15] =	wrdreg s26  }
.Ltmp0:
0x1d: {  	s30 =	sadd.s32 $0x12000, s9;
	[dreg:$0x16] =	wrdreg s28;
	(pc) =	sbr.rel .LBB2_1-.Ltmp0, $4  }
0x1e: {  	s31 =	sadd.s32 $0x13000, s9;
	s10 =	simm.s32 $0xB000;
	[dreg:$0x17] =	wrdreg s29  }
0x1f: {  	[dreg:$0x18] =	wrdreg s30;
	s11 =	simm.s32 $0x1;
	s12 =	simm.s32 $0x2  }
0x20: {  	s13 =	simm.s32 $0x6;
	s14 =	simm.s32 $0x4;
	s15 =	simm.s32 $0x5  }
0x21: {  	v0 =	vimm.f32 $0.0e+00;
	s16 =	simm.s32 $0x8800;
	s17 =	simm.s32 $0x3;
	s18 =	simm.s32 $0x0  }
.LBB2_6:
0x22: {  	_ =	swait.ge [sflag:s12], $0x2800  }
0x23: {  	[sflag:s12] =	ssyncset.done $0x0  }
0x24: {  	s19 =	simm.s32 $0x2800;
	[sflag:s12] =	ssyncadd.s32 $0xFFFFD800  }
0x25: {  	[spmem:s3] =	stream.indirect.scatter.add.f32 [tilespmem:s8], [sflag:$0x5], $0x80, s19, s1, $0xb8;
	v63 =	vld [tilespmem:$0x0]  }
0x26: {  	_ =	swait.ge [sflag:s13], $0x2800  }
0x27: {  	[sflag:s13] =	ssyncset.done $0x0  }
0x28: {  	[sflag:s13] =	ssyncadd.s32 $0xFFFFD800  }
0x29: {  	_ =	swait.ge [sflag:s14], $0x2800  }
0x2a: {  	[sflag:s14] =	ssyncset.done $0x0  }
0x2b: {  	[sflag:s14] =	ssyncadd.s32 $0xFFFFD800  }
0x2c: {  	_ =	swait.ge [sflag:s15], $0x2800  }
0x2d: {  	[sflag:s15] =	ssyncset.done $0x0  }
0x2e: {  	s29 =	stileid.u32;
	[sflag:s15] =	ssyncadd.s32 $0xFFFFD800  }
0x2f: {  	s19 =	sshll.u32 s29, $0x6;
	[bflag:$0x0] =	sbarrier.arrive $0xFFFF  }
0x30: {  	s20 =	sshrl.u32 s9, $0x3;
	s19 =	sor.u32 $0x1C07, s19;
	s21 =	rddreg [dreg:$0x13]  }
0x31: {  	[hbm:s21], [sflag:s19] =	dma.local [spmem:s20], $0x2800  }
0x32: {  	_ =	swait.ge [sflag:s0], $0x2800  }
0x33: {  	s18 =	sadd.s32 $0x1, s18;
	s30 =	rddreg [dreg:$0x14]  }
0x34: {  	p0 =	sne.s32 s18, s30  }
.Ltmp1:
0x35: {  	_ = 	snop;
	(pc) =	sbr.rel @!p0 .LBB2_7-.Ltmp1, $3  }
0x36: {  	_ =	sdelay $0x1  }
0x37: {  	[sflag:s0] =	ssyncset.done $0x0  }
0x38: {  	[sflag:s0] =	ssyncadd.s32 $0xFFFFD800  }
.LBB2_1:
0x39: {  	s19 =	simm.s32 $0x0;
	s20 =	rddreg [dreg:$0x4]  }
0x3a: {  	[tilespmem:s19], [sflag:$0x7] =	stream.linear.gather [hbm4b:s20+s19], $0xC80, $0x38;
	v63 =	vld [tilespmem:$0x0]  }
0x3b: {  	_ =	swait.ge [sflag:s0], $0xC80  }
0x3c: {  	[sflag:s0] =	ssyncset.done $0x0  }
0x3d: {  	[sflag:s0] =	ssyncadd.s32 $0xFFFFF380  }
0x3e: {  	[tilespmem:s4], [sflag:$0x1] =	stream.indirect.gather [hbm4b:s6+s1], $0x80, s19, s1, $0xb8;
	v63 =	vld [tilespmem:$0x0]  }
0x3f: {  	s30 =	simm.s32 $0x80;
	s20 =	simm.s32 $0x200;
	s19 =	simm.s32 $0x0  }
0x40: {  	[tilespmem:s8], [sflag:$0x2] =	stream.indirect.gather [hbm4b:s6+s1], $0x80, s30, s1, $0xb8;
	v63 =	vld [tilespmem:$0x0]  }
.LBB2_2:
0x41: {  	p0 =	sne.s32 s20, $0x3E00;
	[tilespmem:s19+$0xB070] =	vst v0  }
0x42: {  	[tilespmem:s19+$0xB000] =	vst v0  }
0x43: {  	[tilespmem:s19+$0xB010] =	vst v0  }
.Ltmp2:
0x44: {  	[tilespmem:s19+$0xB020] =	vst v0;
	(pc) =	sbr.rel @p0 .LBB2_2-.Ltmp2, $4  }
0x45: {  	[tilespmem:s19+$0xB030] =	vst v0  }
0x46: {  	[tilespmem:s19+$0xB040] =	vst v0  }
0x47: {  	[tilespmem:s19+$0xB050] =	vst v0  }
0x48: {  	[tilespmem:s19+$0xB060] =	vst v0;
	s19 =	sshra.s32 s20, $0x2;
	s20 =	sadd.s32 $0x200, s20  }
0x49: {  	[tilespmem:s19+$0xB070] =	vst v0  }
0x4a: {  	[tilespmem:s19+$0xB000] =	vst v0  }
0x4b: {  	[tilespmem:s19+$0xB010] =	vst v0  }
0x4c: {  	[tilespmem:s19+$0xB020] =	vst v0  }
0x4d: {  	[tilespmem:s19+$0xB030] =	vst v0  }
0x4e: {  	[tilespmem:s19+$0xB040] =	vst v0  }
0x4f: {  	[tilespmem:s19+$0xB050] =	vst v0  }
0x50: {  	[tilespmem:s19+$0xB060] =	vst v0  }
0x51: {  	[spmem:s9] =	stream.linear.scatter [tilespmem:s10], [sflag:$0x7], $0x1000, $0x38;
	v63 =	vld [tilespmem:$0x0]  }
0x52: {  	_ =	swait.ge [sflag:s0], $0x1000  }
0x53: {  	[sflag:s0] =	ssyncset.done $0x0  }
0x54: {  	s22 =	rddreg [dreg:$0x5];
	[sflag:s0] =	ssyncadd.s32 $0xFFFFF000  }
0x55: {  	[spmem:s22] =	stream.linear.scatter [tilespmem:s10], [sflag:$0x7], $0x1000, $0x38;
	v63 =	vld [tilespmem:$0x0]  }
0x56: {  	_ =	swait.ge [sflag:s0], $0x1000  }
0x57: {  	[sflag:s0] =	ssyncset.done $0x0  }
0x58: {  	s23 =	rddreg [dreg:$0x6];
	[sflag:s0] =	ssyncadd.s32 $0xFFFFF000  }
0x59: {  	[spmem:s23] =	stream.linear.scatter [tilespmem:s10], [sflag:$0x7], $0x1000, $0x38;
	v63 =	vld [tilespmem:$0x0]  }
0x5a: {  	_ =	swait.ge [sflag:s0], $0x1000  }
0x5b: {  	[sflag:s0] =	ssyncset.done $0x0  }
0x5c: {  	s24 =	rddreg [dreg:$0x7];
	[sflag:s0] =	ssyncadd.s32 $0xFFFFF000  }
0x5d: {  	[spmem:s24] =	stream.linear.scatter [tilespmem:s10], [sflag:$0x7], $0x1000, $0x38;
	v63 =	vld [tilespmem:$0x0]  }
0x5e: {  	_ =	swait.ge [sflag:s0], $0x1000  }
0x5f: {  	[sflag:s0] =	ssyncset.done $0x0  }
0x60: {  	s25 =	rddreg [dreg:$0x8];
	[sflag:s0] =	ssyncadd.s32 $0xFFFFF000  }
0x61: {  	[spmem:s25] =	stream.linear.scatter [tilespmem:s10], [sflag:$0x7], $0x1000, $0x38;
	v63 =	vld [tilespmem:$0x0]  }
0x62: {  	_ =	swait.ge [sflag:s0], $0x1000  }
0x63: {  	[sflag:s0] =	ssyncset.done $0x0  }
0x64: {  	s26 =	rddreg [dreg:$0x9];
	[sflag:s0] =	ssyncadd.s32 $0xFFFFF000  }
0x65: {  	[spmem:s26] =	stream.linear.scatter [tilespmem:s10], [sflag:$0x7], $0x1000, $0x38;
	v63 =	vld [tilespmem:$0x0]  }
0x66: {  	_ =	swait.ge [sflag:s0], $0x1000  }
0x67: {  	[sflag:s0] =	ssyncset.done $0x0  }
0x68: {  	s28 =	rddreg [dreg:$0xa];
	[sflag:s0] =	ssyncadd.s32 $0xFFFFF000  }
0x69: {  	[spmem:s28] =	stream.linear.scatter [tilespmem:s10], [sflag:$0x7], $0x1000, $0x38;
	v63 =	vld [tilespmem:$0x0]  }
0x6a: {  	_ =	swait.ge [sflag:s0], $0x1000  }
0x6b: {  	[sflag:s0] =	ssyncset.done $0x0  }
0x6c: {  	s29 =	rddreg [dreg:$0xb];
	[sflag:s0] =	ssyncadd.s32 $0xFFFFF000  }
0x6d: {  	[spmem:s29] =	stream.linear.scatter [tilespmem:s10], [sflag:$0x7], $0x1000, $0x38;
	v63 =	vld [tilespmem:$0x0]  }
0x6e: {  	_ =	swait.ge [sflag:s0], $0x1000  }
0x6f: {  	[sflag:s0] =	ssyncset.done $0x0  }
0x70: {  	s30 =	rddreg [dreg:$0xc];
	[sflag:s0] =	ssyncadd.s32 $0xFFFFF000  }
0x71: {  	[spmem:s30] =	stream.linear.scatter [tilespmem:s10], [sflag:$0x7], $0x1000, $0x38;
	v63 =	vld [tilespmem:$0x0]  }
0x72: {  	_ =	swait.ge [sflag:s0], $0x1000  }
0x73: {  	[sflag:s0] =	ssyncset.done $0x0  }
0x74: {  	s20 =	rddreg [dreg:$0xd];
	[sflag:s0] =	ssyncadd.s32 $0xFFFFF000  }
0x75: {  	[spmem:s20] =	stream.linear.scatter [tilespmem:s10], [sflag:$0x7], $0x1000, $0x38;
	v63 =	vld [tilespmem:$0x0]  }
0x76: {  	_ =	swait.ge [sflag:s0], $0x1000  }
0x77: {  	[sflag:s0] =	ssyncset.done $0x0  }
0x78: {  	s21 =	rddreg [dreg:$0xe];
	[sflag:s0] =	ssyncadd.s32 $0xFFFFF000  }
0x79: {  	[spmem:s21] =	stream.linear.scatter [tilespmem:s10], [sflag:$0x7], $0x1000, $0x38;
	v63 =	vld [tilespmem:$0x0]  }
0x7a: {  	_ =	swait.ge [sflag:s0], $0x1000  }
0x7b: {  	[sflag:s0] =	ssyncset.done $0x0  }
0x7c: {  	s22 =	rddreg [dreg:$0xf];
	[sflag:s0] =	ssyncadd.s32 $0xFFFFF000  }
0x7d: {  	[spmem:s22] =	stream.linear.scatter [tilespmem:s10], [sflag:$0x7], $0x1000, $0x38;
	v63 =	vld [tilespmem:$0x0]  }
0x7e: {  	_ =	swait.ge [sflag:s0], $0x1000  }
0x7f: {  	[sflag:s0] =	ssyncset.done $0x0  }
0x80: {  	s23 =	rddreg [dreg:$0x10];
	[sflag:s0] =	ssyncadd.s32 $0xFFFFF000  }
0x81: {  	[spmem:s23] =	stream.linear.scatter [tilespmem:s10], [sflag:$0x7], $0x1000, $0x38;
	v63 =	vld [tilespmem:$0x0]  }
0x82: {  	_ =	swait.ge [sflag:s0], $0x1000  }
0x83: {  	[sflag:s0] =	ssyncset.done $0x0  }
0x84: {  	s24 =	rddreg [dreg:$0x11];
	[sflag:s0] =	ssyncadd.s32 $0xFFFFF000  }
0x85: {  	[spmem:s24] =	stream.linear.scatter [tilespmem:s10], [sflag:$0x7], $0x1000, $0x38;
	v63 =	vld [tilespmem:$0x0]  }
0x86: {  	_ =	swait.ge [sflag:s0], $0x1000  }
0x87: {  	[sflag:s0] =	ssyncset.done $0x0  }
0x88: {  	s25 =	rddreg [dreg:$0x12];
	[sflag:s0] =	ssyncadd.s32 $0xFFFFF000  }
0x89: {  	[spmem:s25] =	stream.linear.scatter [tilespmem:s10], [sflag:$0x7], $0x1000, $0x38;
	v63 =	vld [tilespmem:$0x0]  }
0x8a: {  	_ =	swait.ge [sflag:s0], $0x1000  }
0x8b: {  	[sflag:s0] =	ssyncset.done $0x0  }
0x8c: {  	s26 =	rddreg [dreg:$0x15];
	[sflag:s0] =	ssyncadd.s32 $0xFFFFF000  }
0x8d: {  	[spmem:s26] =	stream.linear.scatter [tilespmem:s10], [sflag:$0x7], $0x1000, $0x38;
	v63 =	vld [tilespmem:$0x0]  }
0x8e: {  	_ =	swait.ge [sflag:s0], $0x1000  }
0x8f: {  	[sflag:s0] =	ssyncset.done $0x0  }
0x90: {  	s28 =	rddreg [dreg:$0x16];
	[sflag:s0] =	ssyncadd.s32 $0xFFFFF000  }
0x91: {  	[spmem:s28] =	stream.linear.scatter [tilespmem:s10], [sflag:$0x7], $0x1000, $0x38;
	v63 =	vld [tilespmem:$0x0]  }
0x92: {  	_ =	swait.ge [sflag:s0], $0x1000  }
0x93: {  	[sflag:s0] =	ssyncset.done $0x0  }
0x94: {  	s29 =	rddreg [dreg:$0x17];
	[sflag:s0] =	ssyncadd.s32 $0xFFFFF000  }
0x95: {  	[spmem:s29] =	stream.linear.scatter [tilespmem:s10], [sflag:$0x7], $0x1000, $0x38;
	v63 =	vld [tilespmem:$0x0]  }
0x96: {  	_ =	swait.ge [sflag:s0], $0x1000  }
0x97: {  	[sflag:s0] =	ssyncset.done $0x0  }
0x98: {  	s30 =	rddreg [dreg:$0x18];
	[sflag:s0] =	ssyncadd.s32 $0xFFFFF000  }
0x99: {  	[spmem:s30] =	stream.linear.scatter [tilespmem:s10], [sflag:$0x7], $0x1000, $0x38;
	v63 =	vld [tilespmem:$0x0]  }
0x9a: {  	_ =	swait.ge [sflag:s0], $0x1000  }
0x9b: {  	[sflag:s0] =	ssyncset.done $0x0  }
0x9c: {  	[sflag:s0] =	ssyncadd.s32 $0xFFFFF000  }
0x9d: {  	[spmem:s31] =	stream.linear.scatter [tilespmem:s10], [sflag:$0x7], $0x1000, $0x38;
	v63 =	vld [tilespmem:$0x0]  }
0x9e: {  	_ =	swait.ge [sflag:s0], $0x1000  }
0x9f: {  	[sflag:s0] =	ssyncset.done $0x0  }
0xa0: {  	[sflag:s0] =	ssyncadd.s32 $0xFFFFF000  }
0xa1: {  	s19 =	simm.s32 $0x0;
	[bflag:$0x0] =	sbarrier.arrive $0xFFFF  }
.LBB2_4:
0xa2: {  	s21 =	smul.u32 $0x7B, s19;
	_ =	sdelay $0x1  }
0xa3: {  	s20 =	smul.u32 $0x3, s19;
	s21 =	sand.u32 $0xFF, s21  }
0xa4: {  	p0 =	sgt.u32 s21, $0xA  }
0xa5: {  	s21 =	sand.u32 @!p0 $0xFF, s20  }
0xa6: {  	s21 =	smul.u32 @!p0 $0x29, s21;
	_ =	sdelay $0x1  }
0xa7: {  	s21 =	sshrl.u32 @!p0 s21, $0xA  }
0xa8: {  	s23 =	sand.u32 $0xFF, s20;
	s22 =	sand.u32 @!p0 $0x1, s21;
	s21 =	sshll.u32 @!p0 s21, $0xC  }
0xa9: {  	s23 =	smul.u32 $0x29, s23;
	p1 =	seq.s32 @!p0 s22, $0x1;
	s21 =	sadd.s32 @!p0 s5, s21  }
0xaa: {  	s22 =	simm.s32 @!p0 $0x2880;
	p1 =	por !p1, p0;
	s21 =	sshrl.u32 @!p0 s21, $0x3  }
0xab: {  	s24 =	simm.s32 @!p0 $0x0;
	s22 =	simm.s32 @p1 $0x1C00;
	s21 =	sadd.s32 @!p0 s2, s21  }
0xac: {  	[tilespmem:s22], [sflag:$0x7] =	stream.linear.gather @!p0 [hbm4b:s21+s24], $0xC80, $0x38;
	v63 =	vld [tilespmem:$0x0]  }
0xad: {  	s21 =	simm.s32 @!p0 $0x7  }
0xae: {  	s29 =	sshrl.u32 s23, $0xB;
	_ =	swait.ge @!p0 [sflag:s21], $0xC80  }
0xaf: {  	s22 =	smul.u32 $0x32, s29;
	[sflag:s21] =	ssyncset.done @!p0 $0x0  }
0xb0: {  	[sflag:s21] =	ssyncadd.s32 @!p0 $0xFFFFF380;
	p0 =	seq.s32 s19, $0x29  }
.Ltmp3:
0xb1: {  	s30 =	ssub.s32 s20, s22;
	(pc) =	sbr.rel @p0 .LBB2_6-.Ltmp3, $4  }
0xb2: {  	s21 =	sand.u32 $0xFF, s30;
	_ =	swait.ge [sflag:s11], $0x2800  }
0xb3: {  	s21 =	sshll.u32 s21, $0x7;
	[sflag:s11] =	ssyncset.done $0x0  }
0xb4: {  	s21 =	sadd.s32 $0x1C00, s21;
	[sflag:s11] =	ssyncadd.s32 $0xFFFFD800  }
0xb5: {  	[spmem:s3] =	stream.indirect.scatter.add.f32 [tilespmem:s4], [sflag:$0x4], $0x80, s21, s1, $0xb8;
	v63 =	vld [tilespmem:$0x0]  }
0xb6: {  	s24 =	sadd.s32 $0x2, s20  }
0xb7: {  	s21 =	sand.u32 $0xFF, s24  }
0xb8: {  	s25 =	smul.u32 $0x29, s21;
	_ =	sdelay $0x1  }
0xb9: {  	s21 =	sshrl.u32 s25, $0xA  }
0xba: {  	s22 =	smul.u32 $0x19, s21;
	_ =	sdelay $0x1  }
0xbb: {  	s22 =	ssub.s32 s24, s22  }
0xbc: {  	s22 =	sand.u32 $0xFF, s22  }
0xbd: {  	p0 =	sne.s32 s22, $0x0  }
0xbe: {  	s22 =	sshll.u32 @!p0 s21, $0xC;
	s21 =	sand.u32 @!p0 $0x1, s21  }
0xbf: {  	s25 =	sshrl.u32 s25, $0xB;
	s22 =	sadd.s32 @!p0 s5, s22;
	p1 =	seq.s32 @!p0 s21, $0x1  }
0xc0: {  	s21 =	simm.s32 @!p0 $0xC80;
	p1 =	por !p1, p0;
	s22 =	sshrl.u32 @!p0 s22, $0x3  }
0xc1: {  	s23 =	simm.s32 @!p0 $0x0;
	s21 =	simm.s32 @p1 $0x0;
	s26 =	sadd.s32 @!p0 s7, s22  }
0xc2: {  	[tilespmem:s21], [sflag:$0x7] =	stream.linear.gather @!p0 [hbm4b:s26+s23], $0xC80, $0x38;
	v63 =	vld [tilespmem:$0x0]  }
0xc3: {  	s25 =	smul.u32 $0x32, s25;
	s21 =	simm.s32 @!p0 $0x7;
	s26 =	sadd.s32 $0x1, s20  }
0xc4: {  	p3 =	seq.s32 s19, $0x0;
	_ =	swait.ge @!p0 [sflag:s21], $0xC80;
	s28 =	smul.u32 $0x29, s26  }
0xc5: {  	s29 =	simm.s32 @!p3 $0x6;
	[sflag:s21] =	ssyncset.done @!p0 $0x0  }
0xc6: {  	s24 =	ssub.s32 s24, s25;
	[sflag:s21] =	ssyncadd.s32 @!p0 $0xFFFFF380;
	s28 =	sand.u32 $0xFF, s28  }
0xc7: {  	s24 =	sand.u32 $0xFF, s24;
	_ =	swait.ge @!p3 [sflag:s29], $0x2800;
	p2 =	sgt.u32 s28, $0xA  }
0xc8: {  	s24 =	sshll.u32 s24, $0x9;
	[sflag:s29] =	ssyncset.done @!p3 $0x0;
	s25 =	sand.u32 @!p2 $0xFF, s26  }
0xc9: {  	s24 =	sshrl.u32 s24, $0x2;
	[sflag:s29] =	ssyncadd.s32 @!p3 $0xFFFFD800;
	s25 =	smul.u32 @!p2 $0x29, s25  }
0xca: {  	[tilespmem:s16], [sflag:$0x3] =	stream.indirect.gather [hbm4b:s6+s1], $0x80, s24, s1, $0xb8;
	v63 =	vld [tilespmem:$0x0]  }
0xcb: {  	s25 =	sshrl.u32 @!p2 s25, $0xA  }
0xcc: {  	s30 =	simm.s32 @!p2 $0x0;
	s28 =	sand.u32 @!p2 $0x1, s25;
	s25 =	sshll.u32 @!p2 s25, $0xC  }
0xcd: {  	s29 =	sand.u32 $0xFF, s26;
	p3 =	seq.s32 @!p2 s28, $0x1;
	s25 =	sadd.s32 @!p2 s5, s25  }
0xce: {  	s28 =	simm.s32 @!p2 $0x2880;
	p3 =	por !p3, p2;
	s25 =	sshrl.u32 @!p2 s25, $0x3  }
0xcf: {  	s29 =	smul.u32 $0x29, s29;
	s28 =	simm.s32 @p3 $0x1C00;
	s25 =	sadd.s32 @!p2 s2, s25  }
0xd0: {  	[tilespmem:s28], [sflag:$0x7] =	stream.linear.gather @!p2 [hbm4b:s25+s30], $0xC80, $0x38;
	v63 =	vld [tilespmem:$0x0]  }
0xd1: {  	s30 =	sshrl.u32 s29, $0xB  }
0xd2: {  	s28 =	simm.s32 @!p2 $0x7;
	s29 =	sadd.s32 $0x3, s20;
	s25 =	smul.u32 $0x32, s30  }
0xd3: {  	_ =	swait.ge @!p2 [sflag:s28], $0xC80;
	s30 =	smul.u32 $0x29, s29  }
0xd4: {  	[sflag:s28] =	ssyncset.done @!p2 $0x0  }
0xd5: {  	[sflag:s28] =	ssyncadd.s32 @!p2 $0xFFFFF380;
	s25 =	ssub.s32 s26, s25;
	s28 =	sand.u32 $0xFF, s30  }
0xd6: {  	_ =	swait.ge [sflag:s12], $0x2800;
	s25 =	sand.u32 $0xFF, s25;
	p2 =	sgt.u32 s28, $0xA  }
0xd7: {  	[sflag:s12] =	ssyncset.done $0x0;
	s25 =	sshll.u32 s25, $0x7;
	s26 =	sand.u32 @!p2 $0xFF, s29  }
0xd8: {  	[sflag:s12] =	ssyncadd.s32 $0xFFFFD800;
	s25 =	sadd.s32 $0x1C00, s25;
	s26 =	smul.u32 @!p2 $0x29, s26  }
0xd9: {  	[spmem:s3] =	stream.indirect.scatter.add.f32 [tilespmem:s8], [sflag:$0x5], $0x80, s25, s1, $0xb8;
	v63 =	vld [tilespmem:$0x0]  }
0xda: {  	s25 =	sshrl.u32 @!p2 s26, $0xA  }
0xdb: {  	s26 =	sshll.u32 @!p2 s25, $0xC;
	s25 =	sand.u32 @!p2 $0x1, s25  }
0xdc: {  	s30 =	sand.u32 $0xFF, s29;
	s26 =	sadd.s32 @!p2 s5, s26;
	p3 =	seq.s32 @!p2 s25, $0x1  }
0xdd: {  	s25 =	simm.s32 @!p2 $0xC80;
	p3 =	por !p3, p2;
	s26 =	sshrl.u32 @!p2 s26, $0x3  }
0xde: {  	s28 =	simm.s32 @!p2 $0x0;
	s25 =	simm.s32 @p3 $0x0;
	s26 =	sadd.s32 @!p2 s7, s26  }
0xdf: {  	[tilespmem:s25], [sflag:$0x7] =	stream.linear.gather @!p2 [hbm4b:s26+s28], $0xC80, $0x38;
	v63 =	vld [tilespmem:$0x0]  }
0xe0: {  	s25 =	smul.u32 $0x29, s30  }
0xe1: {  	s26 =	simm.s32 @!p2 $0x7  }
0xe2: {  	_ =	swait.ge @!p2 [sflag:s26], $0xC80;
	s25 =	sshrl.u32 s25, $0xB  }
0xe3: {  	[sflag:s26] =	ssyncset.done @!p2 $0x0;
	s25 =	smul.u32 $0x32, s25  }
0xe4: {  	[sflag:s26] =	ssyncadd.s32 @!p2 $0xFFFFF380  }
0xe5: {  	_ =	swait.ge [sflag:s14], $0x2800;
	s25 =	ssub.s32 s29, s25  }
0xe6: {  	[sflag:s14] =	ssyncset.done $0x0;
	s25 =	sand.u32 $0xFF, s25  }
0xe7: {  	[sflag:s14] =	ssyncadd.s32 $0xFFFFD800;
	s25 =	sshll.u32 s25, $0x7  }
0xe8: {  	[tilespmem:s4], [sflag:$0x1] =	stream.indirect.gather [hbm4b:s6+s1], $0x80, s25, s1, $0xb8;
	v63 =	vld [tilespmem:$0x0]  }
0xe9: {  	s25 =	simm.s32 @!p0 $0x2880  }
0xea: {  	s22 =	sadd.s32 @!p0 s2, s22;
	s20 =	sadd.s32 $0x4, s20;
	s25 =	simm.s32 @p1 $0x1C00  }
0xeb: {  	[tilespmem:s25], [sflag:$0x7] =	stream.linear.gather @!p0 [hbm4b:s22+s23], $0xC80, $0x38;
	v63 =	vld [tilespmem:$0x0]  }
0xec: {  	s26 =	smul.u32 $0x29, s20;
	_ =	swait.ge @!p0 [sflag:s21], $0xC80  }
0xed: {  	[sflag:s21] =	ssyncset.done @!p0 $0x0  }
0xee: {  	s28 =	sand.u32 $0xFF, s26;
	[sflag:s21] =	ssyncadd.s32 @!p0 $0xFFFFF380  }
0xef: {  	p0 =	sgt.u32 s28, $0xA;
	_ =	swait.ge [sflag:s17], $0x2800  }
0xf0: {  	s21 =	sand.u32 @!p0 $0xFF, s20;
	[sflag:s17] =	ssyncset.done $0x0  }
0xf1: {  	s29 =	sadd.s32 $0x1C00, s24;
	s21 =	smul.u32 @!p0 $0x29, s21;
	[sflag:s17] =	ssyncadd.s32 $0xFFFFD800  }
0xf2: {  	[spmem:s3] =	stream.indirect.scatter.add.f32 [tilespmem:s16], [sflag:$0x6], $0x80, s29, s1, $0xb8;
	v63 =	vld [tilespmem:$0x0]  }
0xf3: {  	s21 =	sshrl.u32 @!p0 s21, $0xA  }
0xf4: {  	s22 =	sshll.u32 @!p0 s21, $0xC;
	s21 =	sand.u32 @!p0 $0x1, s21  }
0xf5: {  	s30 =	sand.u32 $0xFF, s20;
	s22 =	sadd.s32 @!p0 s5, s22;
	p1 =	seq.s32 @!p0 s21, $0x1  }
0xf6: {  	s21 =	simm.s32 @!p0 $0xC80;
	p1 =	por !p1, p0;
	s22 =	sshrl.u32 @!p0 s22, $0x3  }
0xf7: {  	s23 =	simm.s32 @!p0 $0x0;
	s21 =	simm.s32 @p1 $0x0;
	s22 =	sadd.s32 @!p0 s7, s22  }
0xf8: {  	[tilespmem:s21], [sflag:$0x7] =	stream.linear.gather @!p0 [hbm4b:s22+s23], $0xC80, $0x38;
	v63 =	vld [tilespmem:$0x0]  }
0xf9: {  	s21 =	smul.u32 $0x29, s30  }
0xfa: {  	s22 =	simm.s32 @!p0 $0x7  }
0xfb: {  	_ =	swait.ge @!p0 [sflag:s22], $0xC80;
	s21 =	sshrl.u32 s21, $0xB  }
0xfc: {  	[sflag:s22] =	ssyncset.done @!p0 $0x0;
	s21 =	smul.u32 $0x32, s21  }
.Ltmp4:
0xfd: {  	[sflag:s22] =	ssyncadd.s32 @!p0 $0xFFFFF380;
	(pc) =	sbr.rel .LBB2_4-.Ltmp4, $4  }
0xfe: {  	_ =	swait.ge [sflag:s15], $0x2800;
	s20 =	ssub.s32 s20, s21  }
0xff: {  	[sflag:s15] =	ssyncset.done $0x0;
	s20 =	sand.u32 $0xFF, s20  }
0x100: {  	s19 =	sadd.s32 $0x1, s19;
	[sflag:s15] =	ssyncadd.s32 $0xFFFFD800;
	s20 =	sshll.u32 s20, $0x7  }
0x101: {  	[tilespmem:s8], [sflag:$0x2] =	stream.indirect.gather [hbm4b:s6+s1], $0x80, s20, s1, $0xb8;
	v63 =	vld [tilespmem:$0x0]  }
.LBB2_7:
0x102: {  	_ =	sfence.sel $0x180000  }
0x103: {  	[bflag:$0x0] =	sbarrier.arrive $0xFFFF  }
0x104: {  	_ =	strace $0x9000004A  }
0x105: {  	s0 =	stileid.u32;
	[bflag:$0x2] =	sbarrier.arrive $0xFFFF  }
0x106: {  	p0 =	sne.s32 s0, $0x0;
	s0 =	rddreg [dreg:$0x3]  }
0x107: {  	s0 =	sadd.s32 @!p0 $0x100000, s0  }
0x108: {  	[sflag:s0] =	ssyncadd.tile.s32 @!p0 $0x1;
	_ =	shalt  }
.Lfunc_end2:
_tile_overlayer_lowered:
.L_overlay_start_2:
0x109: {  	(tag) =	ssettag $0x2  }
0x10a: {  	s0 =	rddreg [dreg:$0x0];
	s2 =	stileid.u32  }
0x10b: {  	s1 =	rddreg [dreg:$0x1];
	p0 =	sne.s32 s2, $0x0  }
0x10c: {  	s3 =	rddreg [dreg:$0x2];
	[bflag:$0x3] =	sbarrier.arrive $0xFFFF;
	s2 =	simm.s32 @!p0 $0x1C07  }
0x10d: {  	[timem:s3], [sflag:s2] =	dma.local @!p0 [hbm:s0], s1  }
0x10e: {  	s0 =	simm.s32 @!p0 $0x7  }
0x10f: {  	_ =	swait.ge @!p0 [sflag:s0], s1  }
0x110: {  	s1 =	ssub.s32 @!p0 $0x0, s1;
	[sflag:s0] =	ssyncset.done @!p0 $0x0  }
0x111: {  	[sflag:s0] =	ssyncadd.s32 @!p0 s1  }
0x112: {  	[bflag:$0x3] =	sbarrier.arrive $0xFFFF  }
0x113: {  	_ =	shalt  }

// kernel: kernel.14.cloned.1.call-start
scs
__scs_entry_jumppad:
0x0: {  	(pc) =	sbr.rel $0x88, $3  }
0x1: {  	(tag) =	ssettag $0x0;
	lr =	simm.s32 $0x1  }
0x2: {  	[smem:$0x3F9B] =	sst lr;
	_ =	strace $0xD0000000  }
0x3: {  	_ = 	snop  }
0x4: {  	_ = 	snop  }
0x5: {  	_ = 	snop  }
0x6: {  	_ = 	snop  }
0x7: {  	_ = 	snop  }
__scs_overlays_trampoline_lowered:
0x8: {  	[smem:$0x3FAA] =	sst s0  }
0x9: {  	[smem:$0x3FAB] =	sst s1  }
0xa: {  	[smem:$0x3FAC] =	sst s2  }
0xb: {  	[smem:$0x3FAD] =	sst s3  }
0xc: {  	[smem:$0x3FAE] =	sst s4  }
0xd: {  	[smem:$0x3FAF] =	sst s5  }
0xe: {  	[smem:$0x3FB0] =	sst s6  }
0xf: {  	[smem:$0x3FB1] =	sst s7  }
0x10: {  	[smem:$0x3FB2] =	sst s8  }
0x11: {  	[smem:$0x3FB3] =	sst s9;
	s0 =	simm.s32 @!p0 $0x0  }
0x12: {  	s1 =	sld [smem:$0x3F99];
	s0 =	simm.s32 @p0 $0x1  }
0x13: {  	[smem:$0x3FB4] =	sst s0;
	s0 =	simm.s32 @!p1 $0x0  }
0x14: {  	s2 =	sld [smem:$0x3F98];
	s0 =	simm.s32 @p1 $0x1  }
0x15: {  	[smem:$0x3FB5] =	sst s0;
	s0 =	simm.s32 @!p2 $0x0  }
0x16: {  	s3 =	sld [smem:$0x3FDB];
	s0 =	simm.s32 @p2 $0x1  }
0x17: {  	s4 =	simm.s32 $0x1BF5;
	[smem:$0x3FB7] =	sst s0  }
0x18: {  	s0 =	sld [smem:$0x3F9A];
	_ =	swait.ge [sflag:s4], $0x0  }
0x19: {  	s7 =	sld [smem:$0x3F9B]  }
0x1a: {  	s8 =	sadd.s32 $0xFFFFE003, lr  }
0x1b: {  	s9 =	sadd.s32 $0xFFFFFEF7, lr;
	s5 =	simm.s32 $0xFFFFFFFF;
	p2 =	slt.u32 s8, $0xFFFFF086  }
0x1c: {  	p1 =	slt.u32 s9, $0xF7A;
	s5 =	simm.s32 @!p2 $0x0  }
0x1d: {  	s5 =	simm.s32 @p1 $0x1;
	p0 =	seq.s32 s7, s2  }
0x1e: {  	s7 =	smul.u32 @!p0 $0xF7A, s2;
	p2 =	seq.s32 @!p0 s5, $0x0  }
0x1f: {  	s9 =	smul.u32 $0xF7A, s1;
	s8 =	simm.s32 @!p0 $0x1BF5;
	p2 =	por !p2, p0  }
0x20: {  	[sflag:s8] =	ssyncset.s32 @!p0 $0xFFFFF086;
	s6 =	sadd.s32 @!p0 s3, s7;
	s7 =	simm.s32 @!p0 $0x108  }
0x21: {  	s3 =	sadd.s32 s3, s9;
	s6 =	sadd.s32 @!p0 $0x88, s6;
	s7 =	simm.s32 @p2 $0x1082  }
0x22: {  	[simem:s7], [sflag:s8] =	dma.local @!p0 [hbm:s6], $0xF7A  }
0x23: {  	s9 =	sor.u32 $0xD0000000, s2;
	s6 =	simm.s32 $0x108;
	_ =	swait.ge @!p0 [sflag:s8], $0x0  }
0x24: {  	s3 =	sadd.s32 $0x88, s3;
	s6 =	simm.s32 @!p1 $0x1082;
	[sflag:s4] =	ssyncset.s32 $0xFFFFF086  }
0x25: {  	[simem:s6], [sflag:s4] =	dma.local [hbm:s3], $0xF7A  }
0x26: {  	[smem:$0x3F9B] =	sst s1;
	(tag) =	ssettag s2;
	_ =	strace s9  }
0x27: {  	s1 =	sld [smem:$0x3FAB]  }
0x28: {  	s2 =	sld [smem:$0x3FAC]  }
0x29: {  	s4 =	sld [smem:$0x3FAE]  }
0x2a: {  	p0 =	seq.s32 s5, $0x0;
	s5 =	sld [smem:$0x3FAF]  }
0x2b: {  	s6 =	sld [smem:$0x3FB0]  }
0x2c: {  	s7 =	sld [smem:$0x3FB1]  }
0x2d: {  	s3 =	simm.s32 $0x108;
	s8 =	sld [smem:$0x3FB2]  }
0x2e: {  	s3 =	simm.s32 @!p0 $0x1082;
	s9 =	sld [smem:$0x3FB3]  }
0x2f: {  	lr =	sadd.s32 s0, s3;
	s0 =	sld [smem:$0x3FAA]  }
0x30: {  	s3 =	sld [smem:$0x3FAD]  }
0x31: {  	[smem:$0x3FB6] =	sst s10  }
0x32: {  	s10 =	sld [smem:$0x3FB4];
	_ =	sdelay $0x3  }
0x33: {  	p0 =	seq.s32 s10, $0x1;
	s10 =	sld [smem:$0x3FB6];
	_ =	sdelay $0x3  }
0x34: {  	[smem:$0x3FB6] =	sst s10  }
0x35: {  	s10 =	sld [smem:$0x3FB5];
	_ =	sdelay $0x3  }
0x36: {  	p1 =	seq.s32 s10, $0x1;
	s10 =	sld [smem:$0x3FB6];
	_ =	sdelay $0x3  }
0x37: {  	[smem:$0x3FB6] =	sst s10  }
0x38: {  	s10 =	sld [smem:$0x3FB7]  }
0x39: {  	_ = 	snop;
	(pc) =	sbr.ind lr, $3  }
0x3a: {  	_ = 	snop  }
0x3b: {  	_ = 	snop  }
0x3c: {  	p2 =	seq.s32 s10, $0x1;
	s10 =	sld [smem:$0x3FB6]  }
0x3d: {  	_ =	shalt  }
0x3e: {  	_ =	shalt  }
0x3f: {  	_ =	shalt  }
0x40: {  	_ =	shalt  }
0x41: {  	_ =	shalt  }
0x42: {  	_ =	shalt  }
0x43: {  	_ =	shalt  }
0x44: {  	_ =	shalt  }
0x45: {  	_ =	shalt  }
0x46: {  	_ =	shalt  }
0x47: {  	_ =	shalt  }
0x48: {  	_ =	shalt  }
0x49: {  	_ =	shalt  }
0x4a: {  	_ =	shalt  }
0x4b: {  	_ =	shalt  }
0x4c: {  	_ =	shalt  }
0x4d: {  	_ =	shalt  }
0x4e: {  	_ =	shalt  }
0x4f: {  	_ =	shalt  }
0x50: {  	_ =	shalt  }
0x51: {  	_ =	shalt  }
0x52: {  	_ =	shalt  }
0x53: {  	_ =	shalt  }
0x54: {  	_ =	shalt  }
0x55: {  	_ =	shalt  }
0x56: {  	_ =	shalt  }
0x57: {  	_ =	shalt  }
0x58: {  	_ =	shalt  }
0x59: {  	_ =	shalt  }
0x5a: {  	_ =	shalt  }
0x5b: {  	_ =	shalt  }
0x5c: {  	_ =	shalt  }
0x5d: {  	_ =	shalt  }
0x5e: {  	_ =	shalt  }
0x5f: {  	_ =	shalt  }
0x60: {  	_ =	shalt  }
0x61: {  	_ =	shalt  }
0x62: {  	_ =	shalt  }
0x63: {  	_ =	shalt  }
0x64: {  	_ =	shalt  }
0x65: {  	_ =	shalt  }
0x66: {  	_ =	shalt  }
0x67: {  	_ =	shalt  }
0x68: {  	_ =	shalt  }
0x69: {  	_ =	shalt  }
0x6a: {  	_ =	shalt  }
0x6b: {  	_ =	shalt  }
0x6c: {  	_ =	shalt  }
0x6d: {  	_ =	shalt  }
0x6e: {  	_ =	shalt  }
0x6f: {  	_ =	shalt  }
0x70: {  	_ =	shalt  }
0x71: {  	_ =	shalt  }
0x72: {  	_ =	shalt  }
0x73: {  	_ =	shalt  }
0x74: {  	_ =	shalt  }
0x75: {  	_ =	shalt  }
0x76: {  	_ =	shalt  }
0x77: {  	_ =	shalt  }
0x78: {  	_ =	shalt  }
0x79: {  	_ =	shalt  }
0x7a: {  	_ =	shalt  }
0x7b: {  	_ =	shalt  }
0x7c: {  	_ =	shalt  }
0x7d: {  	_ =	shalt  }
0x7e: {  	_ =	shalt  }
0x7f: {  	_ =	shalt  }
0x80: {  	_ =	shalt  }
0x81: {  	_ =	shalt  }
0x82: {  	_ =	shalt  }
0x83: {  	_ =	shalt  }
0x84: {  	_ =	shalt  }
0x85: {  	_ =	shalt  }
0x86: {  	_ =	shalt  }
0x87: {  	_ =	shalt  }
.Lfunc_end0:
.L_simem_size_0:
called_computation.2_lowered:
.L_overlay_start_0:
0x88: {  	s2 =	sld [smem:$0x3FD9]  }
0x89: {  	s3 =	sld [smem:$0x3FFE];
	_ =	sdelay $0x1  }
0x8a: {  	s1 =	srdreg.scid  }
0x8b: {  	s0 =	sand.u32 $0x1, s1  }
0x8c: {  	s17 =	sshll.u32 s0, $0xA;
	s2 =	sadd.s32 s3, s2  }
0x8d: {  	s2 =	sadd.s32 s2, s17  }
0x8e: {  	[smem:$0x3FC2] =	sst s2  }
0x8f: {  	_ = 	snop  }
0x90: {  	s2 =	sld [smem:$0x3FD0];
	(tm) =	ssettm $0x1  }
0x91: {  	s18 =	sld [smem:$0x3FFB];
	_ =	sdelay $0x3  }
0x92: {  	_ =	strace s18  }
0x93: {  	s3 =	sld [smem:$0x3FFC];
	_ =	sdelay $0x3  }
0x94: {  	_ =	strace s3  }
0x95: {  	s3 =	sld [smem:$0x3FFD];
	_ =	sdelay $0x3  }
0x96: {  	_ =	strace s3  }
0x97: {  	_ =	strace $0x8FFFFFFF  }
0x98: {  	s19 =	sld [smem:$0x3FDB];
	_ =	sdelay $0x1  }
0x99: {  	s4 =	simm.s32 $_scs_section_size  }
0x9a: {  	s5 =	simm.s32 $_size__tile_overlayer_lowered;
	s6 =	simm.s32 $_tile_overlayer_lowered  }
0x9b: {  	s22 =	simm.s32 $0x1BFF;
	s21 =	sshll.u32 s6, $0x1;
	s3 =	sadd.s32 s4, s19  }
0x9c: {  	s7 =	simm.s32 $0x0;
	s20 =	sshll.u32 s5, $0x1;
	s5 =	sadd.s32 s21, s3  }
0x9d: {  	[timem:s7], [sflag:s22] =	dma.local [hbm:s5], s20  }
0x9e: {  	_ =	swait.ge [sflag:s22], s20  }
0x9f: {  	s4 =	ssub.s32 $0x0, s20;
	[sflag:s22] =	ssyncset.done $0x0  }
0xa0: {  	[sflag:s22] =	ssyncadd.s32 s4;
	_ =	sdelay $0x1  }
0xa1: {  	s23 =	simm.s32 $0x1B8B  }
0xa2: {  	_ =	swait.ge [sflag:s23], $0x1  }
0xa3: {  	[sflag:s23] =	ssyncset.done $0x0  }
0xa4: {  	s25 =	simm.s32 $0x1B8E;
	s24 =	sld [smem:$0x3FFE];
	[sflag:s23] =	ssyncadd.s32 $0xFFFFFFFF  }
0xa5: {  	s26 =	simm.s32 $execute0_lowered;
	[smem:$0x3FD2] =	sst s25  }
0xa6: {  	s5 =	sshll.u32 s26, $0x1;
	_ =	strace $0x8000004C;
	[dreg:$0x1] =	wrdreg $0xFFFFFFFF  }
0xa7: {  	s28 =	simm.s32 $_size_execute0_lowered;
	s3 =	sadd.s32 s3, s5;
	[dreg:$0x0] =	wrdreg $0x0  }
0xa8: {  	s5 =	sshll.u32 s28, $0x1;
	[dreg:$0x2] =	wrdreg s3  }
0xa9: {  	[dreg:$0x3] =	wrdreg s5  }
0xaa: {  	[dreg:$0x4] =	wrdreg $0xC0  }
0xab: {  	_ =	task [dreg:s7], $0x5FFFF  }
0xac: {  	[dreg:$0x1] =	wrdreg $0xFFFFFFFF  }
0xad: {  	[dreg:$0x0] =	wrdreg $0x60  }
0xae: {  	[dreg:$0x2] =	wrdreg s24  }
0xaf: {  	[dreg:$0x3] =	wrdreg s2  }
0xb0: {  	[dreg:$0x4] =	wrdreg $0xC0000  }
0xb1: {  	[dreg:$0x5] =	wrdreg $0x9  }
0xb2: {  	_ =	task.clear_ibuf [dreg:s7], $0x6FFFF;
	_ =	strace $0x9000004C  }
0xb3: {  	s29 =	simm.s32 $0x9;
	_ =	strace $0x8000004E  }
0xb4: {  	_ =	swait.ge [sflag:s29], $0x1  }
0xb5: {  	[sflag:s29] =	ssyncadd.s32 $0xFFFFFFFF  }
0xb6: {  	_ =	strace $0x9000004E  }
0xb7: {  	_ =	sfence  }
0xb8: {  	s30 =	sld [smem:$0x0];
	_ =	sdelay $0x2  }
0xb9: {  	s31 =	sshll.u32 s1, $0xD;
	s1 =	sshrl.u32 s1, $0x2  }
0xba: {  	s3 =	sand.u32 $0x4000, s31;
	s1 =	sadd.s32 s1, s30  }
0xbb: {  	s0 =	sor.u32 s3, s0;
	s1 =	sshll.u32 s1, $0x11  }
0xbc: {  	s0 =	sor.u32 s1, s0  }
0xbd: {  	s0 =	sadd.s32 $0x8F2B, s0  }
0xbe: {  	[sflag:s0] =	ssyncadd.remote.s32 $0x1  }
0xbf: {  	_ =	sfence.sel $0xFFFF  }
0xc0: {  	[dreg:$0x0] =	wrdreg $0xFFFFFFFF;
	(pc) =	sbr.abs _section_cstart, $3  }
0xc1: {  	[dreg:$0x1] =	wrdreg $0xFFFFFFFF  }
0xc2: {  	_ =	task.clear_ibuf [dreg:s7], $0x2FFFF;
	_ =	strace $0x9FFFFFFF  }
0xc3: {  	(tm) =	ssettm $0x7FFFFFFF  }
tec
execute0_lowered:
.L_overlay_start_1:
0x0: {  	(tag) =	ssettag $0x1  }
0x1: {  	s0 =	rddreg [dreg:$0x0]  }
0x2: {  	s2 =	rddreg [dreg:$0x1]  }
0x3: {  	s3 =	rddreg [dreg:$0x2]  }
0x4: {  	s1 =	srdreg.scid;
	s8 =	stileid.u32;
	s6 =	simm.s32 $0x0  }
0x5: {  	s1 =	sand.u32 $0x1, s1;
	s4 =	smul.u32 $0x2800, s8;
	[smem:$0x7FF] =	sst s6  }
0x6: {  	s6 =	sadd.s32 $0x16800, s0;
	s5 =	sshll.u32 s1, $0x4;
	s7 =	smul.u32 $0x28000, s1  }
0x7: {  	s1 =	ssub.s32 $0x2, s1;
	s5 =	sor.u32 s8, s5;
	s8 =	smul.u32 $0x50000, s8  }
0x8: {  	_ =	strace $0x8000004D;
	s30 =	sshrl.u32 s1, $0x1;
	s5 =	smul.u32 $0x5000, s5  }
0x9: {  	s4 =	sadd.s32 s4, s7;
	s7 =	sadd.s32 $0x2800, s0;
	s1 =	ssub.s32 s1, s30  }
0xa: {  	s0 =	sadd.s32 s4, s0;
	s8 =	sshrl.u32 s8, $0x2;
	s25 =	smax.u32 s1, $0x1  }
0xb: {  	s9 =	sshrl.u32 s5, $0x3;
	s0 =	sadd.s32 $0x3E800, s0;
	[dreg:$0x14] =	wrdreg s25  }
0xc: {  	s10 =	sadd.s32 s7, s9;
	s9 =	sadd.s32 s8, s3;
	[dreg:$0x13] =	wrdreg s0  }
0xd: {  	[dreg:$0x4] =	wrdreg s10;
	s11 =	sadd.s32 $0x1000, s9  }
0xe: {  	s12 =	sadd.s32 $0x2000, s9;
	[dreg:$0x5] =	wrdreg s11  }
0xf: {  	s13 =	sadd.s32 $0x3000, s9;
	[dreg:$0x6] =	wrdreg s12  }
0x10: {  	s14 =	sadd.s32 $0x4000, s9;
	[dreg:$0x7] =	wrdreg s13  }
0x11: {  	s15 =	sadd.s32 $0x5000, s9;
	[dreg:$0x8] =	wrdreg s14  }
0x12: {  	s16 =	sadd.s32 $0x6000, s9;
	[dreg:$0x9] =	wrdreg s15  }
0x13: {  	s17 =	sadd.s32 $0x7000, s9;
	[dreg:$0xa] =	wrdreg s16  }
0x14: {  	s18 =	sadd.s32 $0x8000, s9;
	[dreg:$0xb] =	wrdreg s17  }
0x15: {  	s19 =	sadd.s32 $0x9000, s9;
	[dreg:$0xc] =	wrdreg s18  }
0x16: {  	s20 =	sadd.s32 $0xA000, s9;
	[dreg:$0xd] =	wrdreg s19  }
0x17: {  	s21 =	sadd.s32 $0xB000, s9;
	[dreg:$0xe] =	wrdreg s20  }
0x18: {  	s1 =	simm.s32 $0x50;
	s22 =	sadd.s32 $0xC000, s9;
	[dreg:$0xf] =	wrdreg s21  }
0x19: {  	s4 =	simm.s32 $0x3800;
	s23 =	sadd.s32 $0xD000, s9;
	[dreg:$0x10] =	wrdreg s22  }
0x1a: {  	s0 =	simm.s32 $0x7;
	s24 =	sadd.s32 $0xE000, s9;
	[dreg:$0x11] =	wrdreg s23  }
0x1b: {  	s8 =	simm.s32 $0x6000;
	s26 =	sadd.s32 $0xF000, s9;
	[dreg:$0x12] =	wrdreg s24  }
0x1c: {  	s28 =	sadd.s32 $0x10000, s9;
	s29 =	sadd.s32 $0x11000, s9;
	[dreg:$0x15] =	wrdreg s26  }
.Ltmp0:
0x1d: {  	s30 =	sadd.s32 $0x12000, s9;
	[dreg:$0x16] =	wrdreg s28;
	(pc) =	sbr.rel .LBB2_1-.Ltmp0, $4  }
0x1e: {  	s31 =	sadd.s32 $0x13000, s9;
	s10 =	simm.s32 $0xB000;
	[dreg:$0x17] =	wrdreg s29  }
0x1f: {  	[dreg:$0x18] =	wrdreg s30;
	s11 =	simm.s32 $0x1;
	s12 =	simm.s32 $0x2  }
0x20: {  	s13 =	simm.s32 $0x6;
	s14 =	simm.s32 $0x4;
	s15 =	simm.s32 $0x5  }
0x21: {  	v0 =	vimm.f32 $0.0e+00;
	s16 =	simm.s32 $0x8800;
	s17 =	simm.s32 $0x3;
	s18 =	simm.s32 $0x0  }
.LBB2_6:
0x22: {  	_ =	swait.ge [sflag:s12], $0x2800  }
0x23: {  	[sflag:s12] =	ssyncset.done $0x0  }
0x24: {  	s19 =	simm.s32 $0x2800;
	[sflag:s12] =	ssyncadd.s32 $0xFFFFD800  }
0x25: {  	[spmem:s3] =	stream.indirect.scatter.add.f32 [tilespmem:s8], [sflag:$0x5], $0x80, s19, s1, $0xb8;
	v63 =	vld [tilespmem:$0x0]  }
0x26: {  	_ =	swait.ge [sflag:s13], $0x2800  }
0x27: {  	[sflag:s13] =	ssyncset.done $0x0  }
0x28: {  	[sflag:s13] =	ssyncadd.s32 $0xFFFFD800  }
0x29: {  	_ =	swait.ge [sflag:s14], $0x2800  }
0x2a: {  	[sflag:s14] =	ssyncset.done $0x0  }
0x2b: {  	[sflag:s14] =	ssyncadd.s32 $0xFFFFD800  }
0x2c: {  	_ =	swait.ge [sflag:s15], $0x2800  }
0x2d: {  	[sflag:s15] =	ssyncset.done $0x0  }
0x2e: {  	s29 =	stileid.u32;
	[sflag:s15] =	ssyncadd.s32 $0xFFFFD800  }
0x2f: {  	s19 =	sshll.u32 s29, $0x6;
	[bflag:$0x0] =	sbarrier.arrive $0xFFFF  }
0x30: {  	s20 =	sshrl.u32 s9, $0x3;
	s19 =	sor.u32 $0x1C07, s19;
	s21 =	rddreg [dreg:$0x13]  }
0x31: {  	[hbm:s21], [sflag:s19] =	dma.local [spmem:s20], $0x2800  }
0x32: {  	_ =	swait.ge [sflag:s0], $0x2800  }
0x33: {  	s18 =	sadd.s32 $0x1, s18;
	s30 =	rddreg [dreg:$0x14]  }
0x34: {  	p0 =	sne.s32 s18, s30  }
.Ltmp1:
0x35: {  	_ = 	snop;
	(pc) =	sbr.rel @!p0 .LBB2_7-.Ltmp1, $3  }
0x36: {  	_ =	sdelay $0x1  }
0x37: {  	[sflag:s0] =	ssyncset.done $0x0  }
0x38: {  	[sflag:s0] =	ssyncadd.s32 $0xFFFFD800  }
.LBB2_1:
0x39: {  	s19 =	simm.s32 $0x0;
	s20 =	rddreg [dreg:$0x4]  }
0x3a: {  	[tilespmem:s19], [sflag:$0x7] =	stream.linear.gather [hbm4b:s20+s19], $0xC80, $0x38;
	v63 =	vld [tilespmem:$0x0]  }
0x3b: {  	_ =	swait.ge [sflag:s0], $0xC80  }
0x3c: {  	[sflag:s0] =	ssyncset.done $0x0  }
0x3d: {  	[sflag:s0] =	ssyncadd.s32 $0xFFFFF380  }
0x3e: {  	[tilespmem:s4], [sflag:$0x1] =	stream.indirect.gather [hbm4b:s6+s1], $0x80, s19, s1, $0xb8;
	v63 =	vld [tilespmem:$0x0]  }
0x3f: {  	s30 =	simm.s32 $0x80;
	s20 =	simm.s32 $0x200;
	s19 =	simm.s32 $0x0  }
0x40: {  	[tilespmem:s8], [sflag:$0x2] =	stream.indirect.gather [hbm4b:s6+s1], $0x80, s30, s1, $0xb8;
	v63 =	vld [tilespmem:$0x0]  }
.LBB2_2:
0x41: {  	p0 =	sne.s32 s20, $0x3E00;
	[tilespmem:s19+$0xB070] =	vst v0  }
0x42: {  	[tilespmem:s19+$0xB000] =	vst v0  }
0x43: {  	[tilespmem:s19+$0xB010] =	vst v0  }
.Ltmp2:
0x44: {  	[tilespmem:s19+$0xB020] =	vst v0;
	(pc) =	sbr.rel @p0 .LBB2_2-.Ltmp2, $4  }
0x45: {  	[tilespmem:s19+$0xB030] =	vst v0  }
0x46: {  	[tilespmem:s19+$0xB040] =	vst v0  }
0x47: {  	[tilespmem:s19+$0xB050] =	vst v0  }
0x48: {  	[tilespmem:s19+$0xB060] =	vst v0;
	s19 =	sshra.s32 s20, $0x2;
	s20 =	sadd.s32 $0x200, s20  }
0x49: {  	[tilespmem:s19+$0xB070] =	vst v0  }
0x4a: {  	[tilespmem:s19+$0xB000] =	vst v0  }
0x4b: {  	[tilespmem:s19+$0xB010] =	vst v0  }
0x4c: {  	[tilespmem:s19+$0xB020] =	vst v0  }
0x4d: {  	[tilespmem:s19+$0xB030] =	vst v0  }
0x4e: {  	[tilespmem:s19+$0xB040] =	vst v0  }
0x4f: {  	[tilespmem:s19+$0xB050] =	vst v0  }
0x50: {  	[tilespmem:s19+$0xB060] =	vst v0  }
0x51: {  	[spmem:s9] =	stream.linear.scatter [tilespmem:s10], [sflag:$0x7], $0x1000, $0x38;
	v63 =	vld [tilespmem:$0x0]  }
0x52: {  	_ =	swait.ge [sflag:s0], $0x1000  }
0x53: {  	[sflag:s0] =	ssyncset.done $0x0  }
0x54: {  	s22 =	rddreg [dreg:$0x5];
	[sflag:s0] =	ssyncadd.s32 $0xFFFFF000  }
0x55: {  	[spmem:s22] =	stream.linear.scatter [tilespmem:s10], [sflag:$0x7], $0x1000, $0x38;
	v63 =	vld [tilespmem:$0x0]  }
0x56: {  	_ =	swait.ge [sflag:s0], $0x1000  }
0x57: {  	[sflag:s0] =	ssyncset.done $0x0  }
0x58: {  	s23 =	rddreg [dreg:$0x6];
	[sflag:s0] =	ssyncadd.s32 $0xFFFFF000  }
0x59: {  	[spmem:s23] =	stream.linear.scatter [tilespmem:s10], [sflag:$0x7], $0x1000, $0x38;
	v63 =	vld [tilespmem:$0x0]  }
0x5a: {  	_ =	swait.ge [sflag:s0], $0x1000  }
0x5b: {  	[sflag:s0] =	ssyncset.done $0x0  }
0x5c: {  	s24 =	rddreg [dreg:$0x7];
	[sflag:s0] =	ssyncadd.s32 $0xFFFFF000  }
0x5d: {  	[spmem:s24] =	stream.linear.scatter [tilespmem:s10], [sflag:$0x7], $0x1000, $0x38;
	v63 =	vld [tilespmem:$0x0]  }
0x5e: {  	_ =	swait.ge [sflag:s0], $0x1000  }
0x5f: {  	[sflag:s0] =	ssyncset.done $0x0  }
0x60: {  	s25 =	rddreg [dreg:$0x8];
	[sflag:s0] =	ssyncadd.s32 $0xFFFFF000  }
0x61: {  	[spmem:s25] =	stream.linear.scatter [tilespmem:s10], [sflag:$0x7], $0x1000, $0x38;
	v63 =	vld [tilespmem:$0x0]  }
0x62: {  	_ =	swait.ge [sflag:s0], $0x1000  }
0x63: {  	[sflag:s0] =	ssyncset.done $0x0  }
0x64: {  	s26 =	rddreg [dreg:$0x9];
	[sflag:s0] =	ssyncadd.s32 $0xFFFFF000  }
0x65: {  	[spmem:s26] =	stream.linear.scatter [tilespmem:s10], [sflag:$0x7], $0x1000, $0x38;
	v63 =	vld [tilespmem:$0x0]  }
0x66: {  	_ =	swait.ge [sflag:s0], $0x1000  }
0x67: {  	[sflag:s0] =	ssyncset.done $0x0  }
0x68: {  	s28 =	rddreg [dreg:$0xa];
	[sflag:s0] =	ssyncadd.s32 $0xFFFFF000  }
0x69: {  	[spmem:s28] =	stream.linear.scatter [tilespmem:s10], [sflag:$0x7], $0x1000, $0x38;
	v63 =	vld [tilespmem:$0x0]  }
0x6a: {  	_ =	swait.ge [sflag:s0], $0x1000  }
0x6b: {  	[sflag:s0] =	ssyncset.done $0x0  }
0x6c: {  	s29 =	rddreg [dreg:$0xb];
	[sflag:s0] =	ssyncadd.s32 $0xFFFFF000  }
0x6d: {  	[spmem:s29] =	stream.linear.scatter [tilespmem:s10], [sflag:$0x7], $0x1000, $0x38;
	v63 =	vld [tilespmem:$0x0]  }
0x6e: {  	_ =	swait.ge [sflag:s0], $0x1000  }
0x6f: {  	[sflag:s0] =	ssyncset.done $0x0  }
0x70: {  	s30 =	rddreg [dreg:$0xc];
	[sflag:s0] =	ssyncadd.s32 $0xFFFFF000  }
0x71: {  	[spmem:s30] =	stream.linear.scatter [tilespmem:s10], [sflag:$0x7], $0x1000, $0x38;
	v63 =	vld [tilespmem:$0x0]  }
0x72: {  	_ =	swait.ge [sflag:s0], $0x1000  }
0x73: {  	[sflag:s0] =	ssyncset.done $0x0  }
0x74: {  	s20 =	rddreg [dreg:$0xd];
	[sflag:s0] =	ssyncadd.s32 $0xFFFFF000  }
0x75: {  	[spmem:s20] =	stream.linear.scatter [tilespmem:s10], [sflag:$0x7], $0x1000, $0x38;
	v63 =	vld [tilespmem:$0x0]  }
0x76: {  	_ =	swait.ge [sflag:s0], $0x1000  }
0x77: {  	[sflag:s0] =	ssyncset.done $0x0  }
0x78: {  	s21 =	rddreg [dreg:$0xe];
	[sflag:s0] =	ssyncadd.s32 $0xFFFFF000  }
0x79: {  	[spmem:s21] =	stream.linear.scatter [tilespmem:s10], [sflag:$0x7], $0x1000, $0x38;
	v63 =	vld [tilespmem:$0x0]  }
0x7a: {  	_ =	swait.ge [sflag:s0], $0x1000  }
0x7b: {  	[sflag:s0] =	ssyncset.done $0x0  }
0x7c: {  	s22 =	rddreg [dreg:$0xf];
	[sflag:s0] =	ssyncadd.s32 $0xFFFFF000  }
0x7d: {  	[spmem:s22] =	stream.linear.scatter [tilespmem:s10], [sflag:$0x7], $0x1000, $0x38;
	v63 =	vld [tilespmem:$0x0]  }
0x7e: {  	_ =	swait.ge [sflag:s0], $0x1000  }
0x7f: {  	[sflag:s0] =	ssyncset.done $0x0  }
0x80: {  	s23 =	rddreg [dreg:$0x10];
	[sflag:s0] =	ssyncadd.s32 $0xFFFFF000  }
0x81: {  	[spmem:s23] =	stream.linear.scatter [tilespmem:s10], [sflag:$0x7], $0x1000, $0x38;
	v63 =	vld [tilespmem:$0x0]  }
0x82: {  	_ =	swait.ge [sflag:s0], $0x1000  }
0x83: {  	[sflag:s0] =	ssyncset.done $0x0  }
0x84: {  	s24 =	rddreg [dreg:$0x11];
	[sflag:s0] =	ssyncadd.s32 $0xFFFFF000  }
0x85: {  	[spmem:s24] =	stream.linear.scatter [tilespmem:s10], [sflag:$0x7], $0x1000, $0x38;
	v63 =	vld [tilespmem:$0x0]  }
0x86: {  	_ =	swait.ge [sflag:s0], $0x1000  }
0x87: {  	[sflag:s0] =	ssyncset.done $0x0  }
0x88: {  	s25 =	rddreg [dreg:$0x12];
	[sflag:s0] =	ssyncadd.s32 $0xFFFFF000  }
0x89: {  	[spmem:s25] =	stream.linear.scatter [tilespmem:s10], [sflag:$0x7], $0x1000, $0x38;
	v63 =	vld [tilespmem:$0x0]  }
0x8a: {  	_ =	swait.ge [sflag:s0], $0x1000  }
0x8b: {  	[sflag:s0] =	ssyncset.done $0x0  }
0x8c: {  	s26 =	rddreg [dreg:$0x15];
	[sflag:s0] =	ssyncadd.s32 $0xFFFFF000  }
0x8d: {  	[spmem:s26] =	stream.linear.scatter [tilespmem:s10], [sflag:$0x7], $0x1000, $0x38;
	v63 =	vld [tilespmem:$0x0]  }
0x8e: {  	_ =	swait.ge [sflag:s0], $0x1000  }
0x8f: {  	[sflag:s0] =	ssyncset.done $0x0  }
0x90: {  	s28 =	rddreg [dreg:$0x16];
	[sflag:s0] =	ssyncadd.s32 $0xFFFFF000  }
0x91: {  	[spmem:s28] =	stream.linear.scatter [tilespmem:s10], [sflag:$0x7], $0x1000, $0x38;
	v63 =	vld [tilespmem:$0x0]  }
0x92: {  	_ =	swait.ge [sflag:s0], $0x1000  }
0x93: {  	[sflag:s0] =	ssyncset.done $0x0  }
0x94: {  	s29 =	rddreg [dreg:$0x17];
	[sflag:s0] =	ssyncadd.s32 $0xFFFFF000  }
0x95: {  	[spmem:s29] =	stream.linear.scatter [tilespmem:s10], [sflag:$0x7], $0x1000, $0x38;
	v63 =	vld [tilespmem:$0x0]  }
0x96: {  	_ =	swait.ge [sflag:s0], $0x1000  }
0x97: {  	[sflag:s0] =	ssyncset.done $0x0  }
0x98: {  	s30 =	rddreg [dreg:$0x18];
	[sflag:s0] =	ssyncadd.s32 $0xFFFFF000  }
0x99: {  	[spmem:s30] =	stream.linear.scatter [tilespmem:s10], [sflag:$0x7], $0x1000, $0x38;
	v63 =	vld [tilespmem:$0x0]  }
0x9a: {  	_ =	swait.ge [sflag:s0], $0x1000  }
0x9b: {  	[sflag:s0] =	ssyncset.done $0x0  }
0x9c: {  	[sflag:s0] =	ssyncadd.s32 $0xFFFFF000  }
0x9d: {  	[spmem:s31] =	stream.linear.scatter [tilespmem:s10], [sflag:$0x7], $0x1000, $0x38;
	v63 =	vld [tilespmem:$0x0]  }
0x9e: {  	_ =	swait.ge [sflag:s0], $0x1000  }
0x9f: {  	[sflag:s0] =	ssyncset.done $0x0  }
0xa0: {  	[sflag:s0] =	ssyncadd.s32 $0xFFFFF000  }
0xa1: {  	s19 =	simm.s32 $0x0;
	[bflag:$0x0] =	sbarrier.arrive $0xFFFF  }
.LBB2_4:
0xa2: {  	s21 =	smul.u32 $0x7B, s19;
	_ =	sdelay $0x1  }
0xa3: {  	s20 =	smul.u32 $0x3, s19;
	s21 =	sand.u32 $0xFF, s21  }
0xa4: {  	p0 =	sgt.u32 s21, $0xA  }
0xa5: {  	s21 =	sand.u32 @!p0 $0xFF, s20  }
0xa6: {  	s21 =	smul.u32 @!p0 $0x29, s21;
	_ =	sdelay $0x1  }
0xa7: {  	s21 =	sshrl.u32 @!p0 s21, $0xA  }
0xa8: {  	s23 =	sand.u32 $0xFF, s20;
	s22 =	sand.u32 @!p0 $0x1, s21;
	s21 =	sshll.u32 @!p0 s21, $0xC  }
0xa9: {  	s23 =	smul.u32 $0x29, s23;
	p1 =	seq.s32 @!p0 s22, $0x1;
	s21 =	sadd.s32 @!p0 s5, s21  }
0xaa: {  	s22 =	simm.s32 @!p0 $0x2880;
	p1 =	por !p1, p0;
	s21 =	sshrl.u32 @!p0 s21, $0x3  }
0xab: {  	s24 =	simm.s32 @!p0 $0x0;
	s22 =	simm.s32 @p1 $0x1C00;
	s21 =	sadd.s32 @!p0 s2, s21  }
0xac: {  	[tilespmem:s22], [sflag:$0x7] =	stream.linear.gather @!p0 [hbm4b:s21+s24], $0xC80, $0x38;
	v63 =	vld [tilespmem:$0x0]  }
0xad: {  	s21 =	simm.s32 @!p0 $0x7  }
0xae: {  	s29 =	sshrl.u32 s23, $0xB;
	_ =	swait.ge @!p0 [sflag:s21], $0xC80  }
0xaf: {  	s22 =	smul.u32 $0x32, s29;
	[sflag:s21] =	ssyncset.done @!p0 $0x0  }
0xb0: {  	[sflag:s21] =	ssyncadd.s32 @!p0 $0xFFFFF380;
	p0 =	seq.s32 s19, $0x29  }
.Ltmp3:
0xb1: {  	s30 =	ssub.s32 s20, s22;
	(pc) =	sbr.rel @p0 .LBB2_6-.Ltmp3, $4  }
0xb2: {  	s21 =	sand.u32 $0xFF, s30;
	_ =	swait.ge [sflag:s11], $0x2800  }
0xb3: {  	s21 =	sshll.u32 s21, $0x7;
	[sflag:s11] =	ssyncset.done $0x0  }
0xb4: {  	s21 =	sadd.s32 $0x1C00, s21;
	[sflag:s11] =	ssyncadd.s32 $0xFFFFD800  }
0xb5: {  	[spmem:s3] =	stream.indirect.scatter.add.f32 [tilespmem:s4], [sflag:$0x4], $0x80, s21, s1, $0xb8;
	v63 =	vld [tilespmem:$0x0]  }
0xb6: {  	s24 =	sadd.s32 $0x2, s20  }
0xb7: {  	s21 =	sand.u32 $0xFF, s24  }
0xb8: {  	s25 =	smul.u32 $0x29, s21;
	_ =	sdelay $0x1  }
0xb9: {  	s21 =	sshrl.u32 s25, $0xA  }
0xba: {  	s22 =	smul.u32 $0x19, s21;
	_ =	sdelay $0x1  }
0xbb: {  	s22 =	ssub.s32 s24, s22  }
0xbc: {  	s22 =	sand.u32 $0xFF, s22  }
0xbd: {  	p0 =	sne.s32 s22, $0x0  }
0xbe: {  	s22 =	sshll.u32 @!p0 s21, $0xC;
	s21 =	sand.u32 @!p0 $0x1, s21  }
0xbf: {  	s25 =	sshrl.u32 s25, $0xB;
	s22 =	sadd.s32 @!p0 s5, s22;
	p1 =	seq.s32 @!p0 s21, $0x1  }
0xc0: {  	s21 =	simm.s32 @!p0 $0xC80;
	p1 =	por !p1, p0;
	s22 =	sshrl.u32 @!p0 s22, $0x3  }
0xc1: {  	s23 =	simm.s32 @!p0 $0x0;
	s21 =	simm.s32 @p1 $0x0;
	s26 =	sadd.s32 @!p0 s7, s22  }
0xc2: {  	[tilespmem:s21], [sflag:$0x7] =	stream.linear.gather @!p0 [hbm4b:s26+s23], $0xC80, $0x38;
	v63 =	vld [tilespmem:$0x0]  }
0xc3: {  	s25 =	smul.u32 $0x32, s25;
	s21 =	simm.s32 @!p0 $0x7;
	s26 =	sadd.s32 $0x1, s20  }
0xc4: {  	p3 =	seq.s32 s19, $0x0;
	_ =	swait.ge @!p0 [sflag:s21], $0xC80;
	s28 =	smul.u32 $0x29, s26  }
0xc5: {  	s29 =	simm.s32 @!p3 $0x6;
	[sflag:s21] =	ssyncset.done @!p0 $0x0  }
0xc6: {  	s24 =	ssub.s32 s24, s25;
	[sflag:s21] =	ssyncadd.s32 @!p0 $0xFFFFF380;
	s28 =	sand.u32 $0xFF, s28  }
0xc7: {  	s24 =	sand.u32 $0xFF, s24;
	_ =	swait.ge @!p3 [sflag:s29], $0x2800;
	p2 =	sgt.u32 s28, $0xA  }
0xc8: {  	s24 =	sshll.u32 s24, $0x9;
	[sflag:s29] =	ssyncset.done @!p3 $0x0;
	s25 =	sand.u32 @!p2 $0xFF, s26  }
0xc9: {  	s24 =	sshrl.u32 s24, $0x2;
	[sflag:s29] =	ssyncadd.s32 @!p3 $0xFFFFD800;
	s25 =	smul.u32 @!p2 $0x29, s25  }
0xca: {  	[tilespmem:s16], [sflag:$0x3] =	stream.indirect.gather [hbm4b:s6+s1], $0x80, s24, s1, $0xb8;
	v63 =	vld [tilespmem:$0x0]  }
0xcb: {  	s25 =	sshrl.u32 @!p2 s25, $0xA  }
0xcc: {  	s30 =	simm.s32 @!p2 $0x0;
	s28 =	sand.u32 @!p2 $0x1, s25;
	s25 =	sshll.u32 @!p2 s25, $0xC  }
0xcd: {  	s29 =	sand.u32 $0xFF, s26;
	p3 =	seq.s32 @!p2 s28, $0x1;
	s25 =	sadd.s32 @!p2 s5, s25  }
0xce: {  	s28 =	simm.s32 @!p2 $0x2880;
	p3 =	por !p3, p2;
	s25 =	sshrl.u32 @!p2 s25, $0x3  }
0xcf: {  	s29 =	smul.u32 $0x29, s29;
	s28 =	simm.s32 @p3 $0x1C00;
	s25 =	sadd.s32 @!p2 s2, s25  }
0xd0: {  	[tilespmem:s28], [sflag:$0x7] =	stream.linear.gather @!p2 [hbm4b:s25+s30], $0xC80, $0x38;
	v63 =	vld [tilespmem:$0x0]  }
0xd1: {  	s30 =	sshrl.u32 s29, $0xB  }
0xd2: {  	s28 =	simm.s32 @!p2 $0x7;
	s29 =	sadd.s32 $0x3, s20;
	s25 =	smul.u32 $0x32, s30  }
0xd3: {  	_ =	swait.ge @!p2 [sflag:s28], $0xC80;
	s30 =	smul.u32 $0x29, s29  }
0xd4: {  	[sflag:s28] =	ssyncset.done @!p2 $0x0  }
0xd5: {  	[sflag:s28] =	ssyncadd.s32 @!p2 $0xFFFFF380;
	s25 =	ssub.s32 s26, s25;
	s28 =	sand.u32 $0xFF, s30  }
0xd6: {  	_ =	swait.ge [sflag:s12], $0x2800;
	s25 =	sand.u32 $0xFF, s25;
	p2 =	sgt.u32 s28, $0xA  }
0xd7: {  	[sflag:s12] =	ssyncset.done $0x0;
	s25 =	sshll.u32 s25, $0x7;
	s26 =	sand.u32 @!p2 $0xFF, s29  }
0xd8: {  	[sflag:s12] =	ssyncadd.s32 $0xFFFFD800;
	s25 =	sadd.s32 $0x1C00, s25;
	s26 =	smul.u32 @!p2 $0x29, s26  }
0xd9: {  	[spmem:s3] =	stream.indirect.scatter.add.f32 [tilespmem:s8], [sflag:$0x5], $0x80, s25, s1, $0xb8;
	v63 =	vld [tilespmem:$0x0]  }
0xda: {  	s25 =	sshrl.u32 @!p2 s26, $0xA  }
0xdb: {  	s26 =	sshll.u32 @!p2 s25, $0xC;
	s25 =	sand.u32 @!p2 $0x1, s25  }
0xdc: {  	s30 =	sand.u32 $0xFF, s29;
	s26 =	sadd.s32 @!p2 s5, s26;
	p3 =	seq.s32 @!p2 s25, $0x1  }
0xdd: {  	s25 =	simm.s32 @!p2 $0xC80;
	p3 =	por !p3, p2;
	s26 =	sshrl.u32 @!p2 s26, $0x3  }
0xde: {  	s28 =	simm.s32 @!p2 $0x0;
	s25 =	simm.s32 @p3 $0x0;
	s26 =	sadd.s32 @!p2 s7, s26  }
0xdf: {  	[tilespmem:s25], [sflag:$0x7] =	stream.linear.gather @!p2 [hbm4b:s26+s28], $0xC80, $0x38;
	v63 =	vld [tilespmem:$0x0]  }
0xe0: {  	s25 =	smul.u32 $0x29, s30  }
0xe1: {  	s26 =	simm.s32 @!p2 $0x7  }
0xe2: {  	_ =	swait.ge @!p2 [sflag:s26], $0xC80;
	s25 =	sshrl.u32 s25, $0xB  }
0xe3: {  	[sflag:s26] =	ssyncset.done @!p2 $0x0;
	s25 =	smul.u32 $0x32, s25  }
0xe4: {  	[sflag:s26] =	ssyncadd.s32 @!p2 $0xFFFFF380  }
0xe5: {  	_ =	swait.ge [sflag:s14], $0x2800;
	s25 =	ssub.s32 s29, s25  }
0xe6: {  	[sflag:s14] =	ssyncset.done $0x0;
	s25 =	sand.u32 $0xFF, s25  }
0xe7: {  	[sflag:s14] =	ssyncadd.s32 $0xFFFFD800;
	s25 =	sshll.u32 s25, $0x7  }
0xe8: {  	[tilespmem:s4], [sflag:$0x1] =	stream.indirect.gather [hbm4b:s6+s1], $0x80, s25, s1, $0xb8;
	v63 =	vld [tilespmem:$0x0]  }
0xe9: {  	s25 =	simm.s32 @!p0 $0x2880  }
0xea: {  	s22 =	sadd.s32 @!p0 s2, s22;
	s20 =	sadd.s32 $0x4, s20;
	s25 =	simm.s32 @p1 $0x1C00  }
0xeb: {  	[tilespmem:s25], [sflag:$0x7] =	stream.linear.gather @!p0 [hbm4b:s22+s23], $0xC80, $0x38;
	v63 =	vld [tilespmem:$0x0]  }
0xec: {  	s26 =	smul.u32 $0x29, s20;
	_ =	swait.ge @!p0 [sflag:s21], $0xC80  }
0xed: {  	[sflag:s21] =	ssyncset.done @!p0 $0x0  }
0xee: {  	s28 =	sand.u32 $0xFF, s26;
	[sflag:s21] =	ssyncadd.s32 @!p0 $0xFFFFF380  }
0xef: {  	p0 =	sgt.u32 s28, $0xA;
	_ =	swait.ge [sflag:s17], $0x2800  }
0xf0: {  	s21 =	sand.u32 @!p0 $0xFF, s20;
	[sflag:s17] =	ssyncset.done $0x0  }
0xf1: {  	s29 =	sadd.s32 $0x1C00, s24;
	s21 =	smul.u32 @!p0 $0x29, s21;
	[sflag:s17] =	ssyncadd.s32 $0xFFFFD800  }
0xf2: {  	[spmem:s3] =	stream.indirect.scatter.add.f32 [tilespmem:s16], [sflag:$0x6], $0x80, s29, s1, $0xb8;
	v63 =	vld [tilespmem:$0x0]  }
0xf3: {  	s21 =	sshrl.u32 @!p0 s21, $0xA  }
0xf4: {  	s22 =	sshll.u32 @!p0 s21, $0xC;
	s21 =	sand.u32 @!p0 $0x1, s21  }
0xf5: {  	s30 =	sand.u32 $0xFF, s20;
	s22 =	sadd.s32 @!p0 s5, s22;
	p1 =	seq.s32 @!p0 s21, $0x1  }
0xf6: {  	s21 =	simm.s32 @!p0 $0xC80;
	p1 =	por !p1, p0;
	s22 =	sshrl.u32 @!p0 s22, $0x3  }
0xf7: {  	s23 =	simm.s32 @!p0 $0x0;
	s21 =	simm.s32 @p1 $0x0;
	s22 =	sadd.s32 @!p0 s7, s22  }
0xf8: {  	[tilespmem:s21], [sflag:$0x7] =	stream.linear.gather @!p0 [hbm4b:s22+s23], $0xC80, $0x38;
	v63 =	vld [tilespmem:$0x0]  }
0xf9: {  	s21 =	smul.u32 $0x29, s30  }
0xfa: {  	s22 =	simm.s32 @!p0 $0x7  }
0xfb: {  	_ =	swait.ge @!p0 [sflag:s22], $0xC80;
	s21 =	sshrl.u32 s21, $0xB  }
0xfc: {  	[sflag:s22] =	ssyncset.done @!p0 $0x0;
	s21 =	smul.u32 $0x32, s21  }
.Ltmp4:
0xfd: {  	[sflag:s22] =	ssyncadd.s32 @!p0 $0xFFFFF380;
	(pc) =	sbr.rel .LBB2_4-.Ltmp4, $4  }
0xfe: {  	_ =	swait.ge [sflag:s15], $0x2800;
	s20 =	ssub.s32 s20, s21  }
0xff: {  	[sflag:s15] =	ssyncset.done $0x0;
	s20 =	sand.u32 $0xFF, s20  }
0x100: {  	s19 =	sadd.s32 $0x1, s19;
	[sflag:s15] =	ssyncadd.s32 $0xFFFFD800;
	s20 =	sshll.u32 s20, $0x7  }
0x101: {  	[tilespmem:s8], [sflag:$0x2] =	stream.indirect.gather [hbm4b:s6+s1], $0x80, s20, s1, $0xb8;
	v63 =	vld [tilespmem:$0x0]  }
.LBB2_7:
0x102: {  	_ =	sfence.sel $0x180000  }
0x103: {  	[bflag:$0x0] =	sbarrier.arrive $0xFFFF  }
0x104: {  	_ =	strace $0x9000004D  }
0x105: {  	s0 =	stileid.u32;
	[bflag:$0x2] =	sbarrier.arrive $0xFFFF  }
0x106: {  	p0 =	sne.s32 s0, $0x0;
	s0 =	rddreg [dreg:$0x3]  }
0x107: {  	s0 =	sadd.s32 @!p0 $0x100000, s0  }
0x108: {  	[sflag:s0] =	ssyncadd.tile.s32 @!p0 $0x1;
	_ =	shalt  }
.Lfunc_end2:
_tile_overlayer_lowered:
.L_overlay_start_2:
0x109: {  	(tag) =	ssettag $0x2  }
0x10a: {  	s0 =	rddreg [dreg:$0x0];
	s2 =	stileid.u32  }
0x10b: {  	s1 =	rddreg [dreg:$0x1];
	p0 =	sne.s32 s2, $0x0  }
0x10c: {  	s3 =	rddreg [dreg:$0x2];
	[bflag:$0x3] =	sbarrier.arrive $0xFFFF;
	s2 =	simm.s32 @!p0 $0x1C07  }
0x10d: {  	[timem:s3], [sflag:s2] =	dma.local @!p0 [hbm:s0], s1  }
0x10e: {  	s0 =	simm.s32 @!p0 $0x7  }
0x10f: {  	_ =	swait.ge @!p0 [sflag:s0], s1  }
0x110: {  	s1 =	ssub.s32 @!p0 $0x0, s1;
	[sflag:s0] =	ssyncset.done @!p0 $0x0  }
0x111: {  	[sflag:s0] =	ssyncadd.s32 @!p0 s1  }
0x112: {  	[bflag:$0x3] =	sbarrier.arrive $0xFFFF  }
0x113: {  	_ =	shalt  }

// kernel: kernel.8.cloned.1.call-start
scs
__scs_entry_jumppad:
0x0: {  	(pc) =	sbr.rel $0x88, $3  }
0x1: {  	(tag) =	ssettag $0x0;
	lr =	simm.s32 $0x1  }
0x2: {  	[smem:$0x3F9B] =	sst lr;
	_ =	strace $0xD0000000  }
0x3: {  	_ = 	snop  }
0x4: {  	_ = 	snop  }
0x5: {  	_ = 	snop  }
0x6: {  	_ = 	snop  }
0x7: {  	_ = 	snop  }
__scs_overlays_trampoline_lowered:
0x8: {  	[smem:$0x3FAA] =	sst s0  }
0x9: {  	[smem:$0x3FAB] =	sst s1  }
0xa: {  	[smem:$0x3FAC] =	sst s2  }
0xb: {  	[smem:$0x3FAD] =	sst s3  }
0xc: {  	[smem:$0x3FAE] =	sst s4  }
0xd: {  	[smem:$0x3FAF] =	sst s5  }
0xe: {  	[smem:$0x3FB0] =	sst s6  }
0xf: {  	[smem:$0x3FB1] =	sst s7  }
0x10: {  	[smem:$0x3FB2] =	sst s8  }
0x11: {  	[smem:$0x3FB3] =	sst s9;
	s0 =	simm.s32 @!p0 $0x0  }
0x12: {  	s1 =	sld [smem:$0x3F99];
	s0 =	simm.s32 @p0 $0x1  }
0x13: {  	[smem:$0x3FB4] =	sst s0;
	s0 =	simm.s32 @!p1 $0x0  }
0x14: {  	s2 =	sld [smem:$0x3F98];
	s0 =	simm.s32 @p1 $0x1  }
0x15: {  	[smem:$0x3FB5] =	sst s0;
	s0 =	simm.s32 @!p2 $0x0  }
0x16: {  	s3 =	sld [smem:$0x3FDB];
	s0 =	simm.s32 @p2 $0x1  }
0x17: {  	s4 =	simm.s32 $0x1BF5;
	[smem:$0x3FB7] =	sst s0  }
0x18: {  	s0 =	sld [smem:$0x3F9A];
	_ =	swait.ge [sflag:s4], $0x0  }
0x19: {  	s7 =	sld [smem:$0x3F9B]  }
0x1a: {  	s8 =	sadd.s32 $0xFFFFE003, lr  }
0x1b: {  	s9 =	sadd.s32 $0xFFFFFEF7, lr;
	s5 =	simm.s32 $0xFFFFFFFF;
	p2 =	slt.u32 s8, $0xFFFFF086  }
0x1c: {  	p1 =	slt.u32 s9, $0xF7A;
	s5 =	simm.s32 @!p2 $0x0  }
0x1d: {  	s5 =	simm.s32 @p1 $0x1;
	p0 =	seq.s32 s7, s2  }
0x1e: {  	s7 =	smul.u32 @!p0 $0xF7A, s2;
	p2 =	seq.s32 @!p0 s5, $0x0  }
0x1f: {  	s9 =	smul.u32 $0xF7A, s1;
	s8 =	simm.s32 @!p0 $0x1BF5;
	p2 =	por !p2, p0  }
0x20: {  	[sflag:s8] =	ssyncset.s32 @!p0 $0xFFFFF086;
	s6 =	sadd.s32 @!p0 s3, s7;
	s7 =	simm.s32 @!p0 $0x108  }
0x21: {  	s3 =	sadd.s32 s3, s9;
	s6 =	sadd.s32 @!p0 $0x88, s6;
	s7 =	simm.s32 @p2 $0x1082  }
0x22: {  	[simem:s7], [sflag:s8] =	dma.local @!p0 [hbm:s6], $0xF7A  }
0x23: {  	s9 =	sor.u32 $0xD0000000, s2;
	s6 =	simm.s32 $0x108;
	_ =	swait.ge @!p0 [sflag:s8], $0x0  }
0x24: {  	s3 =	sadd.s32 $0x88, s3;
	s6 =	simm.s32 @!p1 $0x1082;
	[sflag:s4] =	ssyncset.s32 $0xFFFFF086  }
0x25: {  	[simem:s6], [sflag:s4] =	dma.local [hbm:s3], $0xF7A  }
0x26: {  	[smem:$0x3F9B] =	sst s1;
	(tag) =	ssettag s2;
	_ =	strace s9  }
0x27: {  	s1 =	sld [smem:$0x3FAB]  }
0x28: {  	s2 =	sld [smem:$0x3FAC]  }
0x29: {  	s4 =	sld [smem:$0x3FAE]  }
0x2a: {  	p0 =	seq.s32 s5, $0x0;
	s5 =	sld [smem:$0x3FAF]  }
0x2b: {  	s6 =	sld [smem:$0x3FB0]  }
0x2c: {  	s7 =	sld [smem:$0x3FB1]  }
0x2d: {  	s3 =	simm.s32 $0x108;
	s8 =	sld [smem:$0x3FB2]  }
0x2e: {  	s3 =	simm.s32 @!p0 $0x1082;
	s9 =	sld [smem:$0x3FB3]  }
0x2f: {  	lr =	sadd.s32 s0, s3;
	s0 =	sld [smem:$0x3FAA]  }
0x30: {  	s3 =	sld [smem:$0x3FAD]  }
0x31: {  	[smem:$0x3FB6] =	sst s10  }
0x32: {  	s10 =	sld [smem:$0x3FB4];
	_ =	sdelay $0x3  }
0x33: {  	p0 =	seq.s32 s10, $0x1;
	s10 =	sld [smem:$0x3FB6];
	_ =	sdelay $0x3  }
0x34: {  	[smem:$0x3FB6] =	sst s10  }
0x35: {  	s10 =	sld [smem:$0x3FB5];
	_ =	sdelay $0x3  }
0x36: {  	p1 =	seq.s32 s10, $0x1;
	s10 =	sld [smem:$0x3FB6];
	_ =	sdelay $0x3  }
0x37: {  	[smem:$0x3FB6] =	sst s10  }
0x38: {  	s10 =	sld [smem:$0x3FB7]  }
0x39: {  	_ = 	snop;
	(pc) =	sbr.ind lr, $3  }
0x3a: {  	_ = 	snop  }
0x3b: {  	_ = 	snop  }
0x3c: {  	p2 =	seq.s32 s10, $0x1;
	s10 =	sld [smem:$0x3FB6]  }
0x3d: {  	_ =	shalt  }
0x3e: {  	_ =	shalt  }
0x3f: {  	_ =	shalt  }
0x40: {  	_ =	shalt  }
0x41: {  	_ =	shalt  }
0x42: {  	_ =	shalt  }
0x43: {  	_ =	shalt  }
0x44: {  	_ =	shalt  }
0x45: {  	_ =	shalt  }
0x46: {  	_ =	shalt  }
0x47: {  	_ =	shalt  }
0x48: {  	_ =	shalt  }
0x49: {  	_ =	shalt  }
0x4a: {  	_ =	shalt  }
0x4b: {  	_ =	shalt  }
0x4c: {  	_ =	shalt  }
0x4d: {  	_ =	shalt  }
0x4e: {  	_ =	shalt  }
0x4f: {  	_ =	shalt  }
0x50: {  	_ =	shalt  }
0x51: {  	_ =	shalt  }
0x52: {  	_ =	shalt  }
0x53: {  	_ =	shalt  }
0x54: {  	_ =	shalt  }
0x55: {  	_ =	shalt  }
0x56: {  	_ =	shalt  }
0x57: {  	_ =	shalt  }
0x58: {  	_ =	shalt  }
0x59: {  	_ =	shalt  }
0x5a: {  	_ =	shalt  }
0x5b: {  	_ =	shalt  }
0x5c: {  	_ =	shalt  }
0x5d: {  	_ =	shalt  }
0x5e: {  	_ =	shalt  }
0x5f: {  	_ =	shalt  }
0x60: {  	_ =	shalt  }
0x61: {  	_ =	shalt  }
0x62: {  	_ =	shalt  }
0x63: {  	_ =	shalt  }
0x64: {  	_ =	shalt  }
0x65: {  	_ =	shalt  }
0x66: {  	_ =	shalt  }
0x67: {  	_ =	shalt  }
0x68: {  	_ =	shalt  }
0x69: {  	_ =	shalt  }
0x6a: {  	_ =	shalt  }
0x6b: {  	_ =	shalt  }
0x6c: {  	_ =	shalt  }
0x6d: {  	_ =	shalt  }
0x6e: {  	_ =	shalt  }
0x6f: {  	_ =	shalt  }
0x70: {  	_ =	shalt  }
0x71: {  	_ =	shalt  }
0x72: {  	_ =	shalt  }
0x73: {  	_ =	shalt  }
0x74: {  	_ =	shalt  }
0x75: {  	_ =	shalt  }
0x76: {  	_ =	shalt  }
0x77: {  	_ =	shalt  }
0x78: {  	_ =	shalt  }
0x79: {  	_ =	shalt  }
0x7a: {  	_ =	shalt  }
0x7b: {  	_ =	shalt  }
0x7c: {  	_ =	shalt  }
0x7d: {  	_ =	shalt  }
0x7e: {  	_ =	shalt  }
0x7f: {  	_ =	shalt  }
0x80: {  	_ =	shalt  }
0x81: {  	_ =	shalt  }
0x82: {  	_ =	shalt  }
0x83: {  	_ =	shalt  }
0x84: {  	_ =	shalt  }
0x85: {  	_ =	shalt  }
0x86: {  	_ =	shalt  }
0x87: {  	_ =	shalt  }
.Lfunc_end0:
.L_simem_size_0:
called_computation_lowered:
.L_overlay_start_0:
0x88: {  	s2 =	sld [smem:$0x3FD9]  }
0x89: {  	s3 =	sld [smem:$0x3FFE];
	_ =	sdelay $0x1  }
0x8a: {  	s1 =	srdreg.scid  }
0x8b: {  	s0 =	sand.u32 $0x1, s1  }
0x8c: {  	s17 =	sshll.u32 s0, $0xA;
	s2 =	sadd.s32 s3, s2  }
0x8d: {  	s2 =	sadd.s32 s2, s17  }
0x8e: {  	[smem:$0x3FC2] =	sst s2  }
0x8f: {  	_ = 	snop  }
0x90: {  	s2 =	sld [smem:$0x3FD0];
	(tm) =	ssettm $0x1  }
0x91: {  	s18 =	sld [smem:$0x3FFB];
	_ =	sdelay $0x3  }
0x92: {  	_ =	strace s18  }
0x93: {  	s3 =	sld [smem:$0x3FFC];
	_ =	sdelay $0x3  }
0x94: {  	_ =	strace s3  }
0x95: {  	s3 =	sld [smem:$0x3FFD];
	_ =	sdelay $0x3  }
0x96: {  	_ =	strace s3  }
0x97: {  	_ =	strace $0x8FFFFFFF  }
0x98: {  	s19 =	sld [smem:$0x3FDB];
	_ =	sdelay $0x1  }
0x99: {  	s4 =	simm.s32 $_scs_section_size  }
0x9a: {  	s5 =	simm.s32 $_size__tile_overlayer_lowered;
	s6 =	simm.s32 $_tile_overlayer_lowered  }
0x9b: {  	s22 =	simm.s32 $0x1BFF;
	s21 =	sshll.u32 s6, $0x1;
	s3 =	sadd.s32 s4, s19  }
0x9c: {  	s7 =	simm.s32 $0x0;
	s20 =	sshll.u32 s5, $0x1;
	s5 =	sadd.s32 s21, s3  }
0x9d: {  	[timem:s7], [sflag:s22] =	dma.local [hbm:s5], s20  }
0x9e: {  	_ =	swait.ge [sflag:s22], s20  }
0x9f: {  	s4 =	ssub.s32 $0x0, s20;
	[sflag:s22] =	ssyncset.done $0x0  }
0xa0: {  	[sflag:s22] =	ssyncadd.s32 s4;
	_ =	sdelay $0x1  }
0xa1: {  	s23 =	simm.s32 $0x1B8B  }
0xa2: {  	_ =	swait.ge [sflag:s23], $0x1  }
0xa3: {  	[sflag:s23] =	ssyncset.done $0x0  }
0xa4: {  	s25 =	simm.s32 $0x1B8E;
	s24 =	sld [smem:$0x3FFE];
	[sflag:s23] =	ssyncadd.s32 $0xFFFFFFFF  }
0xa5: {  	s26 =	simm.s32 $execute0_lowered;
	[smem:$0x3FD2] =	sst s25  }
0xa6: {  	s5 =	sshll.u32 s26, $0x1;
	_ =	strace $0x80000046;
	[dreg:$0x1] =	wrdreg $0xFFFFFFFF  }
0xa7: {  	s28 =	simm.s32 $_size_execute0_lowered;
	s3 =	sadd.s32 s3, s5;
	[dreg:$0x0] =	wrdreg $0x0  }
0xa8: {  	s5 =	sshll.u32 s28, $0x1;
	[dreg:$0x2] =	wrdreg s3  }
0xa9: {  	[dreg:$0x3] =	wrdreg s5  }
0xaa: {  	[dreg:$0x4] =	wrdreg $0xC0  }
0xab: {  	_ =	task [dreg:s7], $0x5FFFF  }
0xac: {  	[dreg:$0x1] =	wrdreg $0xFFFFFFFF  }
0xad: {  	[dreg:$0x0] =	wrdreg $0x60  }
0xae: {  	[dreg:$0x2] =	wrdreg s2  }
0xaf: {  	[dreg:$0x3] =	wrdreg s24  }
0xb0: {  	[dreg:$0x4] =	wrdreg $0x1F000  }
0xb1: {  	[dreg:$0x5] =	wrdreg $0x9  }
0xb2: {  	_ =	task.clear_ibuf [dreg:s7], $0x6FFFF;
	_ =	strace $0x90000046  }
0xb3: {  	s29 =	simm.s32 $0x9;
	_ =	strace $0x80000048  }
0xb4: {  	_ =	swait.ge [sflag:s29], $0x1  }
0xb5: {  	[sflag:s29] =	ssyncadd.s32 $0xFFFFFFFF  }
0xb6: {  	_ =	strace $0x90000048  }
0xb7: {  	_ =	sfence  }
0xb8: {  	s30 =	sld [smem:$0x0];
	_ =	sdelay $0x2  }
0xb9: {  	s31 =	sshll.u32 s1, $0xD;
	s1 =	sshrl.u32 s1, $0x2  }
0xba: {  	s3 =	sand.u32 $0x4000, s31;
	s1 =	sadd.s32 s1, s30  }
0xbb: {  	s0 =	sor.u32 s3, s0;
	s1 =	sshll.u32 s1, $0x11  }
0xbc: {  	s0 =	sor.u32 s1, s0  }
0xbd: {  	s0 =	sadd.s32 $0x8F2B, s0  }
0xbe: {  	[sflag:s0] =	ssyncadd.remote.s32 $0x1  }
0xbf: {  	_ =	sfence.sel $0xFFFF  }
0xc0: {  	[dreg:$0x0] =	wrdreg $0xFFFFFFFF;
	(pc) =	sbr.abs _section_cstart, $3  }
0xc1: {  	[dreg:$0x1] =	wrdreg $0xFFFFFFFF  }
0xc2: {  	_ =	task.clear_ibuf [dreg:s7], $0x2FFFF;
	_ =	strace $0x9FFFFFFF  }
0xc3: {  	(tm) =	ssettm $0x7FFFFFFF  }
tec
execute0_lowered:
.L_overlay_start_1:
0x0: {  	(tag) =	ssettag $0x1  }
0x1: {  	s3 =	rddreg [dreg:$0x0]  }
0x2: {  	s0 =	rddreg [dreg:$0x1];
	s2 =	simm.s32 $0x0  }
0x3: {  	v0 =	vimm.f32 $1.000000000e+00;
	[smem:$0x7FF] =	sst s2  }
0x4: {  	s1 =	rddreg [dreg:$0x2];
	_ =	strace $0x80000047;
	[tilespmem:$0x1C20] =	vst v0  }
0x5: {  	[tilespmem:$0x1C30] =	vst v0  }
0x6: {  	v1 =	vimm.f32 $0.0e+00;
	[tilespmem:$0x1C40] =	vst v0  }
0x7: {  	[tilespmem:$0x1C80] =	vst v1  }
0x8: {  	[tilespmem:$0x1C90] =	vst v1  }
0x9: {  	[tilespmem:$0x1CA0] =	vst v1  }
0xa: {  	[tilespmem:$0x1CB0] =	vst v1  }
0xb: {  	[tilespmem:$0x1CC0] =	vst v1  }
0xc: {  	[tilespmem:$0x1CD0] =	vst v1  }
0xd: {  	[tilespmem:$0x1CE0] =	vst v1  }
0xe: {  	[tilespmem:$0x1CF0] =	vst v1  }
0xf: {  	[tilespmem:$0x1D00] =	vst v1  }
0x10: {  	[tilespmem:$0x1D10] =	vst v1  }
0x11: {  	[tilespmem:$0x1D20] =	vst v1  }
0x12: {  	[tilespmem:$0x1D30] =	vst v1  }
0x13: {  	[tilespmem:$0x1D40] =	vst v1  }
0x14: {  	[tilespmem:$0x1D50] =	vst v1  }
0x15: {  	[tilespmem:$0x1D60] =	vst v1  }
0x16: {  	[tilespmem:$0x1D70] =	vst v1  }
0x17: {  	[tilespmem:$0x1D80] =	vst v1  }
0x18: {  	[tilespmem:$0x1D90] =	vst v1  }
0x19: {  	[tilespmem:$0x1C00] =	vst v0  }
0x1a: {  	[tilespmem:$0x1EF0] =	vst v1  }
0x1b: {  	[tilespmem:$0x1EE0] =	vst v1  }
0x1c: {  	[tilespmem:$0x1ED0] =	vst v1  }
0x1d: {  	[tilespmem:$0x1EC0] =	vst v1  }
0x1e: {  	[tilespmem:$0x1EB0] =	vst v1  }
0x1f: {  	[tilespmem:$0x1EA0] =	vst v1  }
0x20: {  	[tilespmem:$0x1E90] =	vst v1  }
0x21: {  	[tilespmem:$0x1E80] =	vst v1  }
0x22: {  	[tilespmem:$0x1E70] =	vst v1  }
0x23: {  	s4 =	srdreg.scid;
	[tilespmem:$0x1E60] =	vst v1  }
0x24: {  	s6 =	sand.u32 $0x1, s4;
	[tilespmem:$0x1E50] =	vst v1  }
0x25: {  	s5 =	stileid.u32;
	s4 =	sshll.u32 s6, $0x4;
	[tilespmem:$0x1E40] =	vst v1  }
0x26: {  	[tilespmem:$0x1E30] =	vst v1;
	s4 =	sor.u32 s5, s4  }
0x27: {  	[tilespmem:$0x1E20] =	vst v1;
	s4 =	smul.u32 $0x5000, s4  }
0x28: {  	[tilespmem:$0x1E10] =	vst v1  }
0x29: {  	[dreg:$0xb] =	wrdreg s6;
	[tilespmem:$0x1E00] =	vst v1;
	s6 =	smul.u32 $0x2800, s6;
	s4 =	sshrl.u32 s4, $0x3  }
0x2a: {  	[tilespmem:$0x1DF0] =	vst v1;
	s5 =	smul.u32 $0x280, s5;
	s7 =	sadd.s32 s3, s4  }
0x2b: {  	[tilespmem:$0x1DE0] =	vst v1;
	s3 =	sadd.s32 $0x200, s7  }
0x2c: {  	[tilespmem:$0x1DD0] =	vst v1;
	s29 =	sadd.s32 s5, s6;
	s30 =	sadd.s32 $0x400, s7;
	[dreg:$0x4] =	wrdreg s3  }
0x2d: {  	[tilespmem:$0x1DC0] =	vst v1;
	s4 =	sshrl.u32 s29, $0x3;
	s31 =	sadd.s32 $0x600, s7;
	[dreg:$0x5] =	wrdreg s30  }
0x2e: {  	[tilespmem:$0x1DB0] =	vst v1;
	s0 =	sadd.s32 s4, s0;
	s4 =	sadd.s32 $0x800, s7;
	[dreg:$0x6] =	wrdreg s31  }
0x2f: {  	[tilespmem:$0x1DA0] =	vst v1;
	s6 =	simm.s32 $0x3;
	[dreg:$0x7] =	wrdreg s4;
	s0 =	sadd.s32 $0x1E00, s0  }
0x30: {  	[tilespmem:$0x1C10] =	vst v0;
	s31 =	sadd.s32 s5, s1;
	s5 =	simm.s32 $0x1C80;
	[dreg:$0x8] =	wrdreg s0  }
0x31: {  	[spmem:s31] =	stream.linear.scatter [tilespmem:s5], [sflag:$0x3], $0x280, $0x38;
	[tilespmem:$0x2180] =	vst v63  }
0x32: {  	_ =	swait.ge [sflag:s6], $0x280  }
0x33: {  	[sflag:s6] =	ssyncset.done $0x0  }
0x34: {  	[sflag:s6] =	ssyncadd.s32 $0xFFFFFD80  }
0x35: {  	[bflag:$0x0] =	sbarrier.arrive $0xFFFF  }
0x36: {  	[dreg:$0x9] =	wrdreg s7  }
0x37: {  	[tilespmem:s2], [sflag:$0x3] =	stream.linear.gather [hbm4b:s7+s2], $0xC80, $0x38;
	[tilespmem:$0x2180] =	vst v63  }
0x38: {  	_ =	swait.ge [sflag:s6], $0xC80  }
0x39: {  	[sflag:s6] =	ssyncset.done $0x0  }
0x3a: {  	s8 =	simm.s32 $0x50;
	s9 =	simm.s32 $0x1C00;
	[sflag:s6] =	ssyncadd.s32 $0xFFFFF380  }
0x3b: {  	[spmem:s1] =	stream.indirect.scatter.add.f32 [tilespmem:s9], [sflag:$0x1], $0x1, s2, s8, $0xb8;
	[tilespmem:$0x2180] =	vst v63  }
0x3c: {  	s7 =	simm.s32 $0x80  }
0x3d: {  	[spmem:s1] =	stream.indirect.scatter.add.f32 [tilespmem:s9], [sflag:$0x1], $0x1, s7, s8, $0xb8;
	[tilespmem:$0x2180] =	vst v63  }
0x3e: {  	s10 =	simm.s32 $0x100  }
0x3f: {  	[spmem:s1] =	stream.indirect.scatter.add.f32 [tilespmem:s9], [sflag:$0x1], $0x1, s10, s8, $0xb8;
	[tilespmem:$0x2180] =	vst v63  }
0x40: {  	s11 =	simm.s32 $0x180  }
0x41: {  	[spmem:s1] =	stream.indirect.scatter.add.f32 [tilespmem:s9], [sflag:$0x1], $0x1, s11, s8, $0xb8;
	[tilespmem:$0x2180] =	vst v63  }
0x42: {  	s12 =	simm.s32 $0x200  }
0x43: {  	[spmem:s1] =	stream.indirect.scatter.add.f32 [tilespmem:s9], [sflag:$0x1], $0x1, s12, s8, $0xb8;
	[tilespmem:$0x2180] =	vst v63  }
0x44: {  	s13 =	simm.s32 $0x280  }
0x45: {  	[spmem:s1] =	stream.indirect.scatter.add.f32 [tilespmem:s9], [sflag:$0x1], $0x1, s13, s8, $0xb8;
	[tilespmem:$0x2180] =	vst v63  }
0x46: {  	s14 =	simm.s32 $0x300  }
0x47: {  	[spmem:s1] =	stream.indirect.scatter.add.f32 [tilespmem:s9], [sflag:$0x1], $0x1, s14, s8, $0xb8;
	[tilespmem:$0x2180] =	vst v63  }
0x48: {  	s15 =	simm.s32 $0x380  }
0x49: {  	[spmem:s1] =	stream.indirect.scatter.add.f32 [tilespmem:s9], [sflag:$0x1], $0x1, s15, s8, $0xb8;
	[tilespmem:$0x2180] =	vst v63  }
0x4a: {  	s16 =	simm.s32 $0x400  }
0x4b: {  	[spmem:s1] =	stream.indirect.scatter.add.f32 [tilespmem:s9], [sflag:$0x1], $0x1, s16, s8, $0xb8;
	[tilespmem:$0x2180] =	vst v63  }
0x4c: {  	s17 =	simm.s32 $0x480  }
0x4d: {  	[spmem:s1] =	stream.indirect.scatter.add.f32 [tilespmem:s9], [sflag:$0x1], $0x1, s17, s8, $0xb8;
	[tilespmem:$0x2180] =	vst v63  }
0x4e: {  	s18 =	simm.s32 $0x500  }
0x4f: {  	[spmem:s1] =	stream.indirect.scatter.add.f32 [tilespmem:s9], [sflag:$0x1], $0x1, s18, s8, $0xb8;
	[tilespmem:$0x2180] =	vst v63  }
0x50: {  	s19 =	simm.s32 $0x580  }
0x51: {  	[spmem:s1] =	stream.indirect.scatter.add.f32 [tilespmem:s9], [sflag:$0x1], $0x1, s19, s8, $0xb8;
	[tilespmem:$0x2180] =	vst v63  }
0x52: {  	s20 =	simm.s32 $0x600  }
0x53: {  	[spmem:s1] =	stream.indirect.scatter.add.f32 [tilespmem:s9], [sflag:$0x1], $0x1, s20, s8, $0xb8;
	[tilespmem:$0x2180] =	vst v63  }
0x54: {  	s21 =	simm.s32 $0x680  }
0x55: {  	[spmem:s1] =	stream.indirect.scatter.add.f32 [tilespmem:s9], [sflag:$0x1], $0x1, s21, s8, $0xb8;
	[tilespmem:$0x2180] =	vst v63  }
0x56: {  	s22 =	simm.s32 $0x700  }
0x57: {  	[spmem:s1] =	stream.indirect.scatter.add.f32 [tilespmem:s9], [sflag:$0x1], $0x1, s22, s8, $0xb8;
	[tilespmem:$0x2180] =	vst v63  }
0x58: {  	s23 =	simm.s32 $0x780  }
0x59: {  	[spmem:s1] =	stream.indirect.scatter.add.f32 [tilespmem:s9], [sflag:$0x1], $0x1, s23, s8, $0xb8;
	[tilespmem:$0x2180] =	vst v63  }
0x5a: {  	s24 =	simm.s32 $0x800  }
0x5b: {  	[spmem:s1] =	stream.indirect.scatter.add.f32 [tilespmem:s9], [sflag:$0x1], $0x1, s24, s8, $0xb8;
	[tilespmem:$0x2180] =	vst v63  }
0x5c: {  	s25 =	simm.s32 $0x880  }
0x5d: {  	[spmem:s1] =	stream.indirect.scatter.add.f32 [tilespmem:s9], [sflag:$0x1], $0x1, s25, s8, $0xb8;
	[tilespmem:$0x2180] =	vst v63  }
0x5e: {  	s26 =	simm.s32 $0x900  }
0x5f: {  	[spmem:s1] =	stream.indirect.scatter.add.f32 [tilespmem:s9], [sflag:$0x1], $0x1, s26, s8, $0xb8;
	[tilespmem:$0x2180] =	vst v63  }
0x60: {  	s28 =	simm.s32 $0x980  }
0x61: {  	[spmem:s1] =	stream.indirect.scatter.add.f32 [tilespmem:s9], [sflag:$0x1], $0x1, s28, s8, $0xb8;
	[tilespmem:$0x2180] =	vst v63  }
0x62: {  	s29 =	simm.s32 $0xA00  }
0x63: {  	[spmem:s1] =	stream.indirect.scatter.add.f32 [tilespmem:s9], [sflag:$0x1], $0x1, s29, s8, $0xb8;
	[tilespmem:$0x2180] =	vst v63  }
0x64: {  	s30 =	simm.s32 $0xA80  }
0x65: {  	[spmem:s1] =	stream.indirect.scatter.add.f32 [tilespmem:s9], [sflag:$0x1], $0x1, s30, s8, $0xb8;
	[tilespmem:$0x2180] =	vst v63  }
0x66: {  	s3 =	simm.s32 $0xB00  }
0x67: {  	[spmem:s1] =	stream.indirect.scatter.add.f32 [tilespmem:s9], [sflag:$0x1], $0x1, s3, s8, $0xb8;
	[tilespmem:$0x2180] =	vst v63  }
0x68: {  	s4 =	simm.s32 $0xB80  }
0x69: {  	[spmem:s1] =	stream.indirect.scatter.add.f32 [tilespmem:s9], [sflag:$0x1], $0x1, s4, s8, $0xb8;
	[tilespmem:$0x2180] =	vst v63  }
0x6a: {  	s5 =	simm.s32 $0xC00  }
0x6b: {  	[spmem:s1] =	stream.indirect.scatter.add.f32 [tilespmem:s9], [sflag:$0x1], $0x1, s5, s8, $0xb8;
	[tilespmem:$0x2180] =	vst v63  }
0x6c: {  	s0 =	simm.s32 $0xC80;
	s10 =	rddreg [dreg:$0x4]  }
0x6d: {  	[tilespmem:s0], [sflag:$0x3] =	stream.linear.gather [hbm4b:s10+s2], $0xC80, $0x38;
	[tilespmem:$0x2180] =	vst v63  }
0x6e: {  	_ =	swait.ge [sflag:s6], $0xC80  }
0x6f: {  	[sflag:s6] =	ssyncset.done $0x0  }
0x70: {  	[sflag:s6] =	ssyncadd.s32 $0xFFFFF380  }
0x71: {  	[spmem:s1] =	stream.indirect.scatter.add.f32 [tilespmem:s9], [sflag:$0x2], $0x1, s0, s8, $0xb8;
	[tilespmem:$0x2180] =	vst v63  }
0x72: {  	s7 =	simm.s32 $0xD00  }
0x73: {  	[spmem:s1] =	stream.indirect.scatter.add.f32 [tilespmem:s9], [sflag:$0x2], $0x1, s7, s8, $0xb8;
	[tilespmem:$0x2180] =	vst v63  }
0x74: {  	s10 =	simm.s32 $0xD80  }
0x75: {  	[spmem:s1] =	stream.indirect.scatter.add.f32 [tilespmem:s9], [sflag:$0x2], $0x1, s10, s8, $0xb8;
	[tilespmem:$0x2180] =	vst v63  }
0x76: {  	s11 =	simm.s32 $0xE00  }
0x77: {  	[spmem:s1] =	stream.indirect.scatter.add.f32 [tilespmem:s9], [sflag:$0x2], $0x1, s11, s8, $0xb8;
	[tilespmem:$0x2180] =	vst v63  }
0x78: {  	s30 =	simm.s32 $0xE80  }
0x79: {  	[spmem:s1] =	stream.indirect.scatter.add.f32 [tilespmem:s9], [sflag:$0x2], $0x1, s30, s8, $0xb8;
	[tilespmem:$0x2180] =	vst v63  }
0x7a: {  	s29 =	simm.s32 $0xF00  }
0x7b: {  	[spmem:s1] =	stream.indirect.scatter.add.f32 [tilespmem:s9], [sflag:$0x2], $0x1, s29, s8, $0xb8;
	[tilespmem:$0x2180] =	vst v63  }
0x7c: {  	s28 =	simm.s32 $0xF80  }
0x7d: {  	[spmem:s1] =	stream.indirect.scatter.add.f32 [tilespmem:s9], [sflag:$0x2], $0x1, s28, s8, $0xb8;
	[tilespmem:$0x2180] =	vst v63  }
0x7e: {  	s26 =	simm.s32 $0x1000  }
0x7f: {  	[spmem:s1] =	stream.indirect.scatter.add.f32 [tilespmem:s9], [sflag:$0x2], $0x1, s26, s8, $0xb8;
	[tilespmem:$0x2180] =	vst v63  }
0x80: {  	s25 =	simm.s32 $0x1080  }
0x81: {  	[spmem:s1] =	stream.indirect.scatter.add.f32 [tilespmem:s9], [sflag:$0x2], $0x1, s25, s8, $0xb8;
	[tilespmem:$0x2180] =	vst v63  }
0x82: {  	s24 =	simm.s32 $0x1100  }
0x83: {  	[spmem:s1] =	stream.indirect.scatter.add.f32 [tilespmem:s9], [sflag:$0x2], $0x1, s24, s8, $0xb8;
	[tilespmem:$0x2180] =	vst v63  }
0x84: {  	s23 =	simm.s32 $0x1180  }
0x85: {  	[spmem:s1] =	stream.indirect.scatter.add.f32 [tilespmem:s9], [sflag:$0x2], $0x1, s23, s8, $0xb8;
	[tilespmem:$0x2180] =	vst v63  }
0x86: {  	s22 =	simm.s32 $0x1200  }
0x87: {  	[spmem:s1] =	stream.indirect.scatter.add.f32 [tilespmem:s9], [sflag:$0x2], $0x1, s22, s8, $0xb8;
	[tilespmem:$0x2180] =	vst v63  }
0x88: {  	s21 =	simm.s32 $0x1280  }
0x89: {  	[spmem:s1] =	stream.indirect.scatter.add.f32 [tilespmem:s9], [sflag:$0x2], $0x1, s21, s8, $0xb8;
	[tilespmem:$0x2180] =	vst v63  }
0x8a: {  	s20 =	simm.s32 $0x1300  }
0x8b: {  	[spmem:s1] =	stream.indirect.scatter.add.f32 [tilespmem:s9], [sflag:$0x2], $0x1, s20, s8, $0xb8;
	[tilespmem:$0x2180] =	vst v63  }
0x8c: {  	s19 =	simm.s32 $0x1380  }
0x8d: {  	[spmem:s1] =	stream.indirect.scatter.add.f32 [tilespmem:s9], [sflag:$0x2], $0x1, s19, s8, $0xb8;
	[tilespmem:$0x2180] =	vst v63  }
0x8e: {  	s18 =	simm.s32 $0x1400  }
0x8f: {  	[spmem:s1] =	stream.indirect.scatter.add.f32 [tilespmem:s9], [sflag:$0x2], $0x1, s18, s8, $0xb8;
	[tilespmem:$0x2180] =	vst v63  }
0x90: {  	s17 =	simm.s32 $0x1480  }
0x91: {  	[spmem:s1] =	stream.indirect.scatter.add.f32 [tilespmem:s9], [sflag:$0x2], $0x1, s17, s8, $0xb8;
	[tilespmem:$0x2180] =	vst v63  }
0x92: {  	s16 =	simm.s32 $0x1500  }
0x93: {  	[spmem:s1] =	stream.indirect.scatter.add.f32 [tilespmem:s9], [sflag:$0x2], $0x1, s16, s8, $0xb8;
	[tilespmem:$0x2180] =	vst v63  }
0x94: {  	s15 =	simm.s32 $0x1580  }
0x95: {  	[spmem:s1] =	stream.indirect.scatter.add.f32 [tilespmem:s9], [sflag:$0x2], $0x1, s15, s8, $0xb8;
	[tilespmem:$0x2180] =	vst v63  }
0x96: {  	s14 =	simm.s32 $0x1600  }
0x97: {  	[spmem:s1] =	stream.indirect.scatter.add.f32 [tilespmem:s9], [sflag:$0x2], $0x1, s14, s8, $0xb8;
	[tilespmem:$0x2180] =	vst v63  }
0x98: {  	s13 =	simm.s32 $0x1680  }
0x99: {  	[spmem:s1] =	stream.indirect.scatter.add.f32 [tilespmem:s9], [sflag:$0x2], $0x1, s13, s8, $0xb8;
	[tilespmem:$0x2180] =	vst v63  }
0x9a: {  	s7 =	simm.s32 $0x1700  }
0x9b: {  	[spmem:s1] =	stream.indirect.scatter.add.f32 [tilespmem:s9], [sflag:$0x2], $0x1, s7, s8, $0xb8;
	[tilespmem:$0x2180] =	vst v63  }
0x9c: {  	s5 =	simm.s32 $0x1780  }
0x9d: {  	[spmem:s1] =	stream.indirect.scatter.add.f32 [tilespmem:s9], [sflag:$0x2], $0x1, s5, s8, $0xb8;
	[tilespmem:$0x2180] =	vst v63  }
0x9e: {  	s4 =	simm.s32 $0x1800  }
0x9f: {  	[spmem:s1] =	stream.indirect.scatter.add.f32 [tilespmem:s9], [sflag:$0x2], $0x1, s4, s8, $0xb8;
	[tilespmem:$0x2180] =	vst v63  }
0xa0: {  	s3 =	simm.s32 $0x1880;
	s10 =	simm.s32 $0x1  }
0xa1: {  	[spmem:s1] =	stream.indirect.scatter.add.f32 [tilespmem:s9], [sflag:$0x2], $0x1, s3, s8, $0xb8;
	[tilespmem:$0x2180] =	vst v63  }
0xa2: {  	_ =	swait.ge [sflag:s10], $0x50  }
0xa3: {  	[sflag:s10] =	ssyncset.done $0x0  }
0xa4: {  	[sflag:s10] =	ssyncadd.s32 $0xFFFFFFB0  }
0xa5: {  	_ =	swait.ge [sflag:s10], $0x50  }
0xa6: {  	[sflag:s10] =	ssyncset.done $0x0  }
0xa7: {  	[sflag:s10] =	ssyncadd.s32 $0xFFFFFFB0  }
0xa8: {  	_ =	swait.ge [sflag:s10], $0x50  }
0xa9: {  	[sflag:s10] =	ssyncset.done $0x0  }
0xaa: {  	[sflag:s10] =	ssyncadd.s32 $0xFFFFFFB0  }
0xab: {  	_ =	swait.ge [sflag:s10], $0x50  }
0xac: {  	[sflag:s10] =	ssyncset.done $0x0  }
0xad: {  	[sflag:s10] =	ssyncadd.s32 $0xFFFFFFB0  }
0xae: {  	_ =	swait.ge [sflag:s10], $0x50  }
0xaf: {  	[sflag:s10] =	ssyncset.done $0x0  }
0xb0: {  	[sflag:s10] =	ssyncadd.s32 $0xFFFFFFB0  }
0xb1: {  	_ =	swait.ge [sflag:s10], $0x50  }
0xb2: {  	[sflag:s10] =	ssyncset.done $0x0  }
0xb3: {  	[sflag:s10] =	ssyncadd.s32 $0xFFFFFFB0  }
0xb4: {  	_ =	swait.ge [sflag:s10], $0x50  }
0xb5: {  	[sflag:s10] =	ssyncset.done $0x0  }
0xb6: {  	[sflag:s10] =	ssyncadd.s32 $0xFFFFFFB0  }
0xb7: {  	_ =	swait.ge [sflag:s10], $0x50  }
0xb8: {  	[sflag:s10] =	ssyncset.done $0x0  }
0xb9: {  	[sflag:s10] =	ssyncadd.s32 $0xFFFFFFB0  }
0xba: {  	_ =	swait.ge [sflag:s10], $0x50  }
0xbb: {  	[sflag:s10] =	ssyncset.done $0x0  }
0xbc: {  	[sflag:s10] =	ssyncadd.s32 $0xFFFFFFB0  }
0xbd: {  	_ =	swait.ge [sflag:s10], $0x50  }
0xbe: {  	[sflag:s10] =	ssyncset.done $0x0  }
0xbf: {  	[sflag:s10] =	ssyncadd.s32 $0xFFFFFFB0  }
0xc0: {  	_ =	swait.ge [sflag:s10], $0x50  }
0xc1: {  	[sflag:s10] =	ssyncset.done $0x0  }
0xc2: {  	[sflag:s10] =	ssyncadd.s32 $0xFFFFFFB0  }
0xc3: {  	_ =	swait.ge [sflag:s10], $0x50  }
0xc4: {  	[sflag:s10] =	ssyncset.done $0x0  }
0xc5: {  	[sflag:s10] =	ssyncadd.s32 $0xFFFFFFB0  }
0xc6: {  	_ =	swait.ge [sflag:s10], $0x50  }
0xc7: {  	[sflag:s10] =	ssyncset.done $0x0  }
0xc8: {  	[sflag:s10] =	ssyncadd.s32 $0xFFFFFFB0  }
0xc9: {  	_ =	swait.ge [sflag:s10], $0x50  }
0xca: {  	[sflag:s10] =	ssyncset.done $0x0  }
0xcb: {  	[sflag:s10] =	ssyncadd.s32 $0xFFFFFFB0  }
0xcc: {  	_ =	swait.ge [sflag:s10], $0x50  }
0xcd: {  	[sflag:s10] =	ssyncset.done $0x0  }
0xce: {  	[sflag:s10] =	ssyncadd.s32 $0xFFFFFFB0  }
0xcf: {  	_ =	swait.ge [sflag:s10], $0x50  }
0xd0: {  	[sflag:s10] =	ssyncset.done $0x0  }
0xd1: {  	[sflag:s10] =	ssyncadd.s32 $0xFFFFFFB0  }
0xd2: {  	_ =	swait.ge [sflag:s10], $0x50  }
0xd3: {  	[sflag:s10] =	ssyncset.done $0x0  }
0xd4: {  	[sflag:s10] =	ssyncadd.s32 $0xFFFFFFB0  }
0xd5: {  	_ =	swait.ge [sflag:s10], $0x50  }
0xd6: {  	[sflag:s10] =	ssyncset.done $0x0  }
0xd7: {  	[sflag:s10] =	ssyncadd.s32 $0xFFFFFFB0  }
0xd8: {  	_ =	swait.ge [sflag:s10], $0x50  }
0xd9: {  	[sflag:s10] =	ssyncset.done $0x0  }
0xda: {  	[sflag:s10] =	ssyncadd.s32 $0xFFFFFFB0  }
0xdb: {  	_ =	swait.ge [sflag:s10], $0x50  }
0xdc: {  	[sflag:s10] =	ssyncset.done $0x0  }
0xdd: {  	[sflag:s10] =	ssyncadd.s32 $0xFFFFFFB0  }
0xde: {  	_ =	swait.ge [sflag:s10], $0x50  }
0xdf: {  	[sflag:s10] =	ssyncset.done $0x0  }
0xe0: {  	[sflag:s10] =	ssyncadd.s32 $0xFFFFFFB0  }
0xe1: {  	_ =	swait.ge [sflag:s10], $0x50  }
0xe2: {  	[sflag:s10] =	ssyncset.done $0x0  }
0xe3: {  	[sflag:s10] =	ssyncadd.s32 $0xFFFFFFB0  }
0xe4: {  	_ =	swait.ge [sflag:s10], $0x50  }
0xe5: {  	[sflag:s10] =	ssyncset.done $0x0  }
0xe6: {  	[sflag:s10] =	ssyncadd.s32 $0xFFFFFFB0  }
0xe7: {  	_ =	swait.ge [sflag:s10], $0x50  }
0xe8: {  	[sflag:s10] =	ssyncset.done $0x0  }
0xe9: {  	[sflag:s10] =	ssyncadd.s32 $0xFFFFFFB0  }
0xea: {  	_ =	swait.ge [sflag:s10], $0x50  }
0xeb: {  	[sflag:s10] =	ssyncset.done $0x0  }
0xec: {  	s11 =	rddreg [dreg:$0x5];
	[sflag:s10] =	ssyncadd.s32 $0xFFFFFFB0  }
0xed: {  	[tilespmem:s2], [sflag:$0x3] =	stream.linear.gather [hbm4b:s11+s2], $0xC80, $0x38;
	[tilespmem:$0x2180] =	vst v63  }
0xee: {  	_ =	swait.ge [sflag:s6], $0xC80  }
0xef: {  	[sflag:s6] =	ssyncset.done $0x0  }
0xf0: {  	[sflag:s6] =	ssyncadd.s32 $0xFFFFF380  }
0xf1: {  	[spmem:s1] =	stream.indirect.scatter.add.f32 [tilespmem:s9], [sflag:$0x1], $0x1, s2, s8, $0xb8;
	[tilespmem:$0x2180] =	vst v63  }
0xf2: {  	s11 =	simm.s32 $0x80  }
0xf3: {  	[spmem:s1] =	stream.indirect.scatter.add.f32 [tilespmem:s9], [sflag:$0x1], $0x1, s11, s8, $0xb8;
	[tilespmem:$0x2180] =	vst v63  }
0xf4: {  	s11 =	simm.s32 $0x100  }
0xf5: {  	[spmem:s1] =	stream.indirect.scatter.add.f32 [tilespmem:s9], [sflag:$0x1], $0x1, s11, s8, $0xb8;
	[tilespmem:$0x2180] =	vst v63  }
0xf6: {  	s11 =	simm.s32 $0x180  }
0xf7: {  	[spmem:s1] =	stream.indirect.scatter.add.f32 [tilespmem:s9], [sflag:$0x1], $0x1, s11, s8, $0xb8;
	[tilespmem:$0x2180] =	vst v63  }
0xf8: {  	s11 =	simm.s32 $0x200  }
0xf9: {  	[spmem:s1] =	stream.indirect.scatter.add.f32 [tilespmem:s9], [sflag:$0x1], $0x1, s11, s8, $0xb8;
	[tilespmem:$0x2180] =	vst v63  }
0xfa: {  	s11 =	simm.s32 $0x280  }
0xfb: {  	[spmem:s1] =	stream.indirect.scatter.add.f32 [tilespmem:s9], [sflag:$0x1], $0x1, s11, s8, $0xb8;
	[tilespmem:$0x2180] =	vst v63  }
0xfc: {  	s11 =	simm.s32 $0x300  }
0xfd: {  	[spmem:s1] =	stream.indirect.scatter.add.f32 [tilespmem:s9], [sflag:$0x1], $0x1, s11, s8, $0xb8;
	[tilespmem:$0x2180] =	vst v63  }
0xfe: {  	s11 =	simm.s32 $0x380  }
0xff: {  	[spmem:s1] =	stream.indirect.scatter.add.f32 [tilespmem:s9], [sflag:$0x1], $0x1, s11, s8, $0xb8;
	[tilespmem:$0x2180] =	vst v63  }
0x100: {  	s11 =	simm.s32 $0x400  }
0x101: {  	[spmem:s1] =	stream.indirect.scatter.add.f32 [tilespmem:s9], [sflag:$0x1], $0x1, s11, s8, $0xb8;
	[tilespmem:$0x2180] =	vst v63  }
0x102: {  	s11 =	simm.s32 $0x480  }
0x103: {  	[spmem:s1] =	stream.indirect.scatter.add.f32 [tilespmem:s9], [sflag:$0x1], $0x1, s11, s8, $0xb8;
	[tilespmem:$0x2180] =	vst v63  }
0x104: {  	s11 =	simm.s32 $0x500  }
0x105: {  	[spmem:s1] =	stream.indirect.scatter.add.f32 [tilespmem:s9], [sflag:$0x1], $0x1, s11, s8, $0xb8;
	[tilespmem:$0x2180] =	vst v63  }
0x106: {  	s11 =	simm.s32 $0x580  }
0x107: {  	[spmem:s1] =	stream.indirect.scatter.add.f32 [tilespmem:s9], [sflag:$0x1], $0x1, s11, s8, $0xb8;
	[tilespmem:$0x2180] =	vst v63  }
0x108: {  	s11 =	simm.s32 $0x600  }
0x109: {  	[spmem:s1] =	stream.indirect.scatter.add.f32 [tilespmem:s9], [sflag:$0x1], $0x1, s11, s8, $0xb8;
	[tilespmem:$0x2180] =	vst v63  }
0x10a: {  	s11 =	simm.s32 $0x680  }
0x10b: {  	[spmem:s1] =	stream.indirect.scatter.add.f32 [tilespmem:s9], [sflag:$0x1], $0x1, s11, s8, $0xb8;
	[tilespmem:$0x2180] =	vst v63  }
0x10c: {  	s11 =	simm.s32 $0x700  }
0x10d: {  	[spmem:s1] =	stream.indirect.scatter.add.f32 [tilespmem:s9], [sflag:$0x1], $0x1, s11, s8, $0xb8;
	[tilespmem:$0x2180] =	vst v63  }
0x10e: {  	s11 =	simm.s32 $0x780  }
0x10f: {  	[spmem:s1] =	stream.indirect.scatter.add.f32 [tilespmem:s9], [sflag:$0x1], $0x1, s11, s8, $0xb8;
	[tilespmem:$0x2180] =	vst v63  }
0x110: {  	s11 =	simm.s32 $0x800  }
0x111: {  	[spmem:s1] =	stream.indirect.scatter.add.f32 [tilespmem:s9], [sflag:$0x1], $0x1, s11, s8, $0xb8;
	[tilespmem:$0x2180] =	vst v63  }
0x112: {  	s11 =	simm.s32 $0x880  }
0x113: {  	[spmem:s1] =	stream.indirect.scatter.add.f32 [tilespmem:s9], [sflag:$0x1], $0x1, s11, s8, $0xb8;
	[tilespmem:$0x2180] =	vst v63  }
0x114: {  	s11 =	simm.s32 $0x900  }
0x115: {  	[spmem:s1] =	stream.indirect.scatter.add.f32 [tilespmem:s9], [sflag:$0x1], $0x1, s11, s8, $0xb8;
	[tilespmem:$0x2180] =	vst v63  }
0x116: {  	s11 =	simm.s32 $0x980  }
0x117: {  	[spmem:s1] =	stream.indirect.scatter.add.f32 [tilespmem:s9], [sflag:$0x1], $0x1, s11, s8, $0xb8;
	[tilespmem:$0x2180] =	vst v63  }
0x118: {  	s11 =	simm.s32 $0xA00  }
0x119: {  	[spmem:s1] =	stream.indirect.scatter.add.f32 [tilespmem:s9], [sflag:$0x1], $0x1, s11, s8, $0xb8;
	[tilespmem:$0x2180] =	vst v63  }
0x11a: {  	s11 =	simm.s32 $0xA80  }
0x11b: {  	[spmem:s1] =	stream.indirect.scatter.add.f32 [tilespmem:s9], [sflag:$0x1], $0x1, s11, s8, $0xb8;
	[tilespmem:$0x2180] =	vst v63  }
0x11c: {  	s11 =	simm.s32 $0xB00  }
0x11d: {  	[spmem:s1] =	stream.indirect.scatter.add.f32 [tilespmem:s9], [sflag:$0x1], $0x1, s11, s8, $0xb8;
	[tilespmem:$0x2180] =	vst v63  }
0x11e: {  	s11 =	simm.s32 $0xB80  }
0x11f: {  	[spmem:s1] =	stream.indirect.scatter.add.f32 [tilespmem:s9], [sflag:$0x1], $0x1, s11, s8, $0xb8;
	[tilespmem:$0x2180] =	vst v63  }
0x120: {  	s12 =	simm.s32 $0xC00;
	s11 =	simm.s32 $0x2  }
0x121: {  	[spmem:s1] =	stream.indirect.scatter.add.f32 [tilespmem:s9], [sflag:$0x1], $0x1, s12, s8, $0xb8;
	[tilespmem:$0x2180] =	vst v63  }
0x122: {  	_ =	swait.ge [sflag:s11], $0x50  }
0x123: {  	[sflag:s11] =	ssyncset.done $0x0  }
0x124: {  	[sflag:s11] =	ssyncadd.s32 $0xFFFFFFB0  }
0x125: {  	_ =	swait.ge [sflag:s11], $0x50  }
0x126: {  	[sflag:s11] =	ssyncset.done $0x0  }
0x127: {  	[sflag:s11] =	ssyncadd.s32 $0xFFFFFFB0  }
0x128: {  	_ =	swait.ge [sflag:s11], $0x50  }
0x129: {  	[sflag:s11] =	ssyncset.done $0x0  }
0x12a: {  	[sflag:s11] =	ssyncadd.s32 $0xFFFFFFB0  }
0x12b: {  	_ =	swait.ge [sflag:s11], $0x50  }
0x12c: {  	[sflag:s11] =	ssyncset.done $0x0  }
0x12d: {  	[sflag:s11] =	ssyncadd.s32 $0xFFFFFFB0  }
0x12e: {  	_ =	swait.ge [sflag:s11], $0x50  }
0x12f: {  	[sflag:s11] =	ssyncset.done $0x0  }
0x130: {  	[sflag:s11] =	ssyncadd.s32 $0xFFFFFFB0  }
0x131: {  	_ =	swait.ge [sflag:s11], $0x50  }
0x132: {  	[sflag:s11] =	ssyncset.done $0x0  }
0x133: {  	[sflag:s11] =	ssyncadd.s32 $0xFFFFFFB0  }
0x134: {  	_ =	swait.ge [sflag:s11], $0x50  }
0x135: {  	[sflag:s11] =	ssyncset.done $0x0  }
0x136: {  	[sflag:s11] =	ssyncadd.s32 $0xFFFFFFB0  }
0x137: {  	_ =	swait.ge [sflag:s11], $0x50  }
0x138: {  	[sflag:s11] =	ssyncset.done $0x0  }
0x139: {  	[sflag:s11] =	ssyncadd.s32 $0xFFFFFFB0  }
0x13a: {  	_ =	swait.ge [sflag:s11], $0x50  }
0x13b: {  	[sflag:s11] =	ssyncset.done $0x0  }
0x13c: {  	[sflag:s11] =	ssyncadd.s32 $0xFFFFFFB0  }
0x13d: {  	_ =	swait.ge [sflag:s11], $0x50  }
0x13e: {  	[sflag:s11] =	ssyncset.done $0x0  }
0x13f: {  	[sflag:s11] =	ssyncadd.s32 $0xFFFFFFB0  }
0x140: {  	_ =	swait.ge [sflag:s11], $0x50  }
0x141: {  	[sflag:s11] =	ssyncset.done $0x0  }
0x142: {  	[sflag:s11] =	ssyncadd.s32 $0xFFFFFFB0  }
0x143: {  	_ =	swait.ge [sflag:s11], $0x50  }
0x144: {  	[sflag:s11] =	ssyncset.done $0x0  }
0x145: {  	[sflag:s11] =	ssyncadd.s32 $0xFFFFFFB0  }
0x146: {  	_ =	swait.ge [sflag:s11], $0x50  }
0x147: {  	[sflag:s11] =	ssyncset.done $0x0  }
0x148: {  	[sflag:s11] =	ssyncadd.s32 $0xFFFFFFB0  }
0x149: {  	_ =	swait.ge [sflag:s11], $0x50  }
0x14a: {  	[sflag:s11] =	ssyncset.done $0x0  }
0x14b: {  	[sflag:s11] =	ssyncadd.s32 $0xFFFFFFB0  }
0x14c: {  	_ =	swait.ge [sflag:s11], $0x50  }
0x14d: {  	[sflag:s11] =	ssyncset.done $0x0  }
0x14e: {  	[sflag:s11] =	ssyncadd.s32 $0xFFFFFFB0  }
0x14f: {  	_ =	swait.ge [sflag:s11], $0x50  }
0x150: {  	[sflag:s11] =	ssyncset.done $0x0  }
0x151: {  	[sflag:s11] =	ssyncadd.s32 $0xFFFFFFB0  }
0x152: {  	_ =	swait.ge [sflag:s11], $0x50  }
0x153: {  	[sflag:s11] =	ssyncset.done $0x0  }
0x154: {  	[sflag:s11] =	ssyncadd.s32 $0xFFFFFFB0  }
0x155: {  	_ =	swait.ge [sflag:s11], $0x50  }
0x156: {  	[sflag:s11] =	ssyncset.done $0x0  }
0x157: {  	[sflag:s11] =	ssyncadd.s32 $0xFFFFFFB0  }
0x158: {  	_ =	swait.ge [sflag:s11], $0x50  }
0x159: {  	[sflag:s11] =	ssyncset.done $0x0  }
0x15a: {  	[sflag:s11] =	ssyncadd.s32 $0xFFFFFFB0  }
0x15b: {  	_ =	swait.ge [sflag:s11], $0x50  }
0x15c: {  	[sflag:s11] =	ssyncset.done $0x0  }
0x15d: {  	[sflag:s11] =	ssyncadd.s32 $0xFFFFFFB0  }
0x15e: {  	_ =	swait.ge [sflag:s11], $0x50  }
0x15f: {  	[sflag:s11] =	ssyncset.done $0x0  }
0x160: {  	[sflag:s11] =	ssyncadd.s32 $0xFFFFFFB0  }
0x161: {  	_ =	swait.ge [sflag:s11], $0x50  }
0x162: {  	[sflag:s11] =	ssyncset.done $0x0  }
0x163: {  	[sflag:s11] =	ssyncadd.s32 $0xFFFFFFB0  }
0x164: {  	_ =	swait.ge [sflag:s11], $0x50  }
0x165: {  	[sflag:s11] =	ssyncset.done $0x0  }
0x166: {  	[sflag:s11] =	ssyncadd.s32 $0xFFFFFFB0  }
0x167: {  	_ =	swait.ge [sflag:s11], $0x50  }
0x168: {  	[sflag:s11] =	ssyncset.done $0x0  }
0x169: {  	[sflag:s11] =	ssyncadd.s32 $0xFFFFFFB0  }
0x16a: {  	_ =	swait.ge [sflag:s11], $0x50  }
0x16b: {  	[sflag:s11] =	ssyncset.done $0x0  }
0x16c: {  	s12 =	rddreg [dreg:$0x6];
	[sflag:s11] =	ssyncadd.s32 $0xFFFFFFB0  }
0x16d: {  	[tilespmem:s0], [sflag:$0x3] =	stream.linear.gather [hbm4b:s12+s2], $0xC80, $0x38;
	[tilespmem:$0x2180] =	vst v63  }
0x16e: {  	_ =	swait.ge [sflag:s6], $0xC80  }
0x16f: {  	[sflag:s6] =	ssyncset.done $0x0  }
0x170: {  	[sflag:s6] =	ssyncadd.s32 $0xFFFFF380  }
0x171: {  	[spmem:s1] =	stream.indirect.scatter.add.f32 [tilespmem:s9], [sflag:$0x2], $0x1, s0, s8, $0xb8;
	[tilespmem:$0x2180] =	vst v63  }
0x172: {  	s12 =	simm.s32 $0xD00  }
0x173: {  	[spmem:s1] =	stream.indirect.scatter.add.f32 [tilespmem:s9], [sflag:$0x2], $0x1, s12, s8, $0xb8;
	[tilespmem:$0x2180] =	vst v63  }
0x174: {  	s12 =	simm.s32 $0xD80  }
0x175: {  	[spmem:s1] =	stream.indirect.scatter.add.f32 [tilespmem:s9], [sflag:$0x2], $0x1, s12, s8, $0xb8;
	[tilespmem:$0x2180] =	vst v63  }
0x176: {  	s12 =	simm.s32 $0xE00  }
0x177: {  	[spmem:s1] =	stream.indirect.scatter.add.f32 [tilespmem:s9], [sflag:$0x2], $0x1, s12, s8, $0xb8;
	[tilespmem:$0x2180] =	vst v63  }
0x178: {  	_ = 	snop  }
0x179: {  	[spmem:s1] =	stream.indirect.scatter.add.f32 [tilespmem:s9], [sflag:$0x2], $0x1, s30, s8, $0xb8;
	[tilespmem:$0x2180] =	vst v63  }
0x17a: {  	_ = 	snop  }
0x17b: {  	[spmem:s1] =	stream.indirect.scatter.add.f32 [tilespmem:s9], [sflag:$0x2], $0x1, s29, s8, $0xb8;
	[tilespmem:$0x2180] =	vst v63  }
0x17c: {  	_ = 	snop  }
0x17d: {  	[spmem:s1] =	stream.indirect.scatter.add.f32 [tilespmem:s9], [sflag:$0x2], $0x1, s28, s8, $0xb8;
	[tilespmem:$0x2180] =	vst v63  }
0x17e: {  	_ = 	snop  }
0x17f: {  	[spmem:s1] =	stream.indirect.scatter.add.f32 [tilespmem:s9], [sflag:$0x2], $0x1, s26, s8, $0xb8;
	[tilespmem:$0x2180] =	vst v63  }
0x180: {  	_ = 	snop  }
0x181: {  	[spmem:s1] =	stream.indirect.scatter.add.f32 [tilespmem:s9], [sflag:$0x2], $0x1, s25, s8, $0xb8;
	[tilespmem:$0x2180] =	vst v63  }
0x182: {  	_ = 	snop  }
0x183: {  	[spmem:s1] =	stream.indirect.scatter.add.f32 [tilespmem:s9], [sflag:$0x2], $0x1, s24, s8, $0xb8;
	[tilespmem:$0x2180] =	vst v63  }
0x184: {  	_ = 	snop  }
0x185: {  	[spmem:s1] =	stream.indirect.scatter.add.f32 [tilespmem:s9], [sflag:$0x2], $0x1, s23, s8, $0xb8;
	[tilespmem:$0x2180] =	vst v63  }
0x186: {  	_ = 	snop  }
0x187: {  	[spmem:s1] =	stream.indirect.scatter.add.f32 [tilespmem:s9], [sflag:$0x2], $0x1, s22, s8, $0xb8;
	[tilespmem:$0x2180] =	vst v63  }
0x188: {  	_ = 	snop  }
0x189: {  	[spmem:s1] =	stream.indirect.scatter.add.f32 [tilespmem:s9], [sflag:$0x2], $0x1, s21, s8, $0xb8;
	[tilespmem:$0x2180] =	vst v63  }
0x18a: {  	_ = 	snop  }
0x18b: {  	[spmem:s1] =	stream.indirect.scatter.add.f32 [tilespmem:s9], [sflag:$0x2], $0x1, s20, s8, $0xb8;
	[tilespmem:$0x2180] =	vst v63  }
0x18c: {  	_ = 	snop  }
0x18d: {  	[spmem:s1] =	stream.indirect.scatter.add.f32 [tilespmem:s9], [sflag:$0x2], $0x1, s19, s8, $0xb8;
	[tilespmem:$0x2180] =	vst v63  }
0x18e: {  	_ = 	snop  }
0x18f: {  	[spmem:s1] =	stream.indirect.scatter.add.f32 [tilespmem:s9], [sflag:$0x2], $0x1, s18, s8, $0xb8;
	[tilespmem:$0x2180] =	vst v63  }
0x190: {  	_ = 	snop  }
0x191: {  	[spmem:s1] =	stream.indirect.scatter.add.f32 [tilespmem:s9], [sflag:$0x2], $0x1, s17, s8, $0xb8;
	[tilespmem:$0x2180] =	vst v63  }
0x192: {  	_ = 	snop  }
0x193: {  	[spmem:s1] =	stream.indirect.scatter.add.f32 [tilespmem:s9], [sflag:$0x2], $0x1, s16, s8, $0xb8;
	[tilespmem:$0x2180] =	vst v63  }
0x194: {  	_ = 	snop  }
0x195: {  	[spmem:s1] =	stream.indirect.scatter.add.f32 [tilespmem:s9], [sflag:$0x2], $0x1, s15, s8, $0xb8;
	[tilespmem:$0x2180] =	vst v63  }
0x196: {  	_ = 	snop  }
0x197: {  	[spmem:s1] =	stream.indirect.scatter.add.f32 [tilespmem:s9], [sflag:$0x2], $0x1, s14, s8, $0xb8;
	[tilespmem:$0x2180] =	vst v63  }
0x198: {  	_ = 	snop  }
0x199: {  	[spmem:s1] =	stream.indirect.scatter.add.f32 [tilespmem:s9], [sflag:$0x2], $0x1, s13, s8, $0xb8;
	[tilespmem:$0x2180] =	vst v63  }
0x19a: {  	_ = 	snop  }
0x19b: {  	[spmem:s1] =	stream.indirect.scatter.add.f32 [tilespmem:s9], [sflag:$0x2], $0x1, s7, s8, $0xb8;
	[tilespmem:$0x2180] =	vst v63  }
0x19c: {  	_ = 	snop  }
0x19d: {  	[spmem:s1] =	stream.indirect.scatter.add.f32 [tilespmem:s9], [sflag:$0x2], $0x1, s5, s8, $0xb8;
	[tilespmem:$0x2180] =	vst v63  }
0x19e: {  	_ = 	snop  }
0x19f: {  	[spmem:s1] =	stream.indirect.scatter.add.f32 [tilespmem:s9], [sflag:$0x2], $0x1, s4, s8, $0xb8;
	[tilespmem:$0x2180] =	vst v63  }
0x1a0: {  	_ = 	snop  }
0x1a1: {  	[spmem:s1] =	stream.indirect.scatter.add.f32 [tilespmem:s9], [sflag:$0x2], $0x1, s3, s8, $0xb8;
	[tilespmem:$0x2180] =	vst v63  }
0x1a2: {  	_ =	swait.ge [sflag:s10], $0x50  }
0x1a3: {  	[sflag:s10] =	ssyncset.done $0x0  }
0x1a4: {  	[sflag:s10] =	ssyncadd.s32 $0xFFFFFFB0  }
0x1a5: {  	_ =	swait.ge [sflag:s10], $0x50  }
0x1a6: {  	[sflag:s10] =	ssyncset.done $0x0  }
0x1a7: {  	[sflag:s10] =	ssyncadd.s32 $0xFFFFFFB0  }
0x1a8: {  	_ =	swait.ge [sflag:s10], $0x50  }
0x1a9: {  	[sflag:s10] =	ssyncset.done $0x0  }
0x1aa: {  	[sflag:s10] =	ssyncadd.s32 $0xFFFFFFB0  }
0x1ab: {  	_ =	swait.ge [sflag:s10], $0x50  }
0x1ac: {  	[sflag:s10] =	ssyncset.done $0x0  }
0x1ad: {  	[sflag:s10] =	ssyncadd.s32 $0xFFFFFFB0  }
0x1ae: {  	_ =	swait.ge [sflag:s10], $0x50  }
0x1af: {  	[sflag:s10] =	ssyncset.done $0x0  }
0x1b0: {  	[sflag:s10] =	ssyncadd.s32 $0xFFFFFFB0  }
0x1b1: {  	_ =	swait.ge [sflag:s10], $0x50  }
0x1b2: {  	[sflag:s10] =	ssyncset.done $0x0  }
0x1b3: {  	[sflag:s10] =	ssyncadd.s32 $0xFFFFFFB0  }
0x1b4: {  	_ =	swait.ge [sflag:s10], $0x50  }
0x1b5: {  	[sflag:s10] =	ssyncset.done $0x0  }
0x1b6: {  	[sflag:s10] =	ssyncadd.s32 $0xFFFFFFB0  }
0x1b7: {  	_ =	swait.ge [sflag:s10], $0x50  }
0x1b8: {  	[sflag:s10] =	ssyncset.done $0x0  }
0x1b9: {  	[sflag:s10] =	ssyncadd.s32 $0xFFFFFFB0  }
0x1ba: {  	_ =	swait.ge [sflag:s10], $0x50  }
0x1bb: {  	[sflag:s10] =	ssyncset.done $0x0  }
0x1bc: {  	[sflag:s10] =	ssyncadd.s32 $0xFFFFFFB0  }
0x1bd: {  	_ =	swait.ge [sflag:s10], $0x50  }
0x1be: {  	[sflag:s10] =	ssyncset.done $0x0  }
0x1bf: {  	[sflag:s10] =	ssyncadd.s32 $0xFFFFFFB0  }
0x1c0: {  	_ =	swait.ge [sflag:s10], $0x50  }
0x1c1: {  	[sflag:s10] =	ssyncset.done $0x0  }
0x1c2: {  	[sflag:s10] =	ssyncadd.s32 $0xFFFFFFB0  }
0x1c3: {  	_ =	swait.ge [sflag:s10], $0x50  }
0x1c4: {  	[sflag:s10] =	ssyncset.done $0x0  }
0x1c5: {  	[sflag:s10] =	ssyncadd.s32 $0xFFFFFFB0  }
0x1c6: {  	_ =	swait.ge [sflag:s10], $0x50  }
0x1c7: {  	[sflag:s10] =	ssyncset.done $0x0  }
0x1c8: {  	[sflag:s10] =	ssyncadd.s32 $0xFFFFFFB0  }
0x1c9: {  	_ =	swait.ge [sflag:s10], $0x50  }
0x1ca: {  	[sflag:s10] =	ssyncset.done $0x0  }
0x1cb: {  	[sflag:s10] =	ssyncadd.s32 $0xFFFFFFB0  }
0x1cc: {  	_ =	swait.ge [sflag:s10], $0x50  }
0x1cd: {  	[sflag:s10] =	ssyncset.done $0x0  }
0x1ce: {  	[sflag:s10] =	ssyncadd.s32 $0xFFFFFFB0  }
0x1cf: {  	_ =	swait.ge [sflag:s10], $0x50  }
0x1d0: {  	[sflag:s10] =	ssyncset.done $0x0  }
0x1d1: {  	[sflag:s10] =	ssyncadd.s32 $0xFFFFFFB0  }
0x1d2: {  	_ =	swait.ge [sflag:s10], $0x50  }
0x1d3: {  	[sflag:s10] =	ssyncset.done $0x0  }
0x1d4: {  	[sflag:s10] =	ssyncadd.s32 $0xFFFFFFB0  }
0x1d5: {  	_ =	swait.ge [sflag:s10], $0x50  }
0x1d6: {  	[sflag:s10] =	ssyncset.done $0x0  }
0x1d7: {  	[sflag:s10] =	ssyncadd.s32 $0xFFFFFFB0  }
0x1d8: {  	_ =	swait.ge [sflag:s10], $0x50  }
0x1d9: {  	[sflag:s10] =	ssyncset.done $0x0  }
0x1da: {  	[sflag:s10] =	ssyncadd.s32 $0xFFFFFFB0  }
0x1db: {  	_ =	swait.ge [sflag:s10], $0x50  }
0x1dc: {  	[sflag:s10] =	ssyncset.done $0x0  }
0x1dd: {  	[sflag:s10] =	ssyncadd.s32 $0xFFFFFFB0  }
0x1de: {  	_ =	swait.ge [sflag:s10], $0x50  }
0x1df: {  	[sflag:s10] =	ssyncset.done $0x0  }
0x1e0: {  	[sflag:s10] =	ssyncadd.s32 $0xFFFFFFB0  }
0x1e1: {  	_ =	swait.ge [sflag:s10], $0x50  }
0x1e2: {  	[sflag:s10] =	ssyncset.done $0x0  }
0x1e3: {  	[sflag:s10] =	ssyncadd.s32 $0xFFFFFFB0  }
0x1e4: {  	_ =	swait.ge [sflag:s10], $0x50  }
0x1e5: {  	[sflag:s10] =	ssyncset.done $0x0  }
0x1e6: {  	[sflag:s10] =	ssyncadd.s32 $0xFFFFFFB0  }
0x1e7: {  	_ =	swait.ge [sflag:s10], $0x50  }
0x1e8: {  	[sflag:s10] =	ssyncset.done $0x0  }
0x1e9: {  	[sflag:s10] =	ssyncadd.s32 $0xFFFFFFB0  }
0x1ea: {  	_ =	swait.ge [sflag:s10], $0x50  }
0x1eb: {  	[sflag:s10] =	ssyncset.done $0x0  }
0x1ec: {  	s23 =	rddreg [dreg:$0x7];
	[sflag:s10] =	ssyncadd.s32 $0xFFFFFFB0  }
0x1ed: {  	[tilespmem:s2], [sflag:$0x3] =	stream.linear.gather [hbm4b:s23+s2], $0xC80, $0x38;
	[tilespmem:$0x2180] =	vst v63  }
0x1ee: {  	_ =	swait.ge [sflag:s6], $0xC80  }
0x1ef: {  	[sflag:s6] =	ssyncset.done $0x0  }
0x1f0: {  	[sflag:s6] =	ssyncadd.s32 $0xFFFFF380  }
0x1f1: {  	[spmem:s1] =	stream.indirect.scatter.add.f32 [tilespmem:s9], [sflag:$0x1], $0x1, s2, s8, $0xb8;
	[tilespmem:$0x2180] =	vst v63  }
0x1f2: {  	s24 =	simm.s32 $0x80  }
0x1f3: {  	[spmem:s1] =	stream.indirect.scatter.add.f32 [tilespmem:s9], [sflag:$0x1], $0x1, s24, s8, $0xb8;
	[tilespmem:$0x2180] =	vst v63  }
0x1f4: {  	s25 =	simm.s32 $0x100  }
0x1f5: {  	[spmem:s1] =	stream.indirect.scatter.add.f32 [tilespmem:s9], [sflag:$0x1], $0x1, s25, s8, $0xb8;
	[tilespmem:$0x2180] =	vst v63  }
0x1f6: {  	s26 =	simm.s32 $0x180  }
0x1f7: {  	[spmem:s1] =	stream.indirect.scatter.add.f32 [tilespmem:s9], [sflag:$0x1], $0x1, s26, s8, $0xb8;
	[tilespmem:$0x2180] =	vst v63  }
0x1f8: {  	s28 =	simm.s32 $0x200  }
0x1f9: {  	[spmem:s1] =	stream.indirect.scatter.add.f32 [tilespmem:s9], [sflag:$0x1], $0x1, s28, s8, $0xb8;
	[tilespmem:$0x2180] =	vst v63  }
0x1fa: {  	s29 =	simm.s32 $0x280  }
0x1fb: {  	[spmem:s1] =	stream.indirect.scatter.add.f32 [tilespmem:s9], [sflag:$0x1], $0x1, s29, s8, $0xb8;
	[tilespmem:$0x2180] =	vst v63  }
0x1fc: {  	s30 =	simm.s32 $0x300  }
0x1fd: {  	[spmem:s1] =	stream.indirect.scatter.add.f32 [tilespmem:s9], [sflag:$0x1], $0x1, s30, s8, $0xb8;
	[tilespmem:$0x2180] =	vst v63  }
0x1fe: {  	s3 =	simm.s32 $0x380  }
0x1ff: {  	[spmem:s1] =	stream.indirect.scatter.add.f32 [tilespmem:s9], [sflag:$0x1], $0x1, s3, s8, $0xb8;
	[tilespmem:$0x2180] =	vst v63  }
0x200: {  	s4 =	simm.s32 $0x400  }
0x201: {  	[spmem:s1] =	stream.indirect.scatter.add.f32 [tilespmem:s9], [sflag:$0x1], $0x1, s4, s8, $0xb8;
	[tilespmem:$0x2180] =	vst v63  }
0x202: {  	s5 =	simm.s32 $0x480  }
0x203: {  	[spmem:s1] =	stream.indirect.scatter.add.f32 [tilespmem:s9], [sflag:$0x1], $0x1, s5, s8, $0xb8;
	[tilespmem:$0x2180] =	vst v63  }
0x204: {  	s7 =	simm.s32 $0x500  }
0x205: {  	[spmem:s1] =	stream.indirect.scatter.add.f32 [tilespmem:s9], [sflag:$0x1], $0x1, s7, s8, $0xb8;
	[tilespmem:$0x2180] =	vst v63  }
0x206: {  	s12 =	simm.s32 $0x580  }
0x207: {  	[spmem:s1] =	stream.indirect.scatter.add.f32 [tilespmem:s9], [sflag:$0x1], $0x1, s12, s8, $0xb8;
	[tilespmem:$0x2180] =	vst v63  }
0x208: {  	s13 =	simm.s32 $0x600  }
0x209: {  	[spmem:s1] =	stream.indirect.scatter.add.f32 [tilespmem:s9], [sflag:$0x1], $0x1, s13, s8, $0xb8;
	[tilespmem:$0x2180] =	vst v63  }
0x20a: {  	s14 =	simm.s32 $0x680  }
0x20b: {  	[spmem:s1] =	stream.indirect.scatter.add.f32 [tilespmem:s9], [sflag:$0x1], $0x1, s14, s8, $0xb8;
	[tilespmem:$0x2180] =	vst v63  }
0x20c: {  	s15 =	simm.s32 $0x700  }
0x20d: {  	[spmem:s1] =	stream.indirect.scatter.add.f32 [tilespmem:s9], [sflag:$0x1], $0x1, s15, s8, $0xb8;
	[tilespmem:$0x2180] =	vst v63  }
0x20e: {  	s16 =	simm.s32 $0x780  }
0x20f: {  	[spmem:s1] =	stream.indirect.scatter.add.f32 [tilespmem:s9], [sflag:$0x1], $0x1, s16, s8, $0xb8;
	[tilespmem:$0x2180] =	vst v63  }
0x210: {  	s17 =	simm.s32 $0x800  }
0x211: {  	[spmem:s1] =	stream.indirect.scatter.add.f32 [tilespmem:s9], [sflag:$0x1], $0x1, s17, s8, $0xb8;
	[tilespmem:$0x2180] =	vst v63  }
0x212: {  	s18 =	simm.s32 $0x880  }
0x213: {  	[spmem:s1] =	stream.indirect.scatter.add.f32 [tilespmem:s9], [sflag:$0x1], $0x1, s18, s8, $0xb8;
	[tilespmem:$0x2180] =	vst v63  }
0x214: {  	s19 =	simm.s32 $0x900  }
0x215: {  	[spmem:s1] =	stream.indirect.scatter.add.f32 [tilespmem:s9], [sflag:$0x1], $0x1, s19, s8, $0xb8;
	[tilespmem:$0x2180] =	vst v63  }
0x216: {  	s20 =	simm.s32 $0x980  }
0x217: {  	[spmem:s1] =	stream.indirect.scatter.add.f32 [tilespmem:s9], [sflag:$0x1], $0x1, s20, s8, $0xb8;
	[tilespmem:$0x2180] =	vst v63  }
0x218: {  	s21 =	simm.s32 $0xA00  }
0x219: {  	[spmem:s1] =	stream.indirect.scatter.add.f32 [tilespmem:s9], [sflag:$0x1], $0x1, s21, s8, $0xb8;
	[tilespmem:$0x2180] =	vst v63  }
0x21a: {  	s22 =	simm.s32 $0xA80  }
0x21b: {  	[spmem:s1] =	stream.indirect.scatter.add.f32 [tilespmem:s9], [sflag:$0x1], $0x1, s22, s8, $0xb8;
	[tilespmem:$0x2180] =	vst v63  }
0x21c: {  	s23 =	simm.s32 $0xB00  }
0x21d: {  	[spmem:s1] =	stream.indirect.scatter.add.f32 [tilespmem:s9], [sflag:$0x1], $0x1, s23, s8, $0xb8;
	[tilespmem:$0x2180] =	vst v63  }
0x21e: {  	s24 =	simm.s32 $0xB80  }
0x21f: {  	[spmem:s1] =	stream.indirect.scatter.add.f32 [tilespmem:s9], [sflag:$0x1], $0x1, s24, s8, $0xb8;
	[tilespmem:$0x2180] =	vst v63  }
0x220: {  	s25 =	simm.s32 $0xC00  }
0x221: {  	[spmem:s1] =	stream.indirect.scatter.add.f32 [tilespmem:s9], [sflag:$0x1], $0x1, s25, s8, $0xb8;
	[tilespmem:$0x2180] =	vst v63  }
0x222: {  	_ =	swait.ge [sflag:s11], $0x50  }
0x223: {  	[sflag:s11] =	ssyncset.done $0x0  }
0x224: {  	[sflag:s11] =	ssyncadd.s32 $0xFFFFFFB0  }
0x225: {  	_ =	swait.ge [sflag:s11], $0x50  }
0x226: {  	[sflag:s11] =	ssyncset.done $0x0  }
0x227: {  	[sflag:s11] =	ssyncadd.s32 $0xFFFFFFB0  }
0x228: {  	_ =	swait.ge [sflag:s11], $0x50  }
0x229: {  	[sflag:s11] =	ssyncset.done $0x0  }
0x22a: {  	[sflag:s11] =	ssyncadd.s32 $0xFFFFFFB0  }
0x22b: {  	_ =	swait.ge [sflag:s11], $0x50  }
0x22c: {  	[sflag:s11] =	ssyncset.done $0x0  }
0x22d: {  	[sflag:s11] =	ssyncadd.s32 $0xFFFFFFB0  }
0x22e: {  	_ =	swait.ge [sflag:s11], $0x50  }
0x22f: {  	[sflag:s11] =	ssyncset.done $0x0  }
0x230: {  	[sflag:s11] =	ssyncadd.s32 $0xFFFFFFB0  }
0x231: {  	_ =	swait.ge [sflag:s11], $0x50  }
0x232: {  	[sflag:s11] =	ssyncset.done $0x0  }
0x233: {  	[sflag:s11] =	ssyncadd.s32 $0xFFFFFFB0  }
0x234: {  	_ =	swait.ge [sflag:s11], $0x50  }
0x235: {  	[sflag:s11] =	ssyncset.done $0x0  }
0x236: {  	[sflag:s11] =	ssyncadd.s32 $0xFFFFFFB0  }
0x237: {  	_ =	swait.ge [sflag:s11], $0x50  }
0x238: {  	[sflag:s11] =	ssyncset.done $0x0  }
0x239: {  	[sflag:s11] =	ssyncadd.s32 $0xFFFFFFB0  }
0x23a: {  	_ =	swait.ge [sflag:s11], $0x50  }
0x23b: {  	[sflag:s11] =	ssyncset.done $0x0  }
0x23c: {  	[sflag:s11] =	ssyncadd.s32 $0xFFFFFFB0  }
0x23d: {  	_ =	swait.ge [sflag:s11], $0x50  }
0x23e: {  	[sflag:s11] =	ssyncset.done $0x0  }
0x23f: {  	[sflag:s11] =	ssyncadd.s32 $0xFFFFFFB0  }
0x240: {  	_ =	swait.ge [sflag:s11], $0x50  }
0x241: {  	[sflag:s11] =	ssyncset.done $0x0  }
0x242: {  	[sflag:s11] =	ssyncadd.s32 $0xFFFFFFB0  }
0x243: {  	_ =	swait.ge [sflag:s11], $0x50  }
0x244: {  	[sflag:s11] =	ssyncset.done $0x0  }
0x245: {  	[sflag:s11] =	ssyncadd.s32 $0xFFFFFFB0  }
0x246: {  	_ =	swait.ge [sflag:s11], $0x50  }
0x247: {  	[sflag:s11] =	ssyncset.done $0x0  }
0x248: {  	[sflag:s11] =	ssyncadd.s32 $0xFFFFFFB0  }
0x249: {  	_ =	swait.ge [sflag:s11], $0x50  }
0x24a: {  	[sflag:s11] =	ssyncset.done $0x0  }
0x24b: {  	[sflag:s11] =	ssyncadd.s32 $0xFFFFFFB0  }
0x24c: {  	_ =	swait.ge [sflag:s11], $0x50  }
0x24d: {  	[sflag:s11] =	ssyncset.done $0x0  }
0x24e: {  	[sflag:s11] =	ssyncadd.s32 $0xFFFFFFB0  }
0x24f: {  	_ =	swait.ge [sflag:s11], $0x50  }
0x250: {  	[sflag:s11] =	ssyncset.done $0x0  }
0x251: {  	[sflag:s11] =	ssyncadd.s32 $0xFFFFFFB0  }
0x252: {  	_ =	swait.ge [sflag:s11], $0x50  }
0x253: {  	[sflag:s11] =	ssyncset.done $0x0  }
0x254: {  	[sflag:s11] =	ssyncadd.s32 $0xFFFFFFB0  }
0x255: {  	_ =	swait.ge [sflag:s11], $0x50  }
0x256: {  	[sflag:s11] =	ssyncset.done $0x0  }
0x257: {  	[sflag:s11] =	ssyncadd.s32 $0xFFFFFFB0  }
0x258: {  	_ =	swait.ge [sflag:s11], $0x50  }
0x259: {  	[sflag:s11] =	ssyncset.done $0x0  }
0x25a: {  	[sflag:s11] =	ssyncadd.s32 $0xFFFFFFB0  }
0x25b: {  	_ =	swait.ge [sflag:s11], $0x50  }
0x25c: {  	[sflag:s11] =	ssyncset.done $0x0  }
0x25d: {  	[sflag:s11] =	ssyncadd.s32 $0xFFFFFFB0  }
0x25e: {  	_ =	swait.ge [sflag:s11], $0x50  }
0x25f: {  	[sflag:s11] =	ssyncset.done $0x0  }
0x260: {  	[sflag:s11] =	ssyncadd.s32 $0xFFFFFFB0  }
0x261: {  	_ =	swait.ge [sflag:s11], $0x50  }
0x262: {  	[sflag:s11] =	ssyncset.done $0x0  }
0x263: {  	[sflag:s11] =	ssyncadd.s32 $0xFFFFFFB0  }
0x264: {  	_ =	swait.ge [sflag:s11], $0x50  }
0x265: {  	[sflag:s11] =	ssyncset.done $0x0  }
0x266: {  	[sflag:s11] =	ssyncadd.s32 $0xFFFFFFB0  }
0x267: {  	_ =	swait.ge [sflag:s11], $0x50  }
0x268: {  	[sflag:s11] =	ssyncset.done $0x0  }
0x269: {  	[sflag:s11] =	ssyncadd.s32 $0xFFFFFFB0  }
0x26a: {  	_ =	swait.ge [sflag:s11], $0x50  }
0x26b: {  	[sflag:s11] =	ssyncset.done $0x0  }
0x26c: {  	[sflag:s11] =	ssyncadd.s32 $0xFFFFFFB0  }
0x26d: {  	_ =	swait.ge [sflag:s10], $0x50  }
0x26e: {  	[sflag:s10] =	ssyncset.done $0x0  }
0x26f: {  	[sflag:s10] =	ssyncadd.s32 $0xFFFFFFB0  }
0x270: {  	_ =	swait.ge [sflag:s10], $0x50  }
0x271: {  	[sflag:s10] =	ssyncset.done $0x0  }
0x272: {  	[sflag:s10] =	ssyncadd.s32 $0xFFFFFFB0  }
0x273: {  	_ =	swait.ge [sflag:s10], $0x50  }
0x274: {  	[sflag:s10] =	ssyncset.done $0x0  }
0x275: {  	[sflag:s10] =	ssyncadd.s32 $0xFFFFFFB0  }
0x276: {  	_ =	swait.ge [sflag:s10], $0x50  }
0x277: {  	[sflag:s10] =	ssyncset.done $0x0  }
0x278: {  	[sflag:s10] =	ssyncadd.s32 $0xFFFFFFB0  }
0x279: {  	_ =	swait.ge [sflag:s10], $0x50  }
0x27a: {  	[sflag:s10] =	ssyncset.done $0x0  }
0x27b: {  	[sflag:s10] =	ssyncadd.s32 $0xFFFFFFB0  }
0x27c: {  	_ =	swait.ge [sflag:s10], $0x50  }
0x27d: {  	[sflag:s10] =	ssyncset.done $0x0  }
0x27e: {  	[sflag:s10] =	ssyncadd.s32 $0xFFFFFFB0  }
0x27f: {  	_ =	swait.ge [sflag:s10], $0x50  }
0x280: {  	[sflag:s10] =	ssyncset.done $0x0  }
0x281: {  	[sflag:s10] =	ssyncadd.s32 $0xFFFFFFB0  }
0x282: {  	_ =	swait.ge [sflag:s10], $0x50  }
0x283: {  	[sflag:s10] =	ssyncset.done $0x0  }
0x284: {  	[sflag:s10] =	ssyncadd.s32 $0xFFFFFFB0  }
0x285: {  	_ =	swait.ge [sflag:s10], $0x50  }
0x286: {  	[sflag:s10] =	ssyncset.done $0x0  }
0x287: {  	[sflag:s10] =	ssyncadd.s32 $0xFFFFFFB0  }
0x288: {  	_ =	swait.ge [sflag:s10], $0x50  }
0x289: {  	[sflag:s10] =	ssyncset.done $0x0  }
0x28a: {  	[sflag:s10] =	ssyncadd.s32 $0xFFFFFFB0  }
0x28b: {  	_ =	swait.ge [sflag:s10], $0x50  }
0x28c: {  	[sflag:s10] =	ssyncset.done $0x0  }
0x28d: {  	[sflag:s10] =	ssyncadd.s32 $0xFFFFFFB0  }
0x28e: {  	_ =	swait.ge [sflag:s10], $0x50  }
0x28f: {  	[sflag:s10] =	ssyncset.done $0x0  }
0x290: {  	[sflag:s10] =	ssyncadd.s32 $0xFFFFFFB0  }
0x291: {  	_ =	swait.ge [sflag:s10], $0x50  }
0x292: {  	[sflag:s10] =	ssyncset.done $0x0  }
0x293: {  	[sflag:s10] =	ssyncadd.s32 $0xFFFFFFB0  }
0x294: {  	_ =	swait.ge [sflag:s10], $0x50  }
0x295: {  	[sflag:s10] =	ssyncset.done $0x0  }
0x296: {  	[sflag:s10] =	ssyncadd.s32 $0xFFFFFFB0  }
0x297: {  	_ =	swait.ge [sflag:s10], $0x50  }
0x298: {  	[sflag:s10] =	ssyncset.done $0x0  }
0x299: {  	[sflag:s10] =	ssyncadd.s32 $0xFFFFFFB0  }
0x29a: {  	_ =	swait.ge [sflag:s10], $0x50  }
0x29b: {  	[sflag:s10] =	ssyncset.done $0x0  }
0x29c: {  	[sflag:s10] =	ssyncadd.s32 $0xFFFFFFB0  }
0x29d: {  	_ =	swait.ge [sflag:s10], $0x50  }
0x29e: {  	[sflag:s10] =	ssyncset.done $0x0  }
0x29f: {  	[sflag:s10] =	ssyncadd.s32 $0xFFFFFFB0  }
0x2a0: {  	_ =	swait.ge [sflag:s10], $0x50  }
0x2a1: {  	[sflag:s10] =	ssyncset.done $0x0  }
0x2a2: {  	[sflag:s10] =	ssyncadd.s32 $0xFFFFFFB0  }
0x2a3: {  	_ =	swait.ge [sflag:s10], $0x50  }
0x2a4: {  	[sflag:s10] =	ssyncset.done $0x0  }
0x2a5: {  	[sflag:s10] =	ssyncadd.s32 $0xFFFFFFB0  }
0x2a6: {  	_ =	swait.ge [sflag:s10], $0x50  }
0x2a7: {  	[sflag:s10] =	ssyncset.done $0x0  }
0x2a8: {  	[sflag:s10] =	ssyncadd.s32 $0xFFFFFFB0  }
0x2a9: {  	_ =	swait.ge [sflag:s10], $0x50  }
0x2aa: {  	[sflag:s10] =	ssyncset.done $0x0  }
0x2ab: {  	[sflag:s10] =	ssyncadd.s32 $0xFFFFFFB0  }
0x2ac: {  	_ =	swait.ge [sflag:s10], $0x50  }
0x2ad: {  	[sflag:s10] =	ssyncset.done $0x0  }
0x2ae: {  	[sflag:s10] =	ssyncadd.s32 $0xFFFFFFB0  }
0x2af: {  	_ =	swait.ge [sflag:s10], $0x50  }
0x2b0: {  	[sflag:s10] =	ssyncset.done $0x0  }
0x2b1: {  	[sflag:s10] =	ssyncadd.s32 $0xFFFFFFB0  }
0x2b2: {  	_ =	swait.ge [sflag:s10], $0x50  }
0x2b3: {  	[sflag:s10] =	ssyncset.done $0x0  }
0x2b4: {  	[sflag:s10] =	ssyncadd.s32 $0xFFFFFFB0  }
0x2b5: {  	_ =	swait.ge [sflag:s10], $0x50  }
0x2b6: {  	[sflag:s10] =	ssyncset.done $0x0  }
0x2b7: {  	[sflag:s10] =	ssyncadd.s32 $0xFFFFFFB0  }
0x2b8: {  	[bflag:$0x0] =	sbarrier.arrive $0xFFFF  }
0x2b9: {  	s26 =	simm.s32 $0x1C80;
	[dreg:$0xa] =	wrdreg s31  }
0x2ba: {  	[tilespmem:s26], [sflag:$0x3] =	stream.linear.gather [spmem:s31], $0x280, $0x38;
	[tilespmem:$0x2180] =	vst v63  }
0x2bb: {  	_ =	swait.ge [sflag:s6], $0x280  }
0x2bc: {  	s28 =	rddreg [dreg:$0xb]  }
0x2bd: {  	s29 =	ssub.s32 $0x2, s28  }
0x2be: {  	s31 =	sshrl.u32 s29, $0x1  }
0x2bf: {  	s12 =	ssub.s32 s29, s31  }
0x2c0: {  	s12 =	smax.u32 s12, $0x1  }
0x2c1: {  	p0 =	sne.s32 s12, $0x1  }
.Ltmp0:
0x2c2: {  	[sflag:s6] =	ssyncset.done $0x0;
	(pc) =	sbr.rel @!p0 .LBB2_3-.Ltmp0, $4  }
0x2c3: {  	s30 =	rddreg [dreg:$0x8];
	[sflag:s6] =	ssyncadd.s32 $0xFFFFFD80  }
0x2c4: {  	[hbm4b:s30+s2] =	stream.linear.scatter [tilespmem:s26], [sflag:$0x3], $0x280, $0x38;
	[tilespmem:$0x2180] =	vst v63  }
0x2c5: {  	_ =	swait.ge [sflag:s6], $0x280  }
0x2c6: {  	[sflag:s6] =	ssyncset.done $0x0;
	s12 =	sadd.s32 $0xFFFFFFFF, s12  }
0x2c7: {  	s4 =	simm.s32 $0xD80;
	s5 =	simm.s32 $0xE00  }
0x2c8: {  	s7 =	simm.s32 $0xE80;
	s14 =	simm.s32 $0xF00;
	s15 =	simm.s32 $0xF80  }
0x2c9: {  	s16 =	simm.s32 $0x1000;
	s17 =	simm.s32 $0x1080;
	s18 =	simm.s32 $0x1100  }
0x2ca: {  	s19 =	simm.s32 $0x1180;
	s20 =	simm.s32 $0x1200;
	s21 =	simm.s32 $0x1280  }
0x2cb: {  	s22 =	simm.s32 $0x1300;
	s23 =	simm.s32 $0x1380;
	s24 =	simm.s32 $0x1400  }
0x2cc: {  	s25 =	simm.s32 $0x1480;
	s26 =	simm.s32 $0x1500;
	s28 =	simm.s32 $0x1580  }
0x2cd: {  	s29 =	simm.s32 $0x1600;
	s30 =	simm.s32 $0x1680;
	s31 =	simm.s32 $0x1700  }
.LBB2_2:
0x2ce: {  	[sflag:s6] =	ssyncadd.s32 $0xFFFFFD80  }
0x2cf: {  	[tilespmem:$0x1C20] =	vst v0  }
0x2d0: {  	[tilespmem:$0x1C30] =	vst v0  }
0x2d1: {  	[tilespmem:$0x1C40] =	vst v0  }
0x2d2: {  	[tilespmem:$0x1C80] =	vst v1  }
0x2d3: {  	[tilespmem:$0x1C90] =	vst v1  }
0x2d4: {  	[tilespmem:$0x1CA0] =	vst v1  }
0x2d5: {  	[tilespmem:$0x1CB0] =	vst v1  }
0x2d6: {  	[tilespmem:$0x1CC0] =	vst v1  }
0x2d7: {  	[tilespmem:$0x1CD0] =	vst v1  }
0x2d8: {  	[tilespmem:$0x1CE0] =	vst v1  }
0x2d9: {  	[tilespmem:$0x1CF0] =	vst v1  }
0x2da: {  	[tilespmem:$0x1D00] =	vst v1  }
0x2db: {  	[tilespmem:$0x1D10] =	vst v1  }
0x2dc: {  	[tilespmem:$0x1D20] =	vst v1  }
0x2dd: {  	[tilespmem:$0x1D30] =	vst v1  }
0x2de: {  	[tilespmem:$0x1D40] =	vst v1  }
0x2df: {  	[tilespmem:$0x1D50] =	vst v1  }
0x2e0: {  	[tilespmem:$0x1D60] =	vst v1  }
0x2e1: {  	[tilespmem:$0x1D70] =	vst v1  }
0x2e2: {  	[tilespmem:$0x1D80] =	vst v1  }
0x2e3: {  	[tilespmem:$0x1D90] =	vst v1  }
0x2e4: {  	[tilespmem:$0x1C00] =	vst v0  }
0x2e5: {  	[tilespmem:$0x1EF0] =	vst v1  }
0x2e6: {  	[tilespmem:$0x1EE0] =	vst v1  }
0x2e7: {  	[tilespmem:$0x1ED0] =	vst v1  }
0x2e8: {  	[tilespmem:$0x1EC0] =	vst v1  }
0x2e9: {  	[tilespmem:$0x1EB0] =	vst v1  }
0x2ea: {  	[tilespmem:$0x1EA0] =	vst v1  }
0x2eb: {  	[tilespmem:$0x1E90] =	vst v1  }
0x2ec: {  	[tilespmem:$0x1E80] =	vst v1  }
0x2ed: {  	[tilespmem:$0x1E70] =	vst v1  }
0x2ee: {  	[tilespmem:$0x1E60] =	vst v1  }
0x2ef: {  	[tilespmem:$0x1E50] =	vst v1  }
0x2f0: {  	[tilespmem:$0x1E40] =	vst v1  }
0x2f1: {  	[tilespmem:$0x1E30] =	vst v1  }
0x2f2: {  	[tilespmem:$0x1E20] =	vst v1  }
0x2f3: {  	[tilespmem:$0x1E10] =	vst v1  }
0x2f4: {  	[tilespmem:$0x1E00] =	vst v1  }
0x2f5: {  	[tilespmem:$0x1DF0] =	vst v1  }
0x2f6: {  	[tilespmem:$0x1DE0] =	vst v1  }
0x2f7: {  	[tilespmem:$0x1DD0] =	vst v1  }
0x2f8: {  	[tilespmem:$0x1DC0] =	vst v1  }
0x2f9: {  	[tilespmem:$0x1DB0] =	vst v1  }
0x2fa: {  	[tilespmem:$0x1DA0] =	vst v1  }
0x2fb: {  	s0 =	simm.s32 $0x1C80;
	s2 =	rddreg [dreg:$0xa];
	[tilespmem:$0x1C10] =	vst v0  }
0x2fc: {  	[spmem:s2] =	stream.linear.scatter [tilespmem:s0], [sflag:$0x3], $0x280, $0x38;
	[tilespmem:$0x2180] =	vst v63  }
0x2fd: {  	_ =	swait.ge [sflag:s6], $0x280  }
0x2fe: {  	[sflag:s6] =	ssyncset.done $0x0  }
0x2ff: {  	[sflag:s6] =	ssyncadd.s32 $0xFFFFFD80  }
0x300: {  	[bflag:$0x0] =	sbarrier.arrive $0xFFFF  }
0x301: {  	s2 =	simm.s32 $0x0;
	s13 =	rddreg [dreg:$0x9]  }
0x302: {  	[tilespmem:s2], [sflag:$0x3] =	stream.linear.gather [hbm4b:s13+s2], $0xC80, $0x38;
	[tilespmem:$0x2180] =	vst v63  }
0x303: {  	_ =	swait.ge [sflag:s6], $0xC80  }
0x304: {  	[sflag:s6] =	ssyncset.done $0x0  }
0x305: {  	[sflag:s6] =	ssyncadd.s32 $0xFFFFF380  }
0x306: {  	[spmem:s1] =	stream.indirect.scatter.add.f32 [tilespmem:s9], [sflag:$0x1], $0x1, s2, s8, $0xb8;
	[tilespmem:$0x2180] =	vst v63  }
0x307: {  	s13 =	simm.s32 $0x80  }
0x308: {  	[spmem:s1] =	stream.indirect.scatter.add.f32 [tilespmem:s9], [sflag:$0x1], $0x1, s13, s8, $0xb8;
	[tilespmem:$0x2180] =	vst v63  }
0x309: {  	s3 =	simm.s32 $0x100  }
0x30a: {  	[spmem:s1] =	stream.indirect.scatter.add.f32 [tilespmem:s9], [sflag:$0x1], $0x1, s3, s8, $0xb8;
	[tilespmem:$0x2180] =	vst v63  }
0x30b: {  	s13 =	simm.s32 $0x180  }
0x30c: {  	[spmem:s1] =	stream.indirect.scatter.add.f32 [tilespmem:s9], [sflag:$0x1], $0x1, s13, s8, $0xb8;
	[tilespmem:$0x2180] =	vst v63  }
0x30d: {  	s3 =	simm.s32 $0x200  }
0x30e: {  	[spmem:s1] =	stream.indirect.scatter.add.f32 [tilespmem:s9], [sflag:$0x1], $0x1, s3, s8, $0xb8;
	[tilespmem:$0x2180] =	vst v63  }
0x30f: {  	s13 =	simm.s32 $0x280  }
0x310: {  	[spmem:s1] =	stream.indirect.scatter.add.f32 [tilespmem:s9], [sflag:$0x1], $0x1, s13, s8, $0xb8;
	[tilespmem:$0x2180] =	vst v63  }
0x311: {  	s3 =	simm.s32 $0x300  }
0x312: {  	[spmem:s1] =	stream.indirect.scatter.add.f32 [tilespmem:s9], [sflag:$0x1], $0x1, s3, s8, $0xb8;
	[tilespmem:$0x2180] =	vst v63  }
0x313: {  	s13 =	simm.s32 $0x380  }
0x314: {  	[spmem:s1] =	stream.indirect.scatter.add.f32 [tilespmem:s9], [sflag:$0x1], $0x1, s13, s8, $0xb8;
	[tilespmem:$0x2180] =	vst v63  }
0x315: {  	s3 =	simm.s32 $0x400  }
0x316: {  	[spmem:s1] =	stream.indirect.scatter.add.f32 [tilespmem:s9], [sflag:$0x1], $0x1, s3, s8, $0xb8;
	[tilespmem:$0x2180] =	vst v63  }
0x317: {  	s13 =	simm.s32 $0x480  }
0x318: {  	[spmem:s1] =	stream.indirect.scatter.add.f32 [tilespmem:s9], [sflag:$0x1], $0x1, s13, s8, $0xb8;
	[tilespmem:$0x2180] =	vst v63  }
0x319: {  	s3 =	simm.s32 $0x500  }
0x31a: {  	[spmem:s1] =	stream.indirect.scatter.add.f32 [tilespmem:s9], [sflag:$0x1], $0x1, s3, s8, $0xb8;
	[tilespmem:$0x2180] =	vst v63  }
0x31b: {  	s13 =	simm.s32 $0x580  }
0x31c: {  	[spmem:s1] =	stream.indirect.scatter.add.f32 [tilespmem:s9], [sflag:$0x1], $0x1, s13, s8, $0xb8;
	[tilespmem:$0x2180] =	vst v63  }
0x31d: {  	s3 =	simm.s32 $0x600  }
0x31e: {  	[spmem:s1] =	stream.indirect.scatter.add.f32 [tilespmem:s9], [sflag:$0x1], $0x1, s3, s8, $0xb8;
	[tilespmem:$0x2180] =	vst v63  }
0x31f: {  	s13 =	simm.s32 $0x680  }
0x320: {  	[spmem:s1] =	stream.indirect.scatter.add.f32 [tilespmem:s9], [sflag:$0x1], $0x1, s13, s8, $0xb8;
	[tilespmem:$0x2180] =	vst v63  }
0x321: {  	s3 =	simm.s32 $0x700  }
0x322: {  	[spmem:s1] =	stream.indirect.scatter.add.f32 [tilespmem:s9], [sflag:$0x1], $0x1, s3, s8, $0xb8;
	[tilespmem:$0x2180] =	vst v63  }
0x323: {  	s13 =	simm.s32 $0x780  }
0x324: {  	[spmem:s1] =	stream.indirect.scatter.add.f32 [tilespmem:s9], [sflag:$0x1], $0x1, s13, s8, $0xb8;
	[tilespmem:$0x2180] =	vst v63  }
0x325: {  	s3 =	simm.s32 $0x800  }
0x326: {  	[spmem:s1] =	stream.indirect.scatter.add.f32 [tilespmem:s9], [sflag:$0x1], $0x1, s3, s8, $0xb8;
	[tilespmem:$0x2180] =	vst v63  }
0x327: {  	s13 =	simm.s32 $0x880  }
0x328: {  	[spmem:s1] =	stream.indirect.scatter.add.f32 [tilespmem:s9], [sflag:$0x1], $0x1, s13, s8, $0xb8;
	[tilespmem:$0x2180] =	vst v63  }
0x329: {  	s3 =	simm.s32 $0x900  }
0x32a: {  	[spmem:s1] =	stream.indirect.scatter.add.f32 [tilespmem:s9], [sflag:$0x1], $0x1, s3, s8, $0xb8;
	[tilespmem:$0x2180] =	vst v63  }
0x32b: {  	s13 =	simm.s32 $0x980  }
0x32c: {  	[spmem:s1] =	stream.indirect.scatter.add.f32 [tilespmem:s9], [sflag:$0x1], $0x1, s13, s8, $0xb8;
	[tilespmem:$0x2180] =	vst v63  }
0x32d: {  	s3 =	simm.s32 $0xA00  }
0x32e: {  	[spmem:s1] =	stream.indirect.scatter.add.f32 [tilespmem:s9], [sflag:$0x1], $0x1, s3, s8, $0xb8;
	[tilespmem:$0x2180] =	vst v63  }
0x32f: {  	s13 =	simm.s32 $0xA80  }
0x330: {  	[spmem:s1] =	stream.indirect.scatter.add.f32 [tilespmem:s9], [sflag:$0x1], $0x1, s13, s8, $0xb8;
	[tilespmem:$0x2180] =	vst v63  }
0x331: {  	s3 =	simm.s32 $0xB00  }
0x332: {  	[spmem:s1] =	stream.indirect.scatter.add.f32 [tilespmem:s9], [sflag:$0x1], $0x1, s3, s8, $0xb8;
	[tilespmem:$0x2180] =	vst v63  }
0x333: {  	s13 =	simm.s32 $0xB80  }
0x334: {  	[spmem:s1] =	stream.indirect.scatter.add.f32 [tilespmem:s9], [sflag:$0x1], $0x1, s13, s8, $0xb8;
	[tilespmem:$0x2180] =	vst v63  }
0x335: {  	s3 =	simm.s32 $0xC00  }
0x336: {  	[spmem:s1] =	stream.indirect.scatter.add.f32 [tilespmem:s9], [sflag:$0x1], $0x1, s3, s8, $0xb8;
	[tilespmem:$0x2180] =	vst v63  }
0x337: {  	s0 =	simm.s32 $0xC80;
	s13 =	rddreg [dreg:$0x4]  }
0x338: {  	[tilespmem:s0], [sflag:$0x3] =	stream.linear.gather [hbm4b:s13+s2], $0xC80, $0x38;
	[tilespmem:$0x2180] =	vst v63  }
0x339: {  	_ =	swait.ge [sflag:s6], $0xC80  }
0x33a: {  	[sflag:s6] =	ssyncset.done $0x0  }
0x33b: {  	[sflag:s6] =	ssyncadd.s32 $0xFFFFF380  }
0x33c: {  	[spmem:s1] =	stream.indirect.scatter.add.f32 [tilespmem:s9], [sflag:$0x2], $0x1, s0, s8, $0xb8;
	[tilespmem:$0x2180] =	vst v63  }
0x33d: {  	s3 =	simm.s32 $0xD00  }
0x33e: {  	[spmem:s1] =	stream.indirect.scatter.add.f32 [tilespmem:s9], [sflag:$0x2], $0x1, s3, s8, $0xb8;
	[tilespmem:$0x2180] =	vst v63  }
0x33f: {  	_ = 	snop  }
0x340: {  	[spmem:s1] =	stream.indirect.scatter.add.f32 [tilespmem:s9], [sflag:$0x2], $0x1, s4, s8, $0xb8;
	[tilespmem:$0x2180] =	vst v63  }
0x341: {  	_ = 	snop  }
0x342: {  	[spmem:s1] =	stream.indirect.scatter.add.f32 [tilespmem:s9], [sflag:$0x2], $0x1, s5, s8, $0xb8;
	[tilespmem:$0x2180] =	vst v63  }
0x343: {  	_ = 	snop  }
0x344: {  	[spmem:s1] =	stream.indirect.scatter.add.f32 [tilespmem:s9], [sflag:$0x2], $0x1, s7, s8, $0xb8;
	[tilespmem:$0x2180] =	vst v63  }
0x345: {  	_ = 	snop  }
0x346: {  	[spmem:s1] =	stream.indirect.scatter.add.f32 [tilespmem:s9], [sflag:$0x2], $0x1, s14, s8, $0xb8;
	[tilespmem:$0x2180] =	vst v63  }
0x347: {  	_ = 	snop  }
0x348: {  	[spmem:s1] =	stream.indirect.scatter.add.f32 [tilespmem:s9], [sflag:$0x2], $0x1, s15, s8, $0xb8;
	[tilespmem:$0x2180] =	vst v63  }
0x349: {  	_ = 	snop  }
0x34a: {  	[spmem:s1] =	stream.indirect.scatter.add.f32 [tilespmem:s9], [sflag:$0x2], $0x1, s16, s8, $0xb8;
	[tilespmem:$0x2180] =	vst v63  }
0x34b: {  	_ = 	snop  }
0x34c: {  	[spmem:s1] =	stream.indirect.scatter.add.f32 [tilespmem:s9], [sflag:$0x2], $0x1, s17, s8, $0xb8;
	[tilespmem:$0x2180] =	vst v63  }
0x34d: {  	_ = 	snop  }
0x34e: {  	[spmem:s1] =	stream.indirect.scatter.add.f32 [tilespmem:s9], [sflag:$0x2], $0x1, s18, s8, $0xb8;
	[tilespmem:$0x2180] =	vst v63  }
0x34f: {  	_ = 	snop  }
0x350: {  	[spmem:s1] =	stream.indirect.scatter.add.f32 [tilespmem:s9], [sflag:$0x2], $0x1, s19, s8, $0xb8;
	[tilespmem:$0x2180] =	vst v63  }
0x351: {  	_ = 	snop  }
0x352: {  	[spmem:s1] =	stream.indirect.scatter.add.f32 [tilespmem:s9], [sflag:$0x2], $0x1, s20, s8, $0xb8;
	[tilespmem:$0x2180] =	vst v63  }
0x353: {  	_ = 	snop  }
0x354: {  	[spmem:s1] =	stream.indirect.scatter.add.f32 [tilespmem:s9], [sflag:$0x2], $0x1, s21, s8, $0xb8;
	[tilespmem:$0x2180] =	vst v63  }
0x355: {  	_ = 	snop  }
0x356: {  	[spmem:s1] =	stream.indirect.scatter.add.f32 [tilespmem:s9], [sflag:$0x2], $0x1, s22, s8, $0xb8;
	[tilespmem:$0x2180] =	vst v63  }
0x357: {  	_ = 	snop  }
0x358: {  	[spmem:s1] =	stream.indirect.scatter.add.f32 [tilespmem:s9], [sflag:$0x2], $0x1, s23, s8, $0xb8;
	[tilespmem:$0x2180] =	vst v63  }
0x359: {  	_ = 	snop  }
0x35a: {  	[spmem:s1] =	stream.indirect.scatter.add.f32 [tilespmem:s9], [sflag:$0x2], $0x1, s24, s8, $0xb8;
	[tilespmem:$0x2180] =	vst v63  }
0x35b: {  	_ = 	snop  }
0x35c: {  	[spmem:s1] =	stream.indirect.scatter.add.f32 [tilespmem:s9], [sflag:$0x2], $0x1, s25, s8, $0xb8;
	[tilespmem:$0x2180] =	vst v63  }
0x35d: {  	_ = 	snop  }
0x35e: {  	[spmem:s1] =	stream.indirect.scatter.add.f32 [tilespmem:s9], [sflag:$0x2], $0x1, s26, s8, $0xb8;
	[tilespmem:$0x2180] =	vst v63  }
0x35f: {  	_ = 	snop  }
0x360: {  	[spmem:s1] =	stream.indirect.scatter.add.f32 [tilespmem:s9], [sflag:$0x2], $0x1, s28, s8, $0xb8;
	[tilespmem:$0x2180] =	vst v63  }
0x361: {  	_ = 	snop  }
0x362: {  	[spmem:s1] =	stream.indirect.scatter.add.f32 [tilespmem:s9], [sflag:$0x2], $0x1, s29, s8, $0xb8;
	[tilespmem:$0x2180] =	vst v63  }
0x363: {  	_ = 	snop  }
0x364: {  	[spmem:s1] =	stream.indirect.scatter.add.f32 [tilespmem:s9], [sflag:$0x2], $0x1, s30, s8, $0xb8;
	[tilespmem:$0x2180] =	vst v63  }
0x365: {  	_ = 	snop  }
0x366: {  	[spmem:s1] =	stream.indirect.scatter.add.f32 [tilespmem:s9], [sflag:$0x2], $0x1, s31, s8, $0xb8;
	[tilespmem:$0x2180] =	vst v63  }
0x367: {  	s13 =	simm.s32 $0x1780  }
0x368: {  	[spmem:s1] =	stream.indirect.scatter.add.f32 [tilespmem:s9], [sflag:$0x2], $0x1, s13, s8, $0xb8;
	[tilespmem:$0x2180] =	vst v63  }
0x369: {  	s13 =	simm.s32 $0x1800  }
0x36a: {  	[spmem:s1] =	stream.indirect.scatter.add.f32 [tilespmem:s9], [sflag:$0x2], $0x1, s13, s8, $0xb8;
	[tilespmem:$0x2180] =	vst v63  }
0x36b: {  	s13 =	simm.s32 $0x1880  }
0x36c: {  	[spmem:s1] =	stream.indirect.scatter.add.f32 [tilespmem:s9], [sflag:$0x2], $0x1, s13, s8, $0xb8;
	[tilespmem:$0x2180] =	vst v63  }
0x36d: {  	_ =	swait.ge [sflag:s10], $0x50  }
0x36e: {  	[sflag:s10] =	ssyncset.done $0x0  }
0x36f: {  	[sflag:s10] =	ssyncadd.s32 $0xFFFFFFB0  }
0x370: {  	_ =	swait.ge [sflag:s10], $0x50  }
0x371: {  	[sflag:s10] =	ssyncset.done $0x0  }
0x372: {  	[sflag:s10] =	ssyncadd.s32 $0xFFFFFFB0  }
0x373: {  	_ =	swait.ge [sflag:s10], $0x50  }
0x374: {  	[sflag:s10] =	ssyncset.done $0x0  }
0x375: {  	[sflag:s10] =	ssyncadd.s32 $0xFFFFFFB0  }
0x376: {  	_ =	swait.ge [sflag:s10], $0x50  }
0x377: {  	[sflag:s10] =	ssyncset.done $0x0  }
0x378: {  	[sflag:s10] =	ssyncadd.s32 $0xFFFFFFB0  }
0x379: {  	_ =	swait.ge [sflag:s10], $0x50  }
0x37a: {  	[sflag:s10] =	ssyncset.done $0x0  }
0x37b: {  	[sflag:s10] =	ssyncadd.s32 $0xFFFFFFB0  }
0x37c: {  	_ =	swait.ge [sflag:s10], $0x50  }
0x37d: {  	[sflag:s10] =	ssyncset.done $0x0  }
0x37e: {  	[sflag:s10] =	ssyncadd.s32 $0xFFFFFFB0  }
0x37f: {  	_ =	swait.ge [sflag:s10], $0x50  }
0x380: {  	[sflag:s10] =	ssyncset.done $0x0  }
0x381: {  	[sflag:s10] =	ssyncadd.s32 $0xFFFFFFB0  }
0x382: {  	_ =	swait.ge [sflag:s10], $0x50  }
0x383: {  	[sflag:s10] =	ssyncset.done $0x0  }
0x384: {  	[sflag:s10] =	ssyncadd.s32 $0xFFFFFFB0  }
0x385: {  	_ =	swait.ge [sflag:s10], $0x50  }
0x386: {  	[sflag:s10] =	ssyncset.done $0x0  }
0x387: {  	[sflag:s10] =	ssyncadd.s32 $0xFFFFFFB0  }
0x388: {  	_ =	swait.ge [sflag:s10], $0x50  }
0x389: {  	[sflag:s10] =	ssyncset.done $0x0  }
0x38a: {  	[sflag:s10] =	ssyncadd.s32 $0xFFFFFFB0  }
0x38b: {  	_ =	swait.ge [sflag:s10], $0x50  }
0x38c: {  	[sflag:s10] =	ssyncset.done $0x0  }
0x38d: {  	[sflag:s10] =	ssyncadd.s32 $0xFFFFFFB0  }
0x38e: {  	_ =	swait.ge [sflag:s10], $0x50  }
0x38f: {  	[sflag:s10] =	ssyncset.done $0x0  }
0x390: {  	[sflag:s10] =	ssyncadd.s32 $0xFFFFFFB0  }
0x391: {  	_ =	swait.ge [sflag:s10], $0x50  }
0x392: {  	[sflag:s10] =	ssyncset.done $0x0  }
0x393: {  	[sflag:s10] =	ssyncadd.s32 $0xFFFFFFB0  }
0x394: {  	_ =	swait.ge [sflag:s10], $0x50  }
0x395: {  	[sflag:s10] =	ssyncset.done $0x0  }
0x396: {  	[sflag:s10] =	ssyncadd.s32 $0xFFFFFFB0  }
0x397: {  	_ =	swait.ge [sflag:s10], $0x50  }
0x398: {  	[sflag:s10] =	ssyncset.done $0x0  }
0x399: {  	[sflag:s10] =	ssyncadd.s32 $0xFFFFFFB0  }
0x39a: {  	_ =	swait.ge [sflag:s10], $0x50  }
0x39b: {  	[sflag:s10] =	ssyncset.done $0x0  }
0x39c: {  	[sflag:s10] =	ssyncadd.s32 $0xFFFFFFB0  }
0x39d: {  	_ =	swait.ge [sflag:s10], $0x50  }
0x39e: {  	[sflag:s10] =	ssyncset.done $0x0  }
0x39f: {  	[sflag:s10] =	ssyncadd.s32 $0xFFFFFFB0  }
0x3a0: {  	_ =	swait.ge [sflag:s10], $0x50  }
0x3a1: {  	[sflag:s10] =	ssyncset.done $0x0  }
0x3a2: {  	[sflag:s10] =	ssyncadd.s32 $0xFFFFFFB0  }
0x3a3: {  	_ =	swait.ge [sflag:s10], $0x50  }
0x3a4: {  	[sflag:s10] =	ssyncset.done $0x0  }
0x3a5: {  	[sflag:s10] =	ssyncadd.s32 $0xFFFFFFB0  }
0x3a6: {  	_ =	swait.ge [sflag:s10], $0x50  }
0x3a7: {  	[sflag:s10] =	ssyncset.done $0x0  }
0x3a8: {  	[sflag:s10] =	ssyncadd.s32 $0xFFFFFFB0  }
0x3a9: {  	_ =	swait.ge [sflag:s10], $0x50  }
0x3aa: {  	[sflag:s10] =	ssyncset.done $0x0  }
0x3ab: {  	[sflag:s10] =	ssyncadd.s32 $0xFFFFFFB0  }
0x3ac: {  	_ =	swait.ge [sflag:s10], $0x50  }
0x3ad: {  	[sflag:s10] =	ssyncset.done $0x0  }
0x3ae: {  	[sflag:s10] =	ssyncadd.s32 $0xFFFFFFB0  }
0x3af: {  	_ =	swait.ge [sflag:s10], $0x50  }
0x3b0: {  	[sflag:s10] =	ssyncset.done $0x0  }
0x3b1: {  	[sflag:s10] =	ssyncadd.s32 $0xFFFFFFB0  }
0x3b2: {  	_ =	swait.ge [sflag:s10], $0x50  }
0x3b3: {  	[sflag:s10] =	ssyncset.done $0x0  }
0x3b4: {  	[sflag:s10] =	ssyncadd.s32 $0xFFFFFFB0  }
0x3b5: {  	_ =	swait.ge [sflag:s10], $0x50  }
0x3b6: {  	[sflag:s10] =	ssyncset.done $0x0  }
0x3b7: {  	s13 =	rddreg [dreg:$0x5];
	[sflag:s10] =	ssyncadd.s32 $0xFFFFFFB0  }
0x3b8: {  	[tilespmem:s2], [sflag:$0x3] =	stream.linear.gather [hbm4b:s13+s2], $0xC80, $0x38;
	[tilespmem:$0x2180] =	vst v63  }
0x3b9: {  	_ =	swait.ge [sflag:s6], $0xC80  }
0x3ba: {  	[sflag:s6] =	ssyncset.done $0x0  }
0x3bb: {  	[sflag:s6] =	ssyncadd.s32 $0xFFFFF380  }
0x3bc: {  	[spmem:s1] =	stream.indirect.scatter.add.f32 [tilespmem:s9], [sflag:$0x1], $0x1, s2, s8, $0xb8;
	[tilespmem:$0x2180] =	vst v63  }
0x3bd: {  	s13 =	simm.s32 $0x80  }
0x3be: {  	[spmem:s1] =	stream.indirect.scatter.add.f32 [tilespmem:s9], [sflag:$0x1], $0x1, s13, s8, $0xb8;
	[tilespmem:$0x2180] =	vst v63  }
0x3bf: {  	s13 =	simm.s32 $0x100  }
0x3c0: {  	[spmem:s1] =	stream.indirect.scatter.add.f32 [tilespmem:s9], [sflag:$0x1], $0x1, s13, s8, $0xb8;
	[tilespmem:$0x2180] =	vst v63  }
0x3c1: {  	s13 =	simm.s32 $0x180  }
0x3c2: {  	[spmem:s1] =	stream.indirect.scatter.add.f32 [tilespmem:s9], [sflag:$0x1], $0x1, s13, s8, $0xb8;
	[tilespmem:$0x2180] =	vst v63  }
0x3c3: {  	s13 =	simm.s32 $0x200  }
0x3c4: {  	[spmem:s1] =	stream.indirect.scatter.add.f32 [tilespmem:s9], [sflag:$0x1], $0x1, s13, s8, $0xb8;
	[tilespmem:$0x2180] =	vst v63  }
0x3c5: {  	s13 =	simm.s32 $0x280  }
0x3c6: {  	[spmem:s1] =	stream.indirect.scatter.add.f32 [tilespmem:s9], [sflag:$0x1], $0x1, s13, s8, $0xb8;
	[tilespmem:$0x2180] =	vst v63  }
0x3c7: {  	s13 =	simm.s32 $0x300  }
0x3c8: {  	[spmem:s1] =	stream.indirect.scatter.add.f32 [tilespmem:s9], [sflag:$0x1], $0x1, s13, s8, $0xb8;
	[tilespmem:$0x2180] =	vst v63  }
0x3c9: {  	s13 =	simm.s32 $0x380  }
0x3ca: {  	[spmem:s1] =	stream.indirect.scatter.add.f32 [tilespmem:s9], [sflag:$0x1], $0x1, s13, s8, $0xb8;
	[tilespmem:$0x2180] =	vst v63  }
0x3cb: {  	s13 =	simm.s32 $0x400  }
0x3cc: {  	[spmem:s1] =	stream.indirect.scatter.add.f32 [tilespmem:s9], [sflag:$0x1], $0x1, s13, s8, $0xb8;
	[tilespmem:$0x2180] =	vst v63  }
0x3cd: {  	s13 =	simm.s32 $0x480  }
0x3ce: {  	[spmem:s1] =	stream.indirect.scatter.add.f32 [tilespmem:s9], [sflag:$0x1], $0x1, s13, s8, $0xb8;
	[tilespmem:$0x2180] =	vst v63  }
0x3cf: {  	s13 =	simm.s32 $0x500  }
0x3d0: {  	[spmem:s1] =	stream.indirect.scatter.add.f32 [tilespmem:s9], [sflag:$0x1], $0x1, s13, s8, $0xb8;
	[tilespmem:$0x2180] =	vst v63  }
0x3d1: {  	s13 =	simm.s32 $0x580  }
0x3d2: {  	[spmem:s1] =	stream.indirect.scatter.add.f32 [tilespmem:s9], [sflag:$0x1], $0x1, s13, s8, $0xb8;
	[tilespmem:$0x2180] =	vst v63  }
0x3d3: {  	s13 =	simm.s32 $0x600  }
0x3d4: {  	[spmem:s1] =	stream.indirect.scatter.add.f32 [tilespmem:s9], [sflag:$0x1], $0x1, s13, s8, $0xb8;
	[tilespmem:$0x2180] =	vst v63  }
0x3d5: {  	s13 =	simm.s32 $0x680  }
0x3d6: {  	[spmem:s1] =	stream.indirect.scatter.add.f32 [tilespmem:s9], [sflag:$0x1], $0x1, s13, s8, $0xb8;
	[tilespmem:$0x2180] =	vst v63  }
0x3d7: {  	s13 =	simm.s32 $0x700  }
0x3d8: {  	[spmem:s1] =	stream.indirect.scatter.add.f32 [tilespmem:s9], [sflag:$0x1], $0x1, s13, s8, $0xb8;
	[tilespmem:$0x2180] =	vst v63  }
0x3d9: {  	s13 =	simm.s32 $0x780  }
0x3da: {  	[spmem:s1] =	stream.indirect.scatter.add.f32 [tilespmem:s9], [sflag:$0x1], $0x1, s13, s8, $0xb8;
	[tilespmem:$0x2180] =	vst v63  }
0x3db: {  	s13 =	simm.s32 $0x800  }
0x3dc: {  	[spmem:s1] =	stream.indirect.scatter.add.f32 [tilespmem:s9], [sflag:$0x1], $0x1, s13, s8, $0xb8;
	[tilespmem:$0x2180] =	vst v63  }
0x3dd: {  	s13 =	simm.s32 $0x880  }
0x3de: {  	[spmem:s1] =	stream.indirect.scatter.add.f32 [tilespmem:s9], [sflag:$0x1], $0x1, s13, s8, $0xb8;
	[tilespmem:$0x2180] =	vst v63  }
0x3df: {  	s13 =	simm.s32 $0x900  }
0x3e0: {  	[spmem:s1] =	stream.indirect.scatter.add.f32 [tilespmem:s9], [sflag:$0x1], $0x1, s13, s8, $0xb8;
	[tilespmem:$0x2180] =	vst v63  }
0x3e1: {  	s13 =	simm.s32 $0x980  }
0x3e2: {  	[spmem:s1] =	stream.indirect.scatter.add.f32 [tilespmem:s9], [sflag:$0x1], $0x1, s13, s8, $0xb8;
	[tilespmem:$0x2180] =	vst v63  }
0x3e3: {  	s13 =	simm.s32 $0xA00  }
0x3e4: {  	[spmem:s1] =	stream.indirect.scatter.add.f32 [tilespmem:s9], [sflag:$0x1], $0x1, s13, s8, $0xb8;
	[tilespmem:$0x2180] =	vst v63  }
0x3e5: {  	s13 =	simm.s32 $0xA80  }
0x3e6: {  	[spmem:s1] =	stream.indirect.scatter.add.f32 [tilespmem:s9], [sflag:$0x1], $0x1, s13, s8, $0xb8;
	[tilespmem:$0x2180] =	vst v63  }
0x3e7: {  	s13 =	simm.s32 $0xB00  }
0x3e8: {  	[spmem:s1] =	stream.indirect.scatter.add.f32 [tilespmem:s9], [sflag:$0x1], $0x1, s13, s8, $0xb8;
	[tilespmem:$0x2180] =	vst v63  }
0x3e9: {  	s13 =	simm.s32 $0xB80  }
0x3ea: {  	[spmem:s1] =	stream.indirect.scatter.add.f32 [tilespmem:s9], [sflag:$0x1], $0x1, s13, s8, $0xb8;
	[tilespmem:$0x2180] =	vst v63  }
0x3eb: {  	s13 =	simm.s32 $0xC00  }
0x3ec: {  	[spmem:s1] =	stream.indirect.scatter.add.f32 [tilespmem:s9], [sflag:$0x1], $0x1, s13, s8, $0xb8;
	[tilespmem:$0x2180] =	vst v63  }
0x3ed: {  	_ =	swait.ge [sflag:s11], $0x50  }
0x3ee: {  	[sflag:s11] =	ssyncset.done $0x0  }
0x3ef: {  	[sflag:s11] =	ssyncadd.s32 $0xFFFFFFB0  }
0x3f0: {  	_ =	swait.ge [sflag:s11], $0x50  }
0x3f1: {  	[sflag:s11] =	ssyncset.done $0x0  }
0x3f2: {  	[sflag:s11] =	ssyncadd.s32 $0xFFFFFFB0  }
0x3f3: {  	_ =	swait.ge [sflag:s11], $0x50  }
0x3f4: {  	[sflag:s11] =	ssyncset.done $0x0  }
0x3f5: {  	[sflag:s11] =	ssyncadd.s32 $0xFFFFFFB0  }
0x3f6: {  	_ =	swait.ge [sflag:s11], $0x50  }
0x3f7: {  	[sflag:s11] =	ssyncset.done $0x0  }
0x3f8: {  	[sflag:s11] =	ssyncadd.s32 $0xFFFFFFB0  }
0x3f9: {  	_ =	swait.ge [sflag:s11], $0x50  }
0x3fa: {  	[sflag:s11] =	ssyncset.done $0x0  }
0x3fb: {  	[sflag:s11] =	ssyncadd.s32 $0xFFFFFFB0  }
0x3fc: {  	_ =	swait.ge [sflag:s11], $0x50  }
0x3fd: {  	[sflag:s11] =	ssyncset.done $0x0  }
0x3fe: {  	[sflag:s11] =	ssyncadd.s32 $0xFFFFFFB0  }
0x3ff: {  	_ =	swait.ge [sflag:s11], $0x50  }
0x400: {  	[sflag:s11] =	ssyncset.done $0x0  }
0x401: {  	[sflag:s11] =	ssyncadd.s32 $0xFFFFFFB0  }
0x402: {  	_ =	swait.ge [sflag:s11], $0x50  }
0x403: {  	[sflag:s11] =	ssyncset.done $0x0  }
0x404: {  	[sflag:s11] =	ssyncadd.s32 $0xFFFFFFB0  }
0x405: {  	_ =	swait.ge [sflag:s11], $0x50  }
0x406: {  	[sflag:s11] =	ssyncset.done $0x0  }
0x407: {  	[sflag:s11] =	ssyncadd.s32 $0xFFFFFFB0  }
0x408: {  	_ =	swait.ge [sflag:s11], $0x50  }
0x409: {  	[sflag:s11] =	ssyncset.done $0x0  }
0x40a: {  	[sflag:s11] =	ssyncadd.s32 $0xFFFFFFB0  }
0x40b: {  	_ =	swait.ge [sflag:s11], $0x50  }
0x40c: {  	[sflag:s11] =	ssyncset.done $0x0  }
0x40d: {  	[sflag:s11] =	ssyncadd.s32 $0xFFFFFFB0  }
0x40e: {  	_ =	swait.ge [sflag:s11], $0x50  }
0x40f: {  	[sflag:s11] =	ssyncset.done $0x0  }
0x410: {  	[sflag:s11] =	ssyncadd.s32 $0xFFFFFFB0  }
0x411: {  	_ =	swait.ge [sflag:s11], $0x50  }
0x412: {  	[sflag:s11] =	ssyncset.done $0x0  }
0x413: {  	[sflag:s11] =	ssyncadd.s32 $0xFFFFFFB0  }
0x414: {  	_ =	swait.ge [sflag:s11], $0x50  }
0x415: {  	[sflag:s11] =	ssyncset.done $0x0  }
0x416: {  	[sflag:s11] =	ssyncadd.s32 $0xFFFFFFB0  }
0x417: {  	_ =	swait.ge [sflag:s11], $0x50  }
0x418: {  	[sflag:s11] =	ssyncset.done $0x0  }
0x419: {  	[sflag:s11] =	ssyncadd.s32 $0xFFFFFFB0  }
0x41a: {  	_ =	swait.ge [sflag:s11], $0x50  }
0x41b: {  	[sflag:s11] =	ssyncset.done $0x0  }
0x41c: {  	[sflag:s11] =	ssyncadd.s32 $0xFFFFFFB0  }
0x41d: {  	_ =	swait.ge [sflag:s11], $0x50  }
0x41e: {  	[sflag:s11] =	ssyncset.done $0x0  }
0x41f: {  	[sflag:s11] =	ssyncadd.s32 $0xFFFFFFB0  }
0x420: {  	_ =	swait.ge [sflag:s11], $0x50  }
0x421: {  	[sflag:s11] =	ssyncset.done $0x0  }
0x422: {  	[sflag:s11] =	ssyncadd.s32 $0xFFFFFFB0  }
0x423: {  	_ =	swait.ge [sflag:s11], $0x50  }
0x424: {  	[sflag:s11] =	ssyncset.done $0x0  }
0x425: {  	[sflag:s11] =	ssyncadd.s32 $0xFFFFFFB0  }
0x426: {  	_ =	swait.ge [sflag:s11], $0x50  }
0x427: {  	[sflag:s11] =	ssyncset.done $0x0  }
0x428: {  	[sflag:s11] =	ssyncadd.s32 $0xFFFFFFB0  }
0x429: {  	_ =	swait.ge [sflag:s11], $0x50  }
0x42a: {  	[sflag:s11] =	ssyncset.done $0x0  }
0x42b: {  	[sflag:s11] =	ssyncadd.s32 $0xFFFFFFB0  }
0x42c: {  	_ =	swait.ge [sflag:s11], $0x50  }
0x42d: {  	[sflag:s11] =	ssyncset.done $0x0  }
0x42e: {  	[sflag:s11] =	ssyncadd.s32 $0xFFFFFFB0  }
0x42f: {  	_ =	swait.ge [sflag:s11], $0x50  }
0x430: {  	[sflag:s11] =	ssyncset.done $0x0  }
0x431: {  	[sflag:s11] =	ssyncadd.s32 $0xFFFFFFB0  }
0x432: {  	_ =	swait.ge [sflag:s11], $0x50  }
0x433: {  	[sflag:s11] =	ssyncset.done $0x0  }
0x434: {  	[sflag:s11] =	ssyncadd.s32 $0xFFFFFFB0  }
0x435: {  	_ =	swait.ge [sflag:s11], $0x50  }
0x436: {  	[sflag:s11] =	ssyncset.done $0x0  }
0x437: {  	s13 =	rddreg [dreg:$0x6];
	[sflag:s11] =	ssyncadd.s32 $0xFFFFFFB0  }
0x438: {  	[tilespmem:s0], [sflag:$0x3] =	stream.linear.gather [hbm4b:s13+s2], $0xC80, $0x38;
	[tilespmem:$0x2180] =	vst v63  }
0x439: {  	_ =	swait.ge [sflag:s6], $0xC80  }
0x43a: {  	[sflag:s6] =	ssyncset.done $0x0  }
0x43b: {  	[sflag:s6] =	ssyncadd.s32 $0xFFFFF380  }
0x43c: {  	[spmem:s1] =	stream.indirect.scatter.add.f32 [tilespmem:s9], [sflag:$0x2], $0x1, s0, s8, $0xb8;
	[tilespmem:$0x2180] =	vst v63  }
0x43d: {  	_ = 	snop  }
0x43e: {  	[spmem:s1] =	stream.indirect.scatter.add.f32 [tilespmem:s9], [sflag:$0x2], $0x1, s3, s8, $0xb8;
	[tilespmem:$0x2180] =	vst v63  }
0x43f: {  	_ = 	snop  }
0x440: {  	[spmem:s1] =	stream.indirect.scatter.add.f32 [tilespmem:s9], [sflag:$0x2], $0x1, s4, s8, $0xb8;
	[tilespmem:$0x2180] =	vst v63  }
0x441: {  	_ = 	snop  }
0x442: {  	[spmem:s1] =	stream.indirect.scatter.add.f32 [tilespmem:s9], [sflag:$0x2], $0x1, s5, s8, $0xb8;
	[tilespmem:$0x2180] =	vst v63  }
0x443: {  	_ = 	snop  }
0x444: {  	[spmem:s1] =	stream.indirect.scatter.add.f32 [tilespmem:s9], [sflag:$0x2], $0x1, s7, s8, $0xb8;
	[tilespmem:$0x2180] =	vst v63  }
0x445: {  	_ = 	snop  }
0x446: {  	[spmem:s1] =	stream.indirect.scatter.add.f32 [tilespmem:s9], [sflag:$0x2], $0x1, s14, s8, $0xb8;
	[tilespmem:$0x2180] =	vst v63  }
0x447: {  	_ = 	snop  }
0x448: {  	[spmem:s1] =	stream.indirect.scatter.add.f32 [tilespmem:s9], [sflag:$0x2], $0x1, s15, s8, $0xb8;
	[tilespmem:$0x2180] =	vst v63  }
0x449: {  	_ = 	snop  }
0x44a: {  	[spmem:s1] =	stream.indirect.scatter.add.f32 [tilespmem:s9], [sflag:$0x2], $0x1, s16, s8, $0xb8;
	[tilespmem:$0x2180] =	vst v63  }
0x44b: {  	_ = 	snop  }
0x44c: {  	[spmem:s1] =	stream.indirect.scatter.add.f32 [tilespmem:s9], [sflag:$0x2], $0x1, s17, s8, $0xb8;
	[tilespmem:$0x2180] =	vst v63  }
0x44d: {  	_ = 	snop  }
0x44e: {  	[spmem:s1] =	stream.indirect.scatter.add.f32 [tilespmem:s9], [sflag:$0x2], $0x1, s18, s8, $0xb8;
	[tilespmem:$0x2180] =	vst v63  }
0x44f: {  	_ = 	snop  }
0x450: {  	[spmem:s1] =	stream.indirect.scatter.add.f32 [tilespmem:s9], [sflag:$0x2], $0x1, s19, s8, $0xb8;
	[tilespmem:$0x2180] =	vst v63  }
0x451: {  	_ = 	snop  }
0x452: {  	[spmem:s1] =	stream.indirect.scatter.add.f32 [tilespmem:s9], [sflag:$0x2], $0x1, s20, s8, $0xb8;
	[tilespmem:$0x2180] =	vst v63  }
0x453: {  	_ = 	snop  }
0x454: {  	[spmem:s1] =	stream.indirect.scatter.add.f32 [tilespmem:s9], [sflag:$0x2], $0x1, s21, s8, $0xb8;
	[tilespmem:$0x2180] =	vst v63  }
0x455: {  	_ = 	snop  }
0x456: {  	[spmem:s1] =	stream.indirect.scatter.add.f32 [tilespmem:s9], [sflag:$0x2], $0x1, s22, s8, $0xb8;
	[tilespmem:$0x2180] =	vst v63  }
0x457: {  	_ = 	snop  }
0x458: {  	[spmem:s1] =	stream.indirect.scatter.add.f32 [tilespmem:s9], [sflag:$0x2], $0x1, s23, s8, $0xb8;
	[tilespmem:$0x2180] =	vst v63  }
0x459: {  	_ = 	snop  }
0x45a: {  	[spmem:s1] =	stream.indirect.scatter.add.f32 [tilespmem:s9], [sflag:$0x2], $0x1, s24, s8, $0xb8;
	[tilespmem:$0x2180] =	vst v63  }
0x45b: {  	_ = 	snop  }
0x45c: {  	[spmem:s1] =	stream.indirect.scatter.add.f32 [tilespmem:s9], [sflag:$0x2], $0x1, s25, s8, $0xb8;
	[tilespmem:$0x2180] =	vst v63  }
0x45d: {  	_ = 	snop  }
0x45e: {  	[spmem:s1] =	stream.indirect.scatter.add.f32 [tilespmem:s9], [sflag:$0x2], $0x1, s26, s8, $0xb8;
	[tilespmem:$0x2180] =	vst v63  }
0x45f: {  	_ = 	snop  }
0x460: {  	[spmem:s1] =	stream.indirect.scatter.add.f32 [tilespmem:s9], [sflag:$0x2], $0x1, s28, s8, $0xb8;
	[tilespmem:$0x2180] =	vst v63  }
0x461: {  	_ = 	snop  }
0x462: {  	[spmem:s1] =	stream.indirect.scatter.add.f32 [tilespmem:s9], [sflag:$0x2], $0x1, s29, s8, $0xb8;
	[tilespmem:$0x2180] =	vst v63  }
0x463: {  	_ = 	snop  }
0x464: {  	[spmem:s1] =	stream.indirect.scatter.add.f32 [tilespmem:s9], [sflag:$0x2], $0x1, s30, s8, $0xb8;
	[tilespmem:$0x2180] =	vst v63  }
0x465: {  	_ = 	snop  }
0x466: {  	[spmem:s1] =	stream.indirect.scatter.add.f32 [tilespmem:s9], [sflag:$0x2], $0x1, s31, s8, $0xb8;
	[tilespmem:$0x2180] =	vst v63  }
0x467: {  	s13 =	simm.s32 $0x1780  }
0x468: {  	[spmem:s1] =	stream.indirect.scatter.add.f32 [tilespmem:s9], [sflag:$0x2], $0x1, s13, s8, $0xb8;
	[tilespmem:$0x2180] =	vst v63  }
0x469: {  	s3 =	simm.s32 $0x1800  }
0x46a: {  	[spmem:s1] =	stream.indirect.scatter.add.f32 [tilespmem:s9], [sflag:$0x2], $0x1, s3, s8, $0xb8;
	[tilespmem:$0x2180] =	vst v63  }
0x46b: {  	s13 =	simm.s32 $0x1880  }
0x46c: {  	[spmem:s1] =	stream.indirect.scatter.add.f32 [tilespmem:s9], [sflag:$0x2], $0x1, s13, s8, $0xb8;
	[tilespmem:$0x2180] =	vst v63  }
0x46d: {  	_ =	swait.ge [sflag:s10], $0x50  }
0x46e: {  	[sflag:s10] =	ssyncset.done $0x0  }
0x46f: {  	[sflag:s10] =	ssyncadd.s32 $0xFFFFFFB0  }
0x470: {  	_ =	swait.ge [sflag:s10], $0x50  }
0x471: {  	[sflag:s10] =	ssyncset.done $0x0  }
0x472: {  	[sflag:s10] =	ssyncadd.s32 $0xFFFFFFB0  }
0x473: {  	_ =	swait.ge [sflag:s10], $0x50  }
0x474: {  	[sflag:s10] =	ssyncset.done $0x0  }
0x475: {  	[sflag:s10] =	ssyncadd.s32 $0xFFFFFFB0  }
0x476: {  	_ =	swait.ge [sflag:s10], $0x50  }
0x477: {  	[sflag:s10] =	ssyncset.done $0x0  }
0x478: {  	[sflag:s10] =	ssyncadd.s32 $0xFFFFFFB0  }
0x479: {  	_ =	swait.ge [sflag:s10], $0x50  }
0x47a: {  	[sflag:s10] =	ssyncset.done $0x0  }
0x47b: {  	[sflag:s10] =	ssyncadd.s32 $0xFFFFFFB0  }
0x47c: {  	_ =	swait.ge [sflag:s10], $0x50  }
0x47d: {  	[sflag:s10] =	ssyncset.done $0x0  }
0x47e: {  	[sflag:s10] =	ssyncadd.s32 $0xFFFFFFB0  }
0x47f: {  	_ =	swait.ge [sflag:s10], $0x50  }
0x480: {  	[sflag:s10] =	ssyncset.done $0x0  }
0x481: {  	[sflag:s10] =	ssyncadd.s32 $0xFFFFFFB0  }
0x482: {  	_ =	swait.ge [sflag:s10], $0x50  }
0x483: {  	[sflag:s10] =	ssyncset.done $0x0  }
0x484: {  	[sflag:s10] =	ssyncadd.s32 $0xFFFFFFB0  }
0x485: {  	_ =	swait.ge [sflag:s10], $0x50  }
0x486: {  	[sflag:s10] =	ssyncset.done $0x0  }
0x487: {  	[sflag:s10] =	ssyncadd.s32 $0xFFFFFFB0  }
0x488: {  	_ =	swait.ge [sflag:s10], $0x50  }
0x489: {  	[sflag:s10] =	ssyncset.done $0x0  }
0x48a: {  	[sflag:s10] =	ssyncadd.s32 $0xFFFFFFB0  }
0x48b: {  	_ =	swait.ge [sflag:s10], $0x50  }
0x48c: {  	[sflag:s10] =	ssyncset.done $0x0  }
0x48d: {  	[sflag:s10] =	ssyncadd.s32 $0xFFFFFFB0  }
0x48e: {  	_ =	swait.ge [sflag:s10], $0x50  }
0x48f: {  	[sflag:s10] =	ssyncset.done $0x0  }
0x490: {  	[sflag:s10] =	ssyncadd.s32 $0xFFFFFFB0  }
0x491: {  	_ =	swait.ge [sflag:s10], $0x50  }
0x492: {  	[sflag:s10] =	ssyncset.done $0x0  }
0x493: {  	[sflag:s10] =	ssyncadd.s32 $0xFFFFFFB0  }
0x494: {  	_ =	swait.ge [sflag:s10], $0x50  }
0x495: {  	[sflag:s10] =	ssyncset.done $0x0  }
0x496: {  	[sflag:s10] =	ssyncadd.s32 $0xFFFFFFB0  }
0x497: {  	_ =	swait.ge [sflag:s10], $0x50  }
0x498: {  	[sflag:s10] =	ssyncset.done $0x0  }
0x499: {  	[sflag:s10] =	ssyncadd.s32 $0xFFFFFFB0  }
0x49a: {  	_ =	swait.ge [sflag:s10], $0x50  }
0x49b: {  	[sflag:s10] =	ssyncset.done $0x0  }
0x49c: {  	[sflag:s10] =	ssyncadd.s32 $0xFFFFFFB0  }
0x49d: {  	_ =	swait.ge [sflag:s10], $0x50  }
0x49e: {  	[sflag:s10] =	ssyncset.done $0x0  }
0x49f: {  	[sflag:s10] =	ssyncadd.s32 $0xFFFFFFB0  }
0x4a0: {  	_ =	swait.ge [sflag:s10], $0x50  }
0x4a1: {  	[sflag:s10] =	ssyncset.done $0x0  }
0x4a2: {  	[sflag:s10] =	ssyncadd.s32 $0xFFFFFFB0  }
0x4a3: {  	_ =	swait.ge [sflag:s10], $0x50  }
0x4a4: {  	[sflag:s10] =	ssyncset.done $0x0  }
0x4a5: {  	[sflag:s10] =	ssyncadd.s32 $0xFFFFFFB0  }
0x4a6: {  	_ =	swait.ge [sflag:s10], $0x50  }
0x4a7: {  	[sflag:s10] =	ssyncset.done $0x0  }
0x4a8: {  	[sflag:s10] =	ssyncadd.s32 $0xFFFFFFB0  }
0x4a9: {  	_ =	swait.ge [sflag:s10], $0x50  }
0x4aa: {  	[sflag:s10] =	ssyncset.done $0x0  }
0x4ab: {  	[sflag:s10] =	ssyncadd.s32 $0xFFFFFFB0  }
0x4ac: {  	_ =	swait.ge [sflag:s10], $0x50  }
0x4ad: {  	[sflag:s10] =	ssyncset.done $0x0  }
0x4ae: {  	[sflag:s10] =	ssyncadd.s32 $0xFFFFFFB0  }
0x4af: {  	_ =	swait.ge [sflag:s10], $0x50  }
0x4b0: {  	[sflag:s10] =	ssyncset.done $0x0  }
0x4b1: {  	[sflag:s10] =	ssyncadd.s32 $0xFFFFFFB0  }
0x4b2: {  	_ =	swait.ge [sflag:s10], $0x50  }
0x4b3: {  	[sflag:s10] =	ssyncset.done $0x0  }
0x4b4: {  	[sflag:s10] =	ssyncadd.s32 $0xFFFFFFB0  }
0x4b5: {  	_ =	swait.ge [sflag:s10], $0x50  }
0x4b6: {  	[sflag:s10] =	ssyncset.done $0x0  }
0x4b7: {  	s3 =	rddreg [dreg:$0x7];
	[sflag:s10] =	ssyncadd.s32 $0xFFFFFFB0  }
0x4b8: {  	[tilespmem:s2], [sflag:$0x3] =	stream.linear.gather [hbm4b:s3+s2], $0xC80, $0x38;
	[tilespmem:$0x2180] =	vst v63  }
0x4b9: {  	_ =	swait.ge [sflag:s6], $0xC80  }
0x4ba: {  	[sflag:s6] =	ssyncset.done $0x0  }
0x4bb: {  	[sflag:s6] =	ssyncadd.s32 $0xFFFFF380  }
0x4bc: {  	[spmem:s1] =	stream.indirect.scatter.add.f32 [tilespmem:s9], [sflag:$0x1], $0x1, s2, s8, $0xb8;
	[tilespmem:$0x2180] =	vst v63  }
0x4bd: {  	s13 =	simm.s32 $0x80  }
0x4be: {  	[spmem:s1] =	stream.indirect.scatter.add.f32 [tilespmem:s9], [sflag:$0x1], $0x1, s13, s8, $0xb8;
	[tilespmem:$0x2180] =	vst v63  }
0x4bf: {  	s3 =	simm.s32 $0x100  }
0x4c0: {  	[spmem:s1] =	stream.indirect.scatter.add.f32 [tilespmem:s9], [sflag:$0x1], $0x1, s3, s8, $0xb8;
	[tilespmem:$0x2180] =	vst v63  }
0x4c1: {  	s13 =	simm.s32 $0x180  }
0x4c2: {  	[spmem:s1] =	stream.indirect.scatter.add.f32 [tilespmem:s9], [sflag:$0x1], $0x1, s13, s8, $0xb8;
	[tilespmem:$0x2180] =	vst v63  }
0x4c3: {  	s3 =	simm.s32 $0x200  }
0x4c4: {  	[spmem:s1] =	stream.indirect.scatter.add.f32 [tilespmem:s9], [sflag:$0x1], $0x1, s3, s8, $0xb8;
	[tilespmem:$0x2180] =	vst v63  }
0x4c5: {  	s13 =	simm.s32 $0x280  }
0x4c6: {  	[spmem:s1] =	stream.indirect.scatter.add.f32 [tilespmem:s9], [sflag:$0x1], $0x1, s13, s8, $0xb8;
	[tilespmem:$0x2180] =	vst v63  }
0x4c7: {  	s3 =	simm.s32 $0x300  }
0x4c8: {  	[spmem:s1] =	stream.indirect.scatter.add.f32 [tilespmem:s9], [sflag:$0x1], $0x1, s3, s8, $0xb8;
	[tilespmem:$0x2180] =	vst v63  }
0x4c9: {  	s13 =	simm.s32 $0x380  }
0x4ca: {  	[spmem:s1] =	stream.indirect.scatter.add.f32 [tilespmem:s9], [sflag:$0x1], $0x1, s13, s8, $0xb8;
	[tilespmem:$0x2180] =	vst v63  }
0x4cb: {  	s3 =	simm.s32 $0x400  }
0x4cc: {  	[spmem:s1] =	stream.indirect.scatter.add.f32 [tilespmem:s9], [sflag:$0x1], $0x1, s3, s8, $0xb8;
	[tilespmem:$0x2180] =	vst v63  }
0x4cd: {  	s13 =	simm.s32 $0x480  }
0x4ce: {  	[spmem:s1] =	stream.indirect.scatter.add.f32 [tilespmem:s9], [sflag:$0x1], $0x1, s13, s8, $0xb8;
	[tilespmem:$0x2180] =	vst v63  }
0x4cf: {  	s3 =	simm.s32 $0x500  }
0x4d0: {  	[spmem:s1] =	stream.indirect.scatter.add.f32 [tilespmem:s9], [sflag:$0x1], $0x1, s3, s8, $0xb8;
	[tilespmem:$0x2180] =	vst v63  }
0x4d1: {  	s13 =	simm.s32 $0x580  }
0x4d2: {  	[spmem:s1] =	stream.indirect.scatter.add.f32 [tilespmem:s9], [sflag:$0x1], $0x1, s13, s8, $0xb8;
	[tilespmem:$0x2180] =	vst v63  }
0x4d3: {  	s3 =	simm.s32 $0x600  }
0x4d4: {  	[spmem:s1] =	stream.indirect.scatter.add.f32 [tilespmem:s9], [sflag:$0x1], $0x1, s3, s8, $0xb8;
	[tilespmem:$0x2180] =	vst v63  }
0x4d5: {  	s13 =	simm.s32 $0x680  }
0x4d6: {  	[spmem:s1] =	stream.indirect.scatter.add.f32 [tilespmem:s9], [sflag:$0x1], $0x1, s13, s8, $0xb8;
	[tilespmem:$0x2180] =	vst v63  }
0x4d7: {  	s3 =	simm.s32 $0x700  }
0x4d8: {  	[spmem:s1] =	stream.indirect.scatter.add.f32 [tilespmem:s9], [sflag:$0x1], $0x1, s3, s8, $0xb8;
	[tilespmem:$0x2180] =	vst v63  }
0x4d9: {  	s13 =	simm.s32 $0x780  }
0x4da: {  	[spmem:s1] =	stream.indirect.scatter.add.f32 [tilespmem:s9], [sflag:$0x1], $0x1, s13, s8, $0xb8;
	[tilespmem:$0x2180] =	vst v63  }
0x4db: {  	s3 =	simm.s32 $0x800  }
0x4dc: {  	[spmem:s1] =	stream.indirect.scatter.add.f32 [tilespmem:s9], [sflag:$0x1], $0x1, s3, s8, $0xb8;
	[tilespmem:$0x2180] =	vst v63  }
0x4dd: {  	s13 =	simm.s32 $0x880  }
0x4de: {  	[spmem:s1] =	stream.indirect.scatter.add.f32 [tilespmem:s9], [sflag:$0x1], $0x1, s13, s8, $0xb8;
	[tilespmem:$0x2180] =	vst v63  }
0x4df: {  	s3 =	simm.s32 $0x900  }
0x4e0: {  	[spmem:s1] =	stream.indirect.scatter.add.f32 [tilespmem:s9], [sflag:$0x1], $0x1, s3, s8, $0xb8;
	[tilespmem:$0x2180] =	vst v63  }
0x4e1: {  	s13 =	simm.s32 $0x980  }
0x4e2: {  	[spmem:s1] =	stream.indirect.scatter.add.f32 [tilespmem:s9], [sflag:$0x1], $0x1, s13, s8, $0xb8;
	[tilespmem:$0x2180] =	vst v63  }
0x4e3: {  	s3 =	simm.s32 $0xA00  }
0x4e4: {  	[spmem:s1] =	stream.indirect.scatter.add.f32 [tilespmem:s9], [sflag:$0x1], $0x1, s3, s8, $0xb8;
	[tilespmem:$0x2180] =	vst v63  }
0x4e5: {  	s13 =	simm.s32 $0xA80  }
0x4e6: {  	[spmem:s1] =	stream.indirect.scatter.add.f32 [tilespmem:s9], [sflag:$0x1], $0x1, s13, s8, $0xb8;
	[tilespmem:$0x2180] =	vst v63  }
0x4e7: {  	s3 =	simm.s32 $0xB00  }
0x4e8: {  	[spmem:s1] =	stream.indirect.scatter.add.f32 [tilespmem:s9], [sflag:$0x1], $0x1, s3, s8, $0xb8;
	[tilespmem:$0x2180] =	vst v63  }
0x4e9: {  	s13 =	simm.s32 $0xB80  }
0x4ea: {  	[spmem:s1] =	stream.indirect.scatter.add.f32 [tilespmem:s9], [sflag:$0x1], $0x1, s13, s8, $0xb8;
	[tilespmem:$0x2180] =	vst v63  }
0x4eb: {  	s3 =	simm.s32 $0xC00  }
0x4ec: {  	[spmem:s1] =	stream.indirect.scatter.add.f32 [tilespmem:s9], [sflag:$0x1], $0x1, s3, s8, $0xb8;
	[tilespmem:$0x2180] =	vst v63  }
0x4ed: {  	_ =	swait.ge [sflag:s11], $0x50  }
0x4ee: {  	[sflag:s11] =	ssyncset.done $0x0  }
0x4ef: {  	[sflag:s11] =	ssyncadd.s32 $0xFFFFFFB0  }
0x4f0: {  	_ =	swait.ge [sflag:s11], $0x50  }
0x4f1: {  	[sflag:s11] =	ssyncset.done $0x0  }
0x4f2: {  	[sflag:s11] =	ssyncadd.s32 $0xFFFFFFB0  }
0x4f3: {  	_ =	swait.ge [sflag:s11], $0x50  }
0x4f4: {  	[sflag:s11] =	ssyncset.done $0x0  }
0x4f5: {  	[sflag:s11] =	ssyncadd.s32 $0xFFFFFFB0  }
0x4f6: {  	_ =	swait.ge [sflag:s11], $0x50  }
0x4f7: {  	[sflag:s11] =	ssyncset.done $0x0  }
0x4f8: {  	[sflag:s11] =	ssyncadd.s32 $0xFFFFFFB0  }
0x4f9: {  	_ =	swait.ge [sflag:s11], $0x50  }
0x4fa: {  	[sflag:s11] =	ssyncset.done $0x0  }
0x4fb: {  	[sflag:s11] =	ssyncadd.s32 $0xFFFFFFB0  }
0x4fc: {  	_ =	swait.ge [sflag:s11], $0x50  }
0x4fd: {  	[sflag:s11] =	ssyncset.done $0x0  }
0x4fe: {  	[sflag:s11] =	ssyncadd.s32 $0xFFFFFFB0  }
0x4ff: {  	_ =	swait.ge [sflag:s11], $0x50  }
0x500: {  	[sflag:s11] =	ssyncset.done $0x0  }
0x501: {  	[sflag:s11] =	ssyncadd.s32 $0xFFFFFFB0  }
0x502: {  	_ =	swait.ge [sflag:s11], $0x50  }
0x503: {  	[sflag:s11] =	ssyncset.done $0x0  }
0x504: {  	[sflag:s11] =	ssyncadd.s32 $0xFFFFFFB0  }
0x505: {  	_ =	swait.ge [sflag:s11], $0x50  }
0x506: {  	[sflag:s11] =	ssyncset.done $0x0  }
0x507: {  	[sflag:s11] =	ssyncadd.s32 $0xFFFFFFB0  }
0x508: {  	_ =	swait.ge [sflag:s11], $0x50  }
0x509: {  	[sflag:s11] =	ssyncset.done $0x0  }
0x50a: {  	[sflag:s11] =	ssyncadd.s32 $0xFFFFFFB0  }
0x50b: {  	_ =	swait.ge [sflag:s11], $0x50  }
0x50c: {  	[sflag:s11] =	ssyncset.done $0x0  }
0x50d: {  	[sflag:s11] =	ssyncadd.s32 $0xFFFFFFB0  }
0x50e: {  	_ =	swait.ge [sflag:s11], $0x50  }
0x50f: {  	[sflag:s11] =	ssyncset.done $0x0  }
0x510: {  	[sflag:s11] =	ssyncadd.s32 $0xFFFFFFB0  }
0x511: {  	_ =	swait.ge [sflag:s11], $0x50  }
0x512: {  	[sflag:s11] =	ssyncset.done $0x0  }
0x513: {  	[sflag:s11] =	ssyncadd.s32 $0xFFFFFFB0  }
0x514: {  	_ =	swait.ge [sflag:s11], $0x50  }
0x515: {  	[sflag:s11] =	ssyncset.done $0x0  }
0x516: {  	[sflag:s11] =	ssyncadd.s32 $0xFFFFFFB0  }
0x517: {  	_ =	swait.ge [sflag:s11], $0x50  }
0x518: {  	[sflag:s11] =	ssyncset.done $0x0  }
0x519: {  	[sflag:s11] =	ssyncadd.s32 $0xFFFFFFB0  }
0x51a: {  	_ =	swait.ge [sflag:s11], $0x50  }
0x51b: {  	[sflag:s11] =	ssyncset.done $0x0  }
0x51c: {  	[sflag:s11] =	ssyncadd.s32 $0xFFFFFFB0  }
0x51d: {  	_ =	swait.ge [sflag:s11], $0x50  }
0x51e: {  	[sflag:s11] =	ssyncset.done $0x0  }
0x51f: {  	[sflag:s11] =	ssyncadd.s32 $0xFFFFFFB0  }
0x520: {  	_ =	swait.ge [sflag:s11], $0x50  }
0x521: {  	[sflag:s11] =	ssyncset.done $0x0  }
0x522: {  	[sflag:s11] =	ssyncadd.s32 $0xFFFFFFB0  }
0x523: {  	_ =	swait.ge [sflag:s11], $0x50  }
0x524: {  	[sflag:s11] =	ssyncset.done $0x0  }
0x525: {  	[sflag:s11] =	ssyncadd.s32 $0xFFFFFFB0  }
0x526: {  	_ =	swait.ge [sflag:s11], $0x50  }
0x527: {  	[sflag:s11] =	ssyncset.done $0x0  }
0x528: {  	[sflag:s11] =	ssyncadd.s32 $0xFFFFFFB0  }
0x529: {  	_ =	swait.ge [sflag:s11], $0x50  }
0x52a: {  	[sflag:s11] =	ssyncset.done $0x0  }
0x52b: {  	[sflag:s11] =	ssyncadd.s32 $0xFFFFFFB0  }
0x52c: {  	_ =	swait.ge [sflag:s11], $0x50  }
0x52d: {  	[sflag:s11] =	ssyncset.done $0x0  }
0x52e: {  	[sflag:s11] =	ssyncadd.s32 $0xFFFFFFB0  }
0x52f: {  	_ =	swait.ge [sflag:s11], $0x50  }
0x530: {  	[sflag:s11] =	ssyncset.done $0x0  }
0x531: {  	[sflag:s11] =	ssyncadd.s32 $0xFFFFFFB0  }
0x532: {  	_ =	swait.ge [sflag:s11], $0x50  }
0x533: {  	[sflag:s11] =	ssyncset.done $0x0  }
0x534: {  	[sflag:s11] =	ssyncadd.s32 $0xFFFFFFB0  }
0x535: {  	_ =	swait.ge [sflag:s11], $0x50  }
0x536: {  	[sflag:s11] =	ssyncset.done $0x0  }
0x537: {  	[sflag:s11] =	ssyncadd.s32 $0xFFFFFFB0  }
0x538: {  	_ =	swait.ge [sflag:s10], $0x50  }
0x539: {  	[sflag:s10] =	ssyncset.done $0x0  }
0x53a: {  	[sflag:s10] =	ssyncadd.s32 $0xFFFFFFB0  }
0x53b: {  	_ =	swait.ge [sflag:s10], $0x50  }
0x53c: {  	[sflag:s10] =	ssyncset.done $0x0  }
0x53d: {  	[sflag:s10] =	ssyncadd.s32 $0xFFFFFFB0  }
0x53e: {  	_ =	swait.ge [sflag:s10], $0x50  }
0x53f: {  	[sflag:s10] =	ssyncset.done $0x0  }
0x540: {  	[sflag:s10] =	ssyncadd.s32 $0xFFFFFFB0  }
0x541: {  	_ =	swait.ge [sflag:s10], $0x50  }
0x542: {  	[sflag:s10] =	ssyncset.done $0x0  }
0x543: {  	[sflag:s10] =	ssyncadd.s32 $0xFFFFFFB0  }
0x544: {  	_ =	swait.ge [sflag:s10], $0x50  }
0x545: {  	[sflag:s10] =	ssyncset.done $0x0  }
0x546: {  	[sflag:s10] =	ssyncadd.s32 $0xFFFFFFB0  }
0x547: {  	_ =	swait.ge [sflag:s10], $0x50  }
0x548: {  	[sflag:s10] =	ssyncset.done $0x0  }
0x549: {  	[sflag:s10] =	ssyncadd.s32 $0xFFFFFFB0  }
0x54a: {  	_ =	swait.ge [sflag:s10], $0x50  }
0x54b: {  	[sflag:s10] =	ssyncset.done $0x0  }
0x54c: {  	[sflag:s10] =	ssyncadd.s32 $0xFFFFFFB0  }
0x54d: {  	_ =	swait.ge [sflag:s10], $0x50  }
0x54e: {  	[sflag:s10] =	ssyncset.done $0x0  }
0x54f: {  	[sflag:s10] =	ssyncadd.s32 $0xFFFFFFB0  }
0x550: {  	_ =	swait.ge [sflag:s10], $0x50  }
0x551: {  	[sflag:s10] =	ssyncset.done $0x0  }
0x552: {  	[sflag:s10] =	ssyncadd.s32 $0xFFFFFFB0  }
0x553: {  	_ =	swait.ge [sflag:s10], $0x50  }
0x554: {  	[sflag:s10] =	ssyncset.done $0x0  }
0x555: {  	[sflag:s10] =	ssyncadd.s32 $0xFFFFFFB0  }
0x556: {  	_ =	swait.ge [sflag:s10], $0x50  }
0x557: {  	[sflag:s10] =	ssyncset.done $0x0  }
0x558: {  	[sflag:s10] =	ssyncadd.s32 $0xFFFFFFB0  }
0x559: {  	_ =	swait.ge [sflag:s10], $0x50  }
0x55a: {  	[sflag:s10] =	ssyncset.done $0x0  }
0x55b: {  	[sflag:s10] =	ssyncadd.s32 $0xFFFFFFB0  }
0x55c: {  	_ =	swait.ge [sflag:s10], $0x50  }
0x55d: {  	[sflag:s10] =	ssyncset.done $0x0  }
0x55e: {  	[sflag:s10] =	ssyncadd.s32 $0xFFFFFFB0  }
0x55f: {  	_ =	swait.ge [sflag:s10], $0x50  }
0x560: {  	[sflag:s10] =	ssyncset.done $0x0  }
0x561: {  	[sflag:s10] =	ssyncadd.s32 $0xFFFFFFB0  }
0x562: {  	_ =	swait.ge [sflag:s10], $0x50  }
0x563: {  	[sflag:s10] =	ssyncset.done $0x0  }
0x564: {  	[sflag:s10] =	ssyncadd.s32 $0xFFFFFFB0  }
0x565: {  	_ =	swait.ge [sflag:s10], $0x50  }
0x566: {  	[sflag:s10] =	ssyncset.done $0x0  }
0x567: {  	[sflag:s10] =	ssyncadd.s32 $0xFFFFFFB0  }
0x568: {  	_ =	swait.ge [sflag:s10], $0x50  }
0x569: {  	[sflag:s10] =	ssyncset.done $0x0  }
0x56a: {  	[sflag:s10] =	ssyncadd.s32 $0xFFFFFFB0  }
0x56b: {  	_ =	swait.ge [sflag:s10], $0x50  }
0x56c: {  	[sflag:s10] =	ssyncset.done $0x0  }
0x56d: {  	[sflag:s10] =	ssyncadd.s32 $0xFFFFFFB0  }
0x56e: {  	_ =	swait.ge [sflag:s10], $0x50  }
0x56f: {  	[sflag:s10] =	ssyncset.done $0x0  }
0x570: {  	[sflag:s10] =	ssyncadd.s32 $0xFFFFFFB0  }
0x571: {  	_ =	swait.ge [sflag:s10], $0x50  }
0x572: {  	[sflag:s10] =	ssyncset.done $0x0  }
0x573: {  	[sflag:s10] =	ssyncadd.s32 $0xFFFFFFB0  }
0x574: {  	_ =	swait.ge [sflag:s10], $0x50  }
0x575: {  	[sflag:s10] =	ssyncset.done $0x0  }
0x576: {  	[sflag:s10] =	ssyncadd.s32 $0xFFFFFFB0  }
0x577: {  	_ =	swait.ge [sflag:s10], $0x50  }
0x578: {  	[sflag:s10] =	ssyncset.done $0x0  }
0x579: {  	[sflag:s10] =	ssyncadd.s32 $0xFFFFFFB0  }
0x57a: {  	_ =	swait.ge [sflag:s10], $0x50  }
0x57b: {  	[sflag:s10] =	ssyncset.done $0x0  }
0x57c: {  	[sflag:s10] =	ssyncadd.s32 $0xFFFFFFB0  }
0x57d: {  	_ =	swait.ge [sflag:s10], $0x50  }
0x57e: {  	[sflag:s10] =	ssyncset.done $0x0  }
0x57f: {  	[sflag:s10] =	ssyncadd.s32 $0xFFFFFFB0  }
0x580: {  	_ =	swait.ge [sflag:s10], $0x50  }
0x581: {  	[sflag:s10] =	ssyncset.done $0x0  }
0x582: {  	[sflag:s10] =	ssyncadd.s32 $0xFFFFFFB0  }
0x583: {  	[bflag:$0x0] =	sbarrier.arrive $0xFFFF  }
0x584: {  	s0 =	simm.s32 $0x1C80;
	s13 =	rddreg [dreg:$0xa]  }
0x585: {  	[tilespmem:s0], [sflag:$0x3] =	stream.linear.gather [spmem:s13], $0x280, $0x38;
	[tilespmem:$0x2180] =	vst v63  }
0x586: {  	p0 =	sne.s32 s12, $0x1;
	_ =	swait.ge [sflag:s6], $0x280  }
.Ltmp1:
0x587: {  	[sflag:s6] =	ssyncset.done $0x0;
	(pc) =	sbr.rel @p0 .LBB2_2-.Ltmp1, $4  }
0x588: {  	s3 =	rddreg [dreg:$0x8];
	[sflag:s6] =	ssyncadd.s32 $0xFFFFFD80  }
0x589: {  	[hbm4b:s3+s2] =	stream.linear.scatter [tilespmem:s0], [sflag:$0x3], $0x280, $0x38;
	[tilespmem:$0x2180] =	vst v63  }
0x58a: {  	_ =	swait.ge [sflag:s6], $0x280  }
0x58b: {  	s12 =	sadd.s32 $0xFFFFFFFF, s12;
	[sflag:s6] =	ssyncset.done $0x0  }
.LBB2_3:
0x58c: {  	[sflag:s6] =	ssyncadd.s32 $0xFFFFFD80  }
0x58d: {  	_ =	sfence.sel $0x180000  }
0x58e: {  	[bflag:$0x0] =	sbarrier.arrive $0xFFFF  }
0x58f: {  	_ =	strace $0x90000047  }
0x590: {  	s0 =	stileid.u32;
	[bflag:$0x2] =	sbarrier.arrive $0xFFFF  }
0x591: {  	p0 =	sne.s32 s0, $0x0;
	s0 =	rddreg [dreg:$0x3]  }
0x592: {  	s0 =	sadd.s32 @!p0 $0x100000, s0  }
0x593: {  	[sflag:s0] =	ssyncadd.tile.s32 @!p0 $0x1;
	_ =	shalt  }
.Lfunc_end2:
_tile_overlayer_lowered:
.L_overlay_start_2:
0x594: {  	(tag) =	ssettag $0x2  }
0x595: {  	s0 =	rddreg [dreg:$0x0];
	s2 =	stileid.u32  }
0x596: {  	s1 =	rddreg [dreg:$0x1];
	p0 =	sne.s32 s2, $0x0  }
0x597: {  	s3 =	rddreg [dreg:$0x2];
	[bflag:$0x3] =	sbarrier.arrive $0xFFFF;
	s2 =	simm.s32 @!p0 $0x1C03  }
0x598: {  	[timem:s3], [sflag:s2] =	dma.local @!p0 [hbm:s0], s1  }
0x599: {  	s0 =	simm.s32 @!p0 $0x3  }
0x59a: {  	_ =	swait.ge @!p0 [sflag:s0], s1  }
0x59b: {  	s1 =	ssub.s32 @!p0 $0x0, s1;
	[sflag:s0] =	ssyncset.done @!p0 $0x0  }
0x59c: {  	[sflag:s0] =	ssyncadd.s32 @!p0 s1  }
0x59d: {  	[bflag:$0x3] =	sbarrier.arrive $0xFFFF  }
0x59e: {  	_ =	shalt  }

</sc_bundles>
